<compile_context>
chip_gen: v7x
topology: tpu7x:2x2x1
jax: 0.10.2.dev20260603
libtpu: 0.0.44.dev20260713+nightly
codegen_flags: <defaults>
</compile_context>

<pallas_src>
import jax
import jax.numpy as jnp
from jax import lax
from jax.experimental import pallas as pl
from jax.experimental.pallas import tpu as pltpu
from jax.experimental.pallas import tpu_sc as plsc

INF_ = 1e12

_B, _L, _S = 16, 10, 512
_W = 32
_IPW = _B * _L // _W
_CH = 16
_NCHUNK = _IPW * _S // _CH



def _tc_body(a_ref, c_ref, r_ref, cb_ref, l_ref, pos_ref, m_ref, k_ref):
    @pl.when(pl.program_id(1) == 0)
    def _():
        S = m_ref.shape[0]
        m = (a_ref[...] * c_ref[...]).reshape(S, S)
        m_ref[...] = m
        k_ref[...] = (INF_ * m + r_ref[...].reshape(S, 1)) + cb_ref[...].reshape(1, S)

    pos_ref[0, 0] = (l_ref[0, 0] * m_ref[...] + k_ref[...]) > 0


def _tc_pos(logits, attention_mask):
    B, L, S, _ = logits.shape
    af = attention_mask.astype(jnp.float32)
    rb = jnp.where((jnp.arange(S) == 0) | (jnp.arange(S) == S - 1),
                   jnp.float32(-INF_), jnp.float32(0.0))
    A = af.reshape(B, S, 1)
    C = af.reshape(B, 1, S)
    R = jnp.broadcast_to((rb - INF_).reshape(1, S, 1), (B, S, 1))
    Cb = jnp.broadcast_to(rb.reshape(1, 1, S), (B, 1, S))
    return pl.pallas_call(
        _tc_body,
        grid=(B, L),
        in_specs=[
            pl.BlockSpec((1, S, 1), lambda b, l: (b, 0, 0)),
            pl.BlockSpec((1, 1, S), lambda b, l: (b, 0, 0)),
            pl.BlockSpec((1, S, 1), lambda b, l: (b, 0, 0)),
            pl.BlockSpec((1, 1, S), lambda b, l: (b, 0, 0)),
            pl.BlockSpec((1, 1, S, S), lambda b, l: (b, l, 0, 0)),
        ],
        out_specs=pl.BlockSpec((1, 1, S, S), lambda b, l: (b, l, 0, 0)),
        out_shape=jax.ShapeDtypeStruct((B, L, S, S), jnp.bool_),
        scratch_shapes=[
            pltpu.VMEM((S, S), jnp.float32),
            pltpu.VMEM((S, S), jnp.float32),
        ],
    )(A, C, R, Cb, logits)



def _sc_body(l_hbm, colf_hbm, sbig_hbm, x_hbm,
             lbuf0, lbuf1, xbuf0, xbuf1, colv, sball,
             sin0, sin1, sout0, sout1):
    cid = lax.axis_index("c")
    sid = lax.axis_index("s")
    wid = sid * 2 + cid
    b = wid // 2
    lbase = (wid % 2) * _IPW
    pltpu.sync_copy(colf_hbm.at[pl.ds(b * _S, _S)], colv)
    pltpu.sync_copy(sbig_hbm.at[pl.ds(b * _S * 16, _S * 16)], sball)
    lbuf = (lbuf0, lbuf1)
    xbuf = (xbuf0, xbuf1)
    sin = (sin0, sin1)
    sout = (sout0, sout1)

    def in_slice(t):
        return l_hbm.at[b, lbase + t // 32, pl.ds(lax.rem(t, 32) * _CH, _CH), :]

    def x_slice(t):
        return x_hbm.at[b, lbase + t // 32, pl.ds(lax.rem(t, 32) * _CH, _CH), :]

    pltpu.async_copy(in_slice(0), lbuf0, sin0)
    pltpu.async_copy(in_slice(1), lbuf1, sin1)

    def pair(tt, carry):
        for par in range(2):
            t = 2 * tt + par
            pltpu.make_async_copy(in_slice(t), lbuf[par], sin[par]).wait()

            @pl.when(tt > 0)
            def _wait_out():
                pltpu.make_async_copy(xbuf[par], x_slice(t - 2),
                                      sout[par]).wait()

            ib16 = lax.rem(t, 32) * _CH * 16
            for g in range(8):
                cv = [colv[pl.ds(g * 64 + u * 16, 16)] for u in range(4)]

                @plsc.parallel_loop(0, _CH, unroll=4)
                def row(r):
                    sb = sball[pl.ds(ib16 + r * 16, 16)]
                    for u in range(4):
                        lv = lbuf[par][r, pl.ds(g * 64 + u * 16, 16)]
                        xbuf[par][r, pl.ds(g * 64 + u * 16, 16)] = (
                            lv + (cv[u] + sb))

            @pl.when(tt < _NCHUNK // 2 - 1)
            def _next_in():
                pltpu.async_copy(in_slice(t + 2), lbuf[par], sin[par])

            pltpu.async_copy(xbuf[par], x_slice(t), sout[par])
        return carry

    lax.fori_loop(0, _NCHUNK // 2, pair, 0)
    for par in range(2):
        t_last = _NCHUNK - 2 + par
        pltpu.make_async_copy(xbuf[par], x_slice(t_last), sout[par]).wait()


def _sc_x(logits, attention_mask):
    B, L, S, _ = logits.shape
    af = attention_mask.astype(jnp.float32)
    j = jnp.arange(S, dtype=jnp.int32)
    boundary = jnp.where((j == 0) | (j == S - 1), jnp.float32(-INF_),
                         jnp.float32(0.0))
    bias = boundary[None, :] + jnp.float32(-INF_) * (1.0 - af)
    colf = bias.reshape(B * S)
    sbig = jnp.repeat(bias.reshape(B * S, 1), 16, axis=1).reshape(B * S * 16)

    mesh = plsc.VectorSubcoreMesh(core_axis_name="c", subcore_axis_name="s")
    return pl.kernel(
        _sc_body,
        out_type=jax.ShapeDtypeStruct((B, L, S, S), jnp.float32),
        mesh=mesh,
        compiler_params=pltpu.CompilerParams(needs_layout_passes=False),
        scratch_types=[
            pltpu.VMEM((_CH, _S), jnp.float32),
            pltpu.VMEM((_CH, _S), jnp.float32),
            pltpu.VMEM((_CH, _S), jnp.float32),
            pltpu.VMEM((_CH, _S), jnp.float32),
            pltpu.VMEM((_S,), jnp.float32),
            pltpu.VMEM((_S * 16,), jnp.float32),
            pltpu.SemaphoreType.DMA,
            pltpu.SemaphoreType.DMA,
            pltpu.SemaphoreType.DMA,
            pltpu.SemaphoreType.DMA,
        ],
    )(logits, colf, sbig)


def kernel(logits, attention_mask):
    pos = _tc_pos(logits, attention_mask)
    x = _sc_x(logits, attention_mask)
    return x, pos

# --- scband reference (transcript-rebuilt; emitter-appended) ---
"""Pipeline reference for scband-global-pointer-post-process-90391881712426 (READ-ONLY COPY).

The authoritative reference and input builder live on the scoring server;
editing this copy changes nothing except your own understanding.
"""

import jax, jax.numpy as jnp
import numpy as np

INF = 1e12


def setup_inputs(seed: int = 0) -> dict:
    key = jax.random.key(seed)
    B, L, S = 16, 10, 512
    k1, _ = jax.random.split(key)
    logits = jax.random.normal(k1, (B, L, S, S), dtype=jnp.float32)
    attention_mask = jnp.ones((B, S), dtype=jnp.int32)
    return {"logits": logits, "attention_mask": attention_mask}


def reference(logits, attention_mask):
    # mask = ~(am[:,None,:,None] & am[:,None,None,:]); logits.masked_fill(mask, -INF)
    am = attention_mask.astype(bool)
    pair = am[:, None, :, None] & am[:, None, None, :]
    x = jnp.where(pair, logits, -INF)
    # logits[:, :, [0, -1], :] -= INF
    x = x.at[:, :, 0, :].add(-INF)
    x = x.at[:, :, -1, :].add(-INF)
    # logits[:, :, :, [0, -1]] -= INF
    x = x.at[:, :, :, 0].add(-INF)
    x = x.at[:, :, :, -1].add(-INF)
    # span extraction: np.where(logits > 0) -> boolean positive-span tensor
    positives = x > 0
    return x, positives

if __name__ == "__main__":
    import jax
    _d = setup_inputs()
    print(jax.jit(kernel)(*tuple(_d.values())))

</pallas_src>

<mosaic_0001>
#map = affine_map<(d0, d1) -> (0, 0, 0, 0)>
#map1 = affine_map<(d0, d1) -> (0)>
module attributes {stable_mosaic.version = 14 : i64} {
  func.func @_sc_body(%arg0: i32, %arg1: i32, %arg2: memref<16x10x512x512xf32, #tpu.memory_space<hbm>>, %arg3: memref<8192xf32, #tpu.memory_space<hbm>>, %arg4: memref<131072xf32, #tpu.memory_space<hbm>>, %arg5: memref<16x10x512x512xf32, #tpu.memory_space<hbm>>, %arg6: memref<16x512xf32, #tpu.memory_space<vmem>>, %arg7: memref<16x512xf32, #tpu.memory_space<vmem>>, %arg8: memref<16x512xf32, #tpu.memory_space<vmem>>, %arg9: memref<16x512xf32, #tpu.memory_space<vmem>>, %arg10: memref<512xf32, #tpu.memory_space<vmem>>, %arg11: memref<8192xf32, #tpu.memory_space<vmem>>, %arg12: memref<!tpu.dma_semaphore, #tpu.memory_space<semaphore_mem>>, %arg13: memref<!tpu.dma_semaphore, #tpu.memory_space<semaphore_mem>>, %arg14: memref<!tpu.dma_semaphore, #tpu.memory_space<semaphore_mem>>, %arg15: memref<!tpu.dma_semaphore, #tpu.memory_space<semaphore_mem>>) attributes {dimension_semantics = [#tpu.dimension_semantics<core_parallel>, #tpu.dimension_semantics<subcore_parallel>], iteration_bounds = array<i64: 2, 16>, scalar_prefetch = 0 : i64, scratch_operands = 10 : i64, tpu.core_type = #tpu.core_type<sc_vector_subcore>, window_params = [{transform_indices = #map}, {transform_indices = #map1}, {transform_indices = #map1}, {transform_indices = #map}]} {
    %mul3A = arith.constant 2 : i32
    %mul3A_0 = arith.muli %arg1, %mul3A : i32
    %add3A = arith.addi %mul3A_0, %arg0 : i32
    %jit3A = arith.constant 2 : i32
    %div3A = arith.divsi %add3A, %jit3A : i32
    %sign3A = arith.constant 0 : i32
    %sign3A_1 = arith.cmpi sgt, %add3A, %sign3A : i32
    %sign3A_2 = arith.extui %sign3A_1 : i1 to i32
    %sign3A_3 = arith.constant 0 : i32
    %sign3A_4 = arith.cmpi slt, %add3A, %sign3A_3 : i32
    %sign3A_5 = arith.extui %sign3A_4 : i1 to i32
    %sign3A_6 = arith.subi %sign3A_2, %sign3A_5 : i32
    %sign3A_7 = arith.constant 0 : i32
    %sign3A_8 = arith.cmpi sgt, %jit3A, %sign3A_7 : i32
    %sign3A_9 = arith.extui %sign3A_8 : i1 to i32
    %sign3A_10 = arith.constant 0 : i32
    %sign3A_11 = arith.cmpi slt, %jit3A, %sign3A_10 : i32
    %sign3A_12 = arith.extui %sign3A_11 : i1 to i32
    %sign3A_13 = arith.subi %sign3A_9, %sign3A_12 : i32
    %ne3A = arith.cmpi ne, %sign3A_6, %sign3A_13 : i32
    %rem3A = arith.remsi %add3A, %jit3A : i32
    %ne3A_14 = arith.constant 0 : i32
    %ne3A_15 = arith.cmpi ne, %rem3A, %ne3A_14 : i32
    %and3A = arith.andi %ne3A, %ne3A_15 : i1
    %sub3A = arith.constant 1 : i32
    %sub3A_16 = arith.subi %div3A, %sub3A : i32
    %select_n3A = arith.select %and3A, %sub3A_16, %div3A : i32
    %jit3A_17 = arith.constant 2 : i32
    %eq3A = arith.constant 0 : i32
    %eq3A_18 = arith.cmpi eq, %jit3A_17, %eq3A : i32
    %jit3A_19 = arith.constant 1 : i32
    %select_n3A_20 = arith.select %eq3A_18, %jit3A_19, %jit3A_17 : i32
    %rem3A_21 = arith.remsi %add3A, %select_n3A_20 : i32
    %ne3A_22 = arith.constant 0 : i32
    %ne3A_23 = arith.cmpi ne, %rem3A_21, %ne3A_22 : i32
    %lt3A = arith.constant 0 : i32
    %lt3A_24 = arith.cmpi slt, %rem3A_21, %lt3A : i32
    %lt3A_25 = arith.constant 0 : i32
    %lt3A_26 = arith.cmpi slt, %select_n3A_20, %lt3A_25 : i32
    %ne3A_27 = arith.xori %lt3A_24, %lt3A_26 : i1
    %and3A_28 = arith.andi %ne3A_27, %ne3A_23 : i1
    %add3A_29 = arith.addi %rem3A_21, %select_n3A_20 : i32
    %select_n3A_30 = arith.select %and3A_28, %add3A_29, %rem3A_21 : i32
    %mul3A_31 = arith.constant 5 : i32
    %mul3A_32 = arith.muli %select_n3A_30, %mul3A_31 : i32
    %mul3A_33 = arith.constant 512 : i32
    %mul3A_34 = arith.muli %select_n3A, %mul3A_33 : i32
    "tpu.region"() ({
      %run_scoped3A = tpu.sem_alloc : memref<!tpu.dma_semaphore, #tpu.memory_space<semaphore_mem>>
      %dma_start3A_94 = tpu.memref_slice %arg3[%mul3A_34] : memref<8192xf32, #tpu.memory_space<hbm>> -> memref<512xf32, #tpu.memory_space<hbm>>
      %dma_start3A_95 = tpu.memref_slice %arg3[%mul3A_34] : memref<8192xf32, #tpu.memory_space<hbm>> -> memref<512xf32, #tpu.memory_space<hbm>>
      tpu.enqueue_dma source(%dma_start3A_95 : memref<512xf32, #tpu.memory_space<hbm>>) target(%arg10 : memref<512xf32, #tpu.memory_space<vmem>>) target_semaphore(%run_scoped3A : memref<!tpu.dma_semaphore, #tpu.memory_space<semaphore_mem>>)
      %dma_wait3A_96 = tpu.memref_slice %arg3[%mul3A_34] : memref<8192xf32, #tpu.memory_space<hbm>> -> memref<512xf32, #tpu.memory_space<hbm>>
      %dma_wait3A_97 = tpu.memref_slice %arg3[%mul3A_34] : memref<8192xf32, #tpu.memory_space<hbm>> -> memref<512xf32, #tpu.memory_space<hbm>>
      tpu.wait_dma2 semaphore(%run_scoped3A : memref<!tpu.dma_semaphore, #tpu.memory_space<semaphore_mem>>) src(%dma_wait3A_97 : memref<512xf32, #tpu.memory_space<hbm>>) dst(%arg10 : memref<512xf32, #tpu.memory_space<vmem>>)
      tpu.yield
    }) : () -> ()
    %mul3A_35 = arith.constant 512 : i32
    %mul3A_36 = arith.muli %select_n3A, %mul3A_35 : i32
    %mul3A_37 = arith.constant 16 : i32
    %mul3A_38 = arith.muli %mul3A_36, %mul3A_37 : i32
    "tpu.region"() ({
      %run_scoped3A = tpu.sem_alloc : memref<!tpu.dma_semaphore, #tpu.memory_space<semaphore_mem>>
      %dma_start3A_94 = tpu.memref_slice %arg4[%mul3A_38] : memref<131072xf32, #tpu.memory_space<hbm>> -> memref<8192xf32, #tpu.memory_space<hbm>>
      %dma_start3A_95 = tpu.memref_slice %arg4[%mul3A_38] : memref<131072xf32, #tpu.memory_space<hbm>> -> memref<8192xf32, #tpu.memory_space<hbm>>
      tpu.enqueue_dma source(%dma_start3A_95 : memref<8192xf32, #tpu.memory_space<hbm>>) target(%arg11 : memref<8192xf32, #tpu.memory_space<vmem>>) target_semaphore(%run_scoped3A : memref<!tpu.dma_semaphore, #tpu.memory_space<semaphore_mem>>)
      %dma_wait3A_96 = tpu.memref_slice %arg4[%mul3A_38] : memref<131072xf32, #tpu.memory_space<hbm>> -> memref<8192xf32, #tpu.memory_space<hbm>>
      %dma_wait3A_97 = tpu.memref_slice %arg4[%mul3A_38] : memref<131072xf32, #tpu.memory_space<hbm>> -> memref<8192xf32, #tpu.memory_space<hbm>>
      tpu.wait_dma2 semaphore(%run_scoped3A : memref<!tpu.dma_semaphore, #tpu.memory_space<semaphore_mem>>) src(%dma_wait3A_97 : memref<8192xf32, #tpu.memory_space<hbm>>) dst(%arg11 : memref<8192xf32, #tpu.memory_space<vmem>>)
      tpu.yield
    }) : () -> ()
    %add3A_39 = arith.constant 0 : i32
    %add3A_40 = arith.addi %mul3A_32, %add3A_39 : i32
    %rem3A_41 = arith.constant 0 : i32
    %rem3A_42 = arith.constant 32 : i32
    %rem3A_43 = arith.remsi %rem3A_41, %rem3A_42 : i32
    %mul3A_44 = arith.constant 16 : i32
    %mul3A_45 = arith.muli %rem3A_43, %mul3A_44 : i32
    %dma_start3A = arith.constant 0 : i32
    %dma_start3A_46 = tpu.memref_slice %arg2[%select_n3A, %add3A_40, %mul3A_45, %dma_start3A] : memref<16x10x512x512xf32, #tpu.memory_space<hbm>> -> memref<1x1x16x512xf32, #tpu.memory_space<hbm>>
    %dma_start3A_47 = tpu.memref_squeeze %dma_start3A_46 : memref<1x1x16x512xf32, #tpu.memory_space<hbm>> -> memref<16x512xf32, #tpu.memory_space<hbm>>
    %dma_start3A_48 = arith.constant 0 : i32
    %dma_start3A_49 = tpu.memref_slice %arg2[%select_n3A, %add3A_40, %mul3A_45, %dma_start3A_48] : memref<16x10x512x512xf32, #tpu.memory_space<hbm>> -> memref<1x1x16x512xf32, #tpu.memory_space<hbm>>
    %dma_start3A_50 = tpu.memref_squeeze %dma_start3A_49 : memref<1x1x16x512xf32, #tpu.memory_space<hbm>> -> memref<16x512xf32, #tpu.memory_space<hbm>>
    tpu.enqueue_dma source(%dma_start3A_50 : memref<16x512xf32, #tpu.memory_space<hbm>>) target(%arg6 : memref<16x512xf32, #tpu.memory_space<vmem>>) target_semaphore(%arg12 : memref<!tpu.dma_semaphore, #tpu.memory_space<semaphore_mem>>)
    %add3A_51 = arith.constant 0 : i32
    %add3A_52 = arith.addi %mul3A_32, %add3A_51 : i32
    %rem3A_53 = arith.constant 1 : i32
    %rem3A_54 = arith.constant 32 : i32
    %rem3A_55 = arith.remsi %rem3A_53, %rem3A_54 : i32
    %mul3A_56 = arith.constant 16 : i32
    %mul3A_57 = arith.muli %rem3A_55, %mul3A_56 : i32
    %dma_start3A_58 = arith.constant 0 : i32
    %dma_start3A_59 = tpu.memref_slice %arg2[%select_n3A, %add3A_52, %mul3A_57, %dma_start3A_58] : memref<16x10x512x512xf32, #tpu.memory_space<hbm>> -> memref<1x1x16x512xf32, #tpu.memory_space<hbm>>
    %dma_start3A_60 = tpu.memref_squeeze %dma_start3A_59 : memref<1x1x16x512xf32, #tpu.memory_space<hbm>> -> memref<16x512xf32, #tpu.memory_space<hbm>>
    %dma_start3A_61 = arith.constant 0 : i32
    %dma_start3A_62 = tpu.memref_slice %arg2[%select_n3A, %add3A_52, %mul3A_57, %dma_start3A_61] : memref<16x10x512x512xf32, #tpu.memory_space<hbm>> -> memref<1x1x16x512xf32, #tpu.memory_space<hbm>>
    %dma_start3A_63 = tpu.memref_squeeze %dma_start3A_62 : memref<1x1x16x512xf32, #tpu.memory_space<hbm>> -> memref<16x512xf32, #tpu.memory_space<hbm>>
    tpu.enqueue_dma source(%dma_start3A_63 : memref<16x512xf32, #tpu.memory_space<hbm>>) target(%arg7 : memref<16x512xf32, #tpu.memory_space<vmem>>) target_semaphore(%arg13 : memref<!tpu.dma_semaphore, #tpu.memory_space<semaphore_mem>>)
    %scan3A = arith.constant 0 : i32
    %scan3A_64 = arith.constant 0 : i32
    %scan3A_65 = arith.constant 80 : i32
    %scan3A_66 = arith.addi %scan3A_64, %scan3A_65 : i32
    %scan3A_67 = arith.constant 1 : i32
    scf.for %scan3A_94 = %scan3A_64 to %scan3A_66 step %scan3A_67  : i32 {
      %mul3A_95 = arith.constant 2 : i32
      %mul3A_96 = arith.muli %mul3A_95, %scan3A_94 : i32
      %add3A_97 = arith.constant 0 : i32
      %add3A_98 = arith.addi %mul3A_96, %add3A_97 : i32
      %jit3A_99 = arith.constant 32 : i32
      %div3A_100 = arith.divsi %add3A_98, %jit3A_99 : i32
      %sign3A_101 = arith.constant 0 : i32
      %sign3A_102 = arith.cmpi sgt, %add3A_98, %sign3A_101 : i32
      %sign3A_103 = arith.extui %sign3A_102 : i1 to i32
      %sign3A_104 = arith.constant 0 : i32
      %sign3A_105 = arith.cmpi slt, %add3A_98, %sign3A_104 : i32
      %sign3A_106 = arith.extui %sign3A_105 : i1 to i32
      %sign3A_107 = arith.subi %sign3A_103, %sign3A_106 : i32
      %sign3A_108 = arith.constant 0 : i32
      %sign3A_109 = arith.cmpi sgt, %jit3A_99, %sign3A_108 : i32
      %sign3A_110 = arith.extui %sign3A_109 : i1 to i32
      %sign3A_111 = arith.constant 0 : i32
      %sign3A_112 = arith.cmpi slt, %jit3A_99, %sign3A_111 : i32
      %sign3A_113 = arith.extui %sign3A_112 : i1 to i32
      %sign3A_114 = arith.subi %sign3A_110, %sign3A_113 : i32
      %ne3A_115 = arith.cmpi ne, %sign3A_107, %sign3A_114 : i32
      %rem3A_116 = arith.remsi %add3A_98, %jit3A_99 : i32
      %ne3A_117 = arith.constant 0 : i32
      %ne3A_118 = arith.cmpi ne, %rem3A_116, %ne3A_117 : i32
      %and3A_119 = arith.andi %ne3A_115, %ne3A_118 : i1
      %sub3A_120 = arith.constant 1 : i32
      %sub3A_121 = arith.subi %div3A_100, %sub3A_120 : i32
      %select_n3A_122 = arith.select %and3A_119, %sub3A_121, %div3A_100 : i32
      %add3A_123 = arith.addi %mul3A_32, %select_n3A_122 : i32
      %rem3A_124 = arith.constant 32 : i32
      %rem3A_125 = arith.remsi %add3A_98, %rem3A_124 : i32
      %mul3A_126 = arith.constant 16 : i32
      %mul3A_127 = arith.muli %rem3A_125, %mul3A_126 : i32
      %dma_wait3A_128 = arith.constant 0 : i32
      %dma_wait3A_129 = tpu.memref_slice %arg2[%select_n3A, %add3A_123, %mul3A_127, %dma_wait3A_128] : memref<16x10x512x512xf32, #tpu.memory_space<hbm>> -> memref<1x1x16x512xf32, #tpu.memory_space<hbm>>
      %dma_wait3A_130 = tpu.memref_squeeze %dma_wait3A_129 : memref<1x1x16x512xf32, #tpu.memory_space<hbm>> -> memref<16x512xf32, #tpu.memory_space<hbm>>
      %dma_wait3A_131 = arith.constant 0 : i32
      %dma_wait3A_132 = tpu.memref_slice %arg2[%select_n3A, %add3A_123, %mul3A_127, %dma_wait3A_131] : memref<16x10x512x512xf32, #tpu.memory_space<hbm>> -> memref<1x1x16x512xf32, #tpu.memory_space<hbm>>
      %dma_wait3A_133 = tpu.memref_squeeze %dma_wait3A_132 : memref<1x1x16x512xf32, #tpu.memory_space<hbm>> -> memref<16x512xf32, #tpu.memory_space<hbm>>
      tpu.wait_dma2 semaphore(%arg12 : memref<!tpu.dma_semaphore, #tpu.memory_space<semaphore_mem>>) src(%dma_wait3A_133 : memref<16x512xf32, #tpu.memory_space<hbm>>) dst(%arg6 : memref<16x512xf32, #tpu.memory_space<vmem>>)
      %gt3A = arith.constant 0 : i32
      %gt3A_134 = arith.cmpi sgt, %scan3A_94, %gt3A : i32
      %convert_element_type3A = arith.extui %gt3A_134 : i1 to i32
      %cond3A = arith.constant 0 : i32
      %cond3A_135 = arith.cmpi ne, %convert_element_type3A, %cond3A : i32
      scf.if %cond3A_135 {
        %sub3A_446 = arith.constant 2 : i32
        %sub3A_447 = arith.subi %add3A_98, %sub3A_446 : i32
        %jit3A_448 = arith.constant 32 : i32
        %div3A_449 = arith.divsi %sub3A_447, %jit3A_448 : i32
        %sign3A_450 = arith.constant 0 : i32
        %sign3A_451 = arith.cmpi sgt, %sub3A_447, %sign3A_450 : i32
        %sign3A_452 = arith.extui %sign3A_451 : i1 to i32
        %sign3A_453 = arith.constant 0 : i32
        %sign3A_454 = arith.cmpi slt, %sub3A_447, %sign3A_453 : i32
        %sign3A_455 = arith.extui %sign3A_454 : i1 to i32
        %sign3A_456 = arith.subi %sign3A_452, %sign3A_455 : i32
        %sign3A_457 = arith.constant 0 : i32
        %sign3A_458 = arith.cmpi sgt, %jit3A_448, %sign3A_457 : i32
        %sign3A_459 = arith.extui %sign3A_458 : i1 to i32
        %sign3A_460 = arith.constant 0 : i32
        %sign3A_461 = arith.cmpi slt, %jit3A_448, %sign3A_460 : i32
        %sign3A_462 = arith.extui %sign3A_461 : i1 to i32
        %sign3A_463 = arith.subi %sign3A_459, %sign3A_462 : i32
        %ne3A_464 = arith.cmpi ne, %sign3A_456, %sign3A_463 : i32
        %rem3A_465 = arith.remsi %sub3A_447, %jit3A_448 : i32
        %ne3A_466 = arith.constant 0 : i32
        %ne3A_467 = arith.cmpi ne, %rem3A_465, %ne3A_466 : i32
        %and3A_468 = arith.andi %ne3A_464, %ne3A_467 : i1
        %sub3A_469 = arith.constant 1 : i32
        %sub3A_470 = arith.subi %div3A_449, %sub3A_469 : i32
        %select_n3A_471 = arith.select %and3A_468, %sub3A_470, %div3A_449 : i32
        %add3A_472 = arith.addi %mul3A_32, %select_n3A_471 : i32
        %rem3A_473 = arith.constant 32 : i32
        %rem3A_474 = arith.remsi %sub3A_447, %rem3A_473 : i32
        %mul3A_475 = arith.constant 16 : i32
        %mul3A_476 = arith.muli %rem3A_474, %mul3A_475 : i32
        %dma_wait3A_477 = arith.constant 0 : i32
        %dma_wait3A_478 = tpu.memref_slice %arg5[%select_n3A, %add3A_472, %mul3A_476, %dma_wait3A_477] : memref<16x10x512x512xf32, #tpu.memory_space<hbm>> -> memref<1x1x16x512xf32, #tpu.memory_space<hbm>>
        %dma_wait3A_479 = tpu.memref_squeeze %dma_wait3A_478 : memref<1x1x16x512xf32, #tpu.memory_space<hbm>> -> memref<16x512xf32, #tpu.memory_space<hbm>>
        %dma_wait3A_480 = arith.constant 0 : i32
        %dma_wait3A_481 = tpu.memref_slice %arg5[%select_n3A, %add3A_472, %mul3A_476, %dma_wait3A_480] : memref<16x10x512x512xf32, #tpu.memory_space<hbm>> -> memref<1x1x16x512xf32, #tpu.memory_space<hbm>>
        %dma_wait3A_482 = tpu.memref_squeeze %dma_wait3A_481 : memref<1x1x16x512xf32, #tpu.memory_space<hbm>> -> memref<16x512xf32, #tpu.memory_space<hbm>>
        tpu.wait_dma2 semaphore(%arg14 : memref<!tpu.dma_semaphore, #tpu.memory_space<semaphore_mem>>) src(%arg8 : memref<16x512xf32, #tpu.memory_space<vmem>>) dst(%dma_wait3A_482 : memref<16x512xf32, #tpu.memory_space<hbm>>)
      } else {
      }
      %rem3A_136 = arith.constant 32 : i32
      %rem3A_137 = arith.remsi %add3A_98, %rem3A_136 : i32
      %mul3A_138 = arith.constant 16 : i32
      %mul3A_139 = arith.muli %rem3A_137, %mul3A_138 : i32
      %mul3A_140 = arith.constant 16 : i32
      %mul3A_141 = arith.muli %mul3A_139, %mul3A_140 : i32
      %get3A = arith.constant 0 : index
      %get3A_142 = tpu.vector_load %arg10[%get3A] {strides = array<i32>} : memref<512xf32, #tpu.memory_space<vmem>>, vector<16xf32>,
      %get3A_143 = arith.constant 16 : index
      %get3A_144 = tpu.vector_load %arg10[%get3A_143] {strides = array<i32>} : memref<512xf32, #tpu.memory_space<vmem>>, vector<16xf32>,
      %get3A_145 = arith.constant 32 : index
      %get3A_146 = tpu.vector_load %arg10[%get3A_145] {strides = array<i32>} : memref<512xf32, #tpu.memory_space<vmem>>, vector<16xf32>,
      %get3A_147 = arith.constant 48 : index
      %get3A_148 = tpu.vector_load %arg10[%get3A_147] {strides = array<i32>} : memref<512xf32, #tpu.memory_space<vmem>>, vector<16xf32>,
      %parallel_loop3A = arith.constant 0 : i32
      %parallel_loop3A_149 = arith.constant 16 : i32
      %parallel_loop3A_150 = arith.constant 1 : i32
      scf.for %parallel_loop3A_446 = %parallel_loop3A to %parallel_loop3A_149 step %parallel_loop3A_150  : i32 {
        %parallel_loop3A_447 = arith.constant 16 : i32
        %parallel_loop3A_448 = arith.muli %parallel_loop3A_446, %parallel_loop3A_447 : i32
        %parallel_loop3A_449 = arith.addi %mul3A_141, %parallel_loop3A_448 : i32
        %parallel_loop3A_450 = arith.index_cast %parallel_loop3A_449 : i32 to index
        %parallel_loop3A_451 = tpu.vector_load %arg11[%parallel_loop3A_450] {strides = array<i32>} : memref<8192xf32, #tpu.memory_space<vmem>>, vector<16xf32>,
        %parallel_loop3A_452 = arith.index_cast %parallel_loop3A_446 : i32 to index
        %parallel_loop3A_453 = arith.constant 0 : index
        %parallel_loop3A_454 = tpu.vector_load %arg6[%parallel_loop3A_452, %parallel_loop3A_453] {strides = array<i32>} : memref<16x512xf32, #tpu.memory_space<vmem>>, vector<16xf32>,
        %parallel_loop3A_455 = arith.addf %get3A_142, %parallel_loop3A_451 : vector<16xf32>
        %parallel_loop3A_456 = arith.addf %parallel_loop3A_454, %parallel_loop3A_455 : vector<16xf32>
        %parallel_loop3A_457 = arith.index_cast %parallel_loop3A_446 : i32 to index
        %parallel_loop3A_458 = arith.constant 0 : index
        %parallel_loop3A_459 = tpu.vector_load %arg8[%parallel_loop3A_457, %parallel_loop3A_458] {strides = array<i32>} : memref<16x512xf32, #tpu.memory_space<vmem>>, vector<16xf32>,
        tpu.vector_store %arg8[%parallel_loop3A_457, %parallel_loop3A_458], %parallel_loop3A_456 {strides = array<i32>} : memref<16x512xf32, #tpu.memory_space<vmem>>, vector<16xf32>,
        %parallel_loop3A_460 = arith.index_cast %parallel_loop3A_446 : i32 to index
        %parallel_loop3A_461 = arith.constant 16 : index
        %parallel_loop3A_462 = tpu.vector_load %arg6[%parallel_loop3A_460, %parallel_loop3A_461] {strides = array<i32>} : memref<16x512xf32, #tpu.memory_space<vmem>>, vector<16xf32>,
        %parallel_loop3A_463 = arith.addf %get3A_144, %parallel_loop3A_451 : vector<16xf32>
        %parallel_loop3A_464 = arith.addf %parallel_loop3A_462, %parallel_loop3A_463 : vector<16xf32>
        %parallel_loop3A_465 = arith.index_cast %parallel_loop3A_446 : i32 to index
        %parallel_loop3A_466 = arith.constant 16 : index
        %parallel_loop3A_467 = tpu.vector_load %arg8[%parallel_loop3A_465, %parallel_loop3A_466] {strides = array<i32>} : memref<16x512xf32, #tpu.memory_space<vmem>>, vector<16xf32>,
        tpu.vector_store %arg8[%parallel_loop3A_465, %parallel_loop3A_466], %parallel_loop3A_464 {strides = array<i32>} : memref<16x512xf32, #tpu.memory_space<vmem>>, vector<16xf32>,
        %parallel_loop3A_468 = arith.index_cast %parallel_loop3A_446 : i32 to index
        %parallel_loop3A_469 = arith.constant 32 : index
        %parallel_loop3A_470 = tpu.vector_load %arg6[%parallel_loop3A_468, %parallel_loop3A_469] {strides = array<i32>} : memref<16x512xf32, #tpu.memory_space<vmem>>, vector<16xf32>,
        %parallel_loop3A_471 = arith.addf %get3A_146, %parallel_loop3A_451 : vector<16xf32>
        %parallel_loop3A_472 = arith.addf %parallel_loop3A_470, %parallel_loop3A_471 : vector<16xf32>
        %parallel_loop3A_473 = arith.index_cast %parallel_loop3A_446 : i32 to index
        %parallel_loop3A_474 = arith.constant 32 : index
        %parallel_loop3A_475 = tpu.vector_load %arg8[%parallel_loop3A_473, %parallel_loop3A_474] {strides = array<i32>} : memref<16x512xf32, #tpu.memory_space<vmem>>, vector<16xf32>,
        tpu.vector_store %arg8[%parallel_loop3A_473, %parallel_loop3A_474], %parallel_loop3A_472 {strides = array<i32>} : memref<16x512xf32, #tpu.memory_space<vmem>>, vector<16xf32>,
        %parallel_loop3A_476 = arith.index_cast %parallel_loop3A_446 : i32 to index
        %parallel_loop3A_477 = arith.constant 48 : index
        %parallel_loop3A_478 = tpu.vector_load %arg6[%parallel_loop3A_476, %parallel_loop3A_477] {strides = array<i32>} : memref<16x512xf32, #tpu.memory_space<vmem>>, vector<16xf32>,
        %parallel_loop3A_479 = arith.addf %get3A_148, %parallel_loop3A_451 : vector<16xf32>
        %parallel_loop3A_480 = arith.addf %parallel_loop3A_478, %parallel_loop3A_479 : vector<16xf32>
        %parallel_loop3A_481 = arith.index_cast %parallel_loop3A_446 : i32 to index
        %parallel_loop3A_482 = arith.constant 48 : index
        %parallel_loop3A_483 = tpu.vector_load %arg8[%parallel_loop3A_481, %parallel_loop3A_482] {strides = array<i32>} : memref<16x512xf32, #tpu.memory_space<vmem>>, vector<16xf32>,
        tpu.vector_store %arg8[%parallel_loop3A_481, %parallel_loop3A_482], %parallel_loop3A_480 {strides = array<i32>} : memref<16x512xf32, #tpu.memory_space<vmem>>, vector<16xf32>,
      } {sc.loop_unroll_factor = 4 : i64, sc.parallel_access}
      %get3A_151 = arith.constant 64 : index
      %get3A_152 = tpu.vector_load %arg10[%get3A_151] {strides = array<i32>} : memref<512xf32, #tpu.memory_space<vmem>>, vector<16xf32>,
      %get3A_153 = arith.constant 80 : index
      %get3A_154 = tpu.vector_load %arg10[%get3A_153] {strides = array<i32>} : memref<512xf32, #tpu.memory_space<vmem>>, vector<16xf32>,
      %get3A_155 = arith.constant 96 : index
      %get3A_156 = tpu.vector_load %arg10[%get3A_155] {strides = array<i32>} : memref<512xf32, #tpu.memory_space<vmem>>, vector<16xf32>,
      %get3A_157 = arith.constant 112 : index
      %get3A_158 = tpu.vector_load %arg10[%get3A_157] {strides = array<i32>} : memref<512xf32, #tpu.memory_space<vmem>>, vector<16xf32>,
      %parallel_loop3A_159 = arith.constant 0 : i32
      %parallel_loop3A_160 = arith.constant 16 : i32
      %parallel_loop3A_161 = arith.constant 1 : i32
      scf.for %parallel_loop3A_446 = %parallel_loop3A_159 to %parallel_loop3A_160 step %parallel_loop3A_161  : i32 {
        %parallel_loop3A_447 = arith.constant 16 : i32
        %parallel_loop3A_448 = arith.muli %parallel_loop3A_446, %parallel_loop3A_447 : i32
        %parallel_loop3A_449 = arith.addi %mul3A_141, %parallel_loop3A_448 : i32
        %parallel_loop3A_450 = arith.index_cast %parallel_loop3A_449 : i32 to index
        %parallel_loop3A_451 = tpu.vector_load %arg11[%parallel_loop3A_450] {strides = array<i32>} : memref<8192xf32, #tpu.memory_space<vmem>>, vector<16xf32>,
        %parallel_loop3A_452 = arith.index_cast %parallel_loop3A_446 : i32 to index
        %parallel_loop3A_453 = arith.constant 64 : index
        %parallel_loop3A_454 = tpu.vector_load %arg6[%parallel_loop3A_452, %parallel_loop3A_453] {strides = array<i32>} : memref<16x512xf32, #tpu.memory_space<vmem>>, vector<16xf32>,
        %parallel_loop3A_455 = arith.addf %get3A_152, %parallel_loop3A_451 : vector<16xf32>
        %parallel_loop3A_456 = arith.addf %parallel_loop3A_454, %parallel_loop3A_455 : vector<16xf32>
        %parallel_loop3A_457 = arith.index_cast %parallel_loop3A_446 : i32 to index
        %parallel_loop3A_458 = arith.constant 64 : index
        %parallel_loop3A_459 = tpu.vector_load %arg8[%parallel_loop3A_457, %parallel_loop3A_458] {strides = array<i32>} : memref<16x512xf32, #tpu.memory_space<vmem>>, vector<16xf32>,
        tpu.vector_store %arg8[%parallel_loop3A_457, %parallel_loop3A_458], %parallel_loop3A_456 {strides = array<i32>} : memref<16x512xf32, #tpu.memory_space<vmem>>, vector<16xf32>,
        %parallel_loop3A_460 = arith.index_cast %parallel_loop3A_446 : i32 to index
        %parallel_loop3A_461 = arith.constant 80 : index
        %parallel_loop3A_462 = tpu.vector_load %arg6[%parallel_loop3A_460, %parallel_loop3A_461] {strides = array<i32>} : memref<16x512xf32, #tpu.memory_space<vmem>>, vector<16xf32>,
        %parallel_loop3A_463 = arith.addf %get3A_154, %parallel_loop3A_451 : vector<16xf32>
        %parallel_loop3A_464 = arith.addf %parallel_loop3A_462, %parallel_loop3A_463 : vector<16xf32>
        %parallel_loop3A_465 = arith.index_cast %parallel_loop3A_446 : i32 to index
        %parallel_loop3A_466 = arith.constant 80 : index
        %parallel_loop3A_467 = tpu.vector_load %arg8[%parallel_loop3A_465, %parallel_loop3A_466] {strides = array<i32>} : memref<16x512xf32, #tpu.memory_space<vmem>>, vector<16xf32>,
        tpu.vector_store %arg8[%parallel_loop3A_465, %parallel_loop3A_466], %parallel_loop3A_464 {strides = array<i32>} : memref<16x512xf32, #tpu.memory_space<vmem>>, vector<16xf32>,
        %parallel_loop3A_468 = arith.index_cast %parallel_loop3A_446 : i32 to index
        %parallel_loop3A_469 = arith.constant 96 : index
        %parallel_loop3A_470 = tpu.vector_load %arg6[%parallel_loop3A_468, %parallel_loop3A_469] {strides = array<i32>} : memref<16x512xf32, #tpu.memory_space<vmem>>, vector<16xf32>,
        %parallel_loop3A_471 = arith.addf %get3A_156, %parallel_loop3A_451 : vector<16xf32>
        %parallel_loop3A_472 = arith.addf %parallel_loop3A_470, %parallel_loop3A_471 : vector<16xf32>
        %parallel_loop3A_473 = arith.index_cast %parallel_loop3A_446 : i32 to index
        %parallel_loop3A_474 = arith.constant 96 : index
        %parallel_loop3A_475 = tpu.vector_load %arg8[%parallel_loop3A_473, %parallel_loop3A_474] {strides = array<i32>} : memref<16x512xf32, #tpu.memory_space<vmem>>, vector<16xf32>,
        tpu.vector_store %arg8[%parallel_loop3A_473, %parallel_loop3A_474], %parallel_loop3A_472 {strides = array<i32>} : memref<16x512xf32, #tpu.memory_space<vmem>>, vector<16xf32>,
        %parallel_loop3A_476 = arith.index_cast %parallel_loop3A_446 : i32 to index
        %parallel_loop3A_477 = arith.constant 112 : index
        %parallel_loop3A_478 = tpu.vector_load %arg6[%parallel_loop3A_476, %parallel_loop3A_477] {strides = array<i32>} : memref<16x512xf32, #tpu.memory_space<vmem>>, vector<16xf32>,
        %parallel_loop3A_479 = arith.addf %get3A_158, %parallel_loop3A_451 : vector<16xf32>
        %parallel_loop3A_480 = arith.addf %parallel_loop3A_478, %parallel_loop3A_479 : vector<16xf32>
        %parallel_loop3A_481 = arith.index_cast %parallel_loop3A_446 : i32 to index
        %parallel_loop3A_482 = arith.constant 112 : index
        %parallel_loop3A_483 = tpu.vector_load %arg8[%parallel_loop3A_481, %parallel_loop3A_482] {strides = array<i32>} : memref<16x512xf32, #tpu.memory_space<vmem>>, vector<16xf32>,
        tpu.vector_store %arg8[%parallel_loop3A_481, %parallel_loop3A_482], %parallel_loop3A_480 {strides = array<i32>} : memref<16x512xf32, #tpu.memory_space<vmem>>, vector<16xf32>,
      } {sc.loop_unroll_factor = 4 : i64, sc.parallel_access}
      %get3A_162 = arith.constant 128 : index
      %get3A_163 = tpu.vector_load %arg10[%get3A_162] {strides = array<i32>} : memref<512xf32, #tpu.memory_space<vmem>>, vector<16xf32>,
      %get3A_164 = arith.constant 144 : index
      %get3A_165 = tpu.vector_load %arg10[%get3A_164] {strides = array<i32>} : memref<512xf32, #tpu.memory_space<vmem>>, vector<16xf32>,
      %get3A_166 = arith.constant 160 : index
      %get3A_167 = tpu.vector_load %arg10[%get3A_166] {strides = array<i32>} : memref<512xf32, #tpu.memory_space<vmem>>, vector<16xf32>,
      %get3A_168 = arith.constant 176 : index
      %get3A_169 = tpu.vector_load %arg10[%get3A_168] {strides = array<i32>} : memref<512xf32, #tpu.memory_space<vmem>>, vector<16xf32>,
      %parallel_loop3A_170 = arith.constant 0 : i32
      %parallel_loop3A_171 = arith.constant 16 : i32
      %parallel_loop3A_172 = arith.constant 1 : i32
      scf.for %parallel_loop3A_446 = %parallel_loop3A_170 to %parallel_loop3A_171 step %parallel_loop3A_172  : i32 {
        %parallel_loop3A_447 = arith.constant 16 : i32
        %parallel_loop3A_448 = arith.muli %parallel_loop3A_446, %parallel_loop3A_447 : i32
        %parallel_loop3A_449 = arith.addi %mul3A_141, %parallel_loop3A_448 : i32
        %parallel_loop3A_450 = arith.index_cast %parallel_loop3A_449 : i32 to index
        %parallel_loop3A_451 = tpu.vector_load %arg11[%parallel_loop3A_450] {strides = array<i32>} : memref<8192xf32, #tpu.memory_space<vmem>>, vector<16xf32>,
        %parallel_loop3A_452 = arith.index_cast %parallel_loop3A_446 : i32 to index
        %parallel_loop3A_453 = arith.constant 128 : index
        %parallel_loop3A_454 = tpu.vector_load %arg6[%parallel_loop3A_452, %parallel_loop3A_453] {strides = array<i32>} : memref<16x512xf32, #tpu.memory_space<vmem>>, vector<16xf32>,
        %parallel_loop3A_455 = arith.addf %get3A_163, %parallel_loop3A_451 : vector<16xf32>
        %parallel_loop3A_456 = arith.addf %parallel_loop3A_454, %parallel_loop3A_455 : vector<16xf32>
        %parallel_loop3A_457 = arith.index_cast %parallel_loop3A_446 : i32 to index
        %parallel_loop3A_458 = arith.constant 128 : index
        %parallel_loop3A_459 = tpu.vector_load %arg8[%parallel_loop3A_457, %parallel_loop3A_458] {strides = array<i32>} : memref<16x512xf32, #tpu.memory_space<vmem>>, vector<16xf32>,
        tpu.vector_store %arg8[%parallel_loop3A_457, %parallel_loop3A_458], %parallel_loop3A_456 {strides = array<i32>} : memref<16x512xf32, #tpu.memory_space<vmem>>, vector<16xf32>,
        %parallel_loop3A_460 = arith.index_cast %parallel_loop3A_446 : i32 to index
        %parallel_loop3A_461 = arith.constant 144 : index
        %parallel_loop3A_462 = tpu.vector_load %arg6[%parallel_loop3A_460, %parallel_loop3A_461] {strides = array<i32>} : memref<16x512xf32, #tpu.memory_space<vmem>>, vector<16xf32>,
        %parallel_loop3A_463 = arith.addf %get3A_165, %parallel_loop3A_451 : vector<16xf32>
        %parallel_loop3A_464 = arith.addf %parallel_loop3A_462, %parallel_loop3A_463 : vector<16xf32>
        %parallel_loop3A_465 = arith.index_cast %parallel_loop3A_446 : i32 to index
        %parallel_loop3A_466 = arith.constant 144 : index
        %parallel_loop3A_467 = tpu.vector_load %arg8[%parallel_loop3A_465, %parallel_loop3A_466] {strides = array<i32>} : memref<16x512xf32, #tpu.memory_space<vmem>>, vector<16xf32>,
        tpu.vector_store %arg8[%parallel_loop3A_465, %parallel_loop3A_466], %parallel_loop3A_464 {strides = array<i32>} : memref<16x512xf32, #tpu.memory_space<vmem>>, vector<16xf32>,
        %parallel_loop3A_468 = arith.index_cast %parallel_loop3A_446 : i32 to index
        %parallel_loop3A_469 = arith.constant 160 : index
        %parallel_loop3A_470 = tpu.vector_load %arg6[%parallel_loop3A_468, %parallel_loop3A_469] {strides = array<i32>} : memref<16x512xf32, #tpu.memory_space<vmem>>, vector<16xf32>,
        %parallel_loop3A_471 = arith.addf %get3A_167, %parallel_loop3A_451 : vector<16xf32>
        %parallel_loop3A_472 = arith.addf %parallel_loop3A_470, %parallel_loop3A_471 : vector<16xf32>
        %parallel_loop3A_473 = arith.index_cast %parallel_loop3A_446 : i32 to index
        %parallel_loop3A_474 = arith.constant 160 : index
        %parallel_loop3A_475 = tpu.vector_load %arg8[%parallel_loop3A_473, %parallel_loop3A_474] {strides = array<i32>} : memref<16x512xf32, #tpu.memory_space<vmem>>, vector<16xf32>,
        tpu.vector_store %arg8[%parallel_loop3A_473, %parallel_loop3A_474], %parallel_loop3A_472 {strides = array<i32>} : memref<16x512xf32, #tpu.memory_space<vmem>>, vector<16xf32>,
        %parallel_loop3A_476 = arith.index_cast %parallel_loop3A_446 : i32 to index
        %parallel_loop3A_477 = arith.constant 176 : index
        %parallel_loop3A_478 = tpu.vector_load %arg6[%parallel_loop3A_476, %parallel_loop3A_477] {strides = array<i32>} : memref<16x512xf32, #tpu.memory_space<vmem>>, vector<16xf32>,
        %parallel_loop3A_479 = arith.addf %get3A_169, %parallel_loop3A_451 : vector<16xf32>
        %parallel_loop3A_480 = arith.addf %parallel_loop3A_478, %parallel_loop3A_479 : vector<16xf32>
        %parallel_loop3A_481 = arith.index_cast %parallel_loop3A_446 : i32 to index
        %parallel_loop3A_482 = arith.constant 176 : index
        %parallel_loop3A_483 = tpu.vector_load %arg8[%parallel_loop3A_481, %parallel_loop3A_482] {strides = array<i32>} : memref<16x512xf32, #tpu.memory_space<vmem>>, vector<16xf32>,
        tpu.vector_store %arg8[%parallel_loop3A_481, %parallel_loop3A_482], %parallel_loop3A_480 {strides = array<i32>} : memref<16x512xf32, #tpu.memory_space<vmem>>, vector<16xf32>,
      } {sc.loop_unroll_factor = 4 : i64, sc.parallel_access}
      %get3A_173 = arith.constant 192 : index
      %get3A_174 = tpu.vector_load %arg10[%get3A_173] {strides = array<i32>} : memref<512xf32, #tpu.memory_space<vmem>>, vector<16xf32>,
      %get3A_175 = arith.constant 208 : index
      %get3A_176 = tpu.vector_load %arg10[%get3A_175] {strides = array<i32>} : memref<512xf32, #tpu.memory_space<vmem>>, vector<16xf32>,
      %get3A_177 = arith.constant 224 : index
      %get3A_178 = tpu.vector_load %arg10[%get3A_177] {strides = array<i32>} : memref<512xf32, #tpu.memory_space<vmem>>, vector<16xf32>,
      %get3A_179 = arith.constant 240 : index
      %get3A_180 = tpu.vector_load %arg10[%get3A_179] {strides = array<i32>} : memref<512xf32, #tpu.memory_space<vmem>>, vector<16xf32>,
      %parallel_loop3A_181 = arith.constant 0 : i32
      %parallel_loop3A_182 = arith.constant 16 : i32
      %parallel_loop3A_183 = arith.constant 1 : i32
      scf.for %parallel_loop3A_446 = %parallel_loop3A_181 to %parallel_loop3A_182 step %parallel_loop3A_183  : i32 {
        %parallel_loop3A_447 = arith.constant 16 : i32
        %parallel_loop3A_448 = arith.muli %parallel_loop3A_446, %parallel_loop3A_447 : i32
        %parallel_loop3A_449 = arith.addi %mul3A_141, %parallel_loop3A_448 : i32
        %parallel_loop3A_450 = arith.index_cast %parallel_loop3A_449 : i32 to index
        %parallel_loop3A_451 = tpu.vector_load %arg11[%parallel_loop3A_450] {strides = array<i32>} : memref<8192xf32, #tpu.memory_space<vmem>>, vector<16xf32>,
        %parallel_loop3A_452 = arith.index_cast %parallel_loop3A_446 : i32 to index
        %parallel_loop3A_453 = arith.constant 192 : index
        %parallel_loop3A_454 = tpu.vector_load %arg6[%parallel_loop3A_452, %parallel_loop3A_453] {strides = array<i32>} : memref<16x512xf32, #tpu.memory_space<vmem>>, vector<16xf32>,
        %parallel_loop3A_455 = arith.addf %get3A_174, %parallel_loop3A_451 : vector<16xf32>
        %parallel_loop3A_456 = arith.addf %parallel_loop3A_454, %parallel_loop3A_455 : vector<16xf32>
        %parallel_loop3A_457 = arith.index_cast %parallel_loop3A_446 : i32 to index
        %parallel_loop3A_458 = arith.constant 192 : index
        %parallel_loop3A_459 = tpu.vector_load %arg8[%parallel_loop3A_457, %parallel_loop3A_458] {strides = array<i32>} : memref<16x512xf32, #tpu.memory_space<vmem>>, vector<16xf32>,
        tpu.vector_store %arg8[%parallel_loop3A_457, %parallel_loop3A_458], %parallel_loop3A_456 {strides = array<i32>} : memref<16x512xf32, #tpu.memory_space<vmem>>, vector<16xf32>,
        %parallel_loop3A_460 = arith.index_cast %parallel_loop3A_446 : i32 to index
        %parallel_loop3A_461 = arith.constant 208 : index
        %parallel_loop3A_462 = tpu.vector_load %arg6[%parallel_loop3A_460, %parallel_loop3A_461] {strides = array<i32>} : memref<16x512xf32, #tpu.memory_space<vmem>>, vector<16xf32>,
        %parallel_loop3A_463 = arith.addf %get3A_176, %parallel_loop3A_451 : vector<16xf32>
        %parallel_loop3A_464 = arith.addf %parallel_loop3A_462, %parallel_loop3A_463 : vector<16xf32>
        %parallel_loop3A_465 = arith.index_cast %parallel_loop3A_446 : i32 to index
        %parallel_loop3A_466 = arith.constant 208 : index
        %parallel_loop3A_467 = tpu.vector_load %arg8[%parallel_loop3A_465, %parallel_loop3A_466] {strides = array<i32>} : memref<16x512xf32, #tpu.memory_space<vmem>>, vector<16xf32>,
        tpu.vector_store %arg8[%parallel_loop3A_465, %parallel_loop3A_466], %parallel_loop3A_464 {strides = array<i32>} : memref<16x512xf32, #tpu.memory_space<vmem>>, vector<16xf32>,
        %parallel_loop3A_468 = arith.index_cast %parallel_loop3A_446 : i32 to index
        %parallel_loop3A_469 = arith.constant 224 : index
        %parallel_loop3A_470 = tpu.vector_load %arg6[%parallel_loop3A_468, %parallel_loop3A_469] {strides = array<i32>} : memref<16x512xf32, #tpu.memory_space<vmem>>, vector<16xf32>,
        %parallel_loop3A_471 = arith.addf %get3A_178, %parallel_loop3A_451 : vector<16xf32>
        %parallel_loop3A_472 = arith.addf %parallel_loop3A_470, %parallel_loop3A_471 : vector<16xf32>
        %parallel_loop3A_473 = arith.index_cast %parallel_loop3A_446 : i32 to index
        %parallel_loop3A_474 = arith.constant 224 : index
        %parallel_loop3A_475 = tpu.vector_load %arg8[%parallel_loop3A_473, %parallel_loop3A_474] {strides = array<i32>} : memref<16x512xf32, #tpu.memory_space<vmem>>, vector<16xf32>,
        tpu.vector_store %arg8[%parallel_loop3A_473, %parallel_loop3A_474], %parallel_loop3A_472 {strides = array<i32>} : memref<16x512xf32, #tpu.memory_space<vmem>>, vector<16xf32>,
        %parallel_loop3A_476 = arith.index_cast %parallel_loop3A_446 : i32 to index
        %parallel_loop3A_477 = arith.constant 240 : index
        %parallel_loop3A_478 = tpu.vector_load %arg6[%parallel_loop3A_476, %parallel_loop3A_477] {strides = array<i32>} : memref<16x512xf32, #tpu.memory_space<vmem>>, vector<16xf32>,
        %parallel_loop3A_479 = arith.addf %get3A_180, %parallel_loop3A_451 : vector<16xf32>
        %parallel_loop3A_480 = arith.addf %parallel_loop3A_478, %parallel_loop3A_479 : vector<16xf32>
        %parallel_loop3A_481 = arith.index_cast %parallel_loop3A_446 : i32 to index
        %parallel_loop3A_482 = arith.constant 240 : index
        %parallel_loop3A_483 = tpu.vector_load %arg8[%parallel_loop3A_481, %parallel_loop3A_482] {strides = array<i32>} : memref<16x512xf32, #tpu.memory_space<vmem>>, vector<16xf32>,
        tpu.vector_store %arg8[%parallel_loop3A_481, %parallel_loop3A_482], %parallel_loop3A_480 {strides = array<i32>} : memref<16x512xf32, #tpu.memory_space<vmem>>, vector<16xf32>,
      } {sc.loop_unroll_factor = 4 : i64, sc.parallel_access}
      %get3A_184 = arith.constant 256 : index
      %get3A_185 = tpu.vector_load %arg10[%get3A_184] {strides = array<i32>} : memref<512xf32, #tpu.memory_space<vmem>>, vector<16xf32>,
      %get3A_186 = arith.constant 272 : index
      %get3A_187 = tpu.vector_load %arg10[%get3A_186] {strides = array<i32>} : memref<512xf32, #tpu.memory_space<vmem>>, vector<16xf32>,
      %get3A_188 = arith.constant 288 : index
      %get3A_189 = tpu.vector_load %arg10[%get3A_188] {strides = array<i32>} : memref<512xf32, #tpu.memory_space<vmem>>, vector<16xf32>,
      %get3A_190 = arith.constant 304 : index
      %get3A_191 = tpu.vector_load %arg10[%get3A_190] {strides = array<i32>} : memref<512xf32, #tpu.memory_space<vmem>>, vector<16xf32>,
      %parallel_loop3A_192 = arith.constant 0 : i32
      %parallel_loop3A_193 = arith.constant 16 : i32
      %parallel_loop3A_194 = arith.constant 1 : i32
      scf.for %parallel_loop3A_446 = %parallel_loop3A_192 to %parallel_loop3A_193 step %parallel_loop3A_194  : i32 {
        %parallel_loop3A_447 = arith.constant 16 : i32
        %parallel_loop3A_448 = arith.muli %parallel_loop3A_446, %parallel_loop3A_447 : i32
        %parallel_loop3A_449 = arith.addi %mul3A_141, %parallel_loop3A_448 : i32
        %parallel_loop3A_450 = arith.index_cast %parallel_loop3A_449 : i32 to index
        %parallel_loop3A_451 = tpu.vector_load %arg11[%parallel_loop3A_450] {strides = array<i32>} : memref<8192xf32, #tpu.memory_space<vmem>>, vector<16xf32>,
        %parallel_loop3A_452 = arith.index_cast %parallel_loop3A_446 : i32 to index
        %parallel_loop3A_453 = arith.constant 256 : index
        %parallel_loop3A_454 = tpu.vector_load %arg6[%parallel_loop3A_452, %parallel_loop3A_453] {strides = array<i32>} : memref<16x512xf32, #tpu.memory_space<vmem>>, vector<16xf32>,
        %parallel_loop3A_455 = arith.addf %get3A_185, %parallel_loop3A_451 : vector<16xf32>
        %parallel_loop3A_456 = arith.addf %parallel_loop3A_454, %parallel_loop3A_455 : vector<16xf32>
        %parallel_loop3A_457 = arith.index_cast %parallel_loop3A_446 : i32 to index
        %parallel_loop3A_458 = arith.constant 256 : index
        %parallel_loop3A_459 = tpu.vector_load %arg8[%parallel_loop3A_457, %parallel_loop3A_458] {strides = array<i32>} : memref<16x512xf32, #tpu.memory_space<vmem>>, vector<16xf32>,
        tpu.vector_store %arg8[%parallel_loop3A_457, %parallel_loop3A_458], %parallel_loop3A_456 {strides = array<i32>} : memref<16x512xf32, #tpu.memory_space<vmem>>, vector<16xf32>,
        %parallel_loop3A_460 = arith.index_cast %parallel_loop3A_446 : i32 to index
        %parallel_loop3A_461 = arith.constant 272 : index
        %parallel_loop3A_462 = tpu.vector_load %arg6[%parallel_loop3A_460, %parallel_loop3A_461] {strides = array<i32>} : memref<16x512xf32, #tpu.memory_space<vmem>>, vector<16xf32>,
        %parallel_loop3A_463 = arith.addf %get3A_187, %parallel_loop3A_451 : vector<16xf32>
        %parallel_loop3A_464 = arith.addf %parallel_loop3A_462, %parallel_loop3A_463 : vector<16xf32>
        %parallel_loop3A_465 = arith.index_cast %parallel_loop3A_446 : i32 to index
        %parallel_loop3A_466 = arith.constant 272 : index
        %parallel_loop3A_467 = tpu.vector_load %arg8[%parallel_loop3A_465, %parallel_loop3A_466] {strides = array<i32>} : memref<16x512xf32, #tpu.memory_space<vmem>>, vector<16xf32>,
        tpu.vector_store %arg8[%parallel_loop3A_465, %parallel_loop3A_466], %parallel_loop3A_464 {strides = array<i32>} : memref<16x512xf32, #tpu.memory_space<vmem>>, vector<16xf32>,
        %parallel_loop3A_468 = arith.index_cast %parallel_loop3A_446 : i32 to index
        %parallel_loop3A_469 = arith.constant 288 : index
        %parallel_loop3A_470 = tpu.vector_load %arg6[%parallel_loop3A_468, %parallel_loop3A_469] {strides = array<i32>} : memref<16x512xf32, #tpu.memory_space<vmem>>, vector<16xf32>,
        %parallel_loop3A_471 = arith.addf %get3A_189, %parallel_loop3A_451 : vector<16xf32>
        %parallel_loop3A_472 = arith.addf %parallel_loop3A_470, %parallel_loop3A_471 : vector<16xf32>
        %parallel_loop3A_473 = arith.index_cast %parallel_loop3A_446 : i32 to index
        %parallel_loop3A_474 = arith.constant 288 : index
        %parallel_loop3A_475 = tpu.vector_load %arg8[%parallel_loop3A_473, %parallel_loop3A_474] {strides = array<i32>} : memref<16x512xf32, #tpu.memory_space<vmem>>, vector<16xf32>,
        tpu.vector_store %arg8[%parallel_loop3A_473, %parallel_loop3A_474], %parallel_loop3A_472 {strides = array<i32>} : memref<16x512xf32, #tpu.memory_space<vmem>>, vector<16xf32>,
        %parallel_loop3A_476 = arith.index_cast %parallel_loop3A_446 : i32 to index
        %parallel_loop3A_477 = arith.constant 304 : index
        %parallel_loop3A_478 = tpu.vector_load %arg6[%parallel_loop3A_476, %parallel_loop3A_477] {strides = array<i32>} : memref<16x512xf32, #tpu.memory_space<vmem>>, vector<16xf32>,
        %parallel_loop3A_479 = arith.addf %get3A_191, %parallel_loop3A_451 : vector<16xf32>
        %parallel_loop3A_480 = arith.addf %parallel_loop3A_478, %parallel_loop3A_479 : vector<16xf32>
        %parallel_loop3A_481 = arith.index_cast %parallel_loop3A_446 : i32 to index
        %parallel_loop3A_482 = arith.constant 304 : index
        %parallel_loop3A_483 = tpu.vector_load %arg8[%parallel_loop3A_481, %parallel_loop3A_482] {strides = array<i32>} : memref<16x512xf32, #tpu.memory_space<vmem>>, vector<16xf32>,
        tpu.vector_store %arg8[%parallel_loop3A_481, %parallel_loop3A_482], %parallel_loop3A_480 {strides = array<i32>} : memref<16x512xf32, #tpu.memory_space<vmem>>, vector<16xf32>,
      } {sc.loop_unroll_factor = 4 : i64, sc.parallel_access}
      %get3A_195 = arith.constant 320 : index
      %get3A_196 = tpu.vector_load %arg10[%get3A_195] {strides = array<i32>} : memref<512xf32, #tpu.memory_space<vmem>>, vector<16xf32>,
      %get3A_197 = arith.constant 336 : index
      %get3A_198 = tpu.vector_load %arg10[%get3A_197] {strides = array<i32>} : memref<512xf32, #tpu.memory_space<vmem>>, vector<16xf32>,
      %get3A_199 = arith.constant 352 : index
      %get3A_200 = tpu.vector_load %arg10[%get3A_199] {strides = array<i32>} : memref<512xf32, #tpu.memory_space<vmem>>, vector<16xf32>,
      %get3A_201 = arith.constant 368 : index
      %get3A_202 = tpu.vector_load %arg10[%get3A_201] {strides = array<i32>} : memref<512xf32, #tpu.memory_space<vmem>>, vector<16xf32>,
      %parallel_loop3A_203 = arith.constant 0 : i32
      %parallel_loop3A_204 = arith.constant 16 : i32
      %parallel_loop3A_205 = arith.constant 1 : i32
      scf.for %parallel_loop3A_446 = %parallel_loop3A_203 to %parallel_loop3A_204 step %parallel_loop3A_205  : i32 {
        %parallel_loop3A_447 = arith.constant 16 : i32
        %parallel_loop3A_448 = arith.muli %parallel_loop3A_446, %parallel_loop3A_447 : i32
        %parallel_loop3A_449 = arith.addi %mul3A_141, %parallel_loop3A_448 : i32
        %parallel_loop3A_450 = arith.index_cast %parallel_loop3A_449 : i32 to index
        %parallel_loop3A_451 = tpu.vector_load %arg11[%parallel_loop3A_450] {strides = array<i32>} : memref<8192xf32, #tpu.memory_space<vmem>>, vector<16xf32>,
        %parallel_loop3A_452 = arith.index_cast %parallel_loop3A_446 : i32 to index
        %parallel_loop3A_453 = arith.constant 320 : index
        %parallel_loop3A_454 = tpu.vector_load %arg6[%parallel_loop3A_452, %parallel_loop3A_453] {strides = array<i32>} : memref<16x512xf32, #tpu.memory_space<vmem>>, vector<16xf32>,
        %parallel_loop3A_455 = arith.addf %get3A_196, %parallel_loop3A_451 : vector<16xf32>
        %parallel_loop3A_456 = arith.addf %parallel_loop3A_454, %parallel_loop3A_455 : vector<16xf32>
        %parallel_loop3A_457 = arith.index_cast %parallel_loop3A_446 : i32 to index
        %parallel_loop3A_458 = arith.constant 320 : index
        %parallel_loop3A_459 = tpu.vector_load %arg8[%parallel_loop3A_457, %parallel_loop3A_458] {strides = array<i32>} : memref<16x512xf32, #tpu.memory_space<vmem>>, vector<16xf32>,
        tpu.vector_store %arg8[%parallel_loop3A_457, %parallel_loop3A_458], %parallel_loop3A_456 {strides = array<i32>} : memref<16x512xf32, #tpu.memory_space<vmem>>, vector<16xf32>,
        %parallel_loop3A_460 = arith.index_cast %parallel_loop3A_446 : i32 to index
        %parallel_loop3A_461 = arith.constant 336 : index
        %parallel_loop3A_462 = tpu.vector_load %arg6[%parallel_loop3A_460, %parallel_loop3A_461] {strides = array<i32>} : memref<16x512xf32, #tpu.memory_space<vmem>>, vector<16xf32>,
        %parallel_loop3A_463 = arith.addf %get3A_198, %parallel_loop3A_451 : vector<16xf32>
        %parallel_loop3A_464 = arith.addf %parallel_loop3A_462, %parallel_loop3A_463 : vector<16xf32>
        %parallel_loop3A_465 = arith.index_cast %parallel_loop3A_446 : i32 to index
        %parallel_loop3A_466 = arith.constant 336 : index
        %parallel_loop3A_467 = tpu.vector_load %arg8[%parallel_loop3A_465, %parallel_loop3A_466] {strides = array<i32>} : memref<16x512xf32, #tpu.memory_space<vmem>>, vector<16xf32>,
        tpu.vector_store %arg8[%parallel_loop3A_465, %parallel_loop3A_466], %parallel_loop3A_464 {strides = array<i32>} : memref<16x512xf32, #tpu.memory_space<vmem>>, vector<16xf32>,
        %parallel_loop3A_468 = arith.index_cast %parallel_loop3A_446 : i32 to index
        %parallel_loop3A_469 = arith.constant 352 : index
        %parallel_loop3A_470 = tpu.vector_load %arg6[%parallel_loop3A_468, %parallel_loop3A_469] {strides = array<i32>} : memref<16x512xf32, #tpu.memory_space<vmem>>, vector<16xf32>,
        %parallel_loop3A_471 = arith.addf %get3A_200, %parallel_loop3A_451 : vector<16xf32>
        %parallel_loop3A_472 = arith.addf %parallel_loop3A_470, %parallel_loop3A_471 : vector<16xf32>
        %parallel_loop3A_473 = arith.index_cast %parallel_loop3A_446 : i32 to index
        %parallel_loop3A_474 = arith.constant 352 : index
        %parallel_loop3A_475 = tpu.vector_load %arg8[%parallel_loop3A_473, %parallel_loop3A_474] {strides = array<i32>} : memref<16x512xf32, #tpu.memory_space<vmem>>, vector<16xf32>,
        tpu.vector_store %arg8[%parallel_loop3A_473, %parallel_loop3A_474], %parallel_loop3A_472 {strides = array<i32>} : memref<16x512xf32, #tpu.memory_space<vmem>>, vector<16xf32>,
        %parallel_loop3A_476 = arith.index_cast %parallel_loop3A_446 : i32 to index
        %parallel_loop3A_477 = arith.constant 368 : index
        %parallel_loop3A_478 = tpu.vector_load %arg6[%parallel_loop3A_476, %parallel_loop3A_477] {strides = array<i32>} : memref<16x512xf32, #tpu.memory_space<vmem>>, vector<16xf32>,
        %parallel_loop3A_479 = arith.addf %get3A_202, %parallel_loop3A_451 : vector<16xf32>
        %parallel_loop3A_480 = arith.addf %parallel_loop3A_478, %parallel_loop3A_479 : vector<16xf32>
        %parallel_loop3A_481 = arith.index_cast %parallel_loop3A_446 : i32 to index
        %parallel_loop3A_482 = arith.constant 368 : index
        %parallel_loop3A_483 = tpu.vector_load %arg8[%parallel_loop3A_481, %parallel_loop3A_482] {strides = array<i32>} : memref<16x512xf32, #tpu.memory_space<vmem>>, vector<16xf32>,
        tpu.vector_store %arg8[%parallel_loop3A_481, %parallel_loop3A_482], %parallel_loop3A_480 {strides = array<i32>} : memref<16x512xf32, #tpu.memory_space<vmem>>, vector<16xf32>,
      } {sc.loop_unroll_factor = 4 : i64, sc.parallel_access}
      %get3A_206 = arith.constant 384 : index
      %get3A_207 = tpu.vector_load %arg10[%get3A_206] {strides = array<i32>} : memref<512xf32, #tpu.memory_space<vmem>>, vector<16xf32>,
      %get3A_208 = arith.constant 400 : index
      %get3A_209 = tpu.vector_load %arg10[%get3A_208] {strides = array<i32>} : memref<512xf32, #tpu.memory_space<vmem>>, vector<16xf32>,
      %get3A_210 = arith.constant 416 : index
      %get3A_211 = tpu.vector_load %arg10[%get3A_210] {strides = array<i32>} : memref<512xf32, #tpu.memory_space<vmem>>, vector<16xf32>,
      %get3A_212 = arith.constant 432 : index
      %get3A_213 = tpu.vector_load %arg10[%get3A_212] {strides = array<i32>} : memref<512xf32, #tpu.memory_space<vmem>>, vector<16xf32>,
      %parallel_loop3A_214 = arith.constant 0 : i32
      %parallel_loop3A_215 = arith.constant 16 : i32
      %parallel_loop3A_216 = arith.constant 1 : i32
      scf.for %parallel_loop3A_446 = %parallel_loop3A_214 to %parallel_loop3A_215 step %parallel_loop3A_216  : i32 {
        %parallel_loop3A_447 = arith.constant 16 : i32
        %parallel_loop3A_448 = arith.muli %parallel_loop3A_446, %parallel_loop3A_447 : i32
        %parallel_loop3A_449 = arith.addi %mul3A_141, %parallel_loop3A_448 : i32
        %parallel_loop3A_450 = arith.index_cast %parallel_loop3A_449 : i32 to index
        %parallel_loop3A_451 = tpu.vector_load %arg11[%parallel_loop3A_450] {strides = array<i32>} : memref<8192xf32, #tpu.memory_space<vmem>>, vector<16xf32>,
        %parallel_loop3A_452 = arith.index_cast %parallel_loop3A_446 : i32 to index
        %parallel_loop3A_453 = arith.constant 384 : index
        %parallel_loop3A_454 = tpu.vector_load %arg6[%parallel_loop3A_452, %parallel_loop3A_453] {strides = array<i32>} : memref<16x512xf32, #tpu.memory_space<vmem>>, vector<16xf32>,
        %parallel_loop3A_455 = arith.addf %get3A_207, %parallel_loop3A_451 : vector<16xf32>
        %parallel_loop3A_456 = arith.addf %parallel_loop3A_454, %parallel_loop3A_455 : vector<16xf32>
        %parallel_loop3A_457 = arith.index_cast %parallel_loop3A_446 : i32 to index
        %parallel_loop3A_458 = arith.constant 384 : index
        %parallel_loop3A_459 = tpu.vector_load %arg8[%parallel_loop3A_457, %parallel_loop3A_458] {strides = array<i32>} : memref<16x512xf32, #tpu.memory_space<vmem>>, vector<16xf32>,
        tpu.vector_store %arg8[%parallel_loop3A_457, %parallel_loop3A_458], %parallel_loop3A_456 {strides = array<i32>} : memref<16x512xf32, #tpu.memory_space<vmem>>, vector<16xf32>,
        %parallel_loop3A_460 = arith.index_cast %parallel_loop3A_446 : i32 to index
        %parallel_loop3A_461 = arith.constant 400 : index
        %parallel_loop3A_462 = tpu.vector_load %arg6[%parallel_loop3A_460, %parallel_loop3A_461] {strides = array<i32>} : memref<16x512xf32, #tpu.memory_space<vmem>>, vector<16xf32>,
        %parallel_loop3A_463 = arith.addf %get3A_209, %parallel_loop3A_451 : vector<16xf32>
        %parallel_loop3A_464 = arith.addf %parallel_loop3A_462, %parallel_loop3A_463 : vector<16xf32>
        %parallel_loop3A_465 = arith.index_cast %parallel_loop3A_446 : i32 to index
        %parallel_loop3A_466 = arith.constant 400 : index
        %parallel_loop3A_467 = tpu.vector_load %arg8[%parallel_loop3A_465, %parallel_loop3A_466] {strides = array<i32>} : memref<16x512xf32, #tpu.memory_space<vmem>>, vector<16xf32>,
        tpu.vector_store %arg8[%parallel_loop3A_465, %parallel_loop3A_466], %parallel_loop3A_464 {strides = array<i32>} : memref<16x512xf32, #tpu.memory_space<vmem>>, vector<16xf32>,
        %parallel_loop3A_468 = arith.index_cast %parallel_loop3A_446 : i32 to index
        %parallel_loop3A_469 = arith.constant 416 : index
        %parallel_loop3A_470 = tpu.vector_load %arg6[%parallel_loop3A_468, %parallel_loop3A_469] {strides = array<i32>} : memref<16x512xf32, #tpu.memory_space<vmem>>, vector<16xf32>,
        %parallel_loop3A_471 = arith.addf %get3A_211, %parallel_loop3A_451 : vector<16xf32>
        %parallel_loop3A_472 = arith.addf %parallel_loop3A_470, %parallel_loop3A_471 : vector<16xf32>
        %parallel_loop3A_473 = arith.index_cast %parallel_loop3A_446 : i32 to index
        %parallel_loop3A_474 = arith.constant 416 : index
        %parallel_loop3A_475 = tpu.vector_load %arg8[%parallel_loop3A_473, %parallel_loop3A_474] {strides = array<i32>} : memref<16x512xf32, #tpu.memory_space<vmem>>, vector<16xf32>,
        tpu.vector_store %arg8[%parallel_loop3A_473, %parallel_loop3A_474], %parallel_loop3A_472 {strides = array<i32>} : memref<16x512xf32, #tpu.memory_space<vmem>>, vector<16xf32>,
        %parallel_loop3A_476 = arith.index_cast %parallel_loop3A_446 : i32 to index
        %parallel_loop3A_477 = arith.constant 432 : index
        %parallel_loop3A_478 = tpu.vector_load %arg6[%parallel_loop3A_476, %parallel_loop3A_477] {strides = array<i32>} : memref<16x512xf32, #tpu.memory_space<vmem>>, vector<16xf32>,
        %parallel_loop3A_479 = arith.addf %get3A_213, %parallel_loop3A_451 : vector<16xf32>
        %parallel_loop3A_480 = arith.addf %parallel_loop3A_478, %parallel_loop3A_479 : vector<16xf32>
        %parallel_loop3A_481 = arith.index_cast %parallel_loop3A_446 : i32 to index
        %parallel_loop3A_482 = arith.constant 432 : index
        %parallel_loop3A_483 = tpu.vector_load %arg8[%parallel_loop3A_481, %parallel_loop3A_482] {strides = array<i32>} : memref<16x512xf32, #tpu.memory_space<vmem>>, vector<16xf32>,
        tpu.vector_store %arg8[%parallel_loop3A_481, %parallel_loop3A_482], %parallel_loop3A_480 {strides = array<i32>} : memref<16x512xf32, #tpu.memory_space<vmem>>, vector<16xf32>,
      } {sc.loop_unroll_factor = 4 : i64, sc.parallel_access}
      %get3A_217 = arith.constant 448 : index
      %get3A_218 = tpu.vector_load %arg10[%get3A_217] {strides = array<i32>} : memref<512xf32, #tpu.memory_space<vmem>>, vector<16xf32>,
      %get3A_219 = arith.constant 464 : index
      %get3A_220 = tpu.vector_load %arg10[%get3A_219] {strides = array<i32>} : memref<512xf32, #tpu.memory_space<vmem>>, vector<16xf32>,
      %get3A_221 = arith.constant 480 : index
      %get3A_222 = tpu.vector_load %arg10[%get3A_221] {strides = array<i32>} : memref<512xf32, #tpu.memory_space<vmem>>, vector<16xf32>,
      %get3A_223 = arith.constant 496 : index
      %get3A_224 = tpu.vector_load %arg10[%get3A_223] {strides = array<i32>} : memref<512xf32, #tpu.memory_space<vmem>>, vector<16xf32>,
      %parallel_loop3A_225 = arith.constant 0 : i32
      %parallel_loop3A_226 = arith.constant 16 : i32
      %parallel_loop3A_227 = arith.constant 1 : i32
      scf.for %parallel_loop3A_446 = %parallel_loop3A_225 to %parallel_loop3A_226 step %parallel_loop3A_227  : i32 {
        %parallel_loop3A_447 = arith.constant 16 : i32
        %parallel_loop3A_448 = arith.muli %parallel_loop3A_446, %parallel_loop3A_447 : i32
        %parallel_loop3A_449 = arith.addi %mul3A_141, %parallel_loop3A_448 : i32
        %parallel_loop3A_450 = arith.index_cast %parallel_loop3A_449 : i32 to index
        %parallel_loop3A_451 = tpu.vector_load %arg11[%parallel_loop3A_450] {strides = array<i32>} : memref<8192xf32, #tpu.memory_space<vmem>>, vector<16xf32>,
        %parallel_loop3A_452 = arith.index_cast %parallel_loop3A_446 : i32 to index
        %parallel_loop3A_453 = arith.constant 448 : index
        %parallel_loop3A_454 = tpu.vector_load %arg6[%parallel_loop3A_452, %parallel_loop3A_453] {strides = array<i32>} : memref<16x512xf32, #tpu.memory_space<vmem>>, vector<16xf32>,
        %parallel_loop3A_455 = arith.addf %get3A_218, %parallel_loop3A_451 : vector<16xf32>
        %parallel_loop3A_456 = arith.addf %parallel_loop3A_454, %parallel_loop3A_455 : vector<16xf32>
        %parallel_loop3A_457 = arith.index_cast %parallel_loop3A_446 : i32 to index
        %parallel_loop3A_458 = arith.constant 448 : index
        %parallel_loop3A_459 = tpu.vector_load %arg8[%parallel_loop3A_457, %parallel_loop3A_458] {strides = array<i32>} : memref<16x512xf32, #tpu.memory_space<vmem>>, vector<16xf32>,
        tpu.vector_store %arg8[%parallel_loop3A_457, %parallel_loop3A_458], %parallel_loop3A_456 {strides = array<i32>} : memref<16x512xf32, #tpu.memory_space<vmem>>, vector<16xf32>,
        %parallel_loop3A_460 = arith.index_cast %parallel_loop3A_446 : i32 to index
        %parallel_loop3A_461 = arith.constant 464 : index
        %parallel_loop3A_462 = tpu.vector_load %arg6[%parallel_loop3A_460, %parallel_loop3A_461] {strides = array<i32>} : memref<16x512xf32, #tpu.memory_space<vmem>>, vector<16xf32>,
        %parallel_loop3A_463 = arith.addf %get3A_220, %parallel_loop3A_451 : vector<16xf32>
        %parallel_loop3A_464 = arith.addf %parallel_loop3A_462, %parallel_loop3A_463 : vector<16xf32>
        %parallel_loop3A_465 = arith.index_cast %parallel_loop3A_446 : i32 to index
        %parallel_loop3A_466 = arith.constant 464 : index
        %parallel_loop3A_467 = tpu.vector_load %arg8[%parallel_loop3A_465, %parallel_loop3A_466] {strides = array<i32>} : memref<16x512xf32, #tpu.memory_space<vmem>>, vector<16xf32>,
        tpu.vector_store %arg8[%parallel_loop3A_465, %parallel_loop3A_466], %parallel_loop3A_464 {strides = array<i32>} : memref<16x512xf32, #tpu.memory_space<vmem>>, vector<16xf32>,
        %parallel_loop3A_468 = arith.index_cast %parallel_loop3A_446 : i32 to index
        %parallel_loop3A_469 = arith.constant 480 : index
        %parallel_loop3A_470 = tpu.vector_load %arg6[%parallel_loop3A_468, %parallel_loop3A_469] {strides = array<i32>} : memref<16x512xf32, #tpu.memory_space<vmem>>, vector<16xf32>,
        %parallel_loop3A_471 = arith.addf %get3A_222, %parallel_loop3A_451 : vector<16xf32>
        %parallel_loop3A_472 = arith.addf %parallel_loop3A_470, %parallel_loop3A_471 : vector<16xf32>
        %parallel_loop3A_473 = arith.index_cast %parallel_loop3A_446 : i32 to index
        %parallel_loop3A_474 = arith.constant 480 : index
        %parallel_loop3A_475 = tpu.vector_load %arg8[%parallel_loop3A_473, %parallel_loop3A_474] {strides = array<i32>} : memref<16x512xf32, #tpu.memory_space<vmem>>, vector<16xf32>,
        tpu.vector_store %arg8[%parallel_loop3A_473, %parallel_loop3A_474], %parallel_loop3A_472 {strides = array<i32>} : memref<16x512xf32, #tpu.memory_space<vmem>>, vector<16xf32>,
        %parallel_loop3A_476 = arith.index_cast %parallel_loop3A_446 : i32 to index
        %parallel_loop3A_477 = arith.constant 496 : index
        %parallel_loop3A_478 = tpu.vector_load %arg6[%parallel_loop3A_476, %parallel_loop3A_477] {strides = array<i32>} : memref<16x512xf32, #tpu.memory_space<vmem>>, vector<16xf32>,
        %parallel_loop3A_479 = arith.addf %get3A_224, %parallel_loop3A_451 : vector<16xf32>
        %parallel_loop3A_480 = arith.addf %parallel_loop3A_478, %parallel_loop3A_479 : vector<16xf32>
        %parallel_loop3A_481 = arith.index_cast %parallel_loop3A_446 : i32 to index
        %parallel_loop3A_482 = arith.constant 496 : index
        %parallel_loop3A_483 = tpu.vector_load %arg8[%parallel_loop3A_481, %parallel_loop3A_482] {strides = array<i32>} : memref<16x512xf32, #tpu.memory_space<vmem>>, vector<16xf32>,
        tpu.vector_store %arg8[%parallel_loop3A_481, %parallel_loop3A_482], %parallel_loop3A_480 {strides = array<i32>} : memref<16x512xf32, #tpu.memory_space<vmem>>, vector<16xf32>,
      } {sc.loop_unroll_factor = 4 : i64, sc.parallel_access}
      %lt3A_228 = arith.constant 79 : i32
      %lt3A_229 = arith.cmpi slt, %scan3A_94, %lt3A_228 : i32
      %convert_element_type3A_230 = arith.extui %lt3A_229 : i1 to i32
      %cond3A_231 = arith.constant 0 : i32
      %cond3A_232 = arith.cmpi ne, %convert_element_type3A_230, %cond3A_231 : i32
      scf.if %cond3A_232 {
        %add3A_446 = arith.constant 2 : i32
        %add3A_447 = arith.addi %add3A_98, %add3A_446 : i32
        %jit3A_448 = arith.constant 32 : i32
        %div3A_449 = arith.divsi %add3A_447, %jit3A_448 : i32
        %sign3A_450 = arith.constant 0 : i32
        %sign3A_451 = arith.cmpi sgt, %add3A_447, %sign3A_450 : i32
        %sign3A_452 = arith.extui %sign3A_451 : i1 to i32
        %sign3A_453 = arith.constant 0 : i32
        %sign3A_454 = arith.cmpi slt, %add3A_447, %sign3A_453 : i32
        %sign3A_455 = arith.extui %sign3A_454 : i1 to i32
        %sign3A_456 = arith.subi %sign3A_452, %sign3A_455 : i32
        %sign3A_457 = arith.constant 0 : i32
        %sign3A_458 = arith.cmpi sgt, %jit3A_448, %sign3A_457 : i32
        %sign3A_459 = arith.extui %sign3A_458 : i1 to i32
        %sign3A_460 = arith.constant 0 : i32
        %sign3A_461 = arith.cmpi slt, %jit3A_448, %sign3A_460 : i32
        %sign3A_462 = arith.extui %sign3A_461 : i1 to i32
        %sign3A_463 = arith.subi %sign3A_459, %sign3A_462 : i32
        %ne3A_464 = arith.cmpi ne, %sign3A_456, %sign3A_463 : i32
        %rem3A_465 = arith.remsi %add3A_447, %jit3A_448 : i32
        %ne3A_466 = arith.constant 0 : i32
        %ne3A_467 = arith.cmpi ne, %rem3A_465, %ne3A_466 : i32
        %and3A_468 = arith.andi %ne3A_464, %ne3A_467 : i1
        %sub3A_469 = arith.constant 1 : i32
        %sub3A_470 = arith.subi %div3A_449, %sub3A_469 : i32
        %select_n3A_471 = arith.select %and3A_468, %sub3A_470, %div3A_449 : i32
        %add3A_472 = arith.addi %mul3A_32, %select_n3A_471 : i32
        %rem3A_473 = arith.constant 32 : i32
        %rem3A_474 = arith.remsi %add3A_447, %rem3A_473 : i32
        %mul3A_475 = arith.constant 16 : i32
        %mul3A_476 = arith.muli %rem3A_474, %mul3A_475 : i32
        %dma_start3A_477 = arith.constant 0 : i32
        %dma_start3A_478 = tpu.memref_slice %arg2[%select_n3A, %add3A_472, %mul3A_476, %dma_start3A_477] : memref<16x10x512x512xf32, #tpu.memory_space<hbm>> -> memref<1x1x16x512xf32, #tpu.memory_space<hbm>>
        %dma_start3A_479 = tpu.memref_squeeze %dma_start3A_478 : memref<1x1x16x512xf32, #tpu.memory_space<hbm>> -> memref<16x512xf32, #tpu.memory_space<hbm>>
        %dma_start3A_480 = arith.constant 0 : i32
        %dma_start3A_481 = tpu.memref_slice %arg2[%select_n3A, %add3A_472, %mul3A_476, %dma_start3A_480] : memref<16x10x512x512xf32, #tpu.memory_space<hbm>> -> memref<1x1x16x512xf32, #tpu.memory_space<hbm>>
        %dma_start3A_482 = tpu.memref_squeeze %dma_start3A_481 : memref<1x1x16x512xf32, #tpu.memory_space<hbm>> -> memref<16x512xf32, #tpu.memory_space<hbm>>
        tpu.enqueue_dma source(%dma_start3A_482 : memref<16x512xf32, #tpu.memory_space<hbm>>) target(%arg6 : memref<16x512xf32, #tpu.memory_space<vmem>>) target_semaphore(%arg12 : memref<!tpu.dma_semaphore, #tpu.memory_space<semaphore_mem>>)
      } else {
      }
      %jit3A_233 = arith.constant 32 : i32
      %div3A_234 = arith.divsi %add3A_98, %jit3A_233 : i32
      %sign3A_235 = arith.constant 0 : i32
      %sign3A_236 = arith.cmpi sgt, %add3A_98, %sign3A_235 : i32
      %sign3A_237 = arith.extui %sign3A_236 : i1 to i32
      %sign3A_238 = arith.constant 0 : i32
      %sign3A_239 = arith.cmpi slt, %add3A_98, %sign3A_238 : i32
      %sign3A_240 = arith.extui %sign3A_239 : i1 to i32
      %sign3A_241 = arith.subi %sign3A_237, %sign3A_240 : i32
      %sign3A_242 = arith.constant 0 : i32
      %sign3A_243 = arith.cmpi sgt, %jit3A_233, %sign3A_242 : i32
      %sign3A_244 = arith.extui %sign3A_243 : i1 to i32
      %sign3A_245 = arith.constant 0 : i32
      %sign3A_246 = arith.cmpi slt, %jit3A_233, %sign3A_245 : i32
      %sign3A_247 = arith.extui %sign3A_246 : i1 to i32
      %sign3A_248 = arith.subi %sign3A_244, %sign3A_247 : i32
      %ne3A_249 = arith.cmpi ne, %sign3A_241, %sign3A_248 : i32
      %rem3A_250 = arith.remsi %add3A_98, %jit3A_233 : i32
      %ne3A_251 = arith.constant 0 : i32
      %ne3A_252 = arith.cmpi ne, %rem3A_250, %ne3A_251 : i32
      %and3A_253 = arith.andi %ne3A_249, %ne3A_252 : i1
      %sub3A_254 = arith.constant 1 : i32
      %sub3A_255 = arith.subi %div3A_234, %sub3A_254 : i32
      %select_n3A_256 = arith.select %and3A_253, %sub3A_255, %div3A_234 : i32
      %add3A_257 = arith.addi %mul3A_32, %select_n3A_256 : i32
      %rem3A_258 = arith.constant 32 : i32
      %rem3A_259 = arith.remsi %add3A_98, %rem3A_258 : i32
      %mul3A_260 = arith.constant 16 : i32
      %mul3A_261 = arith.muli %rem3A_259, %mul3A_260 : i32
      %dma_start3A_262 = arith.constant 0 : i32
      %dma_start3A_263 = tpu.memref_slice %arg5[%select_n3A, %add3A_257, %mul3A_261, %dma_start3A_262] : memref<16x10x512x512xf32, #tpu.memory_space<hbm>> -> memref<1x1x16x512xf32, #tpu.memory_space<hbm>>
      %dma_start3A_264 = tpu.memref_squeeze %dma_start3A_263 : memref<1x1x16x512xf32, #tpu.memory_space<hbm>> -> memref<16x512xf32, #tpu.memory_space<hbm>>
      %dma_start3A_265 = arith.constant 0 : i32
      %dma_start3A_266 = tpu.memref_slice %arg5[%select_n3A, %add3A_257, %mul3A_261, %dma_start3A_265] : memref<16x10x512x512xf32, #tpu.memory_space<hbm>> -> memref<1x1x16x512xf32, #tpu.memory_space<hbm>>
      %dma_start3A_267 = tpu.memref_squeeze %dma_start3A_266 : memref<1x1x16x512xf32, #tpu.memory_space<hbm>> -> memref<16x512xf32, #tpu.memory_space<hbm>>
      tpu.enqueue_dma source(%arg8 : memref<16x512xf32, #tpu.memory_space<vmem>>) target(%dma_start3A_267 : memref<16x512xf32, #tpu.memory_space<hbm>>) target_semaphore(%arg14 : memref<!tpu.dma_semaphore, #tpu.memory_space<semaphore_mem>>)
      %mul3A_268 = arith.constant 2 : i32
      %mul3A_269 = arith.muli %mul3A_268, %scan3A_94 : i32
      %add3A_270 = arith.constant 1 : i32
      %add3A_271 = arith.addi %mul3A_269, %add3A_270 : i32
      %jit3A_272 = arith.constant 32 : i32
      %div3A_273 = arith.divsi %add3A_271, %jit3A_272 : i32
      %sign3A_274 = arith.constant 0 : i32
      %sign3A_275 = arith.cmpi sgt, %add3A_271, %sign3A_274 : i32
      %sign3A_276 = arith.extui %sign3A_275 : i1 to i32
      %sign3A_277 = arith.constant 0 : i32
      %sign3A_278 = arith.cmpi slt, %add3A_271, %sign3A_277 : i32
      %sign3A_279 = arith.extui %sign3A_278 : i1 to i32
      %sign3A_280 = arith.subi %sign3A_276, %sign3A_279 : i32
      %sign3A_281 = arith.constant 0 : i32
      %sign3A_282 = arith.cmpi sgt, %jit3A_272, %sign3A_281 : i32
      %sign3A_283 = arith.extui %sign3A_282 : i1 to i32
      %sign3A_284 = arith.constant 0 : i32
      %sign3A_285 = arith.cmpi slt, %jit3A_272, %sign3A_284 : i32
      %sign3A_286 = arith.extui %sign3A_285 : i1 to i32
      %sign3A_287 = arith.subi %sign3A_283, %sign3A_286 : i32
      %ne3A_288 = arith.cmpi ne, %sign3A_280, %sign3A_287 : i32
      %rem3A_289 = arith.remsi %add3A_271, %jit3A_272 : i32
      %ne3A_290 = arith.constant 0 : i32
      %ne3A_291 = arith.cmpi ne, %rem3A_289, %ne3A_290 : i32
      %and3A_292 = arith.andi %ne3A_288, %ne3A_291 : i1
      %sub3A_293 = arith.constant 1 : i32
      %sub3A_294 = arith.subi %div3A_273, %sub3A_293 : i32
      %select_n3A_295 = arith.select %and3A_292, %sub3A_294, %div3A_273 : i32
      %add3A_296 = arith.addi %mul3A_32, %select_n3A_295 : i32
      %rem3A_297 = arith.constant 32 : i32
      %rem3A_298 = arith.remsi %add3A_271, %rem3A_297 : i32
      %mul3A_299 = arith.constant 16 : i32
      %mul3A_300 = arith.muli %rem3A_298, %mul3A_299 : i32
      %dma_wait3A_301 = arith.constant 0 : i32
      %dma_wait3A_302 = tpu.memref_slice %arg2[%select_n3A, %add3A_296, %mul3A_300, %dma_wait3A_301] : memref<16x10x512x512xf32, #tpu.memory_space<hbm>> -> memref<1x1x16x512xf32, #tpu.memory_space<hbm>>
      %dma_wait3A_303 = tpu.memref_squeeze %dma_wait3A_302 : memref<1x1x16x512xf32, #tpu.memory_space<hbm>> -> memref<16x512xf32, #tpu.memory_space<hbm>>
      %dma_wait3A_304 = arith.constant 0 : i32
      %dma_wait3A_305 = tpu.memref_slice %arg2[%select_n3A, %add3A_296, %mul3A_300, %dma_wait3A_304] : memref<16x10x512x512xf32, #tpu.memory_space<hbm>> -> memref<1x1x16x512xf32, #tpu.memory_space<hbm>>
      %dma_wait3A_306 = tpu.memref_squeeze %dma_wait3A_305 : memref<1x1x16x512xf32, #tpu.memory_space<hbm>> -> memref<16x512xf32, #tpu.memory_space<hbm>>
      tpu.wait_dma2 semaphore(%arg13 : memref<!tpu.dma_semaphore, #tpu.memory_space<semaphore_mem>>) src(%dma_wait3A_306 : memref<16x512xf32, #tpu.memory_space<hbm>>) dst(%arg7 : memref<16x512xf32, #tpu.memory_space<vmem>>)
      %gt3A_307 = arith.constant 0 : i32
      %gt3A_308 = arith.cmpi sgt, %scan3A_94, %gt3A_307 : i32
      %convert_element_type3A_309 = arith.extui %gt3A_308 : i1 to i32
      %cond3A_310 = arith.constant 0 : i32
      %cond3A_311 = arith.cmpi ne, %convert_element_type3A_309, %cond3A_310 : i32
      scf.if %cond3A_311 {
        %sub3A_446 = arith.constant 2 : i32
        %sub3A_447 = arith.subi %add3A_271, %sub3A_446 : i32
        %jit3A_448 = arith.constant 32 : i32
        %div3A_449 = arith.divsi %sub3A_447, %jit3A_448 : i32
        %sign3A_450 = arith.constant 0 : i32
        %sign3A_451 = arith.cmpi sgt, %sub3A_447, %sign3A_450 : i32
        %sign3A_452 = arith.extui %sign3A_451 : i1 to i32
        %sign3A_453 = arith.constant 0 : i32
        %sign3A_454 = arith.cmpi slt, %sub3A_447, %sign3A_453 : i32
        %sign3A_455 = arith.extui %sign3A_454 : i1 to i32
        %sign3A_456 = arith.subi %sign3A_452, %sign3A_455 : i32
        %sign3A_457 = arith.constant 0 : i32
        %sign3A_458 = arith.cmpi sgt, %jit3A_448, %sign3A_457 : i32
        %sign3A_459 = arith.extui %sign3A_458 : i1 to i32
        %sign3A_460 = arith.constant 0 : i32
        %sign3A_461 = arith.cmpi slt, %jit3A_448, %sign3A_460 : i32
        %sign3A_462 = arith.extui %sign3A_461 : i1 to i32
        %sign3A_463 = arith.subi %sign3A_459, %sign3A_462 : i32
        %ne3A_464 = arith.cmpi ne, %sign3A_456, %sign3A_463 : i32
        %rem3A_465 = arith.remsi %sub3A_447, %jit3A_448 : i32
        %ne3A_466 = arith.constant 0 : i32
        %ne3A_467 = arith.cmpi ne, %rem3A_465, %ne3A_466 : i32
        %and3A_468 = arith.andi %ne3A_464, %ne3A_467 : i1
        %sub3A_469 = arith.constant 1 : i32
        %sub3A_470 = arith.subi %div3A_449, %sub3A_469 : i32
        %select_n3A_471 = arith.select %and3A_468, %sub3A_470, %div3A_449 : i32
        %add3A_472 = arith.addi %mul3A_32, %select_n3A_471 : i32
        %rem3A_473 = arith.constant 32 : i32
        %rem3A_474 = arith.remsi %sub3A_447, %rem3A_473 : i32
        %mul3A_475 = arith.constant 16 : i32
        %mul3A_476 = arith.muli %rem3A_474, %mul3A_475 : i32
        %dma_wait3A_477 = arith.constant 0 : i32
        %dma_wait3A_478 = tpu.memref_slice %arg5[%select_n3A, %add3A_472, %mul3A_476, %dma_wait3A_477] : memref<16x10x512x512xf32, #tpu.memory_space<hbm>> -> memref<1x1x16x512xf32, #tpu.memory_space<hbm>>
        %dma_wait3A_479 = tpu.memref_squeeze %dma_wait3A_478 : memref<1x1x16x512xf32, #tpu.memory_space<hbm>> -> memref<16x512xf32, #tpu.memory_space<hbm>>
        %dma_wait3A_480 = arith.constant 0 : i32
        %dma_wait3A_481 = tpu.memref_slice %arg5[%select_n3A, %add3A_472, %mul3A_476, %dma_wait3A_480] : memref<16x10x512x512xf32, #tpu.memory_space<hbm>> -> memref<1x1x16x512xf32, #tpu.memory_space<hbm>>
        %dma_wait3A_482 = tpu.memref_squeeze %dma_wait3A_481 : memref<1x1x16x512xf32, #tpu.memory_space<hbm>> -> memref<16x512xf32, #tpu.memory_space<hbm>>
        tpu.wait_dma2 semaphore(%arg15 : memref<!tpu.dma_semaphore, #tpu.memory_space<semaphore_mem>>) src(%arg9 : memref<16x512xf32, #tpu.memory_space<vmem>>) dst(%dma_wait3A_482 : memref<16x512xf32, #tpu.memory_space<hbm>>)
      } else {
      }
      %rem3A_312 = arith.constant 32 : i32
      %rem3A_313 = arith.remsi %add3A_271, %rem3A_312 : i32
      %mul3A_314 = arith.constant 16 : i32
      %mul3A_315 = arith.muli %rem3A_313, %mul3A_314 : i32
      %mul3A_316 = arith.constant 16 : i32
      %mul3A_317 = arith.muli %mul3A_315, %mul3A_316 : i32
      %get3A_318 = arith.constant 0 : index
      %get3A_319 = tpu.vector_load %arg10[%get3A_318] {strides = array<i32>} : memref<512xf32, #tpu.memory_space<vmem>>, vector<16xf32>,
      %get3A_320 = arith.constant 16 : index
      %get3A_321 = tpu.vector_load %arg10[%get3A_320] {strides = array<i32>} : memref<512xf32, #tpu.memory_space<vmem>>, vector<16xf32>,
      %get3A_322 = arith.constant 32 : index
      %get3A_323 = tpu.vector_load %arg10[%get3A_322] {strides = array<i32>} : memref<512xf32, #tpu.memory_space<vmem>>, vector<16xf32>,
      %get3A_324 = arith.constant 48 : index
      %get3A_325 = tpu.vector_load %arg10[%get3A_324] {strides = array<i32>} : memref<512xf32, #tpu.memory_space<vmem>>, vector<16xf32>,
      %parallel_loop3A_326 = arith.constant 0 : i32
      %parallel_loop3A_327 = arith.constant 16 : i32
      %parallel_loop3A_328 = arith.constant 1 : i32
      scf.for %parallel_loop3A_446 = %parallel_loop3A_326 to %parallel_loop3A_327 step %parallel_loop3A_328  : i32 {
        %parallel_loop3A_447 = arith.constant 16 : i32
        %parallel_loop3A_448 = arith.muli %parallel_loop3A_446, %parallel_loop3A_447 : i32
        %parallel_loop3A_449 = arith.addi %mul3A_317, %parallel_loop3A_448 : i32
        %parallel_loop3A_450 = arith.index_cast %parallel_loop3A_449 : i32 to index
        %parallel_loop3A_451 = tpu.vector_load %arg11[%parallel_loop3A_450] {strides = array<i32>} : memref<8192xf32, #tpu.memory_space<vmem>>, vector<16xf32>,
        %parallel_loop3A_452 = arith.index_cast %parallel_loop3A_446 : i32 to index
        %parallel_loop3A_453 = arith.constant 0 : index
        %parallel_loop3A_454 = tpu.vector_load %arg7[%parallel_loop3A_452, %parallel_loop3A_453] {strides = array<i32>} : memref<16x512xf32, #tpu.memory_space<vmem>>, vector<16xf32>,
        %parallel_loop3A_455 = arith.addf %get3A_319, %parallel_loop3A_451 : vector<16xf32>
        %parallel_loop3A_456 = arith.addf %parallel_loop3A_454, %parallel_loop3A_455 : vector<16xf32>
        %parallel_loop3A_457 = arith.index_cast %parallel_loop3A_446 : i32 to index
        %parallel_loop3A_458 = arith.constant 0 : index
        %parallel_loop3A_459 = tpu.vector_load %arg9[%parallel_loop3A_457, %parallel_loop3A_458] {strides = array<i32>} : memref<16x512xf32, #tpu.memory_space<vmem>>, vector<16xf32>,
        tpu.vector_store %arg9[%parallel_loop3A_457, %parallel_loop3A_458], %parallel_loop3A_456 {strides = array<i32>} : memref<16x512xf32, #tpu.memory_space<vmem>>, vector<16xf32>,
        %parallel_loop3A_460 = arith.index_cast %parallel_loop3A_446 : i32 to index
        %parallel_loop3A_461 = arith.constant 16 : index
        %parallel_loop3A_462 = tpu.vector_load %arg7[%parallel_loop3A_460, %parallel_loop3A_461] {strides = array<i32>} : memref<16x512xf32, #tpu.memory_space<vmem>>, vector<16xf32>,
        %parallel_loop3A_463 = arith.addf %get3A_321, %parallel_loop3A_451 : vector<16xf32>
        %parallel_loop3A_464 = arith.addf %parallel_loop3A_462, %parallel_loop3A_463 : vector<16xf32>
        %parallel_loop3A_465 = arith.index_cast %parallel_loop3A_446 : i32 to index
        %parallel_loop3A_466 = arith.constant 16 : index
        %parallel_loop3A_467 = tpu.vector_load %arg9[%parallel_loop3A_465, %parallel_loop3A_466] {strides = array<i32>} : memref<16x512xf32, #tpu.memory_space<vmem>>, vector<16xf32>,
        tpu.vector_store %arg9[%parallel_loop3A_465, %parallel_loop3A_466], %parallel_loop3A_464 {strides = array<i32>} : memref<16x512xf32, #tpu.memory_space<vmem>>, vector<16xf32>,
        %parallel_loop3A_468 = arith.index_cast %parallel_loop3A_446 : i32 to index
        %parallel_loop3A_469 = arith.constant 32 : index
        %parallel_loop3A_470 = tpu.vector_load %arg7[%parallel_loop3A_468, %parallel_loop3A_469] {strides = array<i32>} : memref<16x512xf32, #tpu.memory_space<vmem>>, vector<16xf32>,
        %parallel_loop3A_471 = arith.addf %get3A_323, %parallel_loop3A_451 : vector<16xf32>
        %parallel_loop3A_472 = arith.addf %parallel_loop3A_470, %parallel_loop3A_471 : vector<16xf32>
        %parallel_loop3A_473 = arith.index_cast %parallel_loop3A_446 : i32 to index
        %parallel_loop3A_474 = arith.constant 32 : index
        %parallel_loop3A_475 = tpu.vector_load %arg9[%parallel_loop3A_473, %parallel_loop3A_474] {strides = array<i32>} : memref<16x512xf32, #tpu.memory_space<vmem>>, vector<16xf32>,
        tpu.vector_store %arg9[%parallel_loop3A_473, %parallel_loop3A_474], %parallel_loop3A_472 {strides = array<i32>} : memref<16x512xf32, #tpu.memory_space<vmem>>, vector<16xf32>,
        %parallel_loop3A_476 = arith.index_cast %parallel_loop3A_446 : i32 to index
        %parallel_loop3A_477 = arith.constant 48 : index
        %parallel_loop3A_478 = tpu.vector_load %arg7[%parallel_loop3A_476, %parallel_loop3A_477] {strides = array<i32>} : memref<16x512xf32, #tpu.memory_space<vmem>>, vector<16xf32>,
        %parallel_loop3A_479 = arith.addf %get3A_325, %parallel_loop3A_451 : vector<16xf32>
        %parallel_loop3A_480 = arith.addf %parallel_loop3A_478, %parallel_loop3A_479 : vector<16xf32>
        %parallel_loop3A_481 = arith.index_cast %parallel_loop3A_446 : i32 to index
        %parallel_loop3A_482 = arith.constant 48 : index
        %parallel_loop3A_483 = tpu.vector_load %arg9[%parallel_loop3A_481, %parallel_loop3A_482] {strides = array<i32>} : memref<16x512xf32, #tpu.memory_space<vmem>>, vector<16xf32>,
        tpu.vector_store %arg9[%parallel_loop3A_481, %parallel_loop3A_482], %parallel_loop3A_480 {strides = array<i32>} : memref<16x512xf32, #tpu.memory_space<vmem>>, vector<16xf32>,
      } {sc.loop_unroll_factor = 4 : i64, sc.parallel_access}
      %get3A_329 = arith.constant 64 : index
      %get3A_330 = tpu.vector_load %arg10[%get3A_329] {strides = array<i32>} : memref<512xf32, #tpu.memory_space<vmem>>, vector<16xf32>,
      %get3A_331 = arith.constant 80 : index
      %get3A_332 = tpu.vector_load %arg10[%get3A_331] {strides = array<i32>} : memref<512xf32, #tpu.memory_space<vmem>>, vector<16xf32>,
      %get3A_333 = arith.constant 96 : index
      %get3A_334 = tpu.vector_load %arg10[%get3A_333] {strides = array<i32>} : memref<512xf32, #tpu.memory_space<vmem>>, vector<16xf32>,
      %get3A_335 = arith.constant 112 : index
      %get3A_336 = tpu.vector_load %arg10[%get3A_335] {strides = array<i32>} : memref<512xf32, #tpu.memory_space<vmem>>, vector<16xf32>,
      %parallel_loop3A_337 = arith.constant 0 : i32
      %parallel_loop3A_338 = arith.constant 16 : i32
      %parallel_loop3A_339 = arith.constant 1 : i32
      scf.for %parallel_loop3A_446 = %parallel_loop3A_337 to %parallel_loop3A_338 step %parallel_loop3A_339  : i32 {
        %parallel_loop3A_447 = arith.constant 16 : i32
        %parallel_loop3A_448 = arith.muli %parallel_loop3A_446, %parallel_loop3A_447 : i32
        %parallel_loop3A_449 = arith.addi %mul3A_317, %parallel_loop3A_448 : i32
        %parallel_loop3A_450 = arith.index_cast %parallel_loop3A_449 : i32 to index
        %parallel_loop3A_451 = tpu.vector_load %arg11[%parallel_loop3A_450] {strides = array<i32>} : memref<8192xf32, #tpu.memory_space<vmem>>, vector<16xf32>,
        %parallel_loop3A_452 = arith.index_cast %parallel_loop3A_446 : i32 to index
        %parallel_loop3A_453 = arith.constant 64 : index
        %parallel_loop3A_454 = tpu.vector_load %arg7[%parallel_loop3A_452, %parallel_loop3A_453] {strides = array<i32>} : memref<16x512xf32, #tpu.memory_space<vmem>>, vector<16xf32>,
        %parallel_loop3A_455 = arith.addf %get3A_330, %parallel_loop3A_451 : vector<16xf32>
        %parallel_loop3A_456 = arith.addf %parallel_loop3A_454, %parallel_loop3A_455 : vector<16xf32>
        %parallel_loop3A_457 = arith.index_cast %parallel_loop3A_446 : i32 to index
        %parallel_loop3A_458 = arith.constant 64 : index
        %parallel_loop3A_459 = tpu.vector_load %arg9[%parallel_loop3A_457, %parallel_loop3A_458] {strides = array<i32>} : memref<16x512xf32, #tpu.memory_space<vmem>>, vector<16xf32>,
        tpu.vector_store %arg9[%parallel_loop3A_457, %parallel_loop3A_458], %parallel_loop3A_456 {strides = array<i32>} : memref<16x512xf32, #tpu.memory_space<vmem>>, vector<16xf32>,
        %parallel_loop3A_460 = arith.index_cast %parallel_loop3A_446 : i32 to index
        %parallel_loop3A_461 = arith.constant 80 : index
        %parallel_loop3A_462 = tpu.vector_load %arg7[%parallel_loop3A_460, %parallel_loop3A_461] {strides = array<i32>} : memref<16x512xf32, #tpu.memory_space<vmem>>, vector<16xf32>,
        %parallel_loop3A_463 = arith.addf %get3A_332, %parallel_loop3A_451 : vector<16xf32>
        %parallel_loop3A_464 = arith.addf %parallel_loop3A_462, %parallel_loop3A_463 : vector<16xf32>
        %parallel_loop3A_465 = arith.index_cast %parallel_loop3A_446 : i32 to index
        %parallel_loop3A_466 = arith.constant 80 : index
        %parallel_loop3A_467 = tpu.vector_load %arg9[%parallel_loop3A_465, %parallel_loop3A_466] {strides = array<i32>} : memref<16x512xf32, #tpu.memory_space<vmem>>, vector<16xf32>,
        tpu.vector_store %arg9[%parallel_loop3A_465, %parallel_loop3A_466], %parallel_loop3A_464 {strides = array<i32>} : memref<16x512xf32, #tpu.memory_space<vmem>>, vector<16xf32>,
        %parallel_loop3A_468 = arith.index_cast %parallel_loop3A_446 : i32 to index
        %parallel_loop3A_469 = arith.constant 96 : index
        %parallel_loop3A_470 = tpu.vector_load %arg7[%parallel_loop3A_468, %parallel_loop3A_469] {strides = array<i32>} : memref<16x512xf32, #tpu.memory_space<vmem>>, vector<16xf32>,
        %parallel_loop3A_471 = arith.addf %get3A_334, %parallel_loop3A_451 : vector<16xf32>
        %parallel_loop3A_472 = arith.addf %parallel_loop3A_470, %parallel_loop3A_471 : vector<16xf32>
        %parallel_loop3A_473 = arith.index_cast %parallel_loop3A_446 : i32 to index
        %parallel_loop3A_474 = arith.constant 96 : index
        %parallel_loop3A_475 = tpu.vector_load %arg9[%parallel_loop3A_473, %parallel_loop3A_474] {strides = array<i32>} : memref<16x512xf32, #tpu.memory_space<vmem>>, vector<16xf32>,
        tpu.vector_store %arg9[%parallel_loop3A_473, %parallel_loop3A_474], %parallel_loop3A_472 {strides = array<i32>} : memref<16x512xf32, #tpu.memory_space<vmem>>, vector<16xf32>,
        %parallel_loop3A_476 = arith.index_cast %parallel_loop3A_446 : i32 to index
        %parallel_loop3A_477 = arith.constant 112 : index
        %parallel_loop3A_478 = tpu.vector_load %arg7[%parallel_loop3A_476, %parallel_loop3A_477] {strides = array<i32>} : memref<16x512xf32, #tpu.memory_space<vmem>>, vector<16xf32>,
        %parallel_loop3A_479 = arith.addf %get3A_336, %parallel_loop3A_451 : vector<16xf32>
        %parallel_loop3A_480 = arith.addf %parallel_loop3A_478, %parallel_loop3A_479 : vector<16xf32>
        %parallel_loop3A_481 = arith.index_cast %parallel_loop3A_446 : i32 to index
        %parallel_loop3A_482 = arith.constant 112 : index
        %parallel_loop3A_483 = tpu.vector_load %arg9[%parallel_loop3A_481, %parallel_loop3A_482] {strides = array<i32>} : memref<16x512xf32, #tpu.memory_space<vmem>>, vector<16xf32>,
        tpu.vector_store %arg9[%parallel_loop3A_481, %parallel_loop3A_482], %parallel_loop3A_480 {strides = array<i32>} : memref<16x512xf32, #tpu.memory_space<vmem>>, vector<16xf32>,
      } {sc.loop_unroll_factor = 4 : i64, sc.parallel_access}
      %get3A_340 = arith.constant 128 : index
      %get3A_341 = tpu.vector_load %arg10[%get3A_340] {strides = array<i32>} : memref<512xf32, #tpu.memory_space<vmem>>, vector<16xf32>,
      %get3A_342 = arith.constant 144 : index
      %get3A_343 = tpu.vector_load %arg10[%get3A_342] {strides = array<i32>} : memref<512xf32, #tpu.memory_space<vmem>>, vector<16xf32>,
      %get3A_344 = arith.constant 160 : index
      %get3A_345 = tpu.vector_load %arg10[%get3A_344] {strides = array<i32>} : memref<512xf32, #tpu.memory_space<vmem>>, vector<16xf32>,
      %get3A_346 = arith.constant 176 : index
      %get3A_347 = tpu.vector_load %arg10[%get3A_346] {strides = array<i32>} : memref<512xf32, #tpu.memory_space<vmem>>, vector<16xf32>,
      %parallel_loop3A_348 = arith.constant 0 : i32
      %parallel_loop3A_349 = arith.constant 16 : i32
      %parallel_loop3A_350 = arith.constant 1 : i32
      scf.for %parallel_loop3A_446 = %parallel_loop3A_348 to %parallel_loop3A_349 step %parallel_loop3A_350  : i32 {
        %parallel_loop3A_447 = arith.constant 16 : i32
        %parallel_loop3A_448 = arith.muli %parallel_loop3A_446, %parallel_loop3A_447 : i32
        %parallel_loop3A_449 = arith.addi %mul3A_317, %parallel_loop3A_448 : i32
        %parallel_loop3A_450 = arith.index_cast %parallel_loop3A_449 : i32 to index
        %parallel_loop3A_451 = tpu.vector_load %arg11[%parallel_loop3A_450] {strides = array<i32>} : memref<8192xf32, #tpu.memory_space<vmem>>, vector<16xf32>,
        %parallel_loop3A_452 = arith.index_cast %parallel_loop3A_446 : i32 to index
        %parallel_loop3A_453 = arith.constant 128 : index
        %parallel_loop3A_454 = tpu.vector_load %arg7[%parallel_loop3A_452, %parallel_loop3A_453] {strides = array<i32>} : memref<16x512xf32, #tpu.memory_space<vmem>>, vector<16xf32>,
        %parallel_loop3A_455 = arith.addf %get3A_341, %parallel_loop3A_451 : vector<16xf32>
        %parallel_loop3A_456 = arith.addf %parallel_loop3A_454, %parallel_loop3A_455 : vector<16xf32>
        %parallel_loop3A_457 = arith.index_cast %parallel_loop3A_446 : i32 to index
        %parallel_loop3A_458 = arith.constant 128 : index
        %parallel_loop3A_459 = tpu.vector_load %arg9[%parallel_loop3A_457, %parallel_loop3A_458] {strides = array<i32>} : memref<16x512xf32, #tpu.memory_space<vmem>>, vector<16xf32>,
        tpu.vector_store %arg9[%parallel_loop3A_457, %parallel_loop3A_458], %parallel_loop3A_456 {strides = array<i32>} : memref<16x512xf32, #tpu.memory_space<vmem>>, vector<16xf32>,
        %parallel_loop3A_460 = arith.index_cast %parallel_loop3A_446 : i32 to index
        %parallel_loop3A_461 = arith.constant 144 : index
        %parallel_loop3A_462 = tpu.vector_load %arg7[%parallel_loop3A_460, %parallel_loop3A_461] {strides = array<i32>} : memref<16x512xf32, #tpu.memory_space<vmem>>, vector<16xf32>,
        %parallel_loop3A_463 = arith.addf %get3A_343, %parallel_loop3A_451 : vector<16xf32>
        %parallel_loop3A_464 = arith.addf %parallel_loop3A_462, %parallel_loop3A_463 : vector<16xf32>
        %parallel_loop3A_465 = arith.index_cast %parallel_loop3A_446 : i32 to index
        %parallel_loop3A_466 = arith.constant 144 : index
        %parallel_loop3A_467 = tpu.vector_load %arg9[%parallel_loop3A_465, %parallel_loop3A_466] {strides = array<i32>} : memref<16x512xf32, #tpu.memory_space<vmem>>, vector<16xf32>,
        tpu.vector_store %arg9[%parallel_loop3A_465, %parallel_loop3A_466], %parallel_loop3A_464 {strides = array<i32>} : memref<16x512xf32, #tpu.memory_space<vmem>>, vector<16xf32>,
        %parallel_loop3A_468 = arith.index_cast %parallel_loop3A_446 : i32 to index
        %parallel_loop3A_469 = arith.constant 160 : index
        %parallel_loop3A_470 = tpu.vector_load %arg7[%parallel_loop3A_468, %parallel_loop3A_469] {strides = array<i32>} : memref<16x512xf32, #tpu.memory_space<vmem>>, vector<16xf32>,
        %parallel_loop3A_471 = arith.addf %get3A_345, %parallel_loop3A_451 : vector<16xf32>
        %parallel_loop3A_472 = arith.addf %parallel_loop3A_470, %parallel_loop3A_471 : vector<16xf32>
        %parallel_loop3A_473 = arith.index_cast %parallel_loop3A_446 : i32 to index
        %parallel_loop3A_474 = arith.constant 160 : index
        %parallel_loop3A_475 = tpu.vector_load %arg9[%parallel_loop3A_473, %parallel_loop3A_474] {strides = array<i32>} : memref<16x512xf32, #tpu.memory_space<vmem>>, vector<16xf32>,
        tpu.vector_store %arg9[%parallel_loop3A_473, %parallel_loop3A_474], %parallel_loop3A_472 {strides = array<i32>} : memref<16x512xf32, #tpu.memory_space<vmem>>, vector<16xf32>,
        %parallel_loop3A_476 = arith.index_cast %parallel_loop3A_446 : i32 to index
        %parallel_loop3A_477 = arith.constant 176 : index
        %parallel_loop3A_478 = tpu.vector_load %arg7[%parallel_loop3A_476, %parallel_loop3A_477] {strides = array<i32>} : memref<16x512xf32, #tpu.memory_space<vmem>>, vector<16xf32>,
        %parallel_loop3A_479 = arith.addf %get3A_347, %parallel_loop3A_451 : vector<16xf32>
        %parallel_loop3A_480 = arith.addf %parallel_loop3A_478, %parallel_loop3A_479 : vector<16xf32>
        %parallel_loop3A_481 = arith.index_cast %parallel_loop3A_446 : i32 to index
        %parallel_loop3A_482 = arith.constant 176 : index
        %parallel_loop3A_483 = tpu.vector_load %arg9[%parallel_loop3A_481, %parallel_loop3A_482] {strides = array<i32>} : memref<16x512xf32, #tpu.memory_space<vmem>>, vector<16xf32>,
        tpu.vector_store %arg9[%parallel_loop3A_481, %parallel_loop3A_482], %parallel_loop3A_480 {strides = array<i32>} : memref<16x512xf32, #tpu.memory_space<vmem>>, vector<16xf32>,
      } {sc.loop_unroll_factor = 4 : i64, sc.parallel_access}
      %get3A_351 = arith.constant 192 : index
      %get3A_352 = tpu.vector_load %arg10[%get3A_351] {strides = array<i32>} : memref<512xf32, #tpu.memory_space<vmem>>, vector<16xf32>,
      %get3A_353 = arith.constant 208 : index
      %get3A_354 = tpu.vector_load %arg10[%get3A_353] {strides = array<i32>} : memref<512xf32, #tpu.memory_space<vmem>>, vector<16xf32>,
      %get3A_355 = arith.constant 224 : index
      %get3A_356 = tpu.vector_load %arg10[%get3A_355] {strides = array<i32>} : memref<512xf32, #tpu.memory_space<vmem>>, vector<16xf32>,
      %get3A_357 = arith.constant 240 : index
      %get3A_358 = tpu.vector_load %arg10[%get3A_357] {strides = array<i32>} : memref<512xf32, #tpu.memory_space<vmem>>, vector<16xf32>,
      %parallel_loop3A_359 = arith.constant 0 : i32
      %parallel_loop3A_360 = arith.constant 16 : i32
      %parallel_loop3A_361 = arith.constant 1 : i32
      scf.for %parallel_loop3A_446 = %parallel_loop3A_359 to %parallel_loop3A_360 step %parallel_loop3A_361  : i32 {
        %parallel_loop3A_447 = arith.constant 16 : i32
        %parallel_loop3A_448 = arith.muli %parallel_loop3A_446, %parallel_loop3A_447 : i32
        %parallel_loop3A_449 = arith.addi %mul3A_317, %parallel_loop3A_448 : i32
        %parallel_loop3A_450 = arith.index_cast %parallel_loop3A_449 : i32 to index
        %parallel_loop3A_451 = tpu.vector_load %arg11[%parallel_loop3A_450] {strides = array<i32>} : memref<8192xf32, #tpu.memory_space<vmem>>, vector<16xf32>,
        %parallel_loop3A_452 = arith.index_cast %parallel_loop3A_446 : i32 to index
        %parallel_loop3A_453 = arith.constant 192 : index
        %parallel_loop3A_454 = tpu.vector_load %arg7[%parallel_loop3A_452, %parallel_loop3A_453] {strides = array<i32>} : memref<16x512xf32, #tpu.memory_space<vmem>>, vector<16xf32>,
        %parallel_loop3A_455 = arith.addf %get3A_352, %parallel_loop3A_451 : vector<16xf32>
        %parallel_loop3A_456 = arith.addf %parallel_loop3A_454, %parallel_loop3A_455 : vector<16xf32>
        %parallel_loop3A_457 = arith.index_cast %parallel_loop3A_446 : i32 to index
        %parallel_loop3A_458 = arith.constant 192 : index
        %parallel_loop3A_459 = tpu.vector_load %arg9[%parallel_loop3A_457, %parallel_loop3A_458] {strides = array<i32>} : memref<16x512xf32, #tpu.memory_space<vmem>>, vector<16xf32>,
        tpu.vector_store %arg9[%parallel_loop3A_457, %parallel_loop3A_458], %parallel_loop3A_456 {strides = array<i32>} : memref<16x512xf32, #tpu.memory_space<vmem>>, vector<16xf32>,
        %parallel_loop3A_460 = arith.index_cast %parallel_loop3A_446 : i32 to index
        %parallel_loop3A_461 = arith.constant 208 : index
        %parallel_loop3A_462 = tpu.vector_load %arg7[%parallel_loop3A_460, %parallel_loop3A_461] {strides = array<i32>} : memref<16x512xf32, #tpu.memory_space<vmem>>, vector<16xf32>,
        %parallel_loop3A_463 = arith.addf %get3A_354, %parallel_loop3A_451 : vector<16xf32>
        %parallel_loop3A_464 = arith.addf %parallel_loop3A_462, %parallel_loop3A_463 : vector<16xf32>
        %parallel_loop3A_465 = arith.index_cast %parallel_loop3A_446 : i32 to index
        %parallel_loop3A_466 = arith.constant 208 : index
        %parallel_loop3A_467 = tpu.vector_load %arg9[%parallel_loop3A_465, %parallel_loop3A_466] {strides = array<i32>} : memref<16x512xf32, #tpu.memory_space<vmem>>, vector<16xf32>,
        tpu.vector_store %arg9[%parallel_loop3A_465, %parallel_loop3A_466], %parallel_loop3A_464 {strides = array<i32>} : memref<16x512xf32, #tpu.memory_space<vmem>>, vector<16xf32>,
        %parallel_loop3A_468 = arith.index_cast %parallel_loop3A_446 : i32 to index
        %parallel_loop3A_469 = arith.constant 224 : index
        %parallel_loop3A_470 = tpu.vector_load %arg7[%parallel_loop3A_468, %parallel_loop3A_469] {strides = array<i32>} : memref<16x512xf32, #tpu.memory_space<vmem>>, vector<16xf32>,
        %parallel_loop3A_471 = arith.addf %get3A_356, %parallel_loop3A_451 : vector<16xf32>
        %parallel_loop3A_472 = arith.addf %parallel_loop3A_470, %parallel_loop3A_471 : vector<16xf32>
        %parallel_loop3A_473 = arith.index_cast %parallel_loop3A_446 : i32 to index
        %parallel_loop3A_474 = arith.constant 224 : index
        %parallel_loop3A_475 = tpu.vector_load %arg9[%parallel_loop3A_473, %parallel_loop3A_474] {strides = array<i32>} : memref<16x512xf32, #tpu.memory_space<vmem>>, vector<16xf32>,
        tpu.vector_store %arg9[%parallel_loop3A_473, %parallel_loop3A_474], %parallel_loop3A_472 {strides = array<i32>} : memref<16x512xf32, #tpu.memory_space<vmem>>, vector<16xf32>,
        %parallel_loop3A_476 = arith.index_cast %parallel_loop3A_446 : i32 to index
        %parallel_loop3A_477 = arith.constant 240 : index
        %parallel_loop3A_478 = tpu.vector_load %arg7[%parallel_loop3A_476, %parallel_loop3A_477] {strides = array<i32>} : memref<16x512xf32, #tpu.memory_space<vmem>>, vector<16xf32>,
        %parallel_loop3A_479 = arith.addf %get3A_358, %parallel_loop3A_451 : vector<16xf32>
        %parallel_loop3A_480 = arith.addf %parallel_loop3A_478, %parallel_loop3A_479 : vector<16xf32>
        %parallel_loop3A_481 = arith.index_cast %parallel_loop3A_446 : i32 to index
        %parallel_loop3A_482 = arith.constant 240 : index
        %parallel_loop3A_483 = tpu.vector_load %arg9[%parallel_loop3A_481, %parallel_loop3A_482] {strides = array<i32>} : memref<16x512xf32, #tpu.memory_space<vmem>>, vector<16xf32>,
        tpu.vector_store %arg9[%parallel_loop3A_481, %parallel_loop3A_482], %parallel_loop3A_480 {strides = array<i32>} : memref<16x512xf32, #tpu.memory_space<vmem>>, vector<16xf32>,
      } {sc.loop_unroll_factor = 4 : i64, sc.parallel_access}
      %get3A_362 = arith.constant 256 : index
      %get3A_363 = tpu.vector_load %arg10[%get3A_362] {strides = array<i32>} : memref<512xf32, #tpu.memory_space<vmem>>, vector<16xf32>,
      %get3A_364 = arith.constant 272 : index
      %get3A_365 = tpu.vector_load %arg10[%get3A_364] {strides = array<i32>} : memref<512xf32, #tpu.memory_space<vmem>>, vector<16xf32>,
      %get3A_366 = arith.constant 288 : index
      %get3A_367 = tpu.vector_load %arg10[%get3A_366] {strides = array<i32>} : memref<512xf32, #tpu.memory_space<vmem>>, vector<16xf32>,
      %get3A_368 = arith.constant 304 : index
      %get3A_369 = tpu.vector_load %arg10[%get3A_368] {strides = array<i32>} : memref<512xf32, #tpu.memory_space<vmem>>, vector<16xf32>,
      %parallel_loop3A_370 = arith.constant 0 : i32
      %parallel_loop3A_371 = arith.constant 16 : i32
      %parallel_loop3A_372 = arith.constant 1 : i32
      scf.for %parallel_loop3A_446 = %parallel_loop3A_370 to %parallel_loop3A_371 step %parallel_loop3A_372  : i32 {
        %parallel_loop3A_447 = arith.constant 16 : i32
        %parallel_loop3A_448 = arith.muli %parallel_loop3A_446, %parallel_loop3A_447 : i32
        %parallel_loop3A_449 = arith.addi %mul3A_317, %parallel_loop3A_448 : i32
        %parallel_loop3A_450 = arith.index_cast %parallel_loop3A_449 : i32 to index
        %parallel_loop3A_451 = tpu.vector_load %arg11[%parallel_loop3A_450] {strides = array<i32>} : memref<8192xf32, #tpu.memory_space<vmem>>, vector<16xf32>,
        %parallel_loop3A_452 = arith.index_cast %parallel_loop3A_446 : i32 to index
        %parallel_loop3A_453 = arith.constant 256 : index
        %parallel_loop3A_454 = tpu.vector_load %arg7[%parallel_loop3A_452, %parallel_loop3A_453] {strides = array<i32>} : memref<16x512xf32, #tpu.memory_space<vmem>>, vector<16xf32>,
        %parallel_loop3A_455 = arith.addf %get3A_363, %parallel_loop3A_451 : vector<16xf32>
        %parallel_loop3A_456 = arith.addf %parallel_loop3A_454, %parallel_loop3A_455 : vector<16xf32>
        %parallel_loop3A_457 = arith.index_cast %parallel_loop3A_446 : i32 to index
        %parallel_loop3A_458 = arith.constant 256 : index
        %parallel_loop3A_459 = tpu.vector_load %arg9[%parallel_loop3A_457, %parallel_loop3A_458] {strides = array<i32>} : memref<16x512xf32, #tpu.memory_space<vmem>>, vector<16xf32>,
        tpu.vector_store %arg9[%parallel_loop3A_457, %parallel_loop3A_458], %parallel_loop3A_456 {strides = array<i32>} : memref<16x512xf32, #tpu.memory_space<vmem>>, vector<16xf32>,
        %parallel_loop3A_460 = arith.index_cast %parallel_loop3A_446 : i32 to index
        %parallel_loop3A_461 = arith.constant 272 : index
        %parallel_loop3A_462 = tpu.vector_load %arg7[%parallel_loop3A_460, %parallel_loop3A_461] {strides = array<i32>} : memref<16x512xf32, #tpu.memory_space<vmem>>, vector<16xf32>,
        %parallel_loop3A_463 = arith.addf %get3A_365, %parallel_loop3A_451 : vector<16xf32>
        %parallel_loop3A_464 = arith.addf %parallel_loop3A_462, %parallel_loop3A_463 : vector<16xf32>
        %parallel_loop3A_465 = arith.index_cast %parallel_loop3A_446 : i32 to index
        %parallel_loop3A_466 = arith.constant 272 : index
        %parallel_loop3A_467 = tpu.vector_load %arg9[%parallel_loop3A_465, %parallel_loop3A_466] {strides = array<i32>} : memref<16x512xf32, #tpu.memory_space<vmem>>, vector<16xf32>,
        tpu.vector_store %arg9[%parallel_loop3A_465, %parallel_loop3A_466], %parallel_loop3A_464 {strides = array<i32>} : memref<16x512xf32, #tpu.memory_space<vmem>>, vector<16xf32>,
        %parallel_loop3A_468 = arith.index_cast %parallel_loop3A_446 : i32 to index
        %parallel_loop3A_469 = arith.constant 288 : index
        %parallel_loop3A_470 = tpu.vector_load %arg7[%parallel_loop3A_468, %parallel_loop3A_469] {strides = array<i32>} : memref<16x512xf32, #tpu.memory_space<vmem>>, vector<16xf32>,
        %parallel_loop3A_471 = arith.addf %get3A_367, %parallel_loop3A_451 : vector<16xf32>
        %parallel_loop3A_472 = arith.addf %parallel_loop3A_470, %parallel_loop3A_471 : vector<16xf32>
        %parallel_loop3A_473 = arith.index_cast %parallel_loop3A_446 : i32 to index
        %parallel_loop3A_474 = arith.constant 288 : index
        %parallel_loop3A_475 = tpu.vector_load %arg9[%parallel_loop3A_473, %parallel_loop3A_474] {strides = array<i32>} : memref<16x512xf32, #tpu.memory_space<vmem>>, vector<16xf32>,
        tpu.vector_store %arg9[%parallel_loop3A_473, %parallel_loop3A_474], %parallel_loop3A_472 {strides = array<i32>} : memref<16x512xf32, #tpu.memory_space<vmem>>, vector<16xf32>,
        %parallel_loop3A_476 = arith.index_cast %parallel_loop3A_446 : i32 to index
        %parallel_loop3A_477 = arith.constant 304 : index
        %parallel_loop3A_478 = tpu.vector_load %arg7[%parallel_loop3A_476, %parallel_loop3A_477] {strides = array<i32>} : memref<16x512xf32, #tpu.memory_space<vmem>>, vector<16xf32>,
        %parallel_loop3A_479 = arith.addf %get3A_369, %parallel_loop3A_451 : vector<16xf32>
        %parallel_loop3A_480 = arith.addf %parallel_loop3A_478, %parallel_loop3A_479 : vector<16xf32>
        %parallel_loop3A_481 = arith.index_cast %parallel_loop3A_446 : i32 to index
        %parallel_loop3A_482 = arith.constant 304 : index
        %parallel_loop3A_483 = tpu.vector_load %arg9[%parallel_loop3A_481, %parallel_loop3A_482] {strides = array<i32>} : memref<16x512xf32, #tpu.memory_space<vmem>>, vector<16xf32>,
        tpu.vector_store %arg9[%parallel_loop3A_481, %parallel_loop3A_482], %parallel_loop3A_480 {strides = array<i32>} : memref<16x512xf32, #tpu.memory_space<vmem>>, vector<16xf32>,
      } {sc.loop_unroll_factor = 4 : i64, sc.parallel_access}
      %get3A_373 = arith.constant 320 : index
      %get3A_374 = tpu.vector_load %arg10[%get3A_373] {strides = array<i32>} : memref<512xf32, #tpu.memory_space<vmem>>, vector<16xf32>,
      %get3A_375 = arith.constant 336 : index
      %get3A_376 = tpu.vector_load %arg10[%get3A_375] {strides = array<i32>} : memref<512xf32, #tpu.memory_space<vmem>>, vector<16xf32>,
      %get3A_377 = arith.constant 352 : index
      %get3A_378 = tpu.vector_load %arg10[%get3A_377] {strides = array<i32>} : memref<512xf32, #tpu.memory_space<vmem>>, vector<16xf32>,
      %get3A_379 = arith.constant 368 : index
      %get3A_380 = tpu.vector_load %arg10[%get3A_379] {strides = array<i32>} : memref<512xf32, #tpu.memory_space<vmem>>, vector<16xf32>,
      %parallel_loop3A_381 = arith.constant 0 : i32
      %parallel_loop3A_382 = arith.constant 16 : i32
      %parallel_loop3A_383 = arith.constant 1 : i32
      scf.for %parallel_loop3A_446 = %parallel_loop3A_381 to %parallel_loop3A_382 step %parallel_loop3A_383  : i32 {
        %parallel_loop3A_447 = arith.constant 16 : i32
        %parallel_loop3A_448 = arith.muli %parallel_loop3A_446, %parallel_loop3A_447 : i32
        %parallel_loop3A_449 = arith.addi %mul3A_317, %parallel_loop3A_448 : i32
        %parallel_loop3A_450 = arith.index_cast %parallel_loop3A_449 : i32 to index
        %parallel_loop3A_451 = tpu.vector_load %arg11[%parallel_loop3A_450] {strides = array<i32>} : memref<8192xf32, #tpu.memory_space<vmem>>, vector<16xf32>,
        %parallel_loop3A_452 = arith.index_cast %parallel_loop3A_446 : i32 to index
        %parallel_loop3A_453 = arith.constant 320 : index
        %parallel_loop3A_454 = tpu.vector_load %arg7[%parallel_loop3A_452, %parallel_loop3A_453] {strides = array<i32>} : memref<16x512xf32, #tpu.memory_space<vmem>>, vector<16xf32>,
        %parallel_loop3A_455 = arith.addf %get3A_374, %parallel_loop3A_451 : vector<16xf32>
        %parallel_loop3A_456 = arith.addf %parallel_loop3A_454, %parallel_loop3A_455 : vector<16xf32>
        %parallel_loop3A_457 = arith.index_cast %parallel_loop3A_446 : i32 to index
        %parallel_loop3A_458 = arith.constant 320 : index
        %parallel_loop3A_459 = tpu.vector_load %arg9[%parallel_loop3A_457, %parallel_loop3A_458] {strides = array<i32>} : memref<16x512xf32, #tpu.memory_space<vmem>>, vector<16xf32>,
        tpu.vector_store %arg9[%parallel_loop3A_457, %parallel_loop3A_458], %parallel_loop3A_456 {strides = array<i32>} : memref<16x512xf32, #tpu.memory_space<vmem>>, vector<16xf32>,
        %parallel_loop3A_460 = arith.index_cast %parallel_loop3A_446 : i32 to index
        %parallel_loop3A_461 = arith.constant 336 : index
        %parallel_loop3A_462 = tpu.vector_load %arg7[%parallel_loop3A_460, %parallel_loop3A_461] {strides = array<i32>} : memref<16x512xf32, #tpu.memory_space<vmem>>, vector<16xf32>,
        %parallel_loop3A_463 = arith.addf %get3A_376, %parallel_loop3A_451 : vector<16xf32>
        %parallel_loop3A_464 = arith.addf %parallel_loop3A_462, %parallel_loop3A_463 : vector<16xf32>
        %parallel_loop3A_465 = arith.index_cast %parallel_loop3A_446 : i32 to index
        %parallel_loop3A_466 = arith.constant 336 : index
        %parallel_loop3A_467 = tpu.vector_load %arg9[%parallel_loop3A_465, %parallel_loop3A_466] {strides = array<i32>} : memref<16x512xf32, #tpu.memory_space<vmem>>, vector<16xf32>,
        tpu.vector_store %arg9[%parallel_loop3A_465, %parallel_loop3A_466], %parallel_loop3A_464 {strides = array<i32>} : memref<16x512xf32, #tpu.memory_space<vmem>>, vector<16xf32>,
        %parallel_loop3A_468 = arith.index_cast %parallel_loop3A_446 : i32 to index
        %parallel_loop3A_469 = arith.constant 352 : index
        %parallel_loop3A_470 = tpu.vector_load %arg7[%parallel_loop3A_468, %parallel_loop3A_469] {strides = array<i32>} : memref<16x512xf32, #tpu.memory_space<vmem>>, vector<16xf32>,
        %parallel_loop3A_471 = arith.addf %get3A_378, %parallel_loop3A_451 : vector<16xf32>
        %parallel_loop3A_472 = arith.addf %parallel_loop3A_470, %parallel_loop3A_471 : vector<16xf32>
        %parallel_loop3A_473 = arith.index_cast %parallel_loop3A_446 : i32 to index
        %parallel_loop3A_474 = arith.constant 352 : index
        %parallel_loop3A_475 = tpu.vector_load %arg9[%parallel_loop3A_473, %parallel_loop3A_474] {strides = array<i32>} : memref<16x512xf32, #tpu.memory_space<vmem>>, vector<16xf32>,
        tpu.vector_store %arg9[%parallel_loop3A_473, %parallel_loop3A_474], %parallel_loop3A_472 {strides = array<i32>} : memref<16x512xf32, #tpu.memory_space<vmem>>, vector<16xf32>,
        %parallel_loop3A_476 = arith.index_cast %parallel_loop3A_446 : i32 to index
        %parallel_loop3A_477 = arith.constant 368 : index
        %parallel_loop3A_478 = tpu.vector_load %arg7[%parallel_loop3A_476, %parallel_loop3A_477] {strides = array<i32>} : memref<16x512xf32, #tpu.memory_space<vmem>>, vector<16xf32>,
        %parallel_loop3A_479 = arith.addf %get3A_380, %parallel_loop3A_451 : vector<16xf32>
        %parallel_loop3A_480 = arith.addf %parallel_loop3A_478, %parallel_loop3A_479 : vector<16xf32>
        %parallel_loop3A_481 = arith.index_cast %parallel_loop3A_446 : i32 to index
        %parallel_loop3A_482 = arith.constant 368 : index
        %parallel_loop3A_483 = tpu.vector_load %arg9[%parallel_loop3A_481, %parallel_loop3A_482] {strides = array<i32>} : memref<16x512xf32, #tpu.memory_space<vmem>>, vector<16xf32>,
        tpu.vector_store %arg9[%parallel_loop3A_481, %parallel_loop3A_482], %parallel_loop3A_480 {strides = array<i32>} : memref<16x512xf32, #tpu.memory_space<vmem>>, vector<16xf32>,
      } {sc.loop_unroll_factor = 4 : i64, sc.parallel_access}
      %get3A_384 = arith.constant 384 : index
      %get3A_385 = tpu.vector_load %arg10[%get3A_384] {strides = array<i32>} : memref<512xf32, #tpu.memory_space<vmem>>, vector<16xf32>,
      %get3A_386 = arith.constant 400 : index
      %get3A_387 = tpu.vector_load %arg10[%get3A_386] {strides = array<i32>} : memref<512xf32, #tpu.memory_space<vmem>>, vector<16xf32>,
      %get3A_388 = arith.constant 416 : index
      %get3A_389 = tpu.vector_load %arg10[%get3A_388] {strides = array<i32>} : memref<512xf32, #tpu.memory_space<vmem>>, vector<16xf32>,
      %get3A_390 = arith.constant 432 : index
      %get3A_391 = tpu.vector_load %arg10[%get3A_390] {strides = array<i32>} : memref<512xf32, #tpu.memory_space<vmem>>, vector<16xf32>,
      %parallel_loop3A_392 = arith.constant 0 : i32
      %parallel_loop3A_393 = arith.constant 16 : i32
      %parallel_loop3A_394 = arith.constant 1 : i32
      scf.for %parallel_loop3A_446 = %parallel_loop3A_392 to %parallel_loop3A_393 step %parallel_loop3A_394  : i32 {
        %parallel_loop3A_447 = arith.constant 16 : i32
        %parallel_loop3A_448 = arith.muli %parallel_loop3A_446, %parallel_loop3A_447 : i32
        %parallel_loop3A_449 = arith.addi %mul3A_317, %parallel_loop3A_448 : i32
        %parallel_loop3A_450 = arith.index_cast %parallel_loop3A_449 : i32 to index
        %parallel_loop3A_451 = tpu.vector_load %arg11[%parallel_loop3A_450] {strides = array<i32>} : memref<8192xf32, #tpu.memory_space<vmem>>, vector<16xf32>,
        %parallel_loop3A_452 = arith.index_cast %parallel_loop3A_446 : i32 to index
        %parallel_loop3A_453 = arith.constant 384 : index
        %parallel_loop3A_454 = tpu.vector_load %arg7[%parallel_loop3A_452, %parallel_loop3A_453] {strides = array<i32>} : memref<16x512xf32, #tpu.memory_space<vmem>>, vector<16xf32>,
        %parallel_loop3A_455 = arith.addf %get3A_385, %parallel_loop3A_451 : vector<16xf32>
        %parallel_loop3A_456 = arith.addf %parallel_loop3A_454, %parallel_loop3A_455 : vector<16xf32>
        %parallel_loop3A_457 = arith.index_cast %parallel_loop3A_446 : i32 to index
        %parallel_loop3A_458 = arith.constant 384 : index
        %parallel_loop3A_459 = tpu.vector_load %arg9[%parallel_loop3A_457, %parallel_loop3A_458] {strides = array<i32>} : memref<16x512xf32, #tpu.memory_space<vmem>>, vector<16xf32>,
        tpu.vector_store %arg9[%parallel_loop3A_457, %parallel_loop3A_458], %parallel_loop3A_456 {strides = array<i32>} : memref<16x512xf32, #tpu.memory_space<vmem>>, vector<16xf32>,
        %parallel_loop3A_460 = arith.index_cast %parallel_loop3A_446 : i32 to index
        %parallel_loop3A_461 = arith.constant 400 : index
        %parallel_loop3A_462 = tpu.vector_load %arg7[%parallel_loop3A_460, %parallel_loop3A_461] {strides = array<i32>} : memref<16x512xf32, #tpu.memory_space<vmem>>, vector<16xf32>,
        %parallel_loop3A_463 = arith.addf %get3A_387, %parallel_loop3A_451 : vector<16xf32>
        %parallel_loop3A_464 = arith.addf %parallel_loop3A_462, %parallel_loop3A_463 : vector<16xf32>
        %parallel_loop3A_465 = arith.index_cast %parallel_loop3A_446 : i32 to index
        %parallel_loop3A_466 = arith.constant 400 : index
        %parallel_loop3A_467 = tpu.vector_load %arg9[%parallel_loop3A_465, %parallel_loop3A_466] {strides = array<i32>} : memref<16x512xf32, #tpu.memory_space<vmem>>, vector<16xf32>,
        tpu.vector_store %arg9[%parallel_loop3A_465, %parallel_loop3A_466], %parallel_loop3A_464 {strides = array<i32>} : memref<16x512xf32, #tpu.memory_space<vmem>>, vector<16xf32>,
        %parallel_loop3A_468 = arith.index_cast %parallel_loop3A_446 : i32 to index
        %parallel_loop3A_469 = arith.constant 416 : index
        %parallel_loop3A_470 = tpu.vector_load %arg7[%parallel_loop3A_468, %parallel_loop3A_469] {strides = array<i32>} : memref<16x512xf32, #tpu.memory_space<vmem>>, vector<16xf32>,
        %parallel_loop3A_471 = arith.addf %get3A_389, %parallel_loop3A_451 : vector<16xf32>
        %parallel_loop3A_472 = arith.addf %parallel_loop3A_470, %parallel_loop3A_471 : vector<16xf32>
        %parallel_loop3A_473 = arith.index_cast %parallel_loop3A_446 : i32 to index
        %parallel_loop3A_474 = arith.constant 416 : index
        %parallel_loop3A_475 = tpu.vector_load %arg9[%parallel_loop3A_473, %parallel_loop3A_474] {strides = array<i32>} : memref<16x512xf32, #tpu.memory_space<vmem>>, vector<16xf32>,
        tpu.vector_store %arg9[%parallel_loop3A_473, %parallel_loop3A_474], %parallel_loop3A_472 {strides = array<i32>} : memref<16x512xf32, #tpu.memory_space<vmem>>, vector<16xf32>,
        %parallel_loop3A_476 = arith.index_cast %parallel_loop3A_446 : i32 to index
        %parallel_loop3A_477 = arith.constant 432 : index
        %parallel_loop3A_478 = tpu.vector_load %arg7[%parallel_loop3A_476, %parallel_loop3A_477] {strides = array<i32>} : memref<16x512xf32, #tpu.memory_space<vmem>>, vector<16xf32>,
        %parallel_loop3A_479 = arith.addf %get3A_391, %parallel_loop3A_451 : vector<16xf32>
        %parallel_loop3A_480 = arith.addf %parallel_loop3A_478, %parallel_loop3A_479 : vector<16xf32>
        %parallel_loop3A_481 = arith.index_cast %parallel_loop3A_446 : i32 to index
        %parallel_loop3A_482 = arith.constant 432 : index
        %parallel_loop3A_483 = tpu.vector_load %arg9[%parallel_loop3A_481, %parallel_loop3A_482] {strides = array<i32>} : memref<16x512xf32, #tpu.memory_space<vmem>>, vector<16xf32>,
        tpu.vector_store %arg9[%parallel_loop3A_481, %parallel_loop3A_482], %parallel_loop3A_480 {strides = array<i32>} : memref<16x512xf32, #tpu.memory_space<vmem>>, vector<16xf32>,
      } {sc.loop_unroll_factor = 4 : i64, sc.parallel_access}
      %get3A_395 = arith.constant 448 : index
      %get3A_396 = tpu.vector_load %arg10[%get3A_395] {strides = array<i32>} : memref<512xf32, #tpu.memory_space<vmem>>, vector<16xf32>,
      %get3A_397 = arith.constant 464 : index
      %get3A_398 = tpu.vector_load %arg10[%get3A_397] {strides = array<i32>} : memref<512xf32, #tpu.memory_space<vmem>>, vector<16xf32>,
      %get3A_399 = arith.constant 480 : index
      %get3A_400 = tpu.vector_load %arg10[%get3A_399] {strides = array<i32>} : memref<512xf32, #tpu.memory_space<vmem>>, vector<16xf32>,
      %get3A_401 = arith.constant 496 : index
      %get3A_402 = tpu.vector_load %arg10[%get3A_401] {strides = array<i32>} : memref<512xf32, #tpu.memory_space<vmem>>, vector<16xf32>,
      %parallel_loop3A_403 = arith.constant 0 : i32
      %parallel_loop3A_404 = arith.constant 16 : i32
      %parallel_loop3A_405 = arith.constant 1 : i32
      scf.for %parallel_loop3A_446 = %parallel_loop3A_403 to %parallel_loop3A_404 step %parallel_loop3A_405  : i32 {
        %parallel_loop3A_447 = arith.constant 16 : i32
        %parallel_loop3A_448 = arith.muli %parallel_loop3A_446, %parallel_loop3A_447 : i32
        %parallel_loop3A_449 = arith.addi %mul3A_317, %parallel_loop3A_448 : i32
        %parallel_loop3A_450 = arith.index_cast %parallel_loop3A_449 : i32 to index
        %parallel_loop3A_451 = tpu.vector_load %arg11[%parallel_loop3A_450] {strides = array<i32>} : memref<8192xf32, #tpu.memory_space<vmem>>, vector<16xf32>,
        %parallel_loop3A_452 = arith.index_cast %parallel_loop3A_446 : i32 to index
        %parallel_loop3A_453 = arith.constant 448 : index
        %parallel_loop3A_454 = tpu.vector_load %arg7[%parallel_loop3A_452, %parallel_loop3A_453] {strides = array<i32>} : memref<16x512xf32, #tpu.memory_space<vmem>>, vector<16xf32>,
        %parallel_loop3A_455 = arith.addf %get3A_396, %parallel_loop3A_451 : vector<16xf32>
        %parallel_loop3A_456 = arith.addf %parallel_loop3A_454, %parallel_loop3A_455 : vector<16xf32>
        %parallel_loop3A_457 = arith.index_cast %parallel_loop3A_446 : i32 to index
        %parallel_loop3A_458 = arith.constant 448 : index
        %parallel_loop3A_459 = tpu.vector_load %arg9[%parallel_loop3A_457, %parallel_loop3A_458] {strides = array<i32>} : memref<16x512xf32, #tpu.memory_space<vmem>>, vector<16xf32>,
        tpu.vector_store %arg9[%parallel_loop3A_457, %parallel_loop3A_458], %parallel_loop3A_456 {strides = array<i32>} : memref<16x512xf32, #tpu.memory_space<vmem>>, vector<16xf32>,
        %parallel_loop3A_460 = arith.index_cast %parallel_loop3A_446 : i32 to index
        %parallel_loop3A_461 = arith.constant 464 : index
        %parallel_loop3A_462 = tpu.vector_load %arg7[%parallel_loop3A_460, %parallel_loop3A_461] {strides = array<i32>} : memref<16x512xf32, #tpu.memory_space<vmem>>, vector<16xf32>,
        %parallel_loop3A_463 = arith.addf %get3A_398, %parallel_loop3A_451 : vector<16xf32>
        %parallel_loop3A_464 = arith.addf %parallel_loop3A_462, %parallel_loop3A_463 : vector<16xf32>
        %parallel_loop3A_465 = arith.index_cast %parallel_loop3A_446 : i32 to index
        %parallel_loop3A_466 = arith.constant 464 : index
        %parallel_loop3A_467 = tpu.vector_load %arg9[%parallel_loop3A_465, %parallel_loop3A_466] {strides = array<i32>} : memref<16x512xf32, #tpu.memory_space<vmem>>, vector<16xf32>,
        tpu.vector_store %arg9[%parallel_loop3A_465, %parallel_loop3A_466], %parallel_loop3A_464 {strides = array<i32>} : memref<16x512xf32, #tpu.memory_space<vmem>>, vector<16xf32>,
        %parallel_loop3A_468 = arith.index_cast %parallel_loop3A_446 : i32 to index
        %parallel_loop3A_469 = arith.constant 480 : index
        %parallel_loop3A_470 = tpu.vector_load %arg7[%parallel_loop3A_468, %parallel_loop3A_469] {strides = array<i32>} : memref<16x512xf32, #tpu.memory_space<vmem>>, vector<16xf32>,
        %parallel_loop3A_471 = arith.addf %get3A_400, %parallel_loop3A_451 : vector<16xf32>
        %parallel_loop3A_472 = arith.addf %parallel_loop3A_470, %parallel_loop3A_471 : vector<16xf32>
        %parallel_loop3A_473 = arith.index_cast %parallel_loop3A_446 : i32 to index
        %parallel_loop3A_474 = arith.constant 480 : index
        %parallel_loop3A_475 = tpu.vector_load %arg9[%parallel_loop3A_473, %parallel_loop3A_474] {strides = array<i32>} : memref<16x512xf32, #tpu.memory_space<vmem>>, vector<16xf32>,
        tpu.vector_store %arg9[%parallel_loop3A_473, %parallel_loop3A_474], %parallel_loop3A_472 {strides = array<i32>} : memref<16x512xf32, #tpu.memory_space<vmem>>, vector<16xf32>,
        %parallel_loop3A_476 = arith.index_cast %parallel_loop3A_446 : i32 to index
        %parallel_loop3A_477 = arith.constant 496 : index
        %parallel_loop3A_478 = tpu.vector_load %arg7[%parallel_loop3A_476, %parallel_loop3A_477] {strides = array<i32>} : memref<16x512xf32, #tpu.memory_space<vmem>>, vector<16xf32>,
        %parallel_loop3A_479 = arith.addf %get3A_402, %parallel_loop3A_451 : vector<16xf32>
        %parallel_loop3A_480 = arith.addf %parallel_loop3A_478, %parallel_loop3A_479 : vector<16xf32>
        %parallel_loop3A_481 = arith.index_cast %parallel_loop3A_446 : i32 to index
        %parallel_loop3A_482 = arith.constant 496 : index
        %parallel_loop3A_483 = tpu.vector_load %arg9[%parallel_loop3A_481, %parallel_loop3A_482] {strides = array<i32>} : memref<16x512xf32, #tpu.memory_space<vmem>>, vector<16xf32>,
        tpu.vector_store %arg9[%parallel_loop3A_481, %parallel_loop3A_482], %parallel_loop3A_480 {strides = array<i32>} : memref<16x512xf32, #tpu.memory_space<vmem>>, vector<16xf32>,
      } {sc.loop_unroll_factor = 4 : i64, sc.parallel_access}
      %lt3A_406 = arith.constant 79 : i32
      %lt3A_407 = arith.cmpi slt, %scan3A_94, %lt3A_406 : i32
      %convert_element_type3A_408 = arith.extui %lt3A_407 : i1 to i32
      %cond3A_409 = arith.constant 0 : i32
      %cond3A_410 = arith.cmpi ne, %convert_element_type3A_408, %cond3A_409 : i32
      scf.if %cond3A_410 {
        %add3A_446 = arith.constant 2 : i32
        %add3A_447 = arith.addi %add3A_271, %add3A_446 : i32
        %jit3A_448 = arith.constant 32 : i32
        %div3A_449 = arith.divsi %add3A_447, %jit3A_448 : i32
        %sign3A_450 = arith.constant 0 : i32
        %sign3A_451 = arith.cmpi sgt, %add3A_447, %sign3A_450 : i32
        %sign3A_452 = arith.extui %sign3A_451 : i1 to i32
        %sign3A_453 = arith.constant 0 : i32
        %sign3A_454 = arith.cmpi slt, %add3A_447, %sign3A_453 : i32
        %sign3A_455 = arith.extui %sign3A_454 : i1 to i32
        %sign3A_456 = arith.subi %sign3A_452, %sign3A_455 : i32
        %sign3A_457 = arith.constant 0 : i32
        %sign3A_458 = arith.cmpi sgt, %jit3A_448, %sign3A_457 : i32
        %sign3A_459 = arith.extui %sign3A_458 : i1 to i32
        %sign3A_460 = arith.constant 0 : i32
        %sign3A_461 = arith.cmpi slt, %jit3A_448, %sign3A_460 : i32
        %sign3A_462 = arith.extui %sign3A_461 : i1 to i32
        %sign3A_463 = arith.subi %sign3A_459, %sign3A_462 : i32
        %ne3A_464 = arith.cmpi ne, %sign3A_456, %sign3A_463 : i32
        %rem3A_465 = arith.remsi %add3A_447, %jit3A_448 : i32
        %ne3A_466 = arith.constant 0 : i32
        %ne3A_467 = arith.cmpi ne, %rem3A_465, %ne3A_466 : i32
        %and3A_468 = arith.andi %ne3A_464, %ne3A_467 : i1
        %sub3A_469 = arith.constant 1 : i32
        %sub3A_470 = arith.subi %div3A_449, %sub3A_469 : i32
        %select_n3A_471 = arith.select %and3A_468, %sub3A_470, %div3A_449 : i32
        %add3A_472 = arith.addi %mul3A_32, %select_n3A_471 : i32
        %rem3A_473 = arith.constant 32 : i32
        %rem3A_474 = arith.remsi %add3A_447, %rem3A_473 : i32
        %mul3A_475 = arith.constant 16 : i32
        %mul3A_476 = arith.muli %rem3A_474, %mul3A_475 : i32
        %dma_start3A_477 = arith.constant 0 : i32
        %dma_start3A_478 = tpu.memref_slice %arg2[%select_n3A, %add3A_472, %mul3A_476, %dma_start3A_477] : memref<16x10x512x512xf32, #tpu.memory_space<hbm>> -> memref<1x1x16x512xf32, #tpu.memory_space<hbm>>
        %dma_start3A_479 = tpu.memref_squeeze %dma_start3A_478 : memref<1x1x16x512xf32, #tpu.memory_space<hbm>> -> memref<16x512xf32, #tpu.memory_space<hbm>>
        %dma_start3A_480 = arith.constant 0 : i32
        %dma_start3A_481 = tpu.memref_slice %arg2[%select_n3A, %add3A_472, %mul3A_476, %dma_start3A_480] : memref<16x10x512x512xf32, #tpu.memory_space<hbm>> -> memref<1x1x16x512xf32, #tpu.memory_space<hbm>>
        %dma_start3A_482 = tpu.memref_squeeze %dma_start3A_481 : memref<1x1x16x512xf32, #tpu.memory_space<hbm>> -> memref<16x512xf32, #tpu.memory_space<hbm>>
        tpu.enqueue_dma source(%dma_start3A_482 : memref<16x512xf32, #tpu.memory_space<hbm>>) target(%arg7 : memref<16x512xf32, #tpu.memory_space<vmem>>) target_semaphore(%arg13 : memref<!tpu.dma_semaphore, #tpu.memory_space<semaphore_mem>>)
      } else {
      }
      %jit3A_411 = arith.constant 32 : i32
      %div3A_412 = arith.divsi %add3A_271, %jit3A_411 : i32
      %sign3A_413 = arith.constant 0 : i32
      %sign3A_414 = arith.cmpi sgt, %add3A_271, %sign3A_413 : i32
      %sign3A_415 = arith.extui %sign3A_414 : i1 to i32
      %sign3A_416 = arith.constant 0 : i32
      %sign3A_417 = arith.cmpi slt, %add3A_271, %sign3A_416 : i32
      %sign3A_418 = arith.extui %sign3A_417 : i1 to i32
      %sign3A_419 = arith.subi %sign3A_415, %sign3A_418 : i32
      %sign3A_420 = arith.constant 0 : i32
      %sign3A_421 = arith.cmpi sgt, %jit3A_411, %sign3A_420 : i32
      %sign3A_422 = arith.extui %sign3A_421 : i1 to i32
      %sign3A_423 = arith.constant 0 : i32
      %sign3A_424 = arith.cmpi slt, %jit3A_411, %sign3A_423 : i32
      %sign3A_425 = arith.extui %sign3A_424 : i1 to i32
      %sign3A_426 = arith.subi %sign3A_422, %sign3A_425 : i32
      %ne3A_427 = arith.cmpi ne, %sign3A_419, %sign3A_426 : i32
      %rem3A_428 = arith.remsi %add3A_271, %jit3A_411 : i32
      %ne3A_429 = arith.constant 0 : i32
      %ne3A_430 = arith.cmpi ne, %rem3A_428, %ne3A_429 : i32
      %and3A_431 = arith.andi %ne3A_427, %ne3A_430 : i1
      %sub3A_432 = arith.constant 1 : i32
      %sub3A_433 = arith.subi %div3A_412, %sub3A_432 : i32
      %select_n3A_434 = arith.select %and3A_431, %sub3A_433, %div3A_412 : i32
      %add3A_435 = arith.addi %mul3A_32, %select_n3A_434 : i32
      %rem3A_436 = arith.constant 32 : i32
      %rem3A_437 = arith.remsi %add3A_271, %rem3A_436 : i32
      %mul3A_438 = arith.constant 16 : i32
      %mul3A_439 = arith.muli %rem3A_437, %mul3A_438 : i32
      %dma_start3A_440 = arith.constant 0 : i32
      %dma_start3A_441 = tpu.memref_slice %arg5[%select_n3A, %add3A_435, %mul3A_439, %dma_start3A_440] : memref<16x10x512x512xf32, #tpu.memory_space<hbm>> -> memref<1x1x16x512xf32, #tpu.memory_space<hbm>>
      %dma_start3A_442 = tpu.memref_squeeze %dma_start3A_441 : memref<1x1x16x512xf32, #tpu.memory_space<hbm>> -> memref<16x512xf32, #tpu.memory_space<hbm>>
      %dma_start3A_443 = arith.constant 0 : i32
      %dma_start3A_444 = tpu.memref_slice %arg5[%select_n3A, %add3A_435, %mul3A_439, %dma_start3A_443] : memref<16x10x512x512xf32, #tpu.memory_space<hbm>> -> memref<1x1x16x512xf32, #tpu.memory_space<hbm>>
      %dma_start3A_445 = tpu.memref_squeeze %dma_start3A_444 : memref<1x1x16x512xf32, #tpu.memory_space<hbm>> -> memref<16x512xf32, #tpu.memory_space<hbm>>
      tpu.enqueue_dma source(%arg9 : memref<16x512xf32, #tpu.memory_space<vmem>>) target(%dma_start3A_445 : memref<16x512xf32, #tpu.memory_space<hbm>>) target_semaphore(%arg15 : memref<!tpu.dma_semaphore, #tpu.memory_space<semaphore_mem>>)
    }
    %scan3A_68 = arith.constant 80 : i32
    %add3A_69 = arith.constant 4 : i32
    %add3A_70 = arith.addi %mul3A_32, %add3A_69 : i32
    %rem3A_71 = arith.constant 158 : i32
    %rem3A_72 = arith.constant 32 : i32
    %rem3A_73 = arith.remsi %rem3A_71, %rem3A_72 : i32
    %mul3A_74 = arith.constant 16 : i32
    %mul3A_75 = arith.muli %rem3A_73, %mul3A_74 : i32
    %dma_wait3A = arith.constant 0 : i32
    %dma_wait3A_76 = tpu.memref_slice %arg5[%select_n3A, %add3A_70, %mul3A_75, %dma_wait3A] : memref<16x10x512x512xf32, #tpu.memory_space<hbm>> -> memref<1x1x16x512xf32, #tpu.memory_space<hbm>>
    %dma_wait3A_77 = tpu.memref_squeeze %dma_wait3A_76 : memref<1x1x16x512xf32, #tpu.memory_space<hbm>> -> memref<16x512xf32, #tpu.memory_space<hbm>>
    %dma_wait3A_78 = arith.constant 0 : i32
    %dma_wait3A_79 = tpu.memref_slice %arg5[%select_n3A, %add3A_70, %mul3A_75, %dma_wait3A_78] : memref<16x10x512x512xf32, #tpu.memory_space<hbm>> -> memref<1x1x16x512xf32, #tpu.memory_space<hbm>>
    %dma_wait3A_80 = tpu.memref_squeeze %dma_wait3A_79 : memref<1x1x16x512xf32, #tpu.memory_space<hbm>> -> memref<16x512xf32, #tpu.memory_space<hbm>>
    tpu.wait_dma2 semaphore(%arg14 : memref<!tpu.dma_semaphore, #tpu.memory_space<semaphore_mem>>) src(%arg8 : memref<16x512xf32, #tpu.memory_space<vmem>>) dst(%dma_wait3A_80 : memref<16x512xf32, #tpu.memory_space<hbm>>)
    %add3A_81 = arith.constant 4 : i32
    %add3A_82 = arith.addi %mul3A_32, %add3A_81 : i32
    %rem3A_83 = arith.constant 159 : i32
    %rem3A_84 = arith.constant 32 : i32
    %rem3A_85 = arith.remsi %rem3A_83, %rem3A_84 : i32
    %mul3A_86 = arith.constant 16 : i32
    %mul3A_87 = arith.muli %rem3A_85, %mul3A_86 : i32
    %dma_wait3A_88 = arith.constant 0 : i32
    %dma_wait3A_89 = tpu.memref_slice %arg5[%select_n3A, %add3A_82, %mul3A_87, %dma_wait3A_88] : memref<16x10x512x512xf32, #tpu.memory_space<hbm>> -> memref<1x1x16x512xf32, #tpu.memory_space<hbm>>
    %dma_wait3A_90 = tpu.memref_squeeze %dma_wait3A_89 : memref<1x1x16x512xf32, #tpu.memory_space<hbm>> -> memref<16x512xf32, #tpu.memory_space<hbm>>
    %dma_wait3A_91 = arith.constant 0 : i32
    %dma_wait3A_92 = tpu.memref_slice %arg5[%select_n3A, %add3A_82, %mul3A_87, %dma_wait3A_91] : memref<16x10x512x512xf32, #tpu.memory_space<hbm>> -> memref<1x1x16x512xf32, #tpu.memory_space<hbm>>
    %dma_wait3A_93 = tpu.memref_squeeze %dma_wait3A_92 : memref<1x1x16x512xf32, #tpu.memory_space<hbm>> -> memref<16x512xf32, #tpu.memory_space<hbm>>
    tpu.wait_dma2 semaphore(%arg15 : memref<!tpu.dma_semaphore, #tpu.memory_space<semaphore_mem>>) src(%arg9 : memref<16x512xf32, #tpu.memory_space<vmem>>) dst(%dma_wait3A_93 : memref<16x512xf32, #tpu.memory_space<hbm>>)
    return
  }
}

module attributes {stable_mosaic.version = 14 : i64} {
  func.func @_tc_body(%arg0: i32, %arg1: i32, %arg2: memref<1x512x1xf32, #tpu.memory_space<vmem>>, %arg3: memref<1x1x512xf32, #tpu.memory_space<vmem>>, %arg4: memref<1x512x1xf32, #tpu.memory_space<vmem>>, %arg5: memref<1x1x512xf32, #tpu.memory_space<vmem>>, %arg6: memref<1x1x512x512xf32, #tpu.memory_space<vmem>>, %arg7: memref<1x1x512x512xi32, #tpu.memory_space<vmem>>, %arg8: memref<512x512xf32, #tpu.memory_space<vmem>>, %arg9: memref<512x512xf32, #tpu.memory_space<vmem>>) attributes {dimension_semantics = [#tpu.dimension_semantics<arbitrary>, #tpu.dimension_semantics<arbitrary>], iteration_bounds = array<i64: 16, 10>, scalar_prefetch = 0 : i64, scratch_operands = 2 : i64, tpu.core_type = #tpu.core_type<tc>, window_params = [{transform_indices = @transform_0, window_bounds = array<i64: 1, 512, 1>}, {transform_indices = @transform_1, window_bounds = array<i64: 1, 1, 512>}, {transform_indices = @transform_2, window_bounds = array<i64: 1, 512, 1>}, {transform_indices = @transform_3, window_bounds = array<i64: 1, 1, 512>}, {transform_indices = @transform_4, window_bounds = array<i64: 1, 1, 512, 512>}, {transform_indices = @transform_5, window_bounds = array<i64: 1, 1, 512, 512>}]} {
    %eq3A = arith.constant 0 : i32
    %eq3A_0 = arith.cmpi eq, %arg1, %eq3A : i32
    %convert_element_type3A = arith.extui %eq3A_0 : i1 to i32
    %cond3A = arith.constant 0 : i32
    %cond3A_1 = arith.cmpi ne, %convert_element_type3A, %cond3A : i32
    scf.if %cond3A_1 {
      %get3A_24 = arith.constant 0 : index
      %get3A_25 = arith.constant 0 : index
      %get3A_26 = arith.constant 0 : index
      %get3A_27 = vector.load %arg2[%get3A_24, %get3A_25, %get3A_26] : memref<1x512x1xf32, #tpu.memory_space<vmem>>, vector<1x512x1xf32>
      %get3A_28 = arith.constant 0 : index
      %get3A_29 = arith.constant 0 : index
      %get3A_30 = arith.constant 0 : index
      %get3A_31 = vector.load %arg3[%get3A_28, %get3A_29, %get3A_30] : memref<1x1x512xf32, #tpu.memory_space<vmem>>, vector<1x1x512xf32>
      %mul3A_32 = vector.broadcast %get3A_27 : vector<1x512x1xf32> to vector<1x512x512xf32>
      %mul3A_33 = vector.broadcast %get3A_31 : vector<1x1x512xf32> to vector<1x512x512xf32>
      %mul3A_34 = arith.mulf %mul3A_32, %mul3A_33 : vector<1x512x512xf32>
      %reshape3A = vector.shape_cast %mul3A_34 : vector<1x512x512xf32> to vector<512x512xf32>
      %swap3A_35 = arith.constant 0 : index
      %swap3A_36 = arith.constant 0 : index
      %swap3A_37 = vector.load %arg8[%swap3A_35, %swap3A_36] : memref<512x512xf32, #tpu.memory_space<vmem>>, vector<512x512xf32>
      tpu.vector_store %arg8[%swap3A_35, %swap3A_36], %reshape3A {strides = array<i32>} : memref<512x512xf32, #tpu.memory_space<vmem>>, vector<512x512xf32>,
      %mul3A_38 = arith.constant 9.99999995E+11 : f32
      %mul3A_39 = vector.broadcast %mul3A_38 : f32 to vector<512x512xf32>
      %mul3A_40 = arith.mulf %mul3A_39, %reshape3A : vector<512x512xf32>
      %get3A_41 = arith.constant 0 : index
      %get3A_42 = arith.constant 0 : index
      %get3A_43 = arith.constant 0 : index
      %get3A_44 = vector.load %arg4[%get3A_41, %get3A_42, %get3A_43] : memref<1x512x1xf32, #tpu.memory_space<vmem>>, vector<1x512x1xf32>
      %reshape3A_45 = vector.shape_cast %get3A_44 : vector<1x512x1xf32> to vector<512x1xf32>
      %add3A_46 = vector.broadcast %reshape3A_45 : vector<512x1xf32> to vector<512x512xf32>
      %add3A_47 = arith.addf %mul3A_40, %add3A_46 : vector<512x512xf32>
      %get3A_48 = arith.constant 0 : index
      %get3A_49 = arith.constant 0 : index
      %get3A_50 = arith.constant 0 : index
      %get3A_51 = vector.load %arg5[%get3A_48, %get3A_49, %get3A_50] : memref<1x1x512xf32, #tpu.memory_space<vmem>>, vector<1x1x512xf32>
      %reshape3A_52 = vector.shape_cast %get3A_51 : vector<1x1x512xf32> to vector<1x512xf32>
      %add3A_53 = vector.broadcast %reshape3A_52 : vector<1x512xf32> to vector<512x512xf32>
      %add3A_54 = arith.addf %add3A_47, %add3A_53 : vector<512x512xf32>
      %swap3A_55 = arith.constant 0 : index
      %swap3A_56 = arith.constant 0 : index
      %swap3A_57 = vector.load %arg9[%swap3A_55, %swap3A_56] : memref<512x512xf32, #tpu.memory_space<vmem>>, vector<512x512xf32>
      tpu.vector_store %arg9[%swap3A_55, %swap3A_56], %add3A_54 {strides = array<i32>} : memref<512x512xf32, #tpu.memory_space<vmem>>, vector<512x512xf32>,
    } else {
    }
    %get3A = arith.constant 0 : index
    %get3A_2 = arith.constant 0 : index
    %get3A_3 = arith.constant 0 : index
    %get3A_4 = arith.constant 0 : index
    %get3A_5 = vector.load %arg6[%get3A, %get3A_2, %get3A_3, %get3A_4] : memref<1x1x512x512xf32, #tpu.memory_space<vmem>>, vector<1x1x512x512xf32>
    %get3A_6 = vector.shape_cast %get3A_5 : vector<1x1x512x512xf32> to vector<512x512xf32>
    %get3A_7 = arith.constant 0 : index
    %get3A_8 = arith.constant 0 : index
    %get3A_9 = vector.load %arg8[%get3A_7, %get3A_8] : memref<512x512xf32, #tpu.memory_space<vmem>>, vector<512x512xf32>
    %mul3A = arith.mulf %get3A_6, %get3A_9 : vector<512x512xf32>
    %get3A_10 = arith.constant 0 : index
    %get3A_11 = arith.constant 0 : index
    %get3A_12 = vector.load %arg9[%get3A_10, %get3A_11] : memref<512x512xf32, #tpu.memory_space<vmem>>, vector<512x512xf32>
    %add3A = arith.addf %mul3A, %get3A_12 : vector<512x512xf32>
    %gt3A = arith.constant 0.000000e+00 : f32
    %gt3A_13 = vector.broadcast %gt3A : f32 to vector<512x512xf32>
    %gt3A_14 = arith.cmpf ogt, %add3A, %gt3A_13 : vector<512x512xf32>
    %swap3A = arith.constant 0 : index
    %swap3A_15 = arith.constant 0 : index
    %swap3A_16 = arith.constant 0 : index
    %swap3A_17 = arith.constant 0 : index
    %swap3A_18 = vector.load %arg7[%swap3A, %swap3A_15, %swap3A_16, %swap3A_17] : memref<1x1x512x512xi32, #tpu.memory_space<vmem>>, vector<1x1x512x512xi32>
    %swap3A_19 = arith.extui %gt3A_14 : vector<512x512xi1> to vector<512x512xi32>
    %swap3A_20 = vector.shape_cast %swap3A_18 : vector<1x1x512x512xi32> to vector<512x512xi32>
    %swap3A_21 = vector.shape_cast %swap3A_19 : vector<512x512xi32> to vector<1x1x512x512xi32>
    %swap3A_22 = arith.constant dense<0> : vector<512x512xi32>
    %swap3A_23 = arith.cmpi ne, %swap3A_20, %swap3A_22 : vector<512x512xi32>
    tpu.vector_store %arg7[%swap3A, %swap3A_15, %swap3A_16, %swap3A_17], %swap3A_21 {strides = array<i32>} : memref<1x1x512x512xi32, #tpu.memory_space<vmem>>, vector<1x1x512x512xi32>,
    return
  }
  func.func @transform_0(%arg0: i32, %arg1: i32) -> (i32, i32, i32) {
    %c0_i32 = arith.constant 0 : i32
    %c0_i32_0 = arith.constant 0 : i32
    %c0_i32_1 = arith.constant 0 : i32
    return %arg0, %c0_i32, %c0_i32_0 : i32, i32, i32
  }
  func.func @transform_1(%arg0: i32, %arg1: i32) -> (i32, i32, i32) {
    %c0_i32 = arith.constant 0 : i32
    %c0_i32_0 = arith.constant 0 : i32
    %c0_i32_1 = arith.constant 0 : i32
    return %arg0, %c0_i32, %c0_i32_0 : i32, i32, i32
  }
  func.func @transform_2(%arg0: i32, %arg1: i32) -> (i32, i32, i32) {
    %c0_i32 = arith.constant 0 : i32
    %c0_i32_0 = arith.constant 0 : i32
    %c0_i32_1 = arith.constant 0 : i32
    return %arg0, %c0_i32, %c0_i32_0 : i32, i32, i32
  }
  func.func @transform_3(%arg0: i32, %arg1: i32) -> (i32, i32, i32) {
    %c0_i32 = arith.constant 0 : i32
    %c0_i32_0 = arith.constant 0 : i32
    %c0_i32_1 = arith.constant 0 : i32
    return %arg0, %c0_i32, %c0_i32_0 : i32, i32, i32
  }
  func.func @transform_4(%arg0: i32, %arg1: i32) -> (i32, i32, i32, i32) {
    %c0_i32 = arith.constant 0 : i32
    %c0_i32_0 = arith.constant 0 : i32
    %c0_i32_1 = arith.constant 0 : i32
    return %arg0, %arg1, %c0_i32, %c0_i32_0 : i32, i32, i32, i32
  }
  func.func @transform_5(%arg0: i32, %arg1: i32) -> (i32, i32, i32, i32) {
    %c0_i32 = arith.constant 0 : i32
    %c0_i32_0 = arith.constant 0 : i32
    %c0_i32_1 = arith.constant 0 : i32
    return %arg0, %arg1, %c0_i32, %c0_i32_0 : i32, i32, i32, i32
  }
}

</mosaic_0001>

<sc_bundles>
// kernel: kernel.4.cloned.1.call-start
scs
__scs_entry_jumppad:
0x0: {  	(pc) =	sbr.rel $0x88, $3  }
0x1: {  	(tag) =	ssettag $0x0;
	lr =	simm.s32 $0x1  }
0x2: {  	[smem:$0x3F9F] =	sst lr;
	_ =	strace $0xD0000000  }
0x3: {  	_ = 	snop  }
0x4: {  	_ = 	snop  }
0x5: {  	_ = 	snop  }
0x6: {  	_ = 	snop  }
0x7: {  	_ = 	snop  }
__scs_overlays_trampoline_lowered:
0x8: {  	[smem:$0x3FAE] =	sst s0  }
0x9: {  	[smem:$0x3FAF] =	sst s1  }
0xa: {  	[smem:$0x3FB0] =	sst s2  }
0xb: {  	[smem:$0x3FB1] =	sst s3  }
0xc: {  	[smem:$0x3FB2] =	sst s4  }
0xd: {  	[smem:$0x3FB3] =	sst s5  }
0xe: {  	[smem:$0x3FB4] =	sst s6  }
0xf: {  	[smem:$0x3FB5] =	sst s7  }
0x10: {  	[smem:$0x3FB6] =	sst s8  }
0x11: {  	[smem:$0x3FB7] =	sst s9;
	s0 =	simm.s32 @!p0 $0x0  }
0x12: {  	s1 =	sld [smem:$0x3F9D];
	s0 =	simm.s32 @p0 $0x1  }
0x13: {  	[smem:$0x3FB8] =	sst s0;
	s0 =	simm.s32 @!p1 $0x0  }
0x14: {  	s2 =	sld [smem:$0x3F9C];
	s0 =	simm.s32 @p1 $0x1  }
0x15: {  	[smem:$0x3FB9] =	sst s0;
	s0 =	simm.s32 @!p2 $0x0  }
0x16: {  	s3 =	sld [smem:$0x3FDB];
	s0 =	simm.s32 @p2 $0x1  }
0x17: {  	s4 =	simm.s32 $0x1BF5;
	[smem:$0x3FBB] =	sst s0  }
0x18: {  	s0 =	sld [smem:$0x3F9E];
	_ =	swait.ge [sflag:s4], $0x0  }
0x19: {  	s7 =	sld [smem:$0x3F9F]  }
0x1a: {  	s8 =	sadd.s32 $0xFFFFE003, lr  }
0x1b: {  	s9 =	sadd.s32 $0xFFFFFEF7, lr;
	s5 =	simm.s32 $0xFFFFFFFF;
	p2 =	slt.u32 s8, $0xFFFFF086  }
0x1c: {  	p1 =	slt.u32 s9, $0xF7A;
	s5 =	simm.s32 @!p2 $0x0  }
0x1d: {  	s5 =	simm.s32 @p1 $0x1;
	p0 =	seq.s32 s7, s2  }
0x1e: {  	s7 =	smul.u32 @!p0 $0xF7A, s2;
	p2 =	seq.s32 @!p0 s5, $0x0  }
0x1f: {  	s9 =	smul.u32 $0xF7A, s1;
	s8 =	simm.s32 @!p0 $0x1BF5;
	p2 =	por !p2, p0  }
0x20: {  	[sflag:s8] =	ssyncset.s32 @!p0 $0xFFFFF086;
	s6 =	sadd.s32 @!p0 s3, s7;
	s7 =	simm.s32 @!p0 $0x108  }
0x21: {  	s3 =	sadd.s32 s3, s9;
	s6 =	sadd.s32 @!p0 $0x88, s6;
	s7 =	simm.s32 @p2 $0x1082  }
0x22: {  	[simem:s7], [sflag:s8] =	dma.local @!p0 [hbm:s6], $0xF7A  }
0x23: {  	s9 =	sor.u32 $0xD0000000, s2;
	s6 =	simm.s32 $0x108;
	_ =	swait.ge @!p0 [sflag:s8], $0x0  }
0x24: {  	s3 =	sadd.s32 $0x88, s3;
	s6 =	simm.s32 @!p1 $0x1082;
	[sflag:s4] =	ssyncset.s32 $0xFFFFF086  }
0x25: {  	[simem:s6], [sflag:s4] =	dma.local [hbm:s3], $0xF7A  }
0x26: {  	[smem:$0x3F9F] =	sst s1;
	(tag) =	ssettag s2;
	_ =	strace s9  }
0x27: {  	s1 =	sld [smem:$0x3FAF]  }
0x28: {  	s2 =	sld [smem:$0x3FB0]  }
0x29: {  	s4 =	sld [smem:$0x3FB2]  }
0x2a: {  	p0 =	seq.s32 s5, $0x0;
	s5 =	sld [smem:$0x3FB3]  }
0x2b: {  	s6 =	sld [smem:$0x3FB4]  }
0x2c: {  	s7 =	sld [smem:$0x3FB5]  }
0x2d: {  	s3 =	simm.s32 $0x108;
	s8 =	sld [smem:$0x3FB6]  }
0x2e: {  	s3 =	simm.s32 @!p0 $0x1082;
	s9 =	sld [smem:$0x3FB7]  }
0x2f: {  	lr =	sadd.s32 s0, s3;
	s0 =	sld [smem:$0x3FAE]  }
0x30: {  	s3 =	sld [smem:$0x3FB1]  }
0x31: {  	[smem:$0x3FBA] =	sst s10  }
0x32: {  	s10 =	sld [smem:$0x3FB8];
	_ =	sdelay $0x3  }
0x33: {  	p0 =	seq.s32 s10, $0x1;
	s10 =	sld [smem:$0x3FBA];
	_ =	sdelay $0x3  }
0x34: {  	[smem:$0x3FBA] =	sst s10  }
0x35: {  	s10 =	sld [smem:$0x3FB9];
	_ =	sdelay $0x3  }
0x36: {  	p1 =	seq.s32 s10, $0x1;
	s10 =	sld [smem:$0x3FBA];
	_ =	sdelay $0x3  }
0x37: {  	[smem:$0x3FBA] =	sst s10  }
0x38: {  	s10 =	sld [smem:$0x3FBB]  }
0x39: {  	_ = 	snop;
	(pc) =	sbr.ind lr, $3  }
0x3a: {  	_ = 	snop  }
0x3b: {  	_ = 	snop  }
0x3c: {  	p2 =	seq.s32 s10, $0x1;
	s10 =	sld [smem:$0x3FBA]  }
0x3d: {  	_ =	shalt  }
0x3e: {  	_ =	shalt  }
0x3f: {  	_ =	shalt  }
0x40: {  	_ =	shalt  }
0x41: {  	_ =	shalt  }
0x42: {  	_ =	shalt  }
0x43: {  	_ =	shalt  }
0x44: {  	_ =	shalt  }
0x45: {  	_ =	shalt  }
0x46: {  	_ =	shalt  }
0x47: {  	_ =	shalt  }
0x48: {  	_ =	shalt  }
0x49: {  	_ =	shalt  }
0x4a: {  	_ =	shalt  }
0x4b: {  	_ =	shalt  }
0x4c: {  	_ =	shalt  }
0x4d: {  	_ =	shalt  }
0x4e: {  	_ =	shalt  }
0x4f: {  	_ =	shalt  }
0x50: {  	_ =	shalt  }
0x51: {  	_ =	shalt  }
0x52: {  	_ =	shalt  }
0x53: {  	_ =	shalt  }
0x54: {  	_ =	shalt  }
0x55: {  	_ =	shalt  }
0x56: {  	_ =	shalt  }
0x57: {  	_ =	shalt  }
0x58: {  	_ =	shalt  }
0x59: {  	_ =	shalt  }
0x5a: {  	_ =	shalt  }
0x5b: {  	_ =	shalt  }
0x5c: {  	_ =	shalt  }
0x5d: {  	_ =	shalt  }
0x5e: {  	_ =	shalt  }
0x5f: {  	_ =	shalt  }
0x60: {  	_ =	shalt  }
0x61: {  	_ =	shalt  }
0x62: {  	_ =	shalt  }
0x63: {  	_ =	shalt  }
0x64: {  	_ =	shalt  }
0x65: {  	_ =	shalt  }
0x66: {  	_ =	shalt  }
0x67: {  	_ =	shalt  }
0x68: {  	_ =	shalt  }
0x69: {  	_ =	shalt  }
0x6a: {  	_ =	shalt  }
0x6b: {  	_ =	shalt  }
0x6c: {  	_ =	shalt  }
0x6d: {  	_ =	shalt  }
0x6e: {  	_ =	shalt  }
0x6f: {  	_ =	shalt  }
0x70: {  	_ =	shalt  }
0x71: {  	_ =	shalt  }
0x72: {  	_ =	shalt  }
0x73: {  	_ =	shalt  }
0x74: {  	_ =	shalt  }
0x75: {  	_ =	shalt  }
0x76: {  	_ =	shalt  }
0x77: {  	_ =	shalt  }
0x78: {  	_ =	shalt  }
0x79: {  	_ =	shalt  }
0x7a: {  	_ =	shalt  }
0x7b: {  	_ =	shalt  }
0x7c: {  	_ =	shalt  }
0x7d: {  	_ =	shalt  }
0x7e: {  	_ =	shalt  }
0x7f: {  	_ =	shalt  }
0x80: {  	_ =	shalt  }
0x81: {  	_ =	shalt  }
0x82: {  	_ =	shalt  }
0x83: {  	_ =	shalt  }
0x84: {  	_ =	shalt  }
0x85: {  	_ =	shalt  }
0x86: {  	_ =	shalt  }
0x87: {  	_ =	shalt  }
.Lfunc_end0:
.L_simem_size_0:
called_computation_lowered:
.L_overlay_start_0:
0x88: {  	s2 =	sld [smem:$0x3FD9]  }
0x89: {  	s3 =	sld [smem:$0x3FFE];
	_ =	sdelay $0x1  }
0x8a: {  	s1 =	srdreg.scid  }
0x8b: {  	s0 =	sand.u32 $0x1, s1  }
0x8c: {  	s14 =	sshll.u32 s0, $0xA;
	s2 =	sadd.s32 s3, s2  }
0x8d: {  	s2 =	sadd.s32 s2, s14  }
0x8e: {  	[smem:$0x3FC6] =	sst s2  }
0x8f: {  	_ = 	snop  }
0x90: {  	s2 =	sld [smem:$0x3FD0];
	_ =	sdelay $0x2  }
0x91: {  	s4 =	simm.s32 $0xA;
	s5 =	simm.s32 $0x10;
	s15 =	sld [smem:$0x3FC9]  }
0x92: {  	[smem:s5], [sflag:s4] =	dma.local [hbm:s2], $0x1  }
0x93: {  	_ =	swait.eq [sflag:s4], $0x1  }
0x94: {  	[sflag:s4] =	ssyncset.done $0x0  }
0x95: {  	[sflag:s4] =	ssyncadd.s32 $0xFFFFFFFF  }
0x96: {  	s16 =	sld [smem:$0x10];
	(tm) =	ssettm $0x1  }
0x97: {  	s17 =	sld [smem:$0x3FFB];
	_ =	sdelay $0x3  }
0x98: {  	_ =	strace s17  }
0x99: {  	s4 =	sld [smem:$0x3FFC];
	_ =	sdelay $0x3  }
0x9a: {  	_ =	strace s4  }
0x9b: {  	s4 =	sld [smem:$0x3FFD];
	_ =	sdelay $0x3  }
0x9c: {  	_ =	strace s4  }
0x9d: {  	_ =	strace $0x8FFFFFFF  }
0x9e: {  	s18 =	sld [smem:$0x3FDB];
	_ =	sdelay $0x1  }
0x9f: {  	s19 =	simm.s32 $_scs_section_size  }
0xa0: {  	s6 =	simm.s32 $_size__tile_overlayer_lowered;
	s7 =	simm.s32 $_tile_overlayer_lowered  }
0xa1: {  	s22 =	simm.s32 $0x1BFF;
	s21 =	sshll.u32 s7, $0x1;
	s4 =	sadd.s32 s19, s18  }
0xa2: {  	s8 =	simm.s32 $0x0;
	s20 =	sshll.u32 s6, $0x1;
	s6 =	sadd.s32 s21, s4  }
0xa3: {  	[timem:s8], [sflag:s22] =	dma.local [hbm:s6], s20  }
0xa4: {  	_ =	swait.ge [sflag:s22], s20  }
0xa5: {  	s5 =	ssub.s32 $0x0, s20;
	[sflag:s22] =	ssyncset.done $0x0  }
0xa6: {  	[sflag:s22] =	ssyncadd.s32 s5;
	_ =	sdelay $0x1  }
0xa7: {  	s23 =	simm.s32 $0x1B8B  }
0xa8: {  	_ =	swait.ge [sflag:s23], $0x1  }
0xa9: {  	[sflag:s23] =	ssyncset.done $0x0  }
0xaa: {  	s25 =	simm.s32 $0x1B8E;
	s24 =	sld [smem:$0x3FFE];
	[sflag:s23] =	ssyncadd.s32 $0xFFFFFFFF  }
0xab: {  	s26 =	simm.s32 $execute0_lowered;
	[smem:$0x3FD2] =	sst s25  }
0xac: {  	s6 =	sshll.u32 s26, $0x1;
	_ =	strace $0x80000046;
	[dreg:$0x1] =	wrdreg $0xFFFFFFFF  }
0xad: {  	s28 =	simm.s32 $_size_execute0_lowered;
	s4 =	sadd.s32 s4, s6;
	[dreg:$0x0] =	wrdreg $0x0  }
0xae: {  	s6 =	sshll.u32 s28, $0x1;
	[dreg:$0x2] =	wrdreg s4  }
0xaf: {  	[dreg:$0x3] =	wrdreg s6  }
0xb0: {  	[dreg:$0x4] =	wrdreg $0xC0  }
0xb1: {  	_ =	task [dreg:s8], $0x5FFFF  }
0xb2: {  	[dreg:$0x1] =	wrdreg $0xFFFFFFFF  }
0xb3: {  	[dreg:$0x0] =	wrdreg $0x60  }
0xb4: {  	[dreg:$0x2] =	wrdreg s15  }
0xb5: {  	[dreg:$0x3] =	wrdreg s24  }
0xb6: {  	[dreg:$0x4] =	wrdreg s16  }
0xb7: {  	[dreg:$0x5] =	wrdreg $0x9  }
0xb8: {  	_ =	task.clear_ibuf [dreg:s8], $0x6FFFF;
	_ =	strace $0x90000046  }
0xb9: {  	s29 =	simm.s32 $0x9;
	_ =	strace $0x80000048  }
0xba: {  	_ =	swait.ge [sflag:s29], $0x1  }
0xbb: {  	[sflag:s29] =	ssyncadd.s32 $0xFFFFFFFF  }
0xbc: {  	_ =	strace $0x90000048  }
0xbd: {  	_ =	sfence  }
0xbe: {  	s30 =	sld [smem:$0x0];
	_ =	sdelay $0x2  }
0xbf: {  	s31 =	sshll.u32 s1, $0xD;
	s1 =	sshrl.u32 s1, $0x2  }
0xc0: {  	s3 =	sand.u32 $0x4000, s31;
	s1 =	sadd.s32 s1, s30  }
0xc1: {  	s0 =	sor.u32 s3, s0;
	s1 =	sshll.u32 s1, $0x11  }
0xc2: {  	s0 =	sor.u32 s1, s0  }
0xc3: {  	s0 =	sadd.s32 $0x8F2B, s0  }
0xc4: {  	[sflag:s0] =	ssyncadd.remote.s32 $0x1  }
0xc5: {  	_ =	sfence.sel $0xFFFF  }
0xc6: {  	[dreg:$0x0] =	wrdreg $0xFFFFFFFF;
	(pc) =	sbr.abs _section_cstart, $3  }
0xc7: {  	[dreg:$0x1] =	wrdreg $0xFFFFFFFF  }
0xc8: {  	_ =	task.clear_ibuf [dreg:s8], $0x2FFFF;
	_ =	strace $0x9FFFFFFF  }
0xc9: {  	(tm) =	ssettm $0x7FFFFFFF  }
tec
execute0_lowered:
.L_overlay_start_1:
0x0: {  	(tag) =	ssettag $0x1  }
0x1: {  	s0 =	srdreg.scid;
	s6 =	rddreg [dreg:$0x0]  }
0x2: {  	s3 =	stileid.u32;
	s28 =	rddreg [dreg:$0x1];
	s0 =	sand.u32 $0x1, s0  }
0x3: {  	s2 =	simm.s32 $0x1;
	s4 =	simm.s32 $0x0;
	s1 =	sor.u32 s0, s3  }
0x4: {  	[smem:$0x7FF] =	sst s4;
	p0 =	seq.s32 s0, $0x1;
	p1 =	seq.s32 s1, $0x0  }
0x5: {  	s9 =	simm.s32 $0x5;
	_ =	strace $0x80000047;
	p1 =	por !p1, !p0  }
0x6: {  	s0 =	ssub.s32 $0x2, s0;
	s9 =	simm.s32 @!p0 $0x0;
	p1 =	por !p1, !p1  }
0x7: {  	s5 =	sshrl.u32 s0, $0x1;
	s29 =	sshll.u32 s9, $0x12;
	s2 =	simm.s32 @!p1 $0x0  }
0x8: {  	s0 =	ssub.s32 s0, s5;
	[smem:$0x7FD] =	sst s9;
	s2 =	ssub.s32 s3, s2  }
0x9: {  	s0 =	smax.u32 s0, $0x1;
	s3 =	sshll.u32 s2, $0x6;
	s7 =	smul.u32 $0x280000, s2  }
0xa: {  	[smem:$0x7FC] =	sst s0;
	s2 =	sshll.u32 s2, $0xA;
	s3 =	sand.u32 $0x1FFFFFC0, s3  }
0xb: {  	s2 =	sand.u32 $0x1FFFFC00, s2;
	s3 =	sadd.s32 s3, s28;
	[smem:$0x7F7] =	sst s7  }
0xc: {  	s4 =	sadd.s32 s29, s7;
	s1 =	sadd.s32 s2, s28;
	s3 =	sadd.s32 $0xE00, s3  }
0xd: {  	s30 =	sshrl.u32 s4, $0x3;
	s1 =	sadd.s32 $0x1200, s1;
	[smem:$0x7F8] =	sst s3  }
0xe: {  	s2 =	sadd.s32 s6, s30;
	[smem:$0x7F9] =	sst s1  }
0xf: {  	[smem:$0x7FA] =	sst s2;
	s31 =	sadd.s32 $0x400, s2  }
0x10: {  	s2 =	simm.s32 $0x0;
	[smem:$0x7FB] =	sst s31  }
.LBB2_1:
0x11: {  	s1 =	sld [smem:$0x7F8]  }
0x12: {  	[smem:$0x7F6] =	sst s2  }
0x13: {  	s0 =	simm.s32 $0x0;
	s25 =	simm.s32 $0x8000;
	s26 =	simm.s32 $0x5  }
0x14: {  	[tilespmem:s25], [sflag:$0x5] =	stream.linear.gather [hbm4b:s1+s0], $0x200, $0x38;
	[tilespmem:$0xA200] =	vst v63  }
0x15: {  	_ =	swait.ge [sflag:s26], $0x200  }
0x16: {  	s28 =	sld [smem:$0x7F9]  }
0x17: {  	[sflag:s26] =	ssyncset.done $0x0  }
0x18: {  	s3 =	simm.s32 $0x8200;
	[sflag:s26] =	ssyncadd.s32 $0xFFFFFE00  }
0x19: {  	[tilespmem:s3], [sflag:$0x5] =	stream.linear.gather [hbm4b:s28+s0], $0x2000, $0x38;
	[tilespmem:$0xA200] =	vst v63  }
0x1a: {  	_ =	swait.ge [sflag:s26], $0x2000  }
0x1b: {  	s29 =	sld [smem:$0x7FA]  }
0x1c: {  	[sflag:s26] =	ssyncset.done $0x0  }
0x1d: {  	s30 =	sld [smem:$0x7FB];
	[sflag:s26] =	ssyncadd.s32 $0xFFFFE000  }
0x1e: {  	[tilespmem:s0], [sflag:$0x1] =	stream.linear.gather [hbm4b:s29+s0], $0x2000, $0x38;
	[tilespmem:$0xA200] =	vst v63  }
0x1f: {  	s31 =	simm.s32 $0x2000;
	s10 =	simm.s32 $0x0  }
0x20: {  	[tilespmem:s31], [sflag:$0x2] =	stream.linear.gather [hbm4b:s30+s0], $0x2000, $0x38;
	[tilespmem:$0xA200] =	vst v63  }
.LBB2_2:
0x21: {  	s0 =	simm.s32 $0x1  }
0x22: {  	_ =	swait.ge [sflag:s0], $0x2000  }
0x23: {  	p1 =	seq.s32 s10, $0x0;
	s1 =	sshll.u32 s10, $0x1;
	[sflag:s0] =	ssyncset.done $0x0  }
0x24: {  	s20 =	simm.s32 $0x20;
	[sflag:s0] =	ssyncadd.s32 $0xFFFFE000;
	s0 =	simm.s32 @!p1 $0x3  }
0x25: {  	s22 =	simm.s32 $0x30;
	s2 =	simm.s32 $0x0;
	_ =	swait.ge @!p1 [sflag:s0], $0x2000  }
0x26: {  	s4 =	simm.s32 $0x100;
	s24 =	simm.s32 $0x10;
	[sflag:s0] =	ssyncset.done @!p1 $0x0  }
0x27: {  	[smem:$0x7F2] =	sst s1;
	s1 =	sand.u32 $0x1E, s1;
	[sflag:s0] =	ssyncadd.s32 @!p1 $0xFFFFE000  }
0x28: {  	s3 =	sand.u32 $0x80, s20;
	s23 =	sand.u32 $0x300, s4;
	s19 =	sshll.u32 s1, $0x8;
	v0 =	vld [tilespmem:$0x8000]  }
0x29: {  	s7 =	sand.u32 $0x80, s24;
	s8 =	sand.u32 $0x80, s22;
	s21 =	sadd.s32 $0x8200, s19;
	v1 =	vld [tilespmem:$0x8010]  }
0x2a: {  	s4 =	sand.u32 $0x50, s24;
	s0 =	sand.u32 $0x60, s20;
	v2 =	vld [tilespmem:$0x8020];
	s3 =	sadd.s32 s3, s21  }
0x2b: {  	[smem:$0x7F3] =	sst s1;
	v3 =	vld [tilespmem:$0x8030];
	s7 =	sadd.s32 s7, s21;
	s0 =	sadd.s32 s0, s3  }
0x2c: {  	s1 =	sand.u32 $0x70, s22;
	s26 =	sadd.s32 s8, s21;
	s4 =	sadd.s32 s4, s7;
	v4 =	vld [tilespmem:s0+$0x0]  }
0x2d: {  	s5 =	sand.u32 $0x1000, s2;
	s1 =	sadd.s32 s1, s26;
	v23 =	vld [tilespmem:s4+$0x0]  }
0x2e: {  	s6 =	simm.s32 $0x0;
	s0 =	sor.u32 s5, s23;
	v25 =	vld [tilespmem:s1+$0x0]  }
0x2f: {  	s25 =	sand.u32 $0x80, s6;
	v5 =	vld [tilespmem:s0+$0x30]  }
0x30: {  	s29 =	simm.s32 $0x80;
	s6 =	sand.u32 $0x40, s6;
	s3 =	sadd.s32 s25, s21;
	v6 =	vld [tilespmem:s0+$0x0]  }
0x31: {  	s28 =	simm.s32 $0x0;
	s3 =	sadd.s32 s6, s3;
	s1 =	sand.u32 $0x280, s29;
	v7 =	vld [tilespmem:s0+$0x10]  }
0x32: {  	v8 =	vld [tilespmem:s3+$0x0];
	s3 =	sand.u32 $0x200, s28;
	s8 =	sor.u32 s5, s1;
	v9 =	vadd.f32 v4, v3  }
0x33: {  	s3 =	sor.u32 s3, s5;
	v13 =	vld [tilespmem:s8+$0x0];
	v11 =	vadd.f32 v4, v0;
	v12 =	vadd.f32 v4, v1  }
0x34: {  	v10 =	vld [tilespmem:s3+$0x0];
	v4 =	vadd.f32 v4, v2;
	v16 =	vadd.f32 v23, v0  }
0x35: {  	v17 =	vld [tilespmem:s3+$0x30];
	v15 =	vadd.f32 v23, v1;
	v14 =	vadd.f32 v23, v2  }
0x36: {  	v5 =	vadd.f32 v5, v9;
	v6 =	vadd.f32 v11, v6;
	v11 =	vld [tilespmem:s3+$0x10]  }
0x37: {  	s30 =	sshrl.u32 s10, $0x4;
	v18 =	vadd.f32 v8, v0;
	v26 =	vadd.f32 v7, v12;
	v12 =	vld [tilespmem:s3+$0x20];
	[smem:$0x7F4] =	sst s10  }
0x38: {  	s4 =	sadd.s32 s9, s30;
	v19 =	vadd.f32 v8, v1;
	v20 =	vadd.f32 v8, v2;
	[tilespmem:s0+$0x4030] =	vst v5  }
0x39: {  	s1 =	simm.s32 $0x180;
	v21 =	vadd.f32 v8, v3;
	v8 =	vadd.f32 v25, v0;
	v22 =	vld [tilespmem:s8+$0x10];
	[smem:$0x7F5] =	sst s4  }
0x3a: {  	s31 =	sand.u32 $0x380, s1;
	v9 =	vadd.f32 v23, v3;
	v7 =	vadd.f32 v25, v1;
	[tilespmem:s0+$0x4000] =	vst v6;
	v24 =	vld [tilespmem:s8+$0x20]  }
0x3b: {  	s9 =	sor.u32 s5, s31;
	s5 =	simm.s32 $0x70;
	v5 =	vadd.f32 v25, v3;
	s4 =	simm.s32 $0x0;
	[tilespmem:s0+$0x4010] =	vst v26;
	v23 =	vld [tilespmem:s8+$0x30];
	v6 =	vadd.f32 v25, v2  }
.LBB2_3:
0x3c: {  	s6 =	sadd.s32 $0xFFFFFFE0, s5;
	s7 =	sadd.s32 $0xFFFFFFF0, s5;
	s4 =	sadd.s32 $0x4, s4;
	v10 =	vadd.f32 v18, v10;
	v11 =	vadd.f32 v11, v19;
	v18 =	vld [tilespmem:s0+$0x20]  }
0x3d: {  	s10 =	sadd.s32 $0xFFFFFFD0, s5;
	v12 =	vadd.f32 v12, v20;
	v17 =	vadd.f32 v17, v21;
	s11 =	sand.u32 $0x80, s7;
	p0 =	slt.u32 s4, $0xC;
	v19 =	vld [tilespmem:s9+$0x0]  }
0x3e: {  	s1 =	sadd.s32 $0x200, s1;
	s7 =	sand.u32 $0x60, s7;
	s11 =	sadd.s32 s11, s21;
	[tilespmem:s3+$0x4000] =	vst v10;
	v10 =	vadd.f32 v16, v13;
	v13 =	vadd.f32 v22, v15;
	v15 =	vld [tilespmem:s9+$0x10]  }
0x3f: {  	s2 =	sadd.s32 $0x800, s2;
	s7 =	sadd.s32 s7, s11;
	s11 =	sadd.s32 $0xFFFFFF80, s1;
	[tilespmem:s3+$0x4010] =	vst v11;
	v11 =	vadd.f32 v24, v14;
	v14 =	vld [tilespmem:s9+$0x20]  }
0x40: {  	s12 =	sand.u32 $0x80, s10;
	s13 =	sand.u32 $0x1000, s2;
	v16 =	vld [tilespmem:s7+$0x0];
	s7 =	sand.u32 $0x300, s11;
	[tilespmem:s3+$0x4020] =	vst v12;
	v9 =	vadd.f32 v23, v9  }
0x41: {  	s14 =	sand.u32 $0x80, s5;
	s11 =	sand.u32 $0x80, s6;
	s7 =	sor.u32 s13, s7;
	[tilespmem:s3+$0x4030] =	vst v17;
	v12 =	vadd.f32 v18, v4;
	v17 =	vld [tilespmem:s9+$0x30]  }
0x42: {  	s3 =	sand.u32 $0x40, s10;
	s10 =	sadd.s32 s12, s21;
	s11 =	sadd.s32 s11, s21;
	v18 =	vld [tilespmem:s7+$0x30];
	[tilespmem:s8+$0x4000] =	vst v10;
	v8 =	vadd.f32 v8, v19  }
0x43: {  	s14 =	sadd.s32 s14, s21;
	s6 =	sand.u32 $0x50, s6;
	s12 =	sand.u32 $0x70, s5;
	v19 =	vld [tilespmem:s7+$0x0];
	[tilespmem:s8+$0x4010] =	vst v13;
	v7 =	vadd.f32 v15, v7  }
0x44: {  	s3 =	sadd.s32 s3, s10;
	s6 =	sadd.s32 s6, s11;
	s10 =	sadd.s32 s12, s14;
	v13 =	vld [tilespmem:s7+$0x10];
	[tilespmem:s8+$0x4020] =	vst v11;
	v6 =	vadd.f32 v14, v6  }
0x45: {  	s11 =	sadd.s32 $0xFFFFFF00, s1;
	s12 =	sand.u32 $0x380, s1;
	v14 =	vld [tilespmem:s3+$0x0];
	s3 =	sadd.s32 $0xFFFFFE80, s1;
	v11 =	vadd.f32 v16, v0;
	v10 =	vadd.f32 v16, v3;
	[tilespmem:s8+$0x4030] =	vst v9  }
0x46: {  	v15 =	vadd.f32 v16, v1;
	v4 =	vadd.f32 v16, v2;
	s3 =	sand.u32 $0x200, s3;
	v9 =	vld [tilespmem:s6+$0x0];
	s6 =	sand.u32 $0x280, s11;
	s11 =	sor.u32 s13, s12;
	[tilespmem:s0+$0x4020] =	vst v12  }
0x47: {  	v5 =	vadd.f32 v17, v5;
	s0 =	smov.u32 s7;
	s3 =	sor.u32 s3, s13;
	s8 =	sor.u32 s13, s6;
	v12 =	vadd.f32 v18, v10;
	v25 =	vld [tilespmem:s10+$0x0];
	[tilespmem:s9+$0x4000] =	vst v8  }
0x48: {  	v10 =	vld [tilespmem:s3+$0x0];
	v8 =	vadd.f32 v11, v19;
	[tilespmem:s9+$0x4010] =	vst v7  }
0x49: {  	v11 =	vld [tilespmem:s3+$0x10];
	v7 =	vadd.f32 v13, v15;
	[tilespmem:s0+$0x4030] =	vst v12  }
0x4a: {  	v18 =	vadd.f32 v14, v0;
	v19 =	vadd.f32 v14, v1;
	v12 =	vld [tilespmem:s3+$0x20];
	[tilespmem:s0+$0x4000] =	vst v8  }
.Ltmp0:
0x4b: {  	v20 =	vadd.f32 v14, v2;
	v21 =	vadd.f32 v14, v3;
	v17 =	vld [tilespmem:s3+$0x30];
	[tilespmem:s0+$0x4010] =	vst v7;
	(pc) =	sbr.rel @p0 .LBB2_3-.Ltmp0, $4  }
0x4c: {  	v16 =	vadd.f32 v9, v0;
	v15 =	vadd.f32 v9, v1;
	v13 =	vld [tilespmem:s8+$0x0];
	[tilespmem:s9+$0x4020] =	vst v6  }
0x4d: {  	v14 =	vadd.f32 v9, v2;
	v9 =	vadd.f32 v9, v3;
	v22 =	vld [tilespmem:s8+$0x10];
	[tilespmem:s9+$0x4030] =	vst v5;
	s9 =	smov.u32 s11  }
0x4e: {  	v8 =	vadd.f32 v25, v0;
	v7 =	vadd.f32 v25, v1;
	v24 =	vld [tilespmem:s8+$0x20]  }
0x4f: {  	s5 =	sadd.s32 $0x40, s5;
	v6 =	vadd.f32 v25, v2;
	v5 =	vadd.f32 v25, v3;
	v23 =	vld [tilespmem:s8+$0x30]  }
0x50: {  	v0 =	vadd.f32 v18, v10  }
0x51: {  	v1 =	vadd.f32 v11, v19  }
0x52: {  	v2 =	vadd.f32 v12, v20;
	[tilespmem:s3+$0x4000] =	vst v0  }
0x53: {  	v3 =	vadd.f32 v17, v21;
	v11 =	vld [tilespmem:s9+$0x10];
	[tilespmem:s3+$0x4010] =	vst v1  }
0x54: {  	v10 =	vadd.f32 v16, v13;
	v0 =	vld [tilespmem:s0+$0x20];
	[tilespmem:s3+$0x4020] =	vst v2  }
0x55: {  	v1 =	vld [tilespmem:s9+$0x0];
	v2 =	vadd.f32 v22, v15;
	[tilespmem:s3+$0x4030] =	vst v3  }
0x56: {  	v12 =	vld [tilespmem:s9+$0x20];
	v3 =	vadd.f32 v24, v14;
	[tilespmem:s8+$0x4000] =	vst v10  }
0x57: {  	v10 =	vld [tilespmem:s9+$0x30];
	v9 =	vadd.f32 v23, v9;
	[tilespmem:s8+$0x4010] =	vst v2  }
0x58: {  	[tilespmem:s8+$0x4020] =	vst v3;
	v2 =	vadd.f32 v11, v7  }
0x59: {  	[tilespmem:s8+$0x4030] =	vst v9;
	v0 =	vadd.f32 v0, v4  }
0x5a: {  	v1 =	vadd.f32 v8, v1;
	[tilespmem:s9+$0x4010] =	vst v2  }
0x5b: {  	[tilespmem:s0+$0x4020] =	vst v0;
	v0 =	vadd.f32 v12, v6  }
0x5c: {  	[tilespmem:s9+$0x4000] =	vst v1;
	v1 =	vadd.f32 v10, v5  }
0x5d: {  	s20 =	simm.s32 $0x20;
	[tilespmem:s9+$0x4020] =	vst v0  }
0x5e: {  	s1 =	simm.s32 $0x30;
	s2 =	simm.s32 $0x0;
	s4 =	simm.s32 $0x100;
	[tilespmem:s9+$0x4030] =	vst v1  }
0x5f: {  	s24 =	simm.s32 $0x10;
	s6 =	simm.s32 $0x0;
	s22 =	sand.u32 $0x80, s20;
	v0 =	vld [tilespmem:$0x8040]  }
0x60: {  	s23 =	sand.u32 $0x300, s4;
	s25 =	sand.u32 $0x80, s6;
	s7 =	sand.u32 $0x80, s24;
	v1 =	vld [tilespmem:$0x8050]  }
0x61: {  	s26 =	sand.u32 $0x80, s1;
	s3 =	sadd.s32 s22, s21;
	s0 =	sand.u32 $0x60, s20;
	v2 =	vld [tilespmem:$0x8060]  }
0x62: {  	s6 =	sand.u32 $0x40, s6;
	s0 =	sadd.s32 s0, s3;
	s3 =	sadd.s32 s25, s21;
	v3 =	vld [tilespmem:$0x8070]  }
0x63: {  	s4 =	sand.u32 $0x50, s24;
	s7 =	sadd.s32 s7, s21;
	s3 =	sadd.s32 s6, s3;
	v4 =	vld [tilespmem:s0+$0x0]  }
0x64: {  	s1 =	sand.u32 $0x70, s1;
	s28 =	sadd.s32 s26, s21;
	s4 =	sadd.s32 s4, s7;
	v8 =	vld [tilespmem:s3+$0x0]  }
0x65: {  	s5 =	sand.u32 $0x1000, s2;
	s1 =	sadd.s32 s1, s28;
	v22 =	vld [tilespmem:s4+$0x0]  }
0x66: {  	s0 =	sor.u32 s5, s23;
	v25 =	vld [tilespmem:s1+$0x0]  }
0x67: {  	s29 =	simm.s32 $0x0;
	v5 =	vld [tilespmem:s0+$0x70]  }
0x68: {  	s3 =	sand.u32 $0x200, s29;
	v6 =	vld [tilespmem:s0+$0x40];
	v9 =	vadd.f32 v4, v3  }
0x69: {  	v7 =	vld [tilespmem:s0+$0x50];
	s3 =	sor.u32 s3, s5;
	v11 =	vadd.f32 v4, v0;
	v12 =	vadd.f32 v4, v1  }
0x6a: {  	v10 =	vld [tilespmem:s3+$0x40];
	v4 =	vadd.f32 v4, v2;
	v18 =	vadd.f32 v8, v0  }
0x6b: {  	s30 =	simm.s32 $0x80;
	v13 =	vld [tilespmem:s3+$0x60];
	v19 =	vadd.f32 v8, v1;
	v20 =	vadd.f32 v8, v2  }
0x6c: {  	s1 =	sand.u32 $0x280, s30;
	v17 =	vld [tilespmem:s3+$0x70];
	v21 =	vadd.f32 v8, v3;
	v16 =	vadd.f32 v22, v0  }
0x6d: {  	s9 =	sor.u32 s5, s1;
	v5 =	vadd.f32 v5, v9;
	v6 =	vadd.f32 v11, v6;
	v11 =	vld [tilespmem:s3+$0x50]  }
0x6e: {  	v14 =	vld [tilespmem:s9+$0x40];
	v15 =	vadd.f32 v22, v1;
	v8 =	vadd.f32 v25, v0  }
0x6f: {  	s1 =	simm.s32 $0x180;
	v23 =	vld [tilespmem:s9+$0x50];
	v26 =	vadd.f32 v7, v12;
	v12 =	vadd.f32 v22, v2;
	[tilespmem:s0+$0x4070] =	vst v5  }
0x70: {  	s31 =	sand.u32 $0x380, s1;
	v24 =	vld [tilespmem:s9+$0x60];
	v9 =	vadd.f32 v22, v3;
	v7 =	vadd.f32 v25, v1;
	[tilespmem:s0+$0x4040] =	vst v6  }
0x71: {  	s4 =	simm.s32 $0x0;
	s8 =	sor.u32 s5, s31;
	s5 =	simm.s32 $0x70;
	v22 =	vld [tilespmem:s9+$0x70];
	[tilespmem:s0+$0x4050] =	vst v26;
	v6 =	vadd.f32 v25, v2;
	v5 =	vadd.f32 v25, v3  }
.LBB2_5:
0x72: {  	s6 =	sadd.s32 $0xFFFFFFE0, s5;
	s7 =	sadd.s32 $0xFFFFFFF0, s5;
	s4 =	sadd.s32 $0x4, s4;
	v10 =	vadd.f32 v18, v10;
	v11 =	vadd.f32 v11, v19;
	v18 =	vld [tilespmem:s0+$0x60]  }
0x73: {  	s10 =	sadd.s32 $0xFFFFFFD0, s5;
	v13 =	vadd.f32 v13, v20;
	v17 =	vadd.f32 v17, v21;
	s11 =	sand.u32 $0x80, s7;
	p0 =	slt.u32 s4, $0xC;
	v19 =	vld [tilespmem:s8+$0x40]  }
0x74: {  	s1 =	sadd.s32 $0x200, s1;
	s7 =	sand.u32 $0x60, s7;
	s11 =	sadd.s32 s11, s21;
	[tilespmem:s3+$0x4040] =	vst v10;
	v10 =	vadd.f32 v16, v14;
	v14 =	vadd.f32 v23, v15;
	v15 =	vld [tilespmem:s8+$0x50]  }
0x75: {  	s2 =	sadd.s32 $0x800, s2;
	s7 =	sadd.s32 s7, s11;
	s11 =	sadd.s32 $0xFFFFFF80, s1;
	[tilespmem:s3+$0x4050] =	vst v11;
	v11 =	vadd.f32 v24, v12;
	v12 =	vld [tilespmem:s8+$0x60]  }
0x76: {  	s12 =	sand.u32 $0x80, s10;
	s13 =	sand.u32 $0x1000, s2;
	v16 =	vld [tilespmem:s7+$0x0];
	s7 =	sand.u32 $0x300, s11;
	[tilespmem:s3+$0x4060] =	vst v13;
	v9 =	vadd.f32 v22, v9  }
0x77: {  	s14 =	sand.u32 $0x80, s5;
	s11 =	sand.u32 $0x80, s6;
	s7 =	sor.u32 s13, s7;
	[tilespmem:s3+$0x4070] =	vst v17;
	v13 =	vadd.f32 v18, v4;
	v17 =	vld [tilespmem:s8+$0x70]  }
0x78: {  	s3 =	sand.u32 $0x40, s10;
	s10 =	sadd.s32 s12, s21;
	s11 =	sadd.s32 s11, s21;
	v18 =	vld [tilespmem:s7+$0x70];
	[tilespmem:s9+$0x4040] =	vst v10;
	v8 =	vadd.f32 v8, v19  }
0x79: {  	s14 =	sadd.s32 s14, s21;
	s6 =	sand.u32 $0x50, s6;
	s12 =	sand.u32 $0x70, s5;
	v19 =	vld [tilespmem:s7+$0x40];
	[tilespmem:s9+$0x4050] =	vst v14;
	v7 =	vadd.f32 v15, v7  }
0x7a: {  	s3 =	sadd.s32 s3, s10;
	s6 =	sadd.s32 s6, s11;
	s10 =	sadd.s32 s12, s14;
	v14 =	vld [tilespmem:s7+$0x50];
	[tilespmem:s9+$0x4060] =	vst v11;
	v6 =	vadd.f32 v12, v6  }
0x7b: {  	s11 =	sadd.s32 $0xFFFFFF00, s1;
	s12 =	sand.u32 $0x380, s1;
	v12 =	vld [tilespmem:s3+$0x0];
	s3 =	sadd.s32 $0xFFFFFE80, s1;
	v11 =	vadd.f32 v16, v0;
	v10 =	vadd.f32 v16, v3;
	[tilespmem:s9+$0x4070] =	vst v9  }
0x7c: {  	v15 =	vadd.f32 v16, v1;
	v4 =	vadd.f32 v16, v2;
	s3 =	sand.u32 $0x200, s3;
	v9 =	vld [tilespmem:s6+$0x0];
	s6 =	sand.u32 $0x280, s11;
	s11 =	sor.u32 s13, s12;
	[tilespmem:s0+$0x4060] =	vst v13  }
0x7d: {  	v5 =	vadd.f32 v17, v5;
	s0 =	smov.u32 s7;
	s3 =	sor.u32 s3, s13;
	s9 =	sor.u32 s13, s6;
	v13 =	vadd.f32 v18, v10;
	v25 =	vld [tilespmem:s10+$0x0];
	[tilespmem:s8+$0x4040] =	vst v8  }
0x7e: {  	v10 =	vld [tilespmem:s3+$0x40];
	v8 =	vadd.f32 v11, v19;
	[tilespmem:s8+$0x4050] =	vst v7  }
0x7f: {  	v11 =	vld [tilespmem:s3+$0x50];
	v7 =	vadd.f32 v14, v15;
	[tilespmem:s0+$0x4070] =	vst v13  }
0x80: {  	v18 =	vadd.f32 v12, v0;
	v19 =	vadd.f32 v12, v1;
	v13 =	vld [tilespmem:s3+$0x60];
	[tilespmem:s0+$0x4040] =	vst v8  }
.Ltmp1:
0x81: {  	v20 =	vadd.f32 v12, v2;
	v21 =	vadd.f32 v12, v3;
	v17 =	vld [tilespmem:s3+$0x70];
	[tilespmem:s0+$0x4050] =	vst v7;
	(pc) =	sbr.rel @p0 .LBB2_5-.Ltmp1, $4  }
0x82: {  	v16 =	vadd.f32 v9, v0;
	v15 =	vadd.f32 v9, v1;
	v14 =	vld [tilespmem:s9+$0x40];
	[tilespmem:s8+$0x4060] =	vst v6  }
0x83: {  	v12 =	vadd.f32 v9, v2;
	v9 =	vadd.f32 v9, v3;
	v23 =	vld [tilespmem:s9+$0x50];
	[tilespmem:s8+$0x4070] =	vst v5;
	s8 =	smov.u32 s11  }
0x84: {  	v8 =	vadd.f32 v25, v0;
	v7 =	vadd.f32 v25, v1;
	v24 =	vld [tilespmem:s9+$0x60]  }
0x85: {  	s5 =	sadd.s32 $0x40, s5;
	v6 =	vadd.f32 v25, v2;
	v5 =	vadd.f32 v25, v3;
	v22 =	vld [tilespmem:s9+$0x70]  }
0x86: {  	v0 =	vadd.f32 v18, v10  }
0x87: {  	v1 =	vadd.f32 v11, v19  }
0x88: {  	v2 =	vadd.f32 v13, v20;
	[tilespmem:s3+$0x4040] =	vst v0  }
0x89: {  	v3 =	vadd.f32 v17, v21;
	v11 =	vld [tilespmem:s8+$0x50];
	[tilespmem:s3+$0x4050] =	vst v1  }
0x8a: {  	v10 =	vadd.f32 v16, v14;
	v0 =	vld [tilespmem:s0+$0x60];
	[tilespmem:s3+$0x4060] =	vst v2  }
0x8b: {  	v1 =	vld [tilespmem:s8+$0x40];
	v2 =	vadd.f32 v23, v15;
	[tilespmem:s3+$0x4070] =	vst v3  }
0x8c: {  	v3 =	vadd.f32 v24, v12;
	v12 =	vld [tilespmem:s8+$0x60];
	[tilespmem:s9+$0x4040] =	vst v10  }
0x8d: {  	v10 =	vld [tilespmem:s8+$0x70];
	v9 =	vadd.f32 v22, v9;
	[tilespmem:s9+$0x4050] =	vst v2  }
0x8e: {  	[tilespmem:s9+$0x4060] =	vst v3;
	v2 =	vadd.f32 v11, v7  }
0x8f: {  	[tilespmem:s9+$0x4070] =	vst v9;
	v0 =	vadd.f32 v0, v4  }
0x90: {  	v1 =	vadd.f32 v8, v1;
	[tilespmem:s8+$0x4050] =	vst v2  }
0x91: {  	[tilespmem:s0+$0x4060] =	vst v0;
	v0 =	vadd.f32 v12, v6  }
0x92: {  	[tilespmem:s8+$0x4040] =	vst v1;
	v1 =	vadd.f32 v10, v5  }
0x93: {  	s20 =	simm.s32 $0x20;
	[tilespmem:s8+$0x4060] =	vst v0  }
0x94: {  	s1 =	simm.s32 $0x30;
	s2 =	simm.s32 $0x0;
	s4 =	simm.s32 $0x100;
	[tilespmem:s8+$0x4070] =	vst v1  }
0x95: {  	s24 =	simm.s32 $0x10;
	s6 =	simm.s32 $0x0;
	s22 =	sand.u32 $0x80, s20;
	v0 =	vld [tilespmem:$0x8080]  }
0x96: {  	s23 =	sand.u32 $0x300, s4;
	s25 =	sand.u32 $0x80, s6;
	s7 =	sand.u32 $0x80, s24;
	v1 =	vld [tilespmem:$0x8090]  }
0x97: {  	s26 =	sand.u32 $0x80, s1;
	s3 =	sadd.s32 s22, s21;
	s0 =	sand.u32 $0x60, s20;
	v2 =	vld [tilespmem:$0x80A0]  }
0x98: {  	s6 =	sand.u32 $0x40, s6;
	s0 =	sadd.s32 s0, s3;
	s3 =	sadd.s32 s25, s21;
	v3 =	vld [tilespmem:$0x80B0]  }
0x99: {  	s4 =	sand.u32 $0x50, s24;
	s7 =	sadd.s32 s7, s21;
	s3 =	sadd.s32 s6, s3;
	v4 =	vld [tilespmem:s0+$0x0]  }
0x9a: {  	s1 =	sand.u32 $0x70, s1;
	s28 =	sadd.s32 s26, s21;
	s4 =	sadd.s32 s4, s7;
	v8 =	vld [tilespmem:s3+$0x0]  }
0x9b: {  	s5 =	sand.u32 $0x1000, s2;
	s1 =	sadd.s32 s1, s28;
	v22 =	vld [tilespmem:s4+$0x0]  }
0x9c: {  	s0 =	sor.u32 s5, s23;
	v25 =	vld [tilespmem:s1+$0x0]  }
0x9d: {  	s29 =	simm.s32 $0x0;
	v5 =	vld [tilespmem:s0+$0x430]  }
0x9e: {  	s3 =	sand.u32 $0x200, s29;
	v6 =	vld [tilespmem:s0+$0x400];
	v9 =	vadd.f32 v4, v3  }
0x9f: {  	v7 =	vld [tilespmem:s0+$0x410];
	s3 =	sor.u32 s3, s5;
	v11 =	vadd.f32 v4, v0;
	v12 =	vadd.f32 v4, v1  }
0xa0: {  	v10 =	vld [tilespmem:s3+$0x400];
	v4 =	vadd.f32 v4, v2;
	v18 =	vadd.f32 v8, v0  }
0xa1: {  	s30 =	simm.s32 $0x80;
	v13 =	vld [tilespmem:s3+$0x420];
	v19 =	vadd.f32 v8, v1;
	v20 =	vadd.f32 v8, v2  }
0xa2: {  	s1 =	sand.u32 $0x280, s30;
	v17 =	vld [tilespmem:s3+$0x430];
	v21 =	vadd.f32 v8, v3;
	v16 =	vadd.f32 v22, v0  }
0xa3: {  	s9 =	sor.u32 s5, s1;
	v5 =	vadd.f32 v5, v9;
	v6 =	vadd.f32 v11, v6;
	v11 =	vld [tilespmem:s3+$0x410]  }
0xa4: {  	v14 =	vld [tilespmem:s9+$0x400];
	v15 =	vadd.f32 v22, v1;
	v8 =	vadd.f32 v25, v0  }
0xa5: {  	s1 =	simm.s32 $0x180;
	v23 =	vld [tilespmem:s9+$0x410];
	v26 =	vadd.f32 v7, v12;
	v12 =	vadd.f32 v22, v2;
	[tilespmem:s0+$0x4430] =	vst v5  }
0xa6: {  	s31 =	sand.u32 $0x380, s1;
	v24 =	vld [tilespmem:s9+$0x420];
	v9 =	vadd.f32 v22, v3;
	v7 =	vadd.f32 v25, v1;
	[tilespmem:s0+$0x4400] =	vst v6  }
0xa7: {  	s4 =	simm.s32 $0x0;
	s8 =	sor.u32 s5, s31;
	s5 =	simm.s32 $0x70;
	v22 =	vld [tilespmem:s9+$0x430];
	[tilespmem:s0+$0x4410] =	vst v26;
	v6 =	vadd.f32 v25, v2;
	v5 =	vadd.f32 v25, v3  }
.LBB2_7:
0xa8: {  	s6 =	sadd.s32 $0xFFFFFFE0, s5;
	s7 =	sadd.s32 $0xFFFFFFF0, s5;
	s4 =	sadd.s32 $0x4, s4;
	v10 =	vadd.f32 v18, v10;
	v11 =	vadd.f32 v11, v19;
	v18 =	vld [tilespmem:s0+$0x420]  }
0xa9: {  	s10 =	sadd.s32 $0xFFFFFFD0, s5;
	v13 =	vadd.f32 v13, v20;
	v17 =	vadd.f32 v17, v21;
	s11 =	sand.u32 $0x80, s7;
	p0 =	slt.u32 s4, $0xC;
	v19 =	vld [tilespmem:s8+$0x400]  }
0xaa: {  	s1 =	sadd.s32 $0x200, s1;
	s7 =	sand.u32 $0x60, s7;
	s11 =	sadd.s32 s11, s21;
	[tilespmem:s3+$0x4400] =	vst v10;
	v10 =	vadd.f32 v16, v14;
	v14 =	vadd.f32 v23, v15;
	v15 =	vld [tilespmem:s8+$0x410]  }
0xab: {  	s2 =	sadd.s32 $0x800, s2;
	s7 =	sadd.s32 s7, s11;
	s11 =	sadd.s32 $0xFFFFFF80, s1;
	[tilespmem:s3+$0x4410] =	vst v11;
	v11 =	vadd.f32 v24, v12;
	v12 =	vld [tilespmem:s8+$0x420]  }
0xac: {  	s12 =	sand.u32 $0x80, s10;
	s13 =	sand.u32 $0x1000, s2;
	v16 =	vld [tilespmem:s7+$0x0];
	s7 =	sand.u32 $0x300, s11;
	[tilespmem:s3+$0x4420] =	vst v13;
	v9 =	vadd.f32 v22, v9  }
0xad: {  	s14 =	sand.u32 $0x80, s5;
	s11 =	sand.u32 $0x80, s6;
	s7 =	sor.u32 s13, s7;
	[tilespmem:s3+$0x4430] =	vst v17;
	v13 =	vadd.f32 v18, v4;
	v17 =	vld [tilespmem:s8+$0x430]  }
0xae: {  	s3 =	sand.u32 $0x40, s10;
	s10 =	sadd.s32 s12, s21;
	s11 =	sadd.s32 s11, s21;
	v18 =	vld [tilespmem:s7+$0x430];
	[tilespmem:s9+$0x4400] =	vst v10;
	v8 =	vadd.f32 v8, v19  }
0xaf: {  	s14 =	sadd.s32 s14, s21;
	s6 =	sand.u32 $0x50, s6;
	s12 =	sand.u32 $0x70, s5;
	v19 =	vld [tilespmem:s7+$0x400];
	[tilespmem:s9+$0x4410] =	vst v14;
	v7 =	vadd.f32 v15, v7  }
0xb0: {  	s3 =	sadd.s32 s3, s10;
	s6 =	sadd.s32 s6, s11;
	s10 =	sadd.s32 s12, s14;
	v14 =	vld [tilespmem:s7+$0x410];
	[tilespmem:s9+$0x4420] =	vst v11;
	v6 =	vadd.f32 v12, v6  }
0xb1: {  	s11 =	sadd.s32 $0xFFFFFF00, s1;
	s12 =	sand.u32 $0x380, s1;
	v12 =	vld [tilespmem:s3+$0x0];
	s3 =	sadd.s32 $0xFFFFFE80, s1;
	v11 =	vadd.f32 v16, v0;
	v10 =	vadd.f32 v16, v3;
	[tilespmem:s9+$0x4430] =	vst v9  }
0xb2: {  	v15 =	vadd.f32 v16, v1;
	v4 =	vadd.f32 v16, v2;
	s3 =	sand.u32 $0x200, s3;
	v9 =	vld [tilespmem:s6+$0x0];
	s6 =	sand.u32 $0x280, s11;
	s11 =	sor.u32 s13, s12;
	[tilespmem:s0+$0x4420] =	vst v13  }
0xb3: {  	v5 =	vadd.f32 v17, v5;
	s0 =	smov.u32 s7;
	s3 =	sor.u32 s3, s13;
	s9 =	sor.u32 s13, s6;
	v13 =	vadd.f32 v18, v10;
	v25 =	vld [tilespmem:s10+$0x0];
	[tilespmem:s8+$0x4400] =	vst v8  }
0xb4: {  	v10 =	vld [tilespmem:s3+$0x400];
	v8 =	vadd.f32 v11, v19;
	[tilespmem:s8+$0x4410] =	vst v7  }
0xb5: {  	v11 =	vld [tilespmem:s3+$0x410];
	v7 =	vadd.f32 v14, v15;
	[tilespmem:s0+$0x4430] =	vst v13  }
0xb6: {  	v18 =	vadd.f32 v12, v0;
	v19 =	vadd.f32 v12, v1;
	v13 =	vld [tilespmem:s3+$0x420];
	[tilespmem:s0+$0x4400] =	vst v8  }
.Ltmp2:
0xb7: {  	v20 =	vadd.f32 v12, v2;
	v21 =	vadd.f32 v12, v3;
	v17 =	vld [tilespmem:s3+$0x430];
	[tilespmem:s0+$0x4410] =	vst v7;
	(pc) =	sbr.rel @p0 .LBB2_7-.Ltmp2, $4  }
0xb8: {  	v16 =	vadd.f32 v9, v0;
	v15 =	vadd.f32 v9, v1;
	v14 =	vld [tilespmem:s9+$0x400];
	[tilespmem:s8+$0x4420] =	vst v6  }
0xb9: {  	v12 =	vadd.f32 v9, v2;
	v9 =	vadd.f32 v9, v3;
	v23 =	vld [tilespmem:s9+$0x410];
	[tilespmem:s8+$0x4430] =	vst v5;
	s8 =	smov.u32 s11  }
0xba: {  	v8 =	vadd.f32 v25, v0;
	v7 =	vadd.f32 v25, v1;
	v24 =	vld [tilespmem:s9+$0x420]  }
0xbb: {  	s5 =	sadd.s32 $0x40, s5;
	v6 =	vadd.f32 v25, v2;
	v5 =	vadd.f32 v25, v3;
	v22 =	vld [tilespmem:s9+$0x430]  }
0xbc: {  	v0 =	vadd.f32 v18, v10  }
0xbd: {  	v1 =	vadd.f32 v11, v19  }
0xbe: {  	v2 =	vadd.f32 v13, v20;
	[tilespmem:s3+$0x4400] =	vst v0  }
0xbf: {  	v3 =	vadd.f32 v17, v21;
	v11 =	vld [tilespmem:s8+$0x410];
	[tilespmem:s3+$0x4410] =	vst v1  }
0xc0: {  	v10 =	vadd.f32 v16, v14;
	v0 =	vld [tilespmem:s0+$0x420];
	[tilespmem:s3+$0x4420] =	vst v2  }
0xc1: {  	v1 =	vld [tilespmem:s8+$0x400];
	v2 =	vadd.f32 v23, v15;
	[tilespmem:s3+$0x4430] =	vst v3  }
0xc2: {  	v3 =	vadd.f32 v24, v12;
	v12 =	vld [tilespmem:s8+$0x420];
	[tilespmem:s9+$0x4400] =	vst v10  }
0xc3: {  	v10 =	vld [tilespmem:s8+$0x430];
	v9 =	vadd.f32 v22, v9;
	[tilespmem:s9+$0x4410] =	vst v2  }
0xc4: {  	[tilespmem:s9+$0x4420] =	vst v3;
	v2 =	vadd.f32 v11, v7  }
0xc5: {  	[tilespmem:s9+$0x4430] =	vst v9;
	v0 =	vadd.f32 v0, v4  }
0xc6: {  	v1 =	vadd.f32 v8, v1;
	[tilespmem:s8+$0x4410] =	vst v2  }
0xc7: {  	[tilespmem:s0+$0x4420] =	vst v0;
	v0 =	vadd.f32 v12, v6  }
0xc8: {  	[tilespmem:s8+$0x4400] =	vst v1;
	v1 =	vadd.f32 v10, v5  }
0xc9: {  	s20 =	simm.s32 $0x20;
	[tilespmem:s8+$0x4420] =	vst v0  }
0xca: {  	s1 =	simm.s32 $0x30;
	s2 =	simm.s32 $0x0;
	s4 =	simm.s32 $0x100;
	[tilespmem:s8+$0x4430] =	vst v1  }
0xcb: {  	s24 =	simm.s32 $0x10;
	s6 =	simm.s32 $0x0;
	s22 =	sand.u32 $0x80, s20;
	v0 =	vld [tilespmem:$0x80C0]  }
0xcc: {  	s23 =	sand.u32 $0x300, s4;
	s25 =	sand.u32 $0x80, s6;
	s7 =	sand.u32 $0x80, s24;
	v1 =	vld [tilespmem:$0x80D0]  }
0xcd: {  	s26 =	sand.u32 $0x80, s1;
	s3 =	sadd.s32 s22, s21;
	s0 =	sand.u32 $0x60, s20;
	v2 =	vld [tilespmem:$0x80E0]  }
0xce: {  	s6 =	sand.u32 $0x40, s6;
	s0 =	sadd.s32 s0, s3;
	s3 =	sadd.s32 s25, s21;
	v3 =	vld [tilespmem:$0x80F0]  }
0xcf: {  	s4 =	sand.u32 $0x50, s24;
	s7 =	sadd.s32 s7, s21;
	s3 =	sadd.s32 s6, s3;
	v4 =	vld [tilespmem:s0+$0x0]  }
0xd0: {  	s1 =	sand.u32 $0x70, s1;
	s28 =	sadd.s32 s26, s21;
	s4 =	sadd.s32 s4, s7;
	v8 =	vld [tilespmem:s3+$0x0]  }
0xd1: {  	s5 =	sand.u32 $0x1000, s2;
	s1 =	sadd.s32 s1, s28;
	v22 =	vld [tilespmem:s4+$0x0]  }
0xd2: {  	s0 =	sor.u32 s5, s23;
	v25 =	vld [tilespmem:s1+$0x0]  }
0xd3: {  	s29 =	simm.s32 $0x0;
	v5 =	vld [tilespmem:s0+$0x470]  }
0xd4: {  	s3 =	sand.u32 $0x200, s29;
	v6 =	vld [tilespmem:s0+$0x440];
	v9 =	vadd.f32 v4, v3  }
0xd5: {  	v7 =	vld [tilespmem:s0+$0x450];
	s3 =	sor.u32 s3, s5;
	v11 =	vadd.f32 v4, v0;
	v12 =	vadd.f32 v4, v1  }
0xd6: {  	v10 =	vld [tilespmem:s3+$0x440];
	v4 =	vadd.f32 v4, v2;
	v18 =	vadd.f32 v8, v0  }
0xd7: {  	s30 =	simm.s32 $0x80;
	v13 =	vld [tilespmem:s3+$0x460];
	v19 =	vadd.f32 v8, v1;
	v20 =	vadd.f32 v8, v2  }
0xd8: {  	s1 =	sand.u32 $0x280, s30;
	v17 =	vld [tilespmem:s3+$0x470];
	v21 =	vadd.f32 v8, v3;
	v16 =	vadd.f32 v22, v0  }
0xd9: {  	s8 =	sor.u32 s5, s1;
	v5 =	vadd.f32 v5, v9;
	v6 =	vadd.f32 v11, v6;
	v11 =	vld [tilespmem:s3+$0x450]  }
0xda: {  	v14 =	vld [tilespmem:s8+$0x440];
	v15 =	vadd.f32 v22, v1;
	v8 =	vadd.f32 v25, v0  }
0xdb: {  	s1 =	simm.s32 $0x180;
	v23 =	vld [tilespmem:s8+$0x450];
	v26 =	vadd.f32 v7, v12;
	v12 =	vadd.f32 v22, v2;
	[tilespmem:s0+$0x4470] =	vst v5  }
0xdc: {  	s31 =	sand.u32 $0x380, s1;
	v24 =	vld [tilespmem:s8+$0x460];
	v9 =	vadd.f32 v22, v3;
	v7 =	vadd.f32 v25, v1;
	[tilespmem:s0+$0x4440] =	vst v6  }
0xdd: {  	s4 =	simm.s32 $0x0;
	s9 =	sor.u32 s5, s31;
	s5 =	simm.s32 $0x70;
	v22 =	vld [tilespmem:s8+$0x470];
	[tilespmem:s0+$0x4450] =	vst v26;
	v6 =	vadd.f32 v25, v2;
	v5 =	vadd.f32 v25, v3  }
.LBB2_9:
0xde: {  	s6 =	sadd.s32 $0xFFFFFFE0, s5;
	s7 =	sadd.s32 $0xFFFFFFF0, s5;
	s4 =	sadd.s32 $0x4, s4;
	v10 =	vadd.f32 v18, v10;
	v11 =	vadd.f32 v11, v19;
	v18 =	vld [tilespmem:s0+$0x460]  }
0xdf: {  	s10 =	sadd.s32 $0xFFFFFFD0, s5;
	v13 =	vadd.f32 v13, v20;
	v17 =	vadd.f32 v17, v21;
	s11 =	sand.u32 $0x80, s7;
	p0 =	slt.u32 s4, $0xC;
	v19 =	vld [tilespmem:s9+$0x440]  }
0xe0: {  	s1 =	sadd.s32 $0x200, s1;
	s7 =	sand.u32 $0x60, s7;
	s11 =	sadd.s32 s11, s21;
	[tilespmem:s3+$0x4440] =	vst v10;
	v10 =	vadd.f32 v16, v14;
	v14 =	vadd.f32 v23, v15;
	v15 =	vld [tilespmem:s9+$0x450]  }
0xe1: {  	s2 =	sadd.s32 $0x800, s2;
	s7 =	sadd.s32 s7, s11;
	s11 =	sadd.s32 $0xFFFFFF80, s1;
	[tilespmem:s3+$0x4450] =	vst v11;
	v11 =	vadd.f32 v24, v12;
	v12 =	vld [tilespmem:s9+$0x460]  }
0xe2: {  	s12 =	sand.u32 $0x80, s10;
	s13 =	sand.u32 $0x1000, s2;
	v16 =	vld [tilespmem:s7+$0x0];
	s7 =	sand.u32 $0x300, s11;
	[tilespmem:s3+$0x4460] =	vst v13;
	v9 =	vadd.f32 v22, v9  }
0xe3: {  	s14 =	sand.u32 $0x80, s5;
	s11 =	sand.u32 $0x80, s6;
	s7 =	sor.u32 s13, s7;
	[tilespmem:s3+$0x4470] =	vst v17;
	v13 =	vadd.f32 v18, v4;
	v17 =	vld [tilespmem:s9+$0x470]  }
0xe4: {  	s3 =	sand.u32 $0x40, s10;
	s10 =	sadd.s32 s12, s21;
	s11 =	sadd.s32 s11, s21;
	v18 =	vld [tilespmem:s7+$0x470];
	[tilespmem:s8+$0x4440] =	vst v10;
	v8 =	vadd.f32 v8, v19  }
0xe5: {  	s14 =	sadd.s32 s14, s21;
	s6 =	sand.u32 $0x50, s6;
	s12 =	sand.u32 $0x70, s5;
	v19 =	vld [tilespmem:s7+$0x440];
	[tilespmem:s8+$0x4450] =	vst v14;
	v7 =	vadd.f32 v15, v7  }
0xe6: {  	s3 =	sadd.s32 s3, s10;
	s6 =	sadd.s32 s6, s11;
	s10 =	sadd.s32 s12, s14;
	v14 =	vld [tilespmem:s7+$0x450];
	[tilespmem:s8+$0x4460] =	vst v11;
	v6 =	vadd.f32 v12, v6  }
0xe7: {  	s11 =	sadd.s32 $0xFFFFFF00, s1;
	s12 =	sand.u32 $0x380, s1;
	v12 =	vld [tilespmem:s3+$0x0];
	s3 =	sadd.s32 $0xFFFFFE80, s1;
	v11 =	vadd.f32 v16, v0;
	v10 =	vadd.f32 v16, v3;
	[tilespmem:s8+$0x4470] =	vst v9  }
0xe8: {  	v15 =	vadd.f32 v16, v1;
	v4 =	vadd.f32 v16, v2;
	s3 =	sand.u32 $0x200, s3;
	v9 =	vld [tilespmem:s6+$0x0];
	s6 =	sand.u32 $0x280, s11;
	s11 =	sor.u32 s13, s12;
	[tilespmem:s0+$0x4460] =	vst v13  }
0xe9: {  	v5 =	vadd.f32 v17, v5;
	s0 =	smov.u32 s7;
	s3 =	sor.u32 s3, s13;
	s8 =	sor.u32 s13, s6;
	v13 =	vadd.f32 v18, v10;
	v25 =	vld [tilespmem:s10+$0x0];
	[tilespmem:s9+$0x4440] =	vst v8  }
0xea: {  	v10 =	vld [tilespmem:s3+$0x440];
	v8 =	vadd.f32 v11, v19;
	[tilespmem:s9+$0x4450] =	vst v7  }
0xeb: {  	v11 =	vld [tilespmem:s3+$0x450];
	v7 =	vadd.f32 v14, v15;
	[tilespmem:s0+$0x4470] =	vst v13  }
0xec: {  	v18 =	vadd.f32 v12, v0;
	v19 =	vadd.f32 v12, v1;
	v13 =	vld [tilespmem:s3+$0x460];
	[tilespmem:s0+$0x4440] =	vst v8  }
.Ltmp3:
0xed: {  	v20 =	vadd.f32 v12, v2;
	v21 =	vadd.f32 v12, v3;
	v17 =	vld [tilespmem:s3+$0x470];
	[tilespmem:s0+$0x4450] =	vst v7;
	(pc) =	sbr.rel @p0 .LBB2_9-.Ltmp3, $4  }
0xee: {  	v16 =	vadd.f32 v9, v0;
	v15 =	vadd.f32 v9, v1;
	v14 =	vld [tilespmem:s8+$0x440];
	[tilespmem:s9+$0x4460] =	vst v6  }
0xef: {  	v12 =	vadd.f32 v9, v2;
	v9 =	vadd.f32 v9, v3;
	v23 =	vld [tilespmem:s8+$0x450];
	[tilespmem:s9+$0x4470] =	vst v5;
	s9 =	smov.u32 s11  }
0xf0: {  	v8 =	vadd.f32 v25, v0;
	v7 =	vadd.f32 v25, v1;
	v24 =	vld [tilespmem:s8+$0x460]  }
0xf1: {  	s5 =	sadd.s32 $0x40, s5;
	v6 =	vadd.f32 v25, v2;
	v5 =	vadd.f32 v25, v3;
	v22 =	vld [tilespmem:s8+$0x470]  }
0xf2: {  	v0 =	vadd.f32 v18, v10  }
0xf3: {  	v1 =	vadd.f32 v11, v19  }
0xf4: {  	v2 =	vadd.f32 v13, v20;
	[tilespmem:s3+$0x4440] =	vst v0  }
0xf5: {  	v3 =	vadd.f32 v17, v21;
	v11 =	vld [tilespmem:s9+$0x450];
	[tilespmem:s3+$0x4450] =	vst v1  }
0xf6: {  	v10 =	vadd.f32 v16, v14;
	v0 =	vld [tilespmem:s0+$0x460];
	[tilespmem:s3+$0x4460] =	vst v2  }
0xf7: {  	v1 =	vld [tilespmem:s9+$0x440];
	v2 =	vadd.f32 v23, v15;
	[tilespmem:s3+$0x4470] =	vst v3  }
0xf8: {  	v3 =	vadd.f32 v24, v12;
	v12 =	vld [tilespmem:s9+$0x460];
	[tilespmem:s8+$0x4440] =	vst v10  }
0xf9: {  	v10 =	vld [tilespmem:s9+$0x470];
	v9 =	vadd.f32 v22, v9;
	[tilespmem:s8+$0x4450] =	vst v2  }
0xfa: {  	[tilespmem:s8+$0x4460] =	vst v3;
	v2 =	vadd.f32 v11, v7  }
0xfb: {  	s1 =	simm.s32 $0x30;
	s2 =	simm.s32 $0x0;
	p0 =	por $0x0, $0x0;
	[tilespmem:s8+$0x4470] =	vst v9;
	v0 =	vadd.f32 v0, v4  }
0xfc: {  	s4 =	simm.s32 $0x20;
	s6 =	simm.s32 $0x0;
	s7 =	simm.s32 $0x10;
	v1 =	vadd.f32 v8, v1;
	[tilespmem:s9+$0x4450] =	vst v2  }
0xfd: {  	s26 =	simm.s32 $0x4;
	s5 =	sand.u32 $0x70, s1;
	s17 =	sand.u32 $0x7, s2;
	[tilespmem:s0+$0x4460] =	vst v0;
	v0 =	vadd.f32 v12, v6  }
0xfe: {  	s1 =	sand.u32 $0x80, s1;
	s18 =	sand.u32 $0x80, s6;
	s10 =	sand.u32 $0x80, s7;
	[tilespmem:s9+$0x4440] =	vst v1;
	v1 =	vadd.f32 v10, v5  }
0xff: {  	s7 =	sand.u32 $0x50, s7;
	s11 =	sand.u32 $0x60, s4;
	s22 =	sand.u32 $0x40, s6;
	[tilespmem:s9+$0x4460] =	vst v0  }
0x100: {  	s4 =	sand.u32 $0x80, s4;
	s2 =	sand.u32 $0x3, s2;
	s19 =	sadd.s32 s10, s21;
	[tilespmem:s9+$0x4470] =	vst v1  }
0x101: {  	s1 =	sadd.s32 s1, s21;
	s4 =	sadd.s32 s4, s21;
	s7 =	sadd.s32 s7, s19;
	v6 =	vld [tilespmem:$0x8100]  }
0x102: {  	s2 =	sshll.u32 s2, $0x8;
	s5 =	sadd.s32 s5, s1;
	s0 =	sshll.u32 s17, $0x7;
	v1 =	vld [tilespmem:s7+$0x0]  }
0x103: {  	s4 =	sadd.s32 s11, s4;
	s6 =	sadd.s32 $0x100, s2;
	s20 =	sadd.s32 $0x0, s0;
	v0 =	vld [tilespmem:s5+$0x0]  }
0x104: {  	s13 =	simm.s32 $0x70;
	s25 =	sor.u32 $0x800, s6;
	s1 =	sadd.s32 $0x180, s20;
	v4 =	vld [tilespmem:s4+$0x0]  }
0x105: {  	s3 =	simm.s32 $0x1;
	s0 =	sadd.s32 $0x80, s20;
	s10 =	sor.u32 $0x800, s1;
	v9 =	vld [tilespmem:s25+$0x0]  }
0x106: {  	s23 =	sadd.s32 s18, s21;
	s3 =	simm.s32 @!p0 $0x0;
	s12 =	sor.u32 $0x800, s0;
	v2 =	vld [tilespmem:s10+$0x0]  }
0x107: {  	s14 =	simm.s32 $0x1;
	s24 =	sadd.s32 s22, s23;
	s3 =	sshll.u32 s3, $0x9;
	v7 =	vld [tilespmem:s12+$0x0]  }
0x108: {  	s15 =	simm.s32 $0x60;
	s16 =	simm.s32 $0x40;
	s23 =	sadd.s32 $0x0, s3;
	v3 =	vld [tilespmem:s24+$0x0]  }
0x109: {  	s29 =	simm.s32 $0x50;
	s18 =	sand.u32 $0x80, s16;
	s9 =	sor.u32 $0x800, s23;
	v10 =	vadd.f32 v0, v6  }
0x10a: {  	s2 =	simm.s32 $0x2;
	p0 =	por !p0, !p0;
	s11 =	sand.u32 $0x7, s26;
	v11 =	vld [tilespmem:s9+$0x0];
	v12 =	vadd.f32 v1, v6  }
0x10b: {  	s26 =	sand.u32 $0x80, s15;
	s30 =	sor.u32 $0x820, s6;
	s14 =	simm.s32 @!p0 $0x0;
	v8 =	vld [tilespmem:$0x8110];
	v13 =	vadd.f32 v4, v6;
	v10 =	vadd.f32 v10, v2  }
0x10c: {  	s28 =	sshll.u32 s11, $0x7;
	s11 =	sand.u32 $0x50, s29;
	s20 =	sand.u32 $0x80, s29;
	v5 =	vld [tilespmem:$0x8120];
	v7 =	vadd.f32 v12, v7  }
0x10d: {  	s2 =	sand.u32 $0x3, s2;
	p0 =	por !p0, !p0;
	s22 =	sadd.s32 s20, s21;
	v2 =	vld [tilespmem:$0x8130];
	v9 =	vadd.f32 v13, v9;
	[tilespmem:s10+$0x4000] =	vst v10;
	v10 =	vadd.f32 v3, v6  }
0x10e: {  	s14 =	sshll.u32 s14, $0x9;
	s2 =	sshll.u32 s2, $0x8;
	s3 =	sadd.s32 s11, s22;
	[tilespmem:s12+$0x4000] =	vst v7  }
0x10f: {  	s17 =	sand.u32 $0x70, s13;
	s13 =	sand.u32 $0x80, s13;
	s8 =	sor.u32 $0x810, s1;
	[tilespmem:s25+$0x4000] =	vst v9;
	v9 =	vld [tilespmem:s3+$0x0];
	v7 =	vadd.f32 v10, v11  }
0x110: {  	s19 =	sadd.s32 s13, s21;
	s5 =	sor.u32 $0x810, s23;
	s4 =	sor.u32 $0x810, s0;
	v12 =	vld [tilespmem:s8+$0x0]  }
0x111: {  	s7 =	sor.u32 $0x810, s6;
	s24 =	sand.u32 $0x60, s15;
	s10 =	sadd.s32 $0x800, s28;
	v13 =	vld [tilespmem:s4+$0x0];
	[tilespmem:s9+$0x4000] =	vst v7  }
0x112: {  	s20 =	sand.u32 $0x40, s16;
	s16 =	sadd.s32 $0x80, s10;
	v10 =	vld [tilespmem:s7+$0x0];
	[dreg:$0x4] =	wrdreg s21  }
0x113: {  	s3 =	sadd.s32 s26, s21;
	s28 =	sadd.s32 s17, s19;
	s13 =	sor.u32 $0x800, s16;
	v15 =	vld [tilespmem:s5+$0x0]  }
0x114: {  	s29 =	sadd.s32 s24, s3;
	s3 =	sadd.s32 $0x900, s2;
	v11 =	vadd.f32 v1, v8;
	s9 =	sadd.s32 $0x180, s10;
	v14 =	vld [tilespmem:s13+$0x0]  }
0x115: {  	s31 =	sor.u32 $0x830, s0;
	v17 =	vadd.f32 v0, v8;
	s2 =	sor.u32 $0x820, s3;
	s24 =	sor.u32 $0x800, s9;
	v7 =	vld [tilespmem:s28+$0x0]  }
0x116: {  	s15 =	sor.u32 $0x830, s6;
	v18 =	vadd.f32 v4, v8;
	s25 =	sadd.s32 s18, s21;
	v13 =	vadd.f32 v13, v11;
	v16 =	vld [tilespmem:s24+$0x0];
	[dreg:$0x6] =	wrdreg s2  }
0x117: {  	v19 =	vadd.f32 v3, v8;
	s11 =	sadd.s32 s20, s25;
	s25 =	sadd.s32 $0x800, s14;
	s26 =	sor.u32 $0x800, s3;
	v12 =	vadd.f32 v12, v17;
	v11 =	vld [tilespmem:s29+$0x0]  }
0x118: {  	s22 =	simm.s32 $0x8;
	s12 =	simm.s32 $0x4;
	s10 =	sor.u32 $0x800, s25;
	v10 =	vadd.f32 v10, v18;
	v17 =	vld [tilespmem:s26+$0x0];
	[tilespmem:s4+$0x4000] =	vst v13  }
0x119: {  	s19 =	sor.u32 $0x820, s1;
	s17 =	simm.s32 $0x4;
	s20 =	sor.u32 $0x820, s23;
	v18 =	vld [tilespmem:s10+$0x0];
	[tilespmem:s8+$0x4000] =	vst v12;
	v21 =	vadd.f32 v15, v19  }
0x11a: {  	s21 =	simm.s32 $0x1100;
	v20 =	vadd.f32 v9, v6;
	s2 =	sor.u32 $0x830, s1;
	s4 =	sor.u32 $0x820, s0;
	v12 =	vadd.f32 v1, v5;
	[tilespmem:s7+$0x4000] =	vst v10;
	v10 =	vld [tilespmem:s11+$0x0]  }
0x11b: {  	s1 =	simm.s32 $0xB0;
	v13 =	vadd.f32 v9, v5;
	s8 =	simm.s32 $0x1000;
	s11 =	sor.u32 $0x810, s25;
	v15 =	vld [tilespmem:s4+$0x0];
	v19 =	vadd.f32 v7, v6;
	[tilespmem:s5+$0x4000] =	vst v21  }
.LBB2_11:
0x11c: {  	[dreg:$0x1e] =	wrdreg s23  }
0x11d: {  	[dreg:$0x16] =	wrdreg s25  }
0x11e: {  	s6 =	sor.u32 $0x810, s16;
	s25 =	sor.u32 $0x810, s3;
	s23 =	sor.u32 $0x810, s9  }
0x11f: {  	s7 =	smov.u32 s16;
	s5 =	smov.u32 s9;
	s29 =	smov.u32 s3  }
0x120: {  	s3 =	simm.s32 $0x1;
	s9 =	sadd.s32 $0xFFFFFFF0, s1;
	s28 =	sand.u32 $0x70, s1;
	v14 =	vadd.f32 v20, v14  }
0x121: {  	s0 =	sand.u32 $0x7, s22;
	s14 =	sand.u32 $0x80, s1;
	s18 =	sadd.s32 $0xFFFFFFE0, s1;
	v16 =	vadd.f32 v19, v16;
	v19 =	vld [tilespmem:s20+$0x0]  }
0x122: {  	s12 =	sadd.s32 $0x4, s12;
	s22 =	sadd.s32 $0x4, s22;
	[dreg:$0xc] =	wrdreg s29;
	v20 =	vld [tilespmem:s30+$0x0];
	[tilespmem:s13+$0x4000] =	vst v14;
	v21 =	vadd.f32 v11, v6  }
0x123: {  	s3 =	simm.s32 @!p0 $0x0;
	s16 =	sshll.u32 s0, $0x7;
	s29 =	sand.u32 $0x80, s18;
	v15 =	vadd.f32 v15, v12;
	v12 =	vmov v13;
	v13 =	vadd.f32 v10, v6;
	v22 =	vld [tilespmem:s6+$0x0];
	[tilespmem:s24+$0x4000] =	vst v16  }
0x124: {  	s0 =	smov.u32 s2;
	s2 =	smov.u32 s30;
	s30 =	rddreg [dreg:$0x4];
	v17 =	vadd.f32 v21, v17;
	v16 =	vld [tilespmem:s19+$0x0];
	v21 =	vadd.f32 v3, v5  }
0x125: {  	s18 =	sand.u32 $0x50, s18;
	p2 =	slt.u32 s12, $0xC;
	p0 =	por !p0, !p0;
	v14 =	vld [tilespmem:s23+$0x0];
	v13 =	vadd.f32 v13, v18;
	[tilespmem:s4+$0x4000] =	vst v15  }
0x126: {  	s3 =	sshll.u32 s3, $0x9;
	s14 =	sadd.s32 s14, s30;
	[tilespmem:s26+$0x4000] =	vst v17;
	v17 =	vadd.f32 v4, v5;
	s26 =	sadd.s32 s29, s30;
	v19 =	vadd.f32 v19, v21;
	v21 =	vld [tilespmem:s31+$0x0]  }
0x127: {  	v23 =	vadd.f32 v0, v5;
	s14 =	sadd.s32 s28, s14;
	s24 =	sadd.s32 $0xFFFFFFD0, s1;
	v18 =	vld [tilespmem:s25+$0x0];
	s18 =	sadd.s32 s18, s26  }
0x128: {  	s3 =	sadd.s32 s3, s8;
	s1 =	sadd.s32 $0x40, s1;
	s13 =	sand.u32 $0x80, s24;
	[tilespmem:s10+$0x4000] =	vst v13;
	v17 =	vadd.f32 v20, v17;
	v20 =	vld [tilespmem:s18+$0x0]  }
0x129: {  	s4 =	sadd.s32 s16, s8;
	s24 =	sand.u32 $0x40, s24;
	v15 =	vadd.f32 v7, v8;
	s8 =	sadd.s32 $0x800, s8;
	v13 =	vadd.f32 v16, v23;
	v16 =	vld [tilespmem:s11+$0x0];
	[tilespmem:s20+$0x4000] =	vst v19  }
0x12a: {  	v24 =	vadd.f32 v4, v2;
	s16 =	sadd.s32 $0x80, s4;
	s29 =	sand.u32 $0x60, s9;
	s9 =	sand.u32 $0x80, s9;
	v23 =	vadd.f32 v11, v8;
	[tilespmem:s2+$0x4000] =	vst v17  }
0x12b: {  	s10 =	sor.u32 $0x800, s3;
	s9 =	sadd.s32 s9, s30;
	v14 =	vadd.f32 v14, v15;
	v15 =	vadd.f32 v1, v2;
	v1 =	vmov v9;
	s20 =	rddreg [dreg:$0x1e];
	v17 =	vld [tilespmem:s15+$0x0];
	[tilespmem:s19+$0x4000] =	vst v13  }
0x12c: {  	v4 =	vmov v11;
	s26 =	sadd.s32 s13, s30;
	s18 =	sadd.s32 s29, s9;
	v25 =	vadd.f32 v1, v8;
	s29 =	sor.u32 $0x830, s20;
	v11 =	vadd.f32 v18, v23;
	v18 =	vld [tilespmem:s0+$0x0]  }
0x12d: {  	s13 =	sor.u32 $0x800, s16;
	s28 =	sadd.s32 s24, s26;
	s9 =	sadd.s32 $0x180, s4;
	v19 =	vadd.f32 v10, v8;
	v15 =	vadd.f32 v21, v15;
	v23 =	vld [tilespmem:s29+$0x0]  }
0x12e: {  	s24 =	sand.u32 $0x3, s17;
	s26 =	rddreg [dreg:$0x16];
	s17 =	sadd.s32 $0x2, s17;
	[tilespmem:s23+$0x4000] =	vst v14;
	v14 =	vld [tilespmem:s13+$0x0];
	v21 =	vadd.f32 v22, v25;
	v13 =	vadd.f32 v20, v5  }
0x12f: {  	s4 =	sshll.u32 s24, $0x8;
	s24 =	sor.u32 $0x800, s9;
	s2 =	sor.u32 $0x830, s5;
	[tilespmem:s31+$0x4000] =	vst v15;
	v15 =	vadd.f32 v0, v2;
	v0 =	vmov v7;
	v7 =	vld [tilespmem:s14+$0x0];
	v22 =	vadd.f32 v16, v19  }
0x130: {  	s23 =	smov.u32 s26;
	v9 =	vmov v20;
	[tilespmem:s25+$0x4000] =	vst v11;
	s25 =	smov.u32 s3;
	s3 =	sadd.s32 s4, s21;
	v16 =	vld [tilespmem:s24+$0x0];
	v19 =	vadd.f32 v3, v2;
	v20 =	vadd.f32 v17, v24  }
.Ltmp4:
0x131: {  	s14 =	rddreg [dreg:$0x6];
	v3 =	vmov v10;
	[tilespmem:s6+$0x4000] =	vst v21;
	s26 =	sor.u32 $0x800, s3;
	v11 =	vld [tilespmem:s18+$0x0];
	v10 =	vadd.f32 v18, v15;
	(pc) =	sbr.rel @p2 .LBB2_11-.Ltmp4, $4  }
0x132: {  	s30 =	smov.u32 s14;
	s14 =	smov.u32 s0;
	s4 =	sor.u32 $0x820, s7;
	v17 =	vld [tilespmem:s26+$0x0];
	v18 =	vadd.f32 v23, v19;
	[tilespmem:s15+$0x4000] =	vst v20  }
0x133: {  	s20 =	rddreg [dreg:$0xc];
	s31 =	sor.u32 $0x830, s7;
	s19 =	sor.u32 $0x820, s3;
	v15 =	vld [tilespmem:s4+$0x0];
	[tilespmem:s14+$0x4000] =	vst v10  }
0x134: {  	s21 =	sadd.s32 $0x800, s21;
	[dreg:$0x6] =	wrdreg s19;
	s19 =	sor.u32 $0x820, s5;
	v10 =	vld [tilespmem:s28+$0x0];
	[tilespmem:s29+$0x4000] =	vst v18  }
0x135: {  	s15 =	sor.u32 $0x830, s20;
	s20 =	sor.u32 $0x820, s23;
	v19 =	vadd.f32 v7, v6;
	v20 =	vadd.f32 v9, v6;
	v18 =	vld [tilespmem:s10+$0x0];
	[tilespmem:s11+$0x4000] =	vst v22;
	s11 =	sor.u32 $0x810, s25  }
0x136: {  	_ = 	snop  }
0x137: {  	v21 =	vadd.f32 v11, v6;
	v14 =	vadd.f32 v20, v14  }
0x138: {  	v16 =	vadd.f32 v19, v16  }
0x139: {  	s1 =	sor.u32 $0x810, s16;
	v17 =	vadd.f32 v21, v17;
	[tilespmem:s13+$0x4000] =	vst v14  }
0x13a: {  	s6 =	sor.u32 $0x810, s9;
	v6 =	vadd.f32 v10, v6;
	[tilespmem:s24+$0x4000] =	vst v16;
	v14 =	vld [tilespmem:s1+$0x0]  }
0x13b: {  	s5 =	sor.u32 $0x810, s3;
	[tilespmem:s26+$0x4000] =	vst v17;
	v17 =	vld [tilespmem:s6+$0x0]  }
0x13c: {  	v6 =	vadd.f32 v6, v18;
	v16 =	vld [tilespmem:s5+$0x0]  }
0x13d: {  	v18 =	vadd.f32 v9, v8  }
0x13e: {  	v21 =	vadd.f32 v7, v8;
	[tilespmem:s10+$0x4000] =	vst v6  }
0x13f: {  	v19 =	vadd.f32 v11, v8;
	v6 =	vld [tilespmem:s11+$0x0];
	v14 =	vadd.f32 v14, v18  }
0x140: {  	v17 =	vadd.f32 v17, v21  }
0x141: {  	v20 =	vld [tilespmem:s30+$0x0];
	v16 =	vadd.f32 v16, v19;
	[tilespmem:s1+$0x4000] =	vst v14  }
0x142: {  	v8 =	vadd.f32 v10, v8;
	v18 =	vld [tilespmem:s19+$0x0];
	[tilespmem:s6+$0x4000] =	vst v17  }
0x143: {  	s21 =	sor.u32 $0x820, s16;
	v19 =	vld [tilespmem:s20+$0x0];
	[tilespmem:s5+$0x4000] =	vst v16  }
0x144: {  	v14 =	vadd.f32 v4, v5;
	v6 =	vadd.f32 v6, v8;
	v8 =	vld [tilespmem:s21+$0x0];
	s8 =	rddreg [dreg:$0x6]  }
0x145: {  	s22 =	sor.u32 $0x820, s9;
	v12 =	vadd.f32 v15, v12;
	v15 =	vadd.f32 v0, v5;
	v16 =	vld [tilespmem:s8+$0x0]  }
0x146: {  	s24 =	sor.u32 $0x820, s25;
	v17 =	vadd.f32 v3, v5;
	v14 =	vadd.f32 v20, v14;
	[tilespmem:s11+$0x4000] =	vst v6;
	v6 =	vld [tilespmem:s22+$0x0]  }
0x147: {  	[tilespmem:s4+$0x4000] =	vst v12;
	v12 =	vadd.f32 v18, v15;
	v15 =	vld [tilespmem:s24+$0x0]  }
0x148: {  	v18 =	vld [tilespmem:s31+$0x0];
	v17 =	vadd.f32 v19, v17;
	[tilespmem:s30+$0x4000] =	vst v14;
	v14 =	vadd.f32 v11, v5  }
0x149: {  	v19 =	vld [tilespmem:s15+$0x0];
	[tilespmem:s19+$0x4000] =	vst v12;
	v12 =	vadd.f32 v7, v5;
	v8 =	vadd.f32 v8, v13  }
0x14a: {  	s26 =	sor.u32 $0x830, s23;
	v5 =	vadd.f32 v10, v5;
	[tilespmem:s20+$0x4000] =	vst v17;
	v13 =	vld [tilespmem:s2+$0x0];
	v14 =	vadd.f32 v16, v14  }
0x14b: {  	v1 =	vadd.f32 v1, v2;
	s7 =	sor.u32 $0x830, s16;
	v16 =	vld [tilespmem:s26+$0x0];
	[tilespmem:s21+$0x4000] =	vst v8;
	v6 =	vadd.f32 v6, v12  }
0x14c: {  	s28 =	sor.u32 $0x830, s3;
	v4 =	vadd.f32 v4, v2;
	v5 =	vadd.f32 v15, v5;
	v8 =	vld [tilespmem:s7+$0x0];
	[tilespmem:s8+$0x4000] =	vst v14  }
0x14d: {  	s29 =	sor.u32 $0x830, s9;
	v0 =	vadd.f32 v0, v2;
	v1 =	vadd.f32 v18, v1;
	v12 =	vld [tilespmem:s28+$0x0];
	[tilespmem:s22+$0x4000] =	vst v6  }
0x14e: {  	v3 =	vadd.f32 v3, v2;
	v4 =	vadd.f32 v19, v4;
	[tilespmem:s24+$0x4000] =	vst v5;
	v5 =	vld [tilespmem:s29+$0x0]  }
0x14f: {  	s8 =	sor.u32 $0x830, s25;
	[tilespmem:s31+$0x4000] =	vst v1;
	v1 =	vadd.f32 v9, v2;
	v0 =	vadd.f32 v13, v0  }
0x150: {  	s0 =	simm.s32 $0x30;
	s9 =	simm.s32 $0x0;
	p0 =	por $0x0, $0x0;
	[tilespmem:s15+$0x4000] =	vst v4;
	v4 =	vadd.f32 v11, v2;
	v6 =	vld [tilespmem:s8+$0x0];
	v3 =	vadd.f32 v16, v3  }
0x151: {  	s12 =	simm.s32 $0x20;
	s17 =	simm.s32 $0x0;
	s14 =	sand.u32 $0x7, s9;
	[tilespmem:s2+$0x4000] =	vst v0;
	v0 =	vadd.f32 v8, v1;
	v1 =	vadd.f32 v7, v2  }
0x152: {  	s18 =	simm.s32 $0x10;
	s16 =	sshll.u32 s14, $0x7;
	s13 =	sand.u32 $0x70, s0;
	[tilespmem:s26+$0x4000] =	vst v3;
	v3 =	vadd.f32 v12, v4  }
0x153: {  	s0 =	sand.u32 $0x80, s0;
	s23 =	sand.u32 $0x50, s18;
	s6 =	simm.s32 $0x1;
	v2 =	vadd.f32 v10, v2;
	[tilespmem:s7+$0x4000] =	vst v0;
	v0 =	vadd.f32 v5, v1  }
0x154: {  	s1 =	sadd.s32 $0x0, s16;
	s16 =	simm.s32 $0x4;
	s6 =	simm.s32 @!p0 $0x0;
	[tilespmem:s28+$0x4000] =	vst v3  }
0x155: {  	p0 =	por !p0, !p0;
	s10 =	sand.u32 $0x7, s16;
	s4 =	sand.u32 $0x80, s12;
	v1 =	vadd.f32 v6, v2;
	[tilespmem:s29+$0x4000] =	vst v0  }
0x156: {  	s10 =	sshll.u32 s10, $0x7;
	s20 =	sand.u32 $0x80, s18;
	s21 =	rddreg [dreg:$0x4]  }
0x157: {  	s10 =	sadd.s32 $0x800, s10;
	s25 =	sand.u32 $0x60, s12;
	[tilespmem:s8+$0x4000] =	vst v1;
	s24 =	sadd.s32 s20, s21  }
0x158: {  	s2 =	sand.u32 $0x3, s9;
	s22 =	sadd.s32 s0, s21;
	v6 =	vld [tilespmem:$0x8140];
	s5 =	sadd.s32 s23, s24  }
0x159: {  	s2 =	sshll.u32 s2, $0x8;
	s4 =	sadd.s32 s4, s21;
	s28 =	sadd.s32 s13, s22;
	v1 =	vld [tilespmem:s5+$0x0]  }
0x15a: {  	s0 =	sadd.s32 $0x80, s1;
	s1 =	sadd.s32 $0x180, s1;
	s4 =	sadd.s32 s25, s4;
	v0 =	vld [tilespmem:s28+$0x0]  }
0x15b: {  	s15 =	sshll.u32 s6, $0x9;
	s6 =	sadd.s32 $0x100, s2;
	s29 =	sor.u32 $0x840, s1;
	v4 =	vld [tilespmem:s4+$0x0]  }
0x15c: {  	s19 =	sand.u32 $0x80, s17;
	s23 =	sadd.s32 $0x0, s15;
	s15 =	sor.u32 $0x840, s6;
	v2 =	vld [tilespmem:s29+$0x0]  }
0x15d: {  	s26 =	sand.u32 $0x40, s17;
	s3 =	sadd.s32 s19, s21;
	s12 =	sor.u32 $0x840, s0;
	v9 =	vld [tilespmem:s15+$0x0]  }
0x15e: {  	s16 =	sadd.s32 $0x80, s10;
	s18 =	simm.s32 $0x70;
	s14 =	sadd.s32 s26, s3;
	v7 =	vld [tilespmem:s12+$0x0]  }
0x15f: {  	s17 =	sand.u32 $0x70, s18;
	s2 =	simm.s32 $0x2;
	s30 =	sor.u32 $0x860, s6;
	v3 =	vld [tilespmem:s14+$0x0];
	v10 =	vadd.f32 v0, v6  }
0x160: {  	s2 =	sand.u32 $0x3, s2;
	v8 =	vld [tilespmem:$0x8150];
	s26 =	simm.s32 $0x50;
	s9 =	sor.u32 $0x840, s23;
	v13 =	vadd.f32 v4, v6  }
0x161: {  	s7 =	sor.u32 $0x850, s6;
	s2 =	sshll.u32 s2, $0x8;
	s28 =	sand.u32 $0x80, s26;
	v11 =	vld [tilespmem:s9+$0x0];
	v12 =	vadd.f32 v1, v6;
	v10 =	vadd.f32 v10, v2  }
0x162: {  	v5 =	vld [tilespmem:$0x8160];
	s19 =	simm.s32 $0x60;
	s11 =	sand.u32 $0x50, s26;
	s20 =	sadd.s32 s28, s21;
	v9 =	vadd.f32 v13, v9  }
0x163: {  	s8 =	sor.u32 $0x850, s1;
	s13 =	sand.u32 $0x80, s18;
	s3 =	sadd.s32 s11, s20;
	v2 =	vld [tilespmem:$0x8170];
	v7 =	vadd.f32 v12, v7;
	[tilespmem:s29+$0x4000] =	vst v10  }
0x164: {  	s25 =	simm.s32 $0x40;
	s22 =	sand.u32 $0x60, s19;
	s31 =	sor.u32 $0x870, s0;
	v10 =	vadd.f32 v3, v6;
	[tilespmem:s15+$0x4000] =	vst v9;
	v9 =	vld [tilespmem:s3+$0x0]  }
0x165: {  	s5 =	sor.u32 $0x850, s23;
	s4 =	sor.u32 $0x850, s0;
	s14 =	simm.s32 $0x1;
	[tilespmem:s12+$0x4000] =	vst v7;
	v12 =	vld [tilespmem:s8+$0x0]  }
0x166: {  	s18 =	sand.u32 $0x80, s25;
	s29 =	sadd.s32 s13, s21;
	s13 =	sor.u32 $0x840, s16;
	v13 =	vld [tilespmem:s4+$0x0];
	v7 =	vadd.f32 v10, v11  }
0x167: {  	s24 =	sand.u32 $0x40, s25;
	s26 =	sand.u32 $0x80, s19;
	s14 =	simm.s32 @!p0 $0x0;
	v14 =	vld [tilespmem:s13+$0x0]  }
0x168: {  	s25 =	sadd.s32 s18, s21;
	s3 =	sadd.s32 s26, s21;
	s28 =	sadd.s32 s17, s29;
	v10 =	vld [tilespmem:s7+$0x0];
	[tilespmem:s9+$0x4000] =	vst v7  }
0x169: {  	s29 =	sadd.s32 s22, s3;
	s3 =	sadd.s32 $0x900, s2;
	v11 =	vadd.f32 v1, v8;
	s9 =	sadd.s32 $0x180, s10;
	v15 =	vld [tilespmem:s5+$0x0]  }
0x16a: {  	s11 =	sadd.s32 s24, s25;
	v17 =	vadd.f32 v0, v8;
	s2 =	sor.u32 $0x860, s3;
	v7 =	vld [tilespmem:s28+$0x0];
	s24 =	sor.u32 $0x840, s9  }
0x16b: {  	s19 =	sor.u32 $0x860, s1;
	s14 =	sshll.u32 s14, $0x9;
	v18 =	vadd.f32 v4, v8;
	v13 =	vadd.f32 v13, v11;
	v16 =	vld [tilespmem:s24+$0x0];
	[dreg:$0x7] =	wrdreg s2  }
0x16c: {  	p0 =	por !p0, !p0;
	s25 =	sadd.s32 $0x800, s14;
	v19 =	vadd.f32 v3, v8;
	s26 =	sor.u32 $0x840, s3;
	v12 =	vadd.f32 v12, v17;
	v11 =	vld [tilespmem:s29+$0x0]  }
0x16d: {  	s20 =	sor.u32 $0x860, s23;
	s12 =	simm.s32 $0x4;
	s10 =	sor.u32 $0x840, s25;
	v10 =	vadd.f32 v10, v18;
	v17 =	vld [tilespmem:s26+$0x0];
	[tilespmem:s4+$0x4000] =	vst v13  }
0x16e: {  	s15 =	sor.u32 $0x870, s6;
	s21 =	simm.s32 $0x1100;
	s22 =	simm.s32 $0x8;
	v18 =	vld [tilespmem:s10+$0x0];
	[tilespmem:s8+$0x4000] =	vst v12;
	v21 =	vadd.f32 v15, v19  }
0x16f: {  	s17 =	simm.s32 $0x4;
	v20 =	vadd.f32 v9, v6;
	s2 =	sor.u32 $0x870, s1;
	s4 =	sor.u32 $0x860, s0;
	v12 =	vadd.f32 v1, v5;
	[tilespmem:s7+$0x4000] =	vst v10;
	v10 =	vld [tilespmem:s11+$0x0]  }
0x170: {  	s1 =	simm.s32 $0xB0;
	v13 =	vadd.f32 v9, v5;
	s8 =	simm.s32 $0x1000;
	s11 =	sor.u32 $0x850, s25;
	v15 =	vld [tilespmem:s4+$0x0];
	v19 =	vadd.f32 v7, v6;
	[tilespmem:s5+$0x4000] =	vst v21  }
.LBB2_13:
0x171: {  	[dreg:$0x1f] =	wrdreg s23  }
0x172: {  	[dreg:$0x17] =	wrdreg s25  }
0x173: {  	s6 =	sor.u32 $0x850, s16;
	s25 =	sor.u32 $0x850, s3;
	s23 =	sor.u32 $0x850, s9  }
0x174: {  	s7 =	smov.u32 s16;
	s5 =	smov.u32 s9;
	s29 =	smov.u32 s3  }
0x175: {  	s3 =	simm.s32 $0x1;
	s9 =	sadd.s32 $0xFFFFFFF0, s1;
	s28 =	sand.u32 $0x70, s1;
	v14 =	vadd.f32 v20, v14  }
0x176: {  	s0 =	sand.u32 $0x7, s22;
	s14 =	sand.u32 $0x80, s1;
	s18 =	sadd.s32 $0xFFFFFFE0, s1;
	v16 =	vadd.f32 v19, v16;
	v19 =	vld [tilespmem:s20+$0x0]  }
0x177: {  	s12 =	sadd.s32 $0x4, s12;
	s22 =	sadd.s32 $0x4, s22;
	[dreg:$0xd] =	wrdreg s29;
	v20 =	vld [tilespmem:s30+$0x0];
	[tilespmem:s13+$0x4000] =	vst v14;
	v21 =	vadd.f32 v11, v6  }
0x178: {  	s3 =	simm.s32 @!p0 $0x0;
	s16 =	sshll.u32 s0, $0x7;
	s29 =	sand.u32 $0x80, s18;
	v15 =	vadd.f32 v15, v12;
	v12 =	vmov v13;
	v13 =	vadd.f32 v10, v6;
	v22 =	vld [tilespmem:s6+$0x0];
	[tilespmem:s24+$0x4000] =	vst v16  }
0x179: {  	s0 =	smov.u32 s2;
	s2 =	smov.u32 s30;
	s30 =	rddreg [dreg:$0x4];
	v17 =	vadd.f32 v21, v17;
	v16 =	vld [tilespmem:s19+$0x0];
	v21 =	vadd.f32 v3, v5  }
0x17a: {  	s18 =	sand.u32 $0x50, s18;
	p2 =	slt.u32 s12, $0xC;
	p0 =	por !p0, !p0;
	v14 =	vld [tilespmem:s23+$0x0];
	v13 =	vadd.f32 v13, v18;
	[tilespmem:s4+$0x4000] =	vst v15  }
0x17b: {  	s3 =	sshll.u32 s3, $0x9;
	s14 =	sadd.s32 s14, s30;
	[tilespmem:s26+$0x4000] =	vst v17;
	v17 =	vadd.f32 v4, v5;
	s26 =	sadd.s32 s29, s30;
	v19 =	vadd.f32 v19, v21;
	v21 =	vld [tilespmem:s31+$0x0]  }
0x17c: {  	v23 =	vadd.f32 v0, v5;
	s14 =	sadd.s32 s28, s14;
	s24 =	sadd.s32 $0xFFFFFFD0, s1;
	v18 =	vld [tilespmem:s25+$0x0];
	s18 =	sadd.s32 s18, s26  }
0x17d: {  	s3 =	sadd.s32 s3, s8;
	s1 =	sadd.s32 $0x40, s1;
	s13 =	sand.u32 $0x80, s24;
	[tilespmem:s10+$0x4000] =	vst v13;
	v17 =	vadd.f32 v20, v17;
	v20 =	vld [tilespmem:s18+$0x0]  }
0x17e: {  	s4 =	sadd.s32 s16, s8;
	s24 =	sand.u32 $0x40, s24;
	v15 =	vadd.f32 v7, v8;
	s8 =	sadd.s32 $0x800, s8;
	v13 =	vadd.f32 v16, v23;
	v16 =	vld [tilespmem:s11+$0x0];
	[tilespmem:s20+$0x4000] =	vst v19  }
0x17f: {  	v24 =	vadd.f32 v4, v2;
	s16 =	sadd.s32 $0x80, s4;
	s29 =	sand.u32 $0x60, s9;
	s9 =	sand.u32 $0x80, s9;
	v23 =	vadd.f32 v11, v8;
	[tilespmem:s2+$0x4000] =	vst v17  }
0x180: {  	s10 =	sor.u32 $0x840, s3;
	s9 =	sadd.s32 s9, s30;
	v14 =	vadd.f32 v14, v15;
	v15 =	vadd.f32 v1, v2;
	v1 =	vmov v9;
	s20 =	rddreg [dreg:$0x1f];
	v17 =	vld [tilespmem:s15+$0x0];
	[tilespmem:s19+$0x4000] =	vst v13  }
0x181: {  	v4 =	vmov v11;
	s26 =	sadd.s32 s13, s30;
	s18 =	sadd.s32 s29, s9;
	v25 =	vadd.f32 v1, v8;
	s29 =	sor.u32 $0x870, s20;
	v11 =	vadd.f32 v18, v23;
	v18 =	vld [tilespmem:s0+$0x0]  }
0x182: {  	s13 =	sor.u32 $0x840, s16;
	s28 =	sadd.s32 s24, s26;
	s9 =	sadd.s32 $0x180, s4;
	v19 =	vadd.f32 v10, v8;
	v15 =	vadd.f32 v21, v15;
	v23 =	vld [tilespmem:s29+$0x0]  }
0x183: {  	s24 =	sand.u32 $0x3, s17;
	s26 =	rddreg [dreg:$0x17];
	s17 =	sadd.s32 $0x2, s17;
	[tilespmem:s23+$0x4000] =	vst v14;
	v14 =	vld [tilespmem:s13+$0x0];
	v21 =	vadd.f32 v22, v25;
	v13 =	vadd.f32 v20, v5  }
0x184: {  	s4 =	sshll.u32 s24, $0x8;
	s24 =	sor.u32 $0x840, s9;
	s2 =	sor.u32 $0x870, s5;
	[tilespmem:s31+$0x4000] =	vst v15;
	v15 =	vadd.f32 v0, v2;
	v0 =	vmov v7;
	v7 =	vld [tilespmem:s14+$0x0];
	v22 =	vadd.f32 v16, v19  }
0x185: {  	s23 =	smov.u32 s26;
	v9 =	vmov v20;
	[tilespmem:s25+$0x4000] =	vst v11;
	s25 =	smov.u32 s3;
	s3 =	sadd.s32 s4, s21;
	v16 =	vld [tilespmem:s24+$0x0];
	v19 =	vadd.f32 v3, v2;
	v20 =	vadd.f32 v17, v24  }
.Ltmp5:
0x186: {  	s14 =	rddreg [dreg:$0x7];
	v3 =	vmov v10;
	[tilespmem:s6+$0x4000] =	vst v21;
	s26 =	sor.u32 $0x840, s3;
	v11 =	vld [tilespmem:s18+$0x0];
	v10 =	vadd.f32 v18, v15;
	(pc) =	sbr.rel @p2 .LBB2_13-.Ltmp5, $4  }
0x187: {  	s30 =	smov.u32 s14;
	s14 =	smov.u32 s0;
	s4 =	sor.u32 $0x860, s7;
	v17 =	vld [tilespmem:s26+$0x0];
	v18 =	vadd.f32 v23, v19;
	[tilespmem:s15+$0x4000] =	vst v20  }
0x188: {  	s20 =	rddreg [dreg:$0xd];
	s31 =	sor.u32 $0x870, s7;
	s19 =	sor.u32 $0x860, s3;
	v15 =	vld [tilespmem:s4+$0x0];
	[tilespmem:s14+$0x4000] =	vst v10  }
0x189: {  	s21 =	sadd.s32 $0x800, s21;
	[dreg:$0x7] =	wrdreg s19;
	s19 =	sor.u32 $0x860, s5;
	v10 =	vld [tilespmem:s28+$0x0];
	[tilespmem:s29+$0x4000] =	vst v18  }
0x18a: {  	s15 =	sor.u32 $0x870, s20;
	s20 =	sor.u32 $0x860, s23;
	v19 =	vadd.f32 v7, v6;
	v20 =	vadd.f32 v9, v6;
	v18 =	vld [tilespmem:s10+$0x0];
	[tilespmem:s11+$0x4000] =	vst v22;
	s11 =	sor.u32 $0x850, s25  }
0x18b: {  	_ = 	snop  }
0x18c: {  	v21 =	vadd.f32 v11, v6;
	v14 =	vadd.f32 v20, v14  }
0x18d: {  	v16 =	vadd.f32 v19, v16  }
0x18e: {  	s1 =	sor.u32 $0x850, s16;
	v17 =	vadd.f32 v21, v17;
	[tilespmem:s13+$0x4000] =	vst v14  }
0x18f: {  	s6 =	sor.u32 $0x850, s9;
	v6 =	vadd.f32 v10, v6;
	[tilespmem:s24+$0x4000] =	vst v16;
	v14 =	vld [tilespmem:s1+$0x0]  }
0x190: {  	s5 =	sor.u32 $0x850, s3;
	[tilespmem:s26+$0x4000] =	vst v17;
	v17 =	vld [tilespmem:s6+$0x0]  }
0x191: {  	v6 =	vadd.f32 v6, v18;
	v16 =	vld [tilespmem:s5+$0x0]  }
0x192: {  	v18 =	vadd.f32 v9, v8  }
0x193: {  	v21 =	vadd.f32 v7, v8;
	[tilespmem:s10+$0x4000] =	vst v6  }
0x194: {  	v19 =	vadd.f32 v11, v8;
	v6 =	vld [tilespmem:s11+$0x0];
	v14 =	vadd.f32 v14, v18  }
0x195: {  	v17 =	vadd.f32 v17, v21  }
0x196: {  	v20 =	vld [tilespmem:s30+$0x0];
	v16 =	vadd.f32 v16, v19;
	[tilespmem:s1+$0x4000] =	vst v14  }
0x197: {  	v8 =	vadd.f32 v10, v8;
	v18 =	vld [tilespmem:s19+$0x0];
	[tilespmem:s6+$0x4000] =	vst v17  }
0x198: {  	s21 =	sor.u32 $0x860, s16;
	v19 =	vld [tilespmem:s20+$0x0];
	[tilespmem:s5+$0x4000] =	vst v16  }
0x199: {  	v14 =	vadd.f32 v4, v5;
	v6 =	vadd.f32 v6, v8;
	v8 =	vld [tilespmem:s21+$0x0];
	s8 =	rddreg [dreg:$0x7]  }
0x19a: {  	s22 =	sor.u32 $0x860, s9;
	v12 =	vadd.f32 v15, v12;
	v15 =	vadd.f32 v0, v5;
	v16 =	vld [tilespmem:s8+$0x0]  }
0x19b: {  	s24 =	sor.u32 $0x860, s25;
	v17 =	vadd.f32 v3, v5;
	v14 =	vadd.f32 v20, v14;
	[tilespmem:s11+$0x4000] =	vst v6;
	v6 =	vld [tilespmem:s22+$0x0]  }
0x19c: {  	[tilespmem:s4+$0x4000] =	vst v12;
	v12 =	vadd.f32 v18, v15;
	v15 =	vld [tilespmem:s24+$0x0]  }
0x19d: {  	v18 =	vld [tilespmem:s31+$0x0];
	v17 =	vadd.f32 v19, v17;
	[tilespmem:s30+$0x4000] =	vst v14;
	v14 =	vadd.f32 v11, v5  }
0x19e: {  	v19 =	vld [tilespmem:s15+$0x0];
	[tilespmem:s19+$0x4000] =	vst v12;
	v12 =	vadd.f32 v7, v5;
	v8 =	vadd.f32 v8, v13  }
0x19f: {  	s26 =	sor.u32 $0x870, s23;
	v5 =	vadd.f32 v10, v5;
	[tilespmem:s20+$0x4000] =	vst v17;
	v13 =	vld [tilespmem:s2+$0x0];
	v14 =	vadd.f32 v16, v14  }
0x1a0: {  	v1 =	vadd.f32 v1, v2;
	s7 =	sor.u32 $0x870, s16;
	v16 =	vld [tilespmem:s26+$0x0];
	[tilespmem:s21+$0x4000] =	vst v8;
	v6 =	vadd.f32 v6, v12  }
0x1a1: {  	s28 =	sor.u32 $0x870, s3;
	v4 =	vadd.f32 v4, v2;
	v5 =	vadd.f32 v15, v5;
	v8 =	vld [tilespmem:s7+$0x0];
	[tilespmem:s8+$0x4000] =	vst v14  }
0x1a2: {  	s29 =	sor.u32 $0x870, s9;
	v0 =	vadd.f32 v0, v2;
	v1 =	vadd.f32 v18, v1;
	v12 =	vld [tilespmem:s28+$0x0];
	[tilespmem:s22+$0x4000] =	vst v6  }
0x1a3: {  	v3 =	vadd.f32 v3, v2;
	v4 =	vadd.f32 v19, v4;
	[tilespmem:s24+$0x4000] =	vst v5;
	v5 =	vld [tilespmem:s29+$0x0]  }
0x1a4: {  	s8 =	sor.u32 $0x870, s25;
	[tilespmem:s31+$0x4000] =	vst v1;
	v1 =	vadd.f32 v9, v2;
	v0 =	vadd.f32 v13, v0  }
0x1a5: {  	s0 =	simm.s32 $0x30;
	s9 =	simm.s32 $0x0;
	p0 =	por $0x0, $0x0;
	[tilespmem:s15+$0x4000] =	vst v4;
	v4 =	vadd.f32 v11, v2;
	v6 =	vld [tilespmem:s8+$0x0];
	v3 =	vadd.f32 v16, v3  }
0x1a6: {  	s12 =	simm.s32 $0x20;
	s17 =	simm.s32 $0x0;
	s14 =	sand.u32 $0x7, s9;
	[tilespmem:s2+$0x4000] =	vst v0;
	v0 =	vadd.f32 v8, v1;
	v1 =	vadd.f32 v7, v2  }
0x1a7: {  	s18 =	simm.s32 $0x10;
	s16 =	sshll.u32 s14, $0x7;
	s13 =	sand.u32 $0x70, s0;
	[tilespmem:s26+$0x4000] =	vst v3;
	v3 =	vadd.f32 v12, v4  }
0x1a8: {  	s0 =	sand.u32 $0x80, s0;
	s23 =	sand.u32 $0x50, s18;
	s6 =	simm.s32 $0x1;
	v2 =	vadd.f32 v10, v2;
	[tilespmem:s7+$0x4000] =	vst v0;
	v0 =	vadd.f32 v5, v1  }
0x1a9: {  	s1 =	sadd.s32 $0x0, s16;
	s16 =	simm.s32 $0x4;
	s6 =	simm.s32 @!p0 $0x0;
	[tilespmem:s28+$0x4000] =	vst v3  }
0x1aa: {  	p0 =	por !p0, !p0;
	s10 =	sand.u32 $0x7, s16;
	s4 =	sand.u32 $0x80, s12;
	v1 =	vadd.f32 v6, v2;
	[tilespmem:s29+$0x4000] =	vst v0  }
0x1ab: {  	s10 =	sshll.u32 s10, $0x7;
	s20 =	sand.u32 $0x80, s18;
	s21 =	rddreg [dreg:$0x4]  }
0x1ac: {  	s10 =	sadd.s32 $0x800, s10;
	s25 =	sand.u32 $0x60, s12;
	[tilespmem:s8+$0x4000] =	vst v1;
	s24 =	sadd.s32 s20, s21  }
0x1ad: {  	s2 =	sand.u32 $0x3, s9;
	s22 =	sadd.s32 s0, s21;
	v6 =	vld [tilespmem:$0x8180];
	s5 =	sadd.s32 s23, s24  }
0x1ae: {  	s2 =	sshll.u32 s2, $0x8;
	s4 =	sadd.s32 s4, s21;
	s28 =	sadd.s32 s13, s22;
	v1 =	vld [tilespmem:s5+$0x0]  }
0x1af: {  	s0 =	sadd.s32 $0x80, s1;
	s1 =	sadd.s32 $0x180, s1;
	s4 =	sadd.s32 s25, s4;
	v0 =	vld [tilespmem:s28+$0x0]  }
0x1b0: {  	s15 =	sshll.u32 s6, $0x9;
	s6 =	sadd.s32 $0x100, s2;
	s29 =	sor.u32 $0xC00, s1;
	v4 =	vld [tilespmem:s4+$0x0]  }
0x1b1: {  	s19 =	sand.u32 $0x80, s17;
	s23 =	sadd.s32 $0x0, s15;
	s15 =	sor.u32 $0xC00, s6;
	v2 =	vld [tilespmem:s29+$0x0]  }
0x1b2: {  	s26 =	sand.u32 $0x40, s17;
	s3 =	sadd.s32 s19, s21;
	s12 =	sor.u32 $0xC00, s0;
	v9 =	vld [tilespmem:s15+$0x0]  }
0x1b3: {  	s16 =	sadd.s32 $0x80, s10;
	s18 =	simm.s32 $0x70;
	s14 =	sadd.s32 s26, s3;
	v7 =	vld [tilespmem:s12+$0x0]  }
0x1b4: {  	s17 =	sand.u32 $0x70, s18;
	s2 =	simm.s32 $0x2;
	s30 =	sor.u32 $0xC20, s6;
	v3 =	vld [tilespmem:s14+$0x0];
	v10 =	vadd.f32 v0, v6  }
0x1b5: {  	s2 =	sand.u32 $0x3, s2;
	v8 =	vld [tilespmem:$0x8190];
	s26 =	simm.s32 $0x50;
	s9 =	sor.u32 $0xC00, s23;
	v13 =	vadd.f32 v4, v6  }
0x1b6: {  	s7 =	sor.u32 $0xC10, s6;
	s2 =	sshll.u32 s2, $0x8;
	s28 =	sand.u32 $0x80, s26;
	v11 =	vld [tilespmem:s9+$0x0];
	v12 =	vadd.f32 v1, v6;
	v10 =	vadd.f32 v10, v2  }
0x1b7: {  	v5 =	vld [tilespmem:$0x81A0];
	s19 =	simm.s32 $0x60;
	s11 =	sand.u32 $0x50, s26;
	s20 =	sadd.s32 s28, s21;
	v9 =	vadd.f32 v13, v9  }
0x1b8: {  	s8 =	sor.u32 $0xC10, s1;
	s13 =	sand.u32 $0x80, s18;
	s3 =	sadd.s32 s11, s20;
	v2 =	vld [tilespmem:$0x81B0];
	v7 =	vadd.f32 v12, v7;
	[tilespmem:s29+$0x4000] =	vst v10  }
0x1b9: {  	s25 =	simm.s32 $0x40;
	s22 =	sand.u32 $0x60, s19;
	s31 =	sor.u32 $0xC30, s0;
	v10 =	vadd.f32 v3, v6;
	[tilespmem:s15+$0x4000] =	vst v9;
	v9 =	vld [tilespmem:s3+$0x0]  }
0x1ba: {  	s5 =	sor.u32 $0xC10, s23;
	s4 =	sor.u32 $0xC10, s0;
	s14 =	simm.s32 $0x1;
	[tilespmem:s12+$0x4000] =	vst v7;
	v12 =	vld [tilespmem:s8+$0x0]  }
0x1bb: {  	s18 =	sand.u32 $0x80, s25;
	s29 =	sadd.s32 s13, s21;
	s13 =	sor.u32 $0xC00, s16;
	v13 =	vld [tilespmem:s4+$0x0];
	v7 =	vadd.f32 v10, v11  }
0x1bc: {  	s24 =	sand.u32 $0x40, s25;
	s26 =	sand.u32 $0x80, s19;
	s14 =	simm.s32 @!p0 $0x0;
	v14 =	vld [tilespmem:s13+$0x0]  }
0x1bd: {  	s25 =	sadd.s32 s18, s21;
	s3 =	sadd.s32 s26, s21;
	s28 =	sadd.s32 s17, s29;
	v10 =	vld [tilespmem:s7+$0x0];
	[tilespmem:s9+$0x4000] =	vst v7  }
0x1be: {  	s29 =	sadd.s32 s22, s3;
	s3 =	sadd.s32 $0x900, s2;
	v11 =	vadd.f32 v1, v8;
	s9 =	sadd.s32 $0x180, s10;
	v15 =	vld [tilespmem:s5+$0x0]  }
0x1bf: {  	s11 =	sadd.s32 s24, s25;
	v17 =	vadd.f32 v0, v8;
	s2 =	sor.u32 $0xC20, s3;
	v7 =	vld [tilespmem:s28+$0x0];
	s24 =	sor.u32 $0xC00, s9  }
0x1c0: {  	s19 =	sor.u32 $0xC20, s1;
	s14 =	sshll.u32 s14, $0x9;
	v18 =	vadd.f32 v4, v8;
	v13 =	vadd.f32 v13, v11;
	v16 =	vld [tilespmem:s24+$0x0];
	[dreg:$0x8] =	wrdreg s2  }
0x1c1: {  	p0 =	por !p0, !p0;
	s25 =	sadd.s32 $0x800, s14;
	v19 =	vadd.f32 v3, v8;
	s26 =	sor.u32 $0xC00, s3;
	v12 =	vadd.f32 v12, v17;
	v11 =	vld [tilespmem:s29+$0x0]  }
0x1c2: {  	s20 =	sor.u32 $0xC20, s23;
	s12 =	simm.s32 $0x4;
	s10 =	sor.u32 $0xC00, s25;
	v10 =	vadd.f32 v10, v18;
	v17 =	vld [tilespmem:s26+$0x0];
	[tilespmem:s4+$0x4000] =	vst v13  }
0x1c3: {  	s15 =	sor.u32 $0xC30, s6;
	s21 =	simm.s32 $0x1100;
	s22 =	simm.s32 $0x8;
	v18 =	vld [tilespmem:s10+$0x0];
	[tilespmem:s8+$0x4000] =	vst v12;
	v21 =	vadd.f32 v15, v19  }
0x1c4: {  	s17 =	simm.s32 $0x4;
	v20 =	vadd.f32 v9, v6;
	s2 =	sor.u32 $0xC30, s1;
	s4 =	sor.u32 $0xC20, s0;
	v12 =	vadd.f32 v1, v5;
	[tilespmem:s7+$0x4000] =	vst v10;
	v10 =	vld [tilespmem:s11+$0x0]  }
0x1c5: {  	s1 =	simm.s32 $0xB0;
	v13 =	vadd.f32 v9, v5;
	s8 =	simm.s32 $0x1000;
	s11 =	sor.u32 $0xC10, s25;
	v15 =	vld [tilespmem:s4+$0x0];
	v19 =	vadd.f32 v7, v6;
	[tilespmem:s5+$0x4000] =	vst v21  }
.LBB2_15:
0x1c6: {  	[smem:$0x7F1] =	sst s23  }
0x1c7: {  	[dreg:$0x18] =	wrdreg s25  }
0x1c8: {  	s6 =	sor.u32 $0xC10, s16;
	s25 =	sor.u32 $0xC10, s3;
	s23 =	sor.u32 $0xC10, s9  }
0x1c9: {  	s7 =	smov.u32 s16;
	s5 =	smov.u32 s9;
	s29 =	smov.u32 s3  }
0x1ca: {  	s3 =	simm.s32 $0x1;
	s9 =	sadd.s32 $0xFFFFFFF0, s1;
	s28 =	sand.u32 $0x70, s1;
	v14 =	vadd.f32 v20, v14  }
0x1cb: {  	s0 =	sand.u32 $0x7, s22;
	s14 =	sand.u32 $0x80, s1;
	s18 =	sadd.s32 $0xFFFFFFE0, s1;
	v16 =	vadd.f32 v19, v16;
	v19 =	vld [tilespmem:s20+$0x0]  }
0x1cc: {  	s12 =	sadd.s32 $0x4, s12;
	s22 =	sadd.s32 $0x4, s22;
	[dreg:$0xe] =	wrdreg s29;
	v20 =	vld [tilespmem:s30+$0x0];
	[tilespmem:s13+$0x4000] =	vst v14;
	v21 =	vadd.f32 v11, v6  }
0x1cd: {  	s3 =	simm.s32 @!p0 $0x0;
	s16 =	sshll.u32 s0, $0x7;
	s29 =	sand.u32 $0x80, s18;
	v15 =	vadd.f32 v15, v12;
	v12 =	vmov v13;
	v13 =	vadd.f32 v10, v6;
	v22 =	vld [tilespmem:s6+$0x0];
	[tilespmem:s24+$0x4000] =	vst v16  }
0x1ce: {  	s0 =	smov.u32 s2;
	s2 =	smov.u32 s30;
	s30 =	rddreg [dreg:$0x4];
	v17 =	vadd.f32 v21, v17;
	v16 =	vld [tilespmem:s19+$0x0];
	v21 =	vadd.f32 v3, v5  }
0x1cf: {  	s18 =	sand.u32 $0x50, s18;
	p2 =	slt.u32 s12, $0xC;
	p0 =	por !p0, !p0;
	v14 =	vld [tilespmem:s23+$0x0];
	v13 =	vadd.f32 v13, v18;
	[tilespmem:s4+$0x4000] =	vst v15  }
0x1d0: {  	s3 =	sshll.u32 s3, $0x9;
	s14 =	sadd.s32 s14, s30;
	[tilespmem:s26+$0x4000] =	vst v17;
	v17 =	vadd.f32 v4, v5;
	s26 =	sadd.s32 s29, s30;
	v19 =	vadd.f32 v19, v21;
	v21 =	vld [tilespmem:s31+$0x0]  }
0x1d1: {  	v23 =	vadd.f32 v0, v5;
	s14 =	sadd.s32 s28, s14;
	s24 =	sadd.s32 $0xFFFFFFD0, s1;
	v18 =	vld [tilespmem:s25+$0x0];
	s18 =	sadd.s32 s18, s26  }
0x1d2: {  	s3 =	sadd.s32 s3, s8;
	s1 =	sadd.s32 $0x40, s1;
	s13 =	sand.u32 $0x80, s24;
	[tilespmem:s10+$0x4000] =	vst v13;
	v17 =	vadd.f32 v20, v17;
	v20 =	vld [tilespmem:s18+$0x0]  }
0x1d3: {  	s4 =	sadd.s32 s16, s8;
	s24 =	sand.u32 $0x40, s24;
	v15 =	vadd.f32 v7, v8;
	v13 =	vadd.f32 v16, v23;
	v16 =	vld [tilespmem:s11+$0x0];
	[tilespmem:s20+$0x4000] =	vst v19;
	s20 =	sld [smem:$0x7F1]  }
0x1d4: {  	v24 =	vadd.f32 v4, v2;
	s8 =	sadd.s32 $0x800, s8;
	s29 =	sand.u32 $0x60, s9;
	s9 =	sand.u32 $0x80, s9;
	v23 =	vadd.f32 v11, v8;
	[tilespmem:s2+$0x4000] =	vst v17  }
0x1d5: {  	s16 =	sadd.s32 $0x80, s4;
	s10 =	sor.u32 $0xC00, s3;
	s9 =	sadd.s32 s9, s30;
	v14 =	vadd.f32 v14, v15;
	v15 =	vadd.f32 v1, v2;
	v1 =	vmov v9;
	v17 =	vld [tilespmem:s15+$0x0];
	[tilespmem:s19+$0x4000] =	vst v13  }
0x1d6: {  	v4 =	vmov v11;
	s26 =	sadd.s32 s13, s30;
	s18 =	sadd.s32 s29, s9;
	v25 =	vadd.f32 v1, v8;
	v11 =	vadd.f32 v18, v23;
	s29 =	sor.u32 $0xC30, s20;
	v18 =	vld [tilespmem:s0+$0x0]  }
0x1d7: {  	s13 =	sor.u32 $0xC00, s16;
	s28 =	sadd.s32 s24, s26;
	s9 =	sadd.s32 $0x180, s4;
	v19 =	vadd.f32 v10, v8;
	v15 =	vadd.f32 v21, v15;
	v23 =	vld [tilespmem:s29+$0x0]  }
0x1d8: {  	s24 =	sand.u32 $0x3, s17;
	s26 =	rddreg [dreg:$0x18];
	s17 =	sadd.s32 $0x2, s17;
	[tilespmem:s23+$0x4000] =	vst v14;
	v14 =	vld [tilespmem:s13+$0x0];
	v21 =	vadd.f32 v22, v25;
	v13 =	vadd.f32 v20, v5  }
0x1d9: {  	s4 =	sshll.u32 s24, $0x8;
	s24 =	sor.u32 $0xC00, s9;
	s2 =	sor.u32 $0xC30, s5;
	[tilespmem:s31+$0x4000] =	vst v15;
	v15 =	vadd.f32 v0, v2;
	v0 =	vmov v7;
	v7 =	vld [tilespmem:s14+$0x0];
	v22 =	vadd.f32 v16, v19  }
0x1da: {  	s23 =	smov.u32 s26;
	v9 =	vmov v20;
	[tilespmem:s25+$0x4000] =	vst v11;
	s25 =	smov.u32 s3;
	s3 =	sadd.s32 s4, s21;
	v16 =	vld [tilespmem:s24+$0x0];
	v19 =	vadd.f32 v3, v2;
	v20 =	vadd.f32 v17, v24  }
.Ltmp6:
0x1db: {  	s14 =	rddreg [dreg:$0x8];
	v3 =	vmov v10;
	[tilespmem:s6+$0x4000] =	vst v21;
	s26 =	sor.u32 $0xC00, s3;
	v11 =	vld [tilespmem:s18+$0x0];
	v10 =	vadd.f32 v18, v15;
	(pc) =	sbr.rel @p2 .LBB2_15-.Ltmp6, $4  }
0x1dc: {  	s30 =	smov.u32 s14;
	s14 =	smov.u32 s0;
	s4 =	sor.u32 $0xC20, s7;
	v17 =	vld [tilespmem:s26+$0x0];
	v18 =	vadd.f32 v23, v19;
	[tilespmem:s15+$0x4000] =	vst v20  }
0x1dd: {  	s20 =	rddreg [dreg:$0xe];
	s31 =	sor.u32 $0xC30, s7;
	s19 =	sor.u32 $0xC20, s3;
	v15 =	vld [tilespmem:s4+$0x0];
	[tilespmem:s14+$0x4000] =	vst v10  }
0x1de: {  	s21 =	sadd.s32 $0x800, s21;
	[dreg:$0x8] =	wrdreg s19;
	s19 =	sor.u32 $0xC20, s5;
	v10 =	vld [tilespmem:s28+$0x0];
	[tilespmem:s29+$0x4000] =	vst v18  }
0x1df: {  	s15 =	sor.u32 $0xC30, s20;
	s20 =	sor.u32 $0xC20, s23;
	v19 =	vadd.f32 v7, v6;
	v20 =	vadd.f32 v9, v6;
	v18 =	vld [tilespmem:s10+$0x0];
	[tilespmem:s11+$0x4000] =	vst v22;
	s11 =	sor.u32 $0xC10, s25  }
0x1e0: {  	_ = 	snop  }
0x1e1: {  	v21 =	vadd.f32 v11, v6;
	v14 =	vadd.f32 v20, v14  }
0x1e2: {  	v16 =	vadd.f32 v19, v16  }
0x1e3: {  	s1 =	sor.u32 $0xC10, s16;
	v17 =	vadd.f32 v21, v17;
	[tilespmem:s13+$0x4000] =	vst v14  }
0x1e4: {  	s6 =	sor.u32 $0xC10, s9;
	v6 =	vadd.f32 v10, v6;
	[tilespmem:s24+$0x4000] =	vst v16;
	v14 =	vld [tilespmem:s1+$0x0]  }
0x1e5: {  	s5 =	sor.u32 $0xC10, s3;
	[tilespmem:s26+$0x4000] =	vst v17;
	v17 =	vld [tilespmem:s6+$0x0]  }
0x1e6: {  	v6 =	vadd.f32 v6, v18;
	v16 =	vld [tilespmem:s5+$0x0]  }
0x1e7: {  	v18 =	vadd.f32 v9, v8  }
0x1e8: {  	v21 =	vadd.f32 v7, v8;
	[tilespmem:s10+$0x4000] =	vst v6  }
0x1e9: {  	v19 =	vadd.f32 v11, v8;
	v6 =	vld [tilespmem:s11+$0x0];
	v14 =	vadd.f32 v14, v18  }
0x1ea: {  	v17 =	vadd.f32 v17, v21  }
0x1eb: {  	v20 =	vld [tilespmem:s30+$0x0];
	v16 =	vadd.f32 v16, v19;
	[tilespmem:s1+$0x4000] =	vst v14  }
0x1ec: {  	v8 =	vadd.f32 v10, v8;
	v18 =	vld [tilespmem:s19+$0x0];
	[tilespmem:s6+$0x4000] =	vst v17  }
0x1ed: {  	s10 =	sor.u32 $0xC20, s16;
	v19 =	vld [tilespmem:s20+$0x0];
	[tilespmem:s5+$0x4000] =	vst v16  }
0x1ee: {  	v14 =	vadd.f32 v4, v5;
	v6 =	vadd.f32 v6, v8;
	v8 =	vld [tilespmem:s10+$0x0];
	s8 =	rddreg [dreg:$0x8]  }
0x1ef: {  	s12 =	sor.u32 $0xC20, s9;
	v12 =	vadd.f32 v15, v12;
	v15 =	vadd.f32 v0, v5;
	v16 =	vld [tilespmem:s8+$0x0]  }
0x1f0: {  	s13 =	sor.u32 $0xC20, s25;
	v17 =	vadd.f32 v3, v5;
	v14 =	vadd.f32 v20, v14;
	[tilespmem:s11+$0x4000] =	vst v6;
	v6 =	vld [tilespmem:s12+$0x0]  }
0x1f1: {  	[tilespmem:s4+$0x4000] =	vst v12;
	v12 =	vadd.f32 v18, v15;
	v15 =	vld [tilespmem:s13+$0x0]  }
0x1f2: {  	v18 =	vld [tilespmem:s31+$0x0];
	v17 =	vadd.f32 v19, v17;
	[tilespmem:s30+$0x4000] =	vst v14;
	v14 =	vadd.f32 v11, v5  }
0x1f3: {  	v19 =	vld [tilespmem:s15+$0x0];
	[tilespmem:s19+$0x4000] =	vst v12;
	v12 =	vadd.f32 v7, v5;
	v8 =	vadd.f32 v8, v13  }
0x1f4: {  	s14 =	sor.u32 $0xC30, s23;
	v5 =	vadd.f32 v10, v5;
	[tilespmem:s20+$0x4000] =	vst v17;
	v13 =	vld [tilespmem:s2+$0x0];
	v14 =	vadd.f32 v16, v14  }
0x1f5: {  	v1 =	vadd.f32 v1, v2;
	s7 =	sor.u32 $0xC30, s16;
	v16 =	vld [tilespmem:s14+$0x0];
	[tilespmem:s10+$0x4000] =	vst v8;
	v6 =	vadd.f32 v6, v12  }
0x1f6: {  	s16 =	sor.u32 $0xC30, s3;
	v4 =	vadd.f32 v4, v2;
	v5 =	vadd.f32 v15, v5;
	v8 =	vld [tilespmem:s7+$0x0];
	[tilespmem:s8+$0x4000] =	vst v14  }
0x1f7: {  	s17 =	sor.u32 $0xC30, s9;
	v0 =	vadd.f32 v0, v2;
	v1 =	vadd.f32 v18, v1;
	v12 =	vld [tilespmem:s16+$0x0];
	[tilespmem:s12+$0x4000] =	vst v6  }
0x1f8: {  	v3 =	vadd.f32 v3, v2;
	v4 =	vadd.f32 v19, v4;
	[tilespmem:s13+$0x4000] =	vst v5;
	v5 =	vld [tilespmem:s17+$0x0]  }
0x1f9: {  	s18 =	sor.u32 $0xC30, s25;
	[tilespmem:s31+$0x4000] =	vst v1;
	v1 =	vadd.f32 v9, v2;
	v0 =	vadd.f32 v13, v0  }
0x1fa: {  	s0 =	simm.s32 $0x30;
	p0 =	por $0x0, $0x0;
	[tilespmem:s15+$0x4000] =	vst v4;
	v4 =	vadd.f32 v11, v2;
	v6 =	vld [tilespmem:s18+$0x0];
	v3 =	vadd.f32 v16, v3  }
0x1fb: {  	s28 =	simm.s32 $0x10;
	s22 =	sand.u32 $0x70, s0;
	s26 =	simm.s32 $0x0;
	[tilespmem:s2+$0x4000] =	vst v0;
	v0 =	vadd.f32 v8, v1;
	v1 =	vadd.f32 v7, v2  }
0x1fc: {  	s0 =	sand.u32 $0x80, s0;
	s29 =	sand.u32 $0x80, s26;
	s6 =	simm.s32 $0x1;
	[tilespmem:s14+$0x4000] =	vst v3;
	v3 =	vadd.f32 v12, v4  }
0x1fd: {  	s6 =	simm.s32 @!p0 $0x0;
	p0 =	por !p0, !p0;
	s19 =	simm.s32 $0x0;
	v2 =	vadd.f32 v10, v2;
	[tilespmem:s7+$0x4000] =	vst v0;
	v0 =	vadd.f32 v5, v1  }
0x1fe: {  	s24 =	sshll.u32 s6, $0x9;
	s20 =	simm.s32 $0x20;
	s23 =	sand.u32 $0x7, s19;
	[tilespmem:s16+$0x4000] =	vst v3  }
0x1ff: {  	s25 =	sshll.u32 s23, $0x7;
	s4 =	sand.u32 $0x80, s20;
	s23 =	sadd.s32 $0x0, s24;
	v1 =	vadd.f32 v6, v2;
	[tilespmem:s17+$0x4000] =	vst v0  }
0x200: {  	s24 =	simm.s32 $0x40;
	s12 =	sand.u32 $0x80, s28;
	s21 =	rddreg [dreg:$0x4]  }
0x201: {  	s1 =	sadd.s32 $0x0, s25;
	s14 =	sand.u32 $0x50, s28;
	[tilespmem:s18+$0x4000] =	vst v1;
	s15 =	sadd.s32 s12, s21  }
0x202: {  	s2 =	sand.u32 $0x3, s19;
	s13 =	sadd.s32 s0, s21;
	v6 =	vld [tilespmem:$0x81C0];
	s5 =	sadd.s32 s14, s15  }
0x203: {  	s0 =	sadd.s32 $0x80, s1;
	s1 =	sadd.s32 $0x180, s1;
	s18 =	sadd.s32 s22, s13;
	v1 =	vld [tilespmem:s5+$0x0]  }
0x204: {  	s16 =	sand.u32 $0x60, s20;
	s4 =	sadd.s32 s4, s21;
	s19 =	sor.u32 $0xC40, s1;
	v0 =	vld [tilespmem:s18+$0x0]  }
0x205: {  	s10 =	sor.u32 $0xC40, s23;
	s2 =	sshll.u32 s2, $0x8;
	s4 =	sadd.s32 s16, s4;
	v2 =	vld [tilespmem:s19+$0x0]  }
0x206: {  	s28 =	sand.u32 $0x80, s24;
	s6 =	sadd.s32 $0x100, s2;
	s12 =	sor.u32 $0xC40, s0;
	v4 =	vld [tilespmem:s4+$0x0]  }
0x207: {  	s20 =	sor.u32 $0xC40, s6;
	s17 =	sand.u32 $0x40, s26;
	s3 =	sadd.s32 s29, s21;
	v7 =	vld [tilespmem:s12+$0x0]  }
0x208: {  	s24 =	sand.u32 $0x40, s24;
	s26 =	simm.s32 $0x50;
	v9 =	vld [tilespmem:s20+$0x0];
	s3 =	sadd.s32 s17, s3  }
0x209: {  	s2 =	sor.u32 $0xC60, s6;
	s7 =	sor.u32 $0xC50, s6;
	s29 =	sand.u32 $0x80, s26;
	v3 =	vld [tilespmem:s3+$0x0];
	v10 =	vadd.f32 v0, v6  }
0x20a: {  	v8 =	vld [tilespmem:$0x81D0];
	s22 =	simm.s32 $0x4;
	s14 =	simm.s32 $0x70;
	s15 =	simm.s32 $0x1;
	v12 =	vadd.f32 v1, v6  }
0x20b: {  	v11 =	vld [tilespmem:s10+$0x0];
	s8 =	sor.u32 $0xC50, s1;
	s17 =	simm.s32 $0x60;
	s31 =	sor.u32 $0xC70, s0;
	v13 =	vadd.f32 v4, v6;
	v10 =	vadd.f32 v10, v2  }
0x20c: {  	v5 =	vld [tilespmem:$0x81E0];
	s3 =	simm.s32 $0x2;
	s5 =	sor.u32 $0xC50, s23;
	s4 =	sor.u32 $0xC50, s0;
	v7 =	vadd.f32 v12, v7  }
0x20d: {  	s15 =	simm.s32 @!p0 $0x0;
	s18 =	sand.u32 $0x70, s14;
	s13 =	sand.u32 $0x7, s22;
	v2 =	vld [tilespmem:$0x81F0];
	v9 =	vadd.f32 v13, v9;
	[tilespmem:s19+$0x4000] =	vst v10  }
0x20e: {  	s14 =	sand.u32 $0x80, s14;
	s22 =	sand.u32 $0x60, s17;
	s25 =	sshll.u32 s13, $0x7;
	v10 =	vadd.f32 v3, v6;
	[tilespmem:s12+$0x4000] =	vst v7;
	v12 =	vld [tilespmem:s8+$0x0]  }
0x20f: {  	s13 =	sand.u32 $0x50, s26;
	s11 =	sadd.s32 $0x800, s25;
	[tilespmem:s20+$0x4000] =	vst v9;
	s20 =	sadd.s32 s29, s21;
	v13 =	vld [tilespmem:s4+$0x0]  }
0x210: {  	p0 =	por !p0, !p0;
	s16 =	sadd.s32 $0x80, s11;
	s9 =	sadd.s32 s13, s20;
	v7 =	vadd.f32 v10, v11;
	v10 =	vld [tilespmem:s7+$0x0]  }
0x211: {  	s14 =	sadd.s32 s14, s21;
	s25 =	sand.u32 $0x80, s17;
	s13 =	sor.u32 $0xC40, s16;
	v9 =	vld [tilespmem:s9+$0x0]  }
0x212: {  	s3 =	sand.u32 $0x3, s3;
	s26 =	sadd.s32 s18, s14;
	s9 =	sadd.s32 s25, s21;
	v14 =	vld [tilespmem:s13+$0x0];
	[tilespmem:s10+$0x4000] =	vst v7  }
0x213: {  	s19 =	sadd.s32 s28, s21;
	v11 =	vadd.f32 v1, v8;
	s29 =	sadd.s32 s22, s9;
	s9 =	sadd.s32 $0x180, s11;
	v15 =	vld [tilespmem:s5+$0x0]  }
0x214: {  	s3 =	sshll.u32 s3, $0x8;
	v17 =	vadd.f32 v0, v8;
	s28 =	sadd.s32 s24, s19;
	v7 =	vld [tilespmem:s26+$0x0];
	s24 =	sor.u32 $0xC40, s9  }
0x215: {  	s15 =	sshll.u32 s15, $0x9;
	s18 =	sor.u32 $0xC70, s1;
	s3 =	sadd.s32 $0x900, s3;
	v18 =	vadd.f32 v4, v8;
	v16 =	vld [tilespmem:s24+$0x0];
	v13 =	vadd.f32 v13, v11  }
0x216: {  	s17 =	simm.s32 $0x4;
	v19 =	vadd.f32 v3, v8;
	s25 =	sadd.s32 $0x800, s15;
	s26 =	sor.u32 $0xC40, s3;
	v12 =	vadd.f32 v12, v17;
	v11 =	vld [tilespmem:s29+$0x0]  }
0x217: {  	s30 =	sor.u32 $0xC60, s3;
	s12 =	simm.s32 $0x4;
	s20 =	sor.u32 $0xC40, s25;
	v17 =	vld [tilespmem:s26+$0x0];
	v10 =	vadd.f32 v10, v18;
	[tilespmem:s4+$0x4000] =	vst v13  }
0x218: {  	s19 =	sor.u32 $0xC60, s1;
	s1 =	simm.s32 $0xB0;
	s15 =	sor.u32 $0xC70, s6;
	v18 =	vld [tilespmem:s20+$0x0];
	[tilespmem:s8+$0x4000] =	vst v12;
	v21 =	vadd.f32 v15, v19  }
0x219: {  	s21 =	simm.s32 $0x1100;
	s22 =	simm.s32 $0x8;
	v20 =	vadd.f32 v9, v6;
	s4 =	sor.u32 $0xC60, s0;
	v12 =	vadd.f32 v1, v5;
	[tilespmem:s7+$0x4000] =	vst v10;
	v10 =	vld [tilespmem:s28+$0x0]  }
0x21a: {  	s11 =	sor.u32 $0xC50, s25;
	s10 =	sor.u32 $0xC60, s23;
	v13 =	vadd.f32 v9, v5;
	s8 =	simm.s32 $0x1000;
	v15 =	vld [tilespmem:s4+$0x0];
	v19 =	vadd.f32 v7, v6;
	[tilespmem:s5+$0x4000] =	vst v21  }
.LBB2_17:
0x21b: {  	[smem:$0x7F0] =	sst s23  }
0x21c: {  	[dreg:$0x19] =	wrdreg s25  }
0x21d: {  	s6 =	sor.u32 $0xC50, s16;
	s25 =	sor.u32 $0xC50, s3;
	s23 =	sor.u32 $0xC50, s9  }
0x21e: {  	s7 =	smov.u32 s16;
	s5 =	smov.u32 s9;
	s0 =	smov.u32 s3  }
0x21f: {  	s3 =	simm.s32 $0x1;
	s9 =	sadd.s32 $0xFFFFFFF0, s1;
	s28 =	sand.u32 $0x70, s1  }
0x220: {  	s14 =	sand.u32 $0x80, s1;
	s12 =	sadd.s32 $0x4, s12;
	[dreg:$0x14] =	wrdreg s5;
	v16 =	vadd.f32 v19, v16  }
0x221: {  	[dreg:$0xf] =	wrdreg s0;
	s3 =	simm.s32 @!p0 $0x0;
	v14 =	vadd.f32 v20, v14;
	v20 =	vld [tilespmem:s2+$0x0];
	s5 =	sand.u32 $0x7, s22;
	v21 =	vadd.f32 v11, v6  }
0x222: {  	s0 =	smov.u32 s18;
	s18 =	sadd.s32 $0xFFFFFFE0, s1;
	p2 =	slt.u32 s12, $0xC;
	v19 =	vld [tilespmem:s10+$0x0];
	[tilespmem:s24+$0x4000] =	vst v16  }
0x223: {  	s22 =	sadd.s32 $0x4, s22;
	p0 =	por !p0, !p0;
	s3 =	sshll.u32 s3, $0x9;
	[tilespmem:s13+$0x4000] =	vst v14;
	v17 =	vadd.f32 v21, v17;
	v16 =	vld [tilespmem:s19+$0x0]  }
0x224: {  	s16 =	sshll.u32 s5, $0x7;
	s5 =	smov.u32 s30;
	s30 =	rddreg [dreg:$0x4];
	v15 =	vadd.f32 v15, v12;
	v12 =	vmov v13;
	v13 =	vadd.f32 v10, v6;
	v22 =	vld [tilespmem:s6+$0x0]  }
0x225: {  	s29 =	sand.u32 $0x80, s18;
	s18 =	sand.u32 $0x50, s18;
	s14 =	sadd.s32 s14, s30;
	v14 =	vld [tilespmem:s23+$0x0];
	v21 =	vadd.f32 v3, v5;
	[tilespmem:s26+$0x4000] =	vst v17;
	v17 =	vadd.f32 v4, v5  }
0x226: {  	v23 =	vadd.f32 v0, v5;
	s14 =	sadd.s32 s28, s14;
	s24 =	sadd.s32 $0xFFFFFFD0, s1;
	v13 =	vadd.f32 v13, v18;
	[tilespmem:s4+$0x4000] =	vst v15;
	s26 =	sadd.s32 s29, s30;
	v18 =	vld [tilespmem:s25+$0x0]  }
0x227: {  	s1 =	sadd.s32 $0x40, s1;
	s13 =	sand.u32 $0x80, s24;
	v19 =	vadd.f32 v19, v21;
	v21 =	vld [tilespmem:s31+$0x0];
	s18 =	sadd.s32 s18, s26;
	v17 =	vadd.f32 v20, v17  }
0x228: {  	s4 =	sadd.s32 s16, s8;
	s24 =	sand.u32 $0x40, s24;
	v15 =	vadd.f32 v7, v8;
	[tilespmem:s20+$0x4000] =	vst v13;
	s20 =	sld [smem:$0x7F0];
	v20 =	vld [tilespmem:s18+$0x0];
	v13 =	vadd.f32 v16, v23  }
0x229: {  	v24 =	vadd.f32 v4, v2;
	s16 =	sadd.s32 $0x80, s4;
	s29 =	sand.u32 $0x60, s9;
	s9 =	sand.u32 $0x80, s9;
	v16 =	vld [tilespmem:s11+$0x0];
	v23 =	vadd.f32 v11, v8;
	[tilespmem:s2+$0x4000] =	vst v17  }
0x22a: {  	s26 =	sadd.s32 s13, s30;
	s13 =	sor.u32 $0xC40, s16;
	s9 =	sadd.s32 s9, s30;
	v14 =	vadd.f32 v14, v15;
	v15 =	vadd.f32 v1, v2;
	v1 =	vmov v9;
	v17 =	vld [tilespmem:s15+$0x0];
	[tilespmem:s19+$0x4000] =	vst v13  }
0x22b: {  	v4 =	vmov v11;
	s28 =	sadd.s32 s24, s26;
	s18 =	sadd.s32 s29, s9;
	[tilespmem:s10+$0x4000] =	vst v19;
	s29 =	sor.u32 $0xC70, s20;
	v25 =	vadd.f32 v1, v8;
	v11 =	vadd.f32 v18, v23;
	v18 =	vld [tilespmem:s0+$0x0]  }
0x22c: {  	s9 =	sadd.s32 $0x180, s4;
	s24 =	sand.u32 $0x3, s17;
	s26 =	rddreg [dreg:$0x19];
	v19 =	vadd.f32 v10, v8;
	v15 =	vadd.f32 v21, v15;
	v23 =	vld [tilespmem:s29+$0x0]  }
0x22d: {  	s4 =	sor.u32 $0xC60, s7;
	s17 =	sadd.s32 $0x2, s17;
	s2 =	smov.u32 s5;
	[tilespmem:s23+$0x4000] =	vst v14;
	v14 =	vld [tilespmem:s13+$0x0];
	v21 =	vadd.f32 v22, v25;
	v13 =	vadd.f32 v20, v5  }
0x22e: {  	s19 =	sadd.s32 s3, s8;
	s3 =	sshll.u32 s24, $0x8;
	s24 =	sor.u32 $0xC40, s9;
	[tilespmem:s31+$0x4000] =	vst v15;
	v15 =	vadd.f32 v0, v2;
	v0 =	vmov v7;
	v7 =	vld [tilespmem:s14+$0x0];
	v22 =	vadd.f32 v16, v19  }
0x22f: {  	s8 =	sadd.s32 $0x800, s8;
	s20 =	sor.u32 $0xC40, s19;
	s3 =	sadd.s32 s3, s21;
	v9 =	vmov v20;
	[tilespmem:s25+$0x4000] =	vst v11;
	v16 =	vld [tilespmem:s24+$0x0];
	v19 =	vadd.f32 v3, v2;
	v20 =	vadd.f32 v17, v24  }
.Ltmp7:
0x230: {  	s23 =	smov.u32 s26;
	s26 =	sor.u32 $0xC40, s3;
	v3 =	vmov v10;
	[tilespmem:s6+$0x4000] =	vst v21;
	v11 =	vld [tilespmem:s18+$0x0];
	v10 =	vadd.f32 v18, v15;
	(pc) =	sbr.rel @p2 .LBB2_17-.Ltmp7, $4  }
0x231: {  	s21 =	sadd.s32 $0x800, s21;
	s30 =	sor.u32 $0xC60, s3;
	s14 =	smov.u32 s0;
	v17 =	vld [tilespmem:s26+$0x0];
	v18 =	vadd.f32 v23, v19;
	[tilespmem:s15+$0x4000] =	vst v20  }
0x232: {  	s31 =	sor.u32 $0xC70, s7;
	s10 =	sor.u32 $0xC60, s23;
	s6 =	rddreg [dreg:$0x14];
	v15 =	vld [tilespmem:s4+$0x0];
	[tilespmem:s14+$0x4000] =	vst v10  }
0x233: {  	s25 =	smov.u32 s19;
	s19 =	rddreg [dreg:$0xf];
	s18 =	sor.u32 $0xC70, s6;
	v10 =	vld [tilespmem:s28+$0x0];
	[tilespmem:s29+$0x4000] =	vst v18  }
0x234: {  	s15 =	sor.u32 $0xC70, s19;
	s19 =	sor.u32 $0xC60, s6;
	v19 =	vadd.f32 v7, v6;
	v20 =	vadd.f32 v9, v6;
	v18 =	vld [tilespmem:s20+$0x0];
	[tilespmem:s11+$0x4000] =	vst v22;
	s11 =	sor.u32 $0xC50, s25  }
0x235: {  	_ = 	snop  }
0x236: {  	v21 =	vadd.f32 v11, v6  }
0x237: {  	v14 =	vadd.f32 v20, v14  }
0x238: {  	v17 =	vadd.f32 v21, v17;
	v6 =	vadd.f32 v10, v6  }
0x239: {  	s1 =	sor.u32 $0xC50, s16;
	[tilespmem:s13+$0x4000] =	vst v14;
	v14 =	vadd.f32 v19, v16  }
0x23a: {  	s5 =	sor.u32 $0xC50, s3;
	[tilespmem:s26+$0x4000] =	vst v17;
	v16 =	vld [tilespmem:s1+$0x0];
	v6 =	vadd.f32 v6, v18  }
0x23b: {  	s6 =	sor.u32 $0xC50, s9;
	[tilespmem:s24+$0x4000] =	vst v14;
	v14 =	vld [tilespmem:s5+$0x0]  }
0x23c: {  	[tilespmem:s20+$0x4000] =	vst v6;
	v6 =	vld [tilespmem:s6+$0x0]  }
0x23d: {  	v18 =	vadd.f32 v9, v8;
	v17 =	vld [tilespmem:s11+$0x0]  }
0x23e: {  	v19 =	vadd.f32 v11, v8  }
0x23f: {  	v20 =	vld [tilespmem:s2+$0x0];
	v21 =	vadd.f32 v7, v8;
	v16 =	vadd.f32 v16, v18  }
0x240: {  	v8 =	vadd.f32 v10, v8;
	v18 =	vld [tilespmem:s19+$0x0];
	v14 =	vadd.f32 v14, v19  }
0x241: {  	s20 =	sor.u32 $0xC60, s16;
	v19 =	vld [tilespmem:s10+$0x0];
	[tilespmem:s1+$0x4000] =	vst v16;
	v6 =	vadd.f32 v6, v21  }
0x242: {  	[tilespmem:s5+$0x4000] =	vst v14;
	v14 =	vadd.f32 v4, v5;
	v16 =	vld [tilespmem:s20+$0x0];
	v8 =	vadd.f32 v17, v8  }
0x243: {  	s21 =	sor.u32 $0xC60, s9;
	v12 =	vadd.f32 v15, v12;
	v15 =	vadd.f32 v0, v5;
	[tilespmem:s6+$0x4000] =	vst v6;
	v6 =	vld [tilespmem:s30+$0x0]  }
0x244: {  	s22 =	sor.u32 $0xC60, s25;
	v17 =	vadd.f32 v3, v5;
	v14 =	vadd.f32 v20, v14;
	[tilespmem:s11+$0x4000] =	vst v8;
	v8 =	vld [tilespmem:s21+$0x0]  }
0x245: {  	[tilespmem:s4+$0x4000] =	vst v12;
	v12 =	vadd.f32 v18, v15;
	v15 =	vld [tilespmem:s22+$0x0]  }
0x246: {  	v18 =	vadd.f32 v11, v5;
	[tilespmem:s2+$0x4000] =	vst v14;
	v14 =	vadd.f32 v19, v17  }
0x247: {  	[tilespmem:s19+$0x4000] =	vst v12;
	v13 =	vadd.f32 v16, v13;
	v16 =	vadd.f32 v7, v5  }
0x248: {  	v17 =	vld [tilespmem:s31+$0x0];
	v5 =	vadd.f32 v10, v5;
	[tilespmem:s10+$0x4000] =	vst v14;
	v6 =	vadd.f32 v6, v18  }
0x249: {  	v12 =	vld [tilespmem:s15+$0x0];
	[tilespmem:s20+$0x4000] =	vst v13;
	v8 =	vadd.f32 v8, v16  }
0x24a: {  	s24 =	sor.u32 $0xC70, s23;
	v14 =	vld [tilespmem:s18+$0x0];
	[tilespmem:s30+$0x4000] =	vst v6;
	v5 =	vadd.f32 v15, v5  }
0x24b: {  	v1 =	vadd.f32 v1, v2;
	s26 =	sor.u32 $0xC70, s16;
	v13 =	vld [tilespmem:s24+$0x0];
	[tilespmem:s21+$0x4000] =	vst v8  }
0x24c: {  	v4 =	vadd.f32 v4, v2;
	v6 =	vld [tilespmem:s26+$0x0];
	[tilespmem:s22+$0x4000] =	vst v5  }
0x24d: {  	s28 =	sor.u32 $0xC70, s3;
	v0 =	vadd.f32 v0, v2;
	v1 =	vadd.f32 v17, v1;
	s6 =	sld [smem:$0x7F4]  }
0x24e: {  	s29 =	sor.u32 $0xC70, s9;
	v3 =	vadd.f32 v3, v2;
	v8 =	vld [tilespmem:s28+$0x0];
	v4 =	vadd.f32 v12, v4  }
0x24f: {  	s30 =	sor.u32 $0xC70, s25;
	v5 =	vld [tilespmem:s29+$0x0];
	v0 =	vadd.f32 v14, v0;
	[tilespmem:s31+$0x4000] =	vst v1;
	v1 =	vadd.f32 v9, v2  }
0x250: {  	v9 =	vld [tilespmem:s30+$0x0];
	v3 =	vadd.f32 v13, v3;
	p0 =	seq.s32 s6, $0x4F;
	s6 =	sld [smem:$0x7F2];
	[tilespmem:s15+$0x4000] =	vst v4  }
0x251: {  	v4 =	vadd.f32 v11, v2;
	[tilespmem:s18+$0x4000] =	vst v0;
	v0 =	vadd.f32 v6, v1  }
0x252: {  	v1 =	vadd.f32 v7, v2;
	s7 =	sld [smem:$0x7FD];
	[tilespmem:s24+$0x4000] =	vst v3  }
0x253: {  	v2 =	vadd.f32 v10, v2;
	v3 =	vadd.f32 v8, v4;
	[tilespmem:s26+$0x4000] =	vst v0;
	s6 =	sadd.s32 @!p0 $0x2, s6  }
0x254: {  	v0 =	vadd.f32 v5, v1;
	s0 =	sshrl.u32 @!p0 s6, $0x5;
	s2 =	sshll.u32 @!p0 s6, $0xD;
	s6 =	sld [smem:$0x7F7]  }
0x255: {  	v1 =	vadd.f32 v9, v2;
	[tilespmem:s28+$0x4000] =	vst v3;
	s0 =	sadd.s32 @!p0 s7, s0  }
0x256: {  	[tilespmem:s29+$0x4000] =	vst v0;
	s0 =	sshll.u32 @!p0 s0, $0x12  }
0x257: {  	[tilespmem:s30+$0x4000] =	vst v1;
	s1 =	sand.u32 @!p0 $0x3C000, s2;
	s0 =	sadd.s32 @!p0 s6, s0  }
0x258: {  	s7 =	sld [smem:$0x7F5];
	s0 =	sor.u32 @!p0 s1, s0  }
0x259: {  	s1 =	rddreg [dreg:$0x0];
	s0 =	sshrl.u32 @!p0 s0, $0x3  }
0x25a: {  	s3 =	sld [smem:$0x7F3];
	s0 =	sadd.s32 @!p0 s1, s0;
	s1 =	simm.s32 @!p0 $0x0  }
0x25b: {  	[tilespmem:s1], [sflag:$0x1] =	stream.linear.gather @!p0 [hbm4b:s0+s1], $0x2000, $0x38;
	[tilespmem:$0xA200] =	vst v63  }
0x25c: {  	s0 =	sshll.u32 s7, $0x12  }
0x25d: {  	s9 =	sshll.u32 s3, $0xD;
	s8 =	sadd.s32 s6, s0  }
0x25e: {  	s12 =	simm.s32 $0x4000;
	s0 =	sor.u32 s9, s8  }
0x25f: {  	s13 =	simm.s32 $0x2;
	s10 =	rddreg [dreg:$0x2];
	s0 =	sshrl.u32 s0, $0x3  }
0x260: {  	s11 =	simm.s32 $0x0;
	[smem:$0x7EE] =	sst s8;
	s0 =	sadd.s32 s10, s0  }
0x261: {  	[hbm4b:s0+s11] =	stream.linear.scatter [tilespmem:s12], [sflag:$0x3], $0x2000, $0x38;
	[tilespmem:$0xA200] =	vst v63  }
0x262: {  	_ =	swait.ge [sflag:s13], $0x2000  }
0x263: {  	[sflag:s13] =	ssyncset.done $0x0  }
0x264: {  	s0 =	simm.s32 @!p1 $0x4;
	[sflag:s13] =	ssyncadd.s32 $0xFFFFE000  }
0x265: {  	s23 =	simm.s32 $0x30;
	_ =	swait.ge @!p1 [sflag:s0], $0x2000  }
0x266: {  	s17 =	simm.s32 $0x0;
	s4 =	sand.u32 $0x70, s23;
	[sflag:s0] =	ssyncset.done @!p1 $0x0  }
0x267: {  	s16 =	simm.s32 $0x20;
	s14 =	sor.u32 $0x1, s3;
	[sflag:s0] =	ssyncadd.s32 @!p1 $0xFFFFE000  }
0x268: {  	s19 =	simm.s32 $0x100;
	s18 =	sand.u32 $0x80, s16;
	s15 =	sshll.u32 s14, $0x8;
	v0 =	vld [tilespmem:$0x8000]  }
0x269: {  	s24 =	sand.u32 $0x80, s17;
	s28 =	sand.u32 $0x80, s23;
	s21 =	sadd.s32 $0x8200, s15;
	v1 =	vld [tilespmem:$0x8010]  }
0x26a: {  	s2 =	simm.s32 $0x0;
	s1 =	sand.u32 $0x40, s17;
	s6 =	sadd.s32 s24, s21;
	v2 =	vld [tilespmem:$0x8020]  }
0x26b: {  	s1 =	sadd.s32 s1, s6;
	s6 =	sadd.s32 s28, s21;
	[smem:$0x7EF] =	sst s14;
	v3 =	vld [tilespmem:$0x8030]  }
0x26c: {  	s3 =	sadd.s32 s18, s21;
	s4 =	sadd.s32 s4, s6;
	s0 =	sand.u32 $0x60, s16;
	v8 =	vld [tilespmem:s1+$0x0]  }
0x26d: {  	s22 =	sand.u32 $0x300, s19;
	s20 =	sand.u32 $0x1000, s2;
	s0 =	sadd.s32 s0, s3;
	v25 =	vld [tilespmem:s4+$0x0]  }
0x26e: {  	s25 =	simm.s32 $0x10;
	v4 =	vld [tilespmem:s0+$0x0];
	s0 =	sor.u32 s20, s22  }
0x26f: {  	s26 =	sand.u32 $0x80, s25;
	v5 =	vld [tilespmem:s0+$0x2030]  }
0x270: {  	s29 =	simm.s32 $0x0;
	s7 =	sadd.s32 s26, s21;
	s3 =	sand.u32 $0x50, s25;
	v6 =	vld [tilespmem:s0+$0x2000]  }
0x271: {  	s1 =	sand.u32 $0x200, s29;
	s3 =	sadd.s32 s3, s7;
	v7 =	vld [tilespmem:s0+$0x2010];
	v18 =	vadd.f32 v8, v0  }
0x272: {  	v22 =	vld [tilespmem:s3+$0x0];
	s3 =	sor.u32 s1, s20;
	v19 =	vadd.f32 v8, v1;
	v20 =	vadd.f32 v8, v2  }
0x273: {  	v10 =	vld [tilespmem:s3+$0x2000];
	v21 =	vadd.f32 v8, v3;
	v8 =	vadd.f32 v25, v0  }
0x274: {  	s30 =	simm.s32 $0x80;
	v13 =	vld [tilespmem:s3+$0x2020];
	v9 =	vadd.f32 v4, v3;
	v11 =	vadd.f32 v4, v0  }
0x275: {  	s1 =	sand.u32 $0x280, s30;
	v17 =	vld [tilespmem:s3+$0x2030];
	v12 =	vadd.f32 v4, v1;
	v4 =	vadd.f32 v4, v2  }
0x276: {  	s9 =	sor.u32 s20, s1;
	v5 =	vadd.f32 v5, v9;
	v6 =	vadd.f32 v11, v6;
	v11 =	vld [tilespmem:s3+$0x2010]  }
0x277: {  	v14 =	vld [tilespmem:s9+$0x2000];
	v16 =	vadd.f32 v22, v0;
	v15 =	vadd.f32 v22, v1  }
0x278: {  	s1 =	simm.s32 $0x180;
	v23 =	vld [tilespmem:s9+$0x2010];
	v26 =	vadd.f32 v7, v12;
	v12 =	vadd.f32 v22, v2;
	[tilespmem:s0+$0x6030] =	vst v5  }
0x279: {  	s31 =	sand.u32 $0x380, s1;
	v24 =	vld [tilespmem:s9+$0x2020];
	v9 =	vadd.f32 v22, v3;
	v7 =	vadd.f32 v25, v1;
	[tilespmem:s0+$0x6000] =	vst v6  }
0x27a: {  	s5 =	simm.s32 $0x70;
	s4 =	simm.s32 $0x0;
	s8 =	sor.u32 s20, s31;
	v22 =	vld [tilespmem:s9+$0x2030];
	[tilespmem:s0+$0x6010] =	vst v26;
	v6 =	vadd.f32 v25, v2;
	v5 =	vadd.f32 v25, v3  }
.LBB2_19:
0x27b: {  	s6 =	sadd.s32 $0xFFFFFFE0, s5;
	s7 =	sadd.s32 $0xFFFFFFF0, s5;
	s4 =	sadd.s32 $0x4, s4;
	v10 =	vadd.f32 v18, v10;
	v11 =	vadd.f32 v11, v19;
	v18 =	vld [tilespmem:s0+$0x2020]  }
0x27c: {  	s10 =	sadd.s32 $0xFFFFFFD0, s5;
	v13 =	vadd.f32 v13, v20;
	v17 =	vadd.f32 v17, v21;
	s11 =	sand.u32 $0x80, s7;
	p1 =	slt.u32 s4, $0xC;
	v19 =	vld [tilespmem:s8+$0x2000]  }
0x27d: {  	s1 =	sadd.s32 $0x200, s1;
	s7 =	sand.u32 $0x60, s7;
	s11 =	sadd.s32 s11, s21;
	[tilespmem:s3+$0x6000] =	vst v10;
	v10 =	vadd.f32 v16, v14;
	v14 =	vadd.f32 v23, v15;
	v15 =	vld [tilespmem:s8+$0x2010]  }
0x27e: {  	s2 =	sadd.s32 $0x800, s2;
	s7 =	sadd.s32 s7, s11;
	s11 =	sadd.s32 $0xFFFFFF80, s1;
	[tilespmem:s3+$0x6010] =	vst v11;
	v11 =	vadd.f32 v24, v12;
	v12 =	vld [tilespmem:s8+$0x2020]  }
0x27f: {  	s12 =	sand.u32 $0x80, s10;
	s13 =	sand.u32 $0x1000, s2;
	v16 =	vld [tilespmem:s7+$0x0];
	s7 =	sand.u32 $0x300, s11;
	[tilespmem:s3+$0x6020] =	vst v13;
	v9 =	vadd.f32 v22, v9  }
0x280: {  	s14 =	sand.u32 $0x80, s5;
	s11 =	sand.u32 $0x80, s6;
	s7 =	sor.u32 s13, s7;
	[tilespmem:s3+$0x6030] =	vst v17;
	v13 =	vadd.f32 v18, v4;
	v17 =	vld [tilespmem:s8+$0x2030]  }
0x281: {  	s3 =	sand.u32 $0x40, s10;
	s10 =	sadd.s32 s12, s21;
	s11 =	sadd.s32 s11, s21;
	v18 =	vld [tilespmem:s7+$0x2030];
	[tilespmem:s9+$0x6000] =	vst v10;
	v8 =	vadd.f32 v8, v19  }
0x282: {  	s14 =	sadd.s32 s14, s21;
	s6 =	sand.u32 $0x50, s6;
	s12 =	sand.u32 $0x70, s5;
	v19 =	vld [tilespmem:s7+$0x2000];
	[tilespmem:s9+$0x6010] =	vst v14;
	v7 =	vadd.f32 v15, v7  }
0x283: {  	s3 =	sadd.s32 s3, s10;
	s6 =	sadd.s32 s6, s11;
	s10 =	sadd.s32 s12, s14;
	v14 =	vld [tilespmem:s7+$0x2010];
	[tilespmem:s9+$0x6020] =	vst v11;
	v6 =	vadd.f32 v12, v6  }
0x284: {  	s11 =	sadd.s32 $0xFFFFFF00, s1;
	s12 =	sand.u32 $0x380, s1;
	v12 =	vld [tilespmem:s3+$0x0];
	s3 =	sadd.s32 $0xFFFFFE80, s1;
	v11 =	vadd.f32 v16, v0;
	v10 =	vadd.f32 v16, v3;
	[tilespmem:s9+$0x6030] =	vst v9  }
0x285: {  	v15 =	vadd.f32 v16, v1;
	v4 =	vadd.f32 v16, v2;
	s3 =	sand.u32 $0x200, s3;
	v9 =	vld [tilespmem:s6+$0x0];
	s6 =	sand.u32 $0x280, s11;
	s11 =	sor.u32 s13, s12;
	[tilespmem:s0+$0x6020] =	vst v13  }
0x286: {  	v5 =	vadd.f32 v17, v5;
	s0 =	smov.u32 s7;
	s3 =	sor.u32 s3, s13;
	s9 =	sor.u32 s13, s6;
	v13 =	vadd.f32 v18, v10;
	v25 =	vld [tilespmem:s10+$0x0];
	[tilespmem:s8+$0x6000] =	vst v8  }
0x287: {  	v10 =	vld [tilespmem:s3+$0x2000];
	v8 =	vadd.f32 v11, v19;
	[tilespmem:s8+$0x6010] =	vst v7  }
0x288: {  	v11 =	vld [tilespmem:s3+$0x2010];
	v7 =	vadd.f32 v14, v15;
	[tilespmem:s0+$0x6030] =	vst v13  }
0x289: {  	v18 =	vadd.f32 v12, v0;
	v19 =	vadd.f32 v12, v1;
	v13 =	vld [tilespmem:s3+$0x2020];
	[tilespmem:s0+$0x6000] =	vst v8  }
.Ltmp8:
0x28a: {  	v20 =	vadd.f32 v12, v2;
	v21 =	vadd.f32 v12, v3;
	v17 =	vld [tilespmem:s3+$0x2030];
	[tilespmem:s0+$0x6010] =	vst v7;
	(pc) =	sbr.rel @p1 .LBB2_19-.Ltmp8, $4  }
0x28b: {  	v16 =	vadd.f32 v9, v0;
	v15 =	vadd.f32 v9, v1;
	v14 =	vld [tilespmem:s9+$0x2000];
	[tilespmem:s8+$0x6020] =	vst v6  }
0x28c: {  	v12 =	vadd.f32 v9, v2;
	v9 =	vadd.f32 v9, v3;
	v23 =	vld [tilespmem:s9+$0x2010];
	[tilespmem:s8+$0x6030] =	vst v5;
	s8 =	smov.u32 s11  }
0x28d: {  	v8 =	vadd.f32 v25, v0;
	v7 =	vadd.f32 v25, v1;
	v24 =	vld [tilespmem:s9+$0x2020]  }
0x28e: {  	s5 =	sadd.s32 $0x40, s5;
	v6 =	vadd.f32 v25, v2;
	v5 =	vadd.f32 v25, v3;
	v22 =	vld [tilespmem:s9+$0x2030]  }
0x28f: {  	v0 =	vadd.f32 v18, v10  }
0x290: {  	v1 =	vadd.f32 v11, v19  }
0x291: {  	v2 =	vadd.f32 v13, v20;
	[tilespmem:s3+$0x6000] =	vst v0  }
0x292: {  	v3 =	vadd.f32 v17, v21;
	v11 =	vld [tilespmem:s8+$0x2010];
	[tilespmem:s3+$0x6010] =	vst v1  }
0x293: {  	v10 =	vadd.f32 v16, v14;
	v0 =	vld [tilespmem:s0+$0x2020];
	[tilespmem:s3+$0x6020] =	vst v2  }
0x294: {  	v1 =	vld [tilespmem:s8+$0x2000];
	v2 =	vadd.f32 v23, v15;
	[tilespmem:s3+$0x6030] =	vst v3  }
0x295: {  	v3 =	vadd.f32 v24, v12;
	v12 =	vld [tilespmem:s8+$0x2020];
	[tilespmem:s9+$0x6000] =	vst v10  }
0x296: {  	v10 =	vld [tilespmem:s8+$0x2030];
	v9 =	vadd.f32 v22, v9;
	[tilespmem:s9+$0x6010] =	vst v2  }
0x297: {  	[tilespmem:s9+$0x6020] =	vst v3;
	v2 =	vadd.f32 v11, v7  }
0x298: {  	[tilespmem:s9+$0x6030] =	vst v9;
	v0 =	vadd.f32 v0, v4  }
0x299: {  	v1 =	vadd.f32 v8, v1;
	[tilespmem:s8+$0x6010] =	vst v2  }
0x29a: {  	[tilespmem:s0+$0x6020] =	vst v0;
	v0 =	vadd.f32 v12, v6  }
0x29b: {  	[tilespmem:s8+$0x6000] =	vst v1;
	v1 =	vadd.f32 v10, v5  }
0x29c: {  	s20 =	simm.s32 $0x20;
	[tilespmem:s8+$0x6020] =	vst v0  }
0x29d: {  	s1 =	simm.s32 $0x30;
	s2 =	simm.s32 $0x0;
	s4 =	simm.s32 $0x100;
	[tilespmem:s8+$0x6030] =	vst v1  }
0x29e: {  	s24 =	simm.s32 $0x10;
	s6 =	simm.s32 $0x0;
	s22 =	sand.u32 $0x80, s20;
	v0 =	vld [tilespmem:$0x8040]  }
0x29f: {  	s23 =	sand.u32 $0x300, s4;
	s25 =	sand.u32 $0x80, s6;
	s7 =	sand.u32 $0x80, s24;
	v1 =	vld [tilespmem:$0x8050]  }
0x2a0: {  	s26 =	sand.u32 $0x80, s1;
	s3 =	sadd.s32 s22, s21;
	s0 =	sand.u32 $0x60, s20;
	v2 =	vld [tilespmem:$0x8060]  }
0x2a1: {  	s6 =	sand.u32 $0x40, s6;
	s0 =	sadd.s32 s0, s3;
	s3 =	sadd.s32 s25, s21;
	v3 =	vld [tilespmem:$0x8070]  }
0x2a2: {  	s4 =	sand.u32 $0x50, s24;
	s7 =	sadd.s32 s7, s21;
	s3 =	sadd.s32 s6, s3;
	v4 =	vld [tilespmem:s0+$0x0]  }
0x2a3: {  	s1 =	sand.u32 $0x70, s1;
	s28 =	sadd.s32 s26, s21;
	s4 =	sadd.s32 s4, s7;
	v8 =	vld [tilespmem:s3+$0x0]  }
0x2a4: {  	s5 =	sand.u32 $0x1000, s2;
	s1 =	sadd.s32 s1, s28;
	v22 =	vld [tilespmem:s4+$0x0]  }
0x2a5: {  	s0 =	sor.u32 s5, s23;
	v25 =	vld [tilespmem:s1+$0x0]  }
0x2a6: {  	s29 =	simm.s32 $0x0;
	v5 =	vld [tilespmem:s0+$0x2070]  }
0x2a7: {  	s3 =	sand.u32 $0x200, s29;
	v6 =	vld [tilespmem:s0+$0x2040];
	v9 =	vadd.f32 v4, v3  }
0x2a8: {  	v7 =	vld [tilespmem:s0+$0x2050];
	s3 =	sor.u32 s3, s5;
	v11 =	vadd.f32 v4, v0;
	v12 =	vadd.f32 v4, v1  }
0x2a9: {  	v10 =	vld [tilespmem:s3+$0x2040];
	v4 =	vadd.f32 v4, v2;
	v18 =	vadd.f32 v8, v0  }
0x2aa: {  	s30 =	simm.s32 $0x80;
	v13 =	vld [tilespmem:s3+$0x2060];
	v19 =	vadd.f32 v8, v1;
	v20 =	vadd.f32 v8, v2  }
0x2ab: {  	s1 =	sand.u32 $0x280, s30;
	v17 =	vld [tilespmem:s3+$0x2070];
	v21 =	vadd.f32 v8, v3;
	v16 =	vadd.f32 v22, v0  }
0x2ac: {  	s9 =	sor.u32 s5, s1;
	v5 =	vadd.f32 v5, v9;
	v6 =	vadd.f32 v11, v6;
	v11 =	vld [tilespmem:s3+$0x2050]  }
0x2ad: {  	v14 =	vld [tilespmem:s9+$0x2040];
	v15 =	vadd.f32 v22, v1;
	v8 =	vadd.f32 v25, v0  }
0x2ae: {  	s1 =	simm.s32 $0x180;
	v23 =	vld [tilespmem:s9+$0x2050];
	v26 =	vadd.f32 v7, v12;
	v12 =	vadd.f32 v22, v2;
	[tilespmem:s0+$0x6070] =	vst v5  }
0x2af: {  	s31 =	sand.u32 $0x380, s1;
	v24 =	vld [tilespmem:s9+$0x2060];
	v9 =	vadd.f32 v22, v3;
	v7 =	vadd.f32 v25, v1;
	[tilespmem:s0+$0x6040] =	vst v6  }
0x2b0: {  	s4 =	simm.s32 $0x0;
	s8 =	sor.u32 s5, s31;
	s5 =	simm.s32 $0x70;
	v22 =	vld [tilespmem:s9+$0x2070];
	[tilespmem:s0+$0x6050] =	vst v26;
	v6 =	vadd.f32 v25, v2;
	v5 =	vadd.f32 v25, v3  }
.LBB2_21:
0x2b1: {  	s6 =	sadd.s32 $0xFFFFFFE0, s5;
	s7 =	sadd.s32 $0xFFFFFFF0, s5;
	s4 =	sadd.s32 $0x4, s4;
	v10 =	vadd.f32 v18, v10;
	v11 =	vadd.f32 v11, v19;
	v18 =	vld [tilespmem:s0+$0x2060]  }
0x2b2: {  	s10 =	sadd.s32 $0xFFFFFFD0, s5;
	v13 =	vadd.f32 v13, v20;
	v17 =	vadd.f32 v17, v21;
	s11 =	sand.u32 $0x80, s7;
	p1 =	slt.u32 s4, $0xC;
	v19 =	vld [tilespmem:s8+$0x2040]  }
0x2b3: {  	s1 =	sadd.s32 $0x200, s1;
	s7 =	sand.u32 $0x60, s7;
	s11 =	sadd.s32 s11, s21;
	[tilespmem:s3+$0x6040] =	vst v10;
	v10 =	vadd.f32 v16, v14;
	v14 =	vadd.f32 v23, v15;
	v15 =	vld [tilespmem:s8+$0x2050]  }
0x2b4: {  	s2 =	sadd.s32 $0x800, s2;
	s7 =	sadd.s32 s7, s11;
	s11 =	sadd.s32 $0xFFFFFF80, s1;
	[tilespmem:s3+$0x6050] =	vst v11;
	v11 =	vadd.f32 v24, v12;
	v12 =	vld [tilespmem:s8+$0x2060]  }
0x2b5: {  	s12 =	sand.u32 $0x80, s10;
	s13 =	sand.u32 $0x1000, s2;
	v16 =	vld [tilespmem:s7+$0x0];
	s7 =	sand.u32 $0x300, s11;
	[tilespmem:s3+$0x6060] =	vst v13;
	v9 =	vadd.f32 v22, v9  }
0x2b6: {  	s14 =	sand.u32 $0x80, s5;
	s11 =	sand.u32 $0x80, s6;
	s7 =	sor.u32 s13, s7;
	[tilespmem:s3+$0x6070] =	vst v17;
	v13 =	vadd.f32 v18, v4;
	v17 =	vld [tilespmem:s8+$0x2070]  }
0x2b7: {  	s3 =	sand.u32 $0x40, s10;
	s10 =	sadd.s32 s12, s21;
	s11 =	sadd.s32 s11, s21;
	v18 =	vld [tilespmem:s7+$0x2070];
	[tilespmem:s9+$0x6040] =	vst v10;
	v8 =	vadd.f32 v8, v19  }
0x2b8: {  	s14 =	sadd.s32 s14, s21;
	s6 =	sand.u32 $0x50, s6;
	s12 =	sand.u32 $0x70, s5;
	v19 =	vld [tilespmem:s7+$0x2040];
	[tilespmem:s9+$0x6050] =	vst v14;
	v7 =	vadd.f32 v15, v7  }
0x2b9: {  	s3 =	sadd.s32 s3, s10;
	s6 =	sadd.s32 s6, s11;
	s10 =	sadd.s32 s12, s14;
	v14 =	vld [tilespmem:s7+$0x2050];
	[tilespmem:s9+$0x6060] =	vst v11;
	v6 =	vadd.f32 v12, v6  }
0x2ba: {  	s11 =	sadd.s32 $0xFFFFFF00, s1;
	s12 =	sand.u32 $0x380, s1;
	v12 =	vld [tilespmem:s3+$0x0];
	s3 =	sadd.s32 $0xFFFFFE80, s1;
	v11 =	vadd.f32 v16, v0;
	v10 =	vadd.f32 v16, v3;
	[tilespmem:s9+$0x6070] =	vst v9  }
0x2bb: {  	v15 =	vadd.f32 v16, v1;
	v4 =	vadd.f32 v16, v2;
	s3 =	sand.u32 $0x200, s3;
	v9 =	vld [tilespmem:s6+$0x0];
	s6 =	sand.u32 $0x280, s11;
	s11 =	sor.u32 s13, s12;
	[tilespmem:s0+$0x6060] =	vst v13  }
0x2bc: {  	v5 =	vadd.f32 v17, v5;
	s0 =	smov.u32 s7;
	s3 =	sor.u32 s3, s13;
	s9 =	sor.u32 s13, s6;
	v13 =	vadd.f32 v18, v10;
	v25 =	vld [tilespmem:s10+$0x0];
	[tilespmem:s8+$0x6040] =	vst v8  }
0x2bd: {  	v10 =	vld [tilespmem:s3+$0x2040];
	v8 =	vadd.f32 v11, v19;
	[tilespmem:s8+$0x6050] =	vst v7  }
0x2be: {  	v11 =	vld [tilespmem:s3+$0x2050];
	v7 =	vadd.f32 v14, v15;
	[tilespmem:s0+$0x6070] =	vst v13  }
0x2bf: {  	v18 =	vadd.f32 v12, v0;
	v19 =	vadd.f32 v12, v1;
	v13 =	vld [tilespmem:s3+$0x2060];
	[tilespmem:s0+$0x6040] =	vst v8  }
.Ltmp9:
0x2c0: {  	v20 =	vadd.f32 v12, v2;
	v21 =	vadd.f32 v12, v3;
	v17 =	vld [tilespmem:s3+$0x2070];
	[tilespmem:s0+$0x6050] =	vst v7;
	(pc) =	sbr.rel @p1 .LBB2_21-.Ltmp9, $4  }
0x2c1: {  	v16 =	vadd.f32 v9, v0;
	v15 =	vadd.f32 v9, v1;
	v14 =	vld [tilespmem:s9+$0x2040];
	[tilespmem:s8+$0x6060] =	vst v6  }
0x2c2: {  	v12 =	vadd.f32 v9, v2;
	v9 =	vadd.f32 v9, v3;
	v23 =	vld [tilespmem:s9+$0x2050];
	[tilespmem:s8+$0x6070] =	vst v5;
	s8 =	smov.u32 s11  }
0x2c3: {  	v8 =	vadd.f32 v25, v0;
	v7 =	vadd.f32 v25, v1;
	v24 =	vld [tilespmem:s9+$0x2060]  }
0x2c4: {  	s5 =	sadd.s32 $0x40, s5;
	v6 =	vadd.f32 v25, v2;
	v5 =	vadd.f32 v25, v3;
	v22 =	vld [tilespmem:s9+$0x2070]  }
0x2c5: {  	v0 =	vadd.f32 v18, v10  }
0x2c6: {  	v1 =	vadd.f32 v11, v19  }
0x2c7: {  	v2 =	vadd.f32 v13, v20;
	[tilespmem:s3+$0x6040] =	vst v0  }
0x2c8: {  	v3 =	vadd.f32 v17, v21;
	v11 =	vld [tilespmem:s8+$0x2050];
	[tilespmem:s3+$0x6050] =	vst v1  }
0x2c9: {  	v10 =	vadd.f32 v16, v14;
	v0 =	vld [tilespmem:s0+$0x2060];
	[tilespmem:s3+$0x6060] =	vst v2  }
0x2ca: {  	v1 =	vld [tilespmem:s8+$0x2040];
	v2 =	vadd.f32 v23, v15;
	[tilespmem:s3+$0x6070] =	vst v3  }
0x2cb: {  	v3 =	vadd.f32 v24, v12;
	v12 =	vld [tilespmem:s8+$0x2060];
	[tilespmem:s9+$0x6040] =	vst v10  }
0x2cc: {  	v10 =	vld [tilespmem:s8+$0x2070];
	v9 =	vadd.f32 v22, v9;
	[tilespmem:s9+$0x6050] =	vst v2  }
0x2cd: {  	[tilespmem:s9+$0x6060] =	vst v3;
	v2 =	vadd.f32 v11, v7  }
0x2ce: {  	[tilespmem:s9+$0x6070] =	vst v9;
	v0 =	vadd.f32 v0, v4  }
0x2cf: {  	v1 =	vadd.f32 v8, v1;
	[tilespmem:s8+$0x6050] =	vst v2  }
0x2d0: {  	[tilespmem:s0+$0x6060] =	vst v0;
	v0 =	vadd.f32 v12, v6  }
0x2d1: {  	[tilespmem:s8+$0x6040] =	vst v1;
	v1 =	vadd.f32 v10, v5  }
0x2d2: {  	s20 =	simm.s32 $0x20;
	[tilespmem:s8+$0x6060] =	vst v0  }
0x2d3: {  	s1 =	simm.s32 $0x30;
	s2 =	simm.s32 $0x0;
	s4 =	simm.s32 $0x100;
	[tilespmem:s8+$0x6070] =	vst v1  }
0x2d4: {  	s24 =	simm.s32 $0x10;
	s6 =	simm.s32 $0x0;
	s22 =	sand.u32 $0x80, s20;
	v0 =	vld [tilespmem:$0x8080]  }
0x2d5: {  	s23 =	sand.u32 $0x300, s4;
	s25 =	sand.u32 $0x80, s6;
	s7 =	sand.u32 $0x80, s24;
	v1 =	vld [tilespmem:$0x8090]  }
0x2d6: {  	s26 =	sand.u32 $0x80, s1;
	s3 =	sadd.s32 s22, s21;
	s0 =	sand.u32 $0x60, s20;
	v2 =	vld [tilespmem:$0x80A0]  }
0x2d7: {  	s6 =	sand.u32 $0x40, s6;
	s0 =	sadd.s32 s0, s3;
	s3 =	sadd.s32 s25, s21;
	v3 =	vld [tilespmem:$0x80B0]  }
0x2d8: {  	s4 =	sand.u32 $0x50, s24;
	s7 =	sadd.s32 s7, s21;
	s3 =	sadd.s32 s6, s3;
	v4 =	vld [tilespmem:s0+$0x0]  }
0x2d9: {  	s1 =	sand.u32 $0x70, s1;
	s28 =	sadd.s32 s26, s21;
	s4 =	sadd.s32 s4, s7;
	v8 =	vld [tilespmem:s3+$0x0]  }
0x2da: {  	s5 =	sand.u32 $0x1000, s2;
	s1 =	sadd.s32 s1, s28;
	v22 =	vld [tilespmem:s4+$0x0]  }
0x2db: {  	s0 =	sor.u32 s5, s23;
	v25 =	vld [tilespmem:s1+$0x0]  }
0x2dc: {  	s29 =	simm.s32 $0x0;
	v5 =	vld [tilespmem:s0+$0x2430]  }
0x2dd: {  	s3 =	sand.u32 $0x200, s29;
	v6 =	vld [tilespmem:s0+$0x2400];
	v9 =	vadd.f32 v4, v3  }
0x2de: {  	v7 =	vld [tilespmem:s0+$0x2410];
	s3 =	sor.u32 s3, s5;
	v11 =	vadd.f32 v4, v0;
	v12 =	vadd.f32 v4, v1  }
0x2df: {  	v10 =	vld [tilespmem:s3+$0x2400];
	v4 =	vadd.f32 v4, v2;
	v18 =	vadd.f32 v8, v0  }
0x2e0: {  	s30 =	simm.s32 $0x80;
	v13 =	vld [tilespmem:s3+$0x2420];
	v19 =	vadd.f32 v8, v1;
	v20 =	vadd.f32 v8, v2  }
0x2e1: {  	s1 =	sand.u32 $0x280, s30;
	v17 =	vld [tilespmem:s3+$0x2430];
	v21 =	vadd.f32 v8, v3;
	v16 =	vadd.f32 v22, v0  }
0x2e2: {  	s9 =	sor.u32 s5, s1;
	v5 =	vadd.f32 v5, v9;
	v6 =	vadd.f32 v11, v6;
	v11 =	vld [tilespmem:s3+$0x2410]  }
0x2e3: {  	v14 =	vld [tilespmem:s9+$0x2400];
	v15 =	vadd.f32 v22, v1;
	v8 =	vadd.f32 v25, v0  }
0x2e4: {  	s1 =	simm.s32 $0x180;
	v23 =	vld [tilespmem:s9+$0x2410];
	v26 =	vadd.f32 v7, v12;
	v12 =	vadd.f32 v22, v2;
	[tilespmem:s0+$0x6430] =	vst v5  }
0x2e5: {  	s31 =	sand.u32 $0x380, s1;
	v24 =	vld [tilespmem:s9+$0x2420];
	v9 =	vadd.f32 v22, v3;
	v7 =	vadd.f32 v25, v1;
	[tilespmem:s0+$0x6400] =	vst v6  }
0x2e6: {  	s4 =	simm.s32 $0x0;
	s8 =	sor.u32 s5, s31;
	s5 =	simm.s32 $0x70;
	v22 =	vld [tilespmem:s9+$0x2430];
	[tilespmem:s0+$0x6410] =	vst v26;
	v6 =	vadd.f32 v25, v2;
	v5 =	vadd.f32 v25, v3  }
.LBB2_23:
0x2e7: {  	s6 =	sadd.s32 $0xFFFFFFE0, s5;
	s7 =	sadd.s32 $0xFFFFFFF0, s5;
	s4 =	sadd.s32 $0x4, s4;
	v10 =	vadd.f32 v18, v10;
	v11 =	vadd.f32 v11, v19;
	v18 =	vld [tilespmem:s0+$0x2420]  }
0x2e8: {  	s10 =	sadd.s32 $0xFFFFFFD0, s5;
	v13 =	vadd.f32 v13, v20;
	v17 =	vadd.f32 v17, v21;
	s11 =	sand.u32 $0x80, s7;
	p1 =	slt.u32 s4, $0xC;
	v19 =	vld [tilespmem:s8+$0x2400]  }
0x2e9: {  	s1 =	sadd.s32 $0x200, s1;
	s7 =	sand.u32 $0x60, s7;
	s11 =	sadd.s32 s11, s21;
	[tilespmem:s3+$0x6400] =	vst v10;
	v10 =	vadd.f32 v16, v14;
	v14 =	vadd.f32 v23, v15;
	v15 =	vld [tilespmem:s8+$0x2410]  }
0x2ea: {  	s2 =	sadd.s32 $0x800, s2;
	s7 =	sadd.s32 s7, s11;
	s11 =	sadd.s32 $0xFFFFFF80, s1;
	[tilespmem:s3+$0x6410] =	vst v11;
	v11 =	vadd.f32 v24, v12;
	v12 =	vld [tilespmem:s8+$0x2420]  }
0x2eb: {  	s12 =	sand.u32 $0x80, s10;
	s13 =	sand.u32 $0x1000, s2;
	v16 =	vld [tilespmem:s7+$0x0];
	s7 =	sand.u32 $0x300, s11;
	[tilespmem:s3+$0x6420] =	vst v13;
	v9 =	vadd.f32 v22, v9  }
0x2ec: {  	s14 =	sand.u32 $0x80, s5;
	s11 =	sand.u32 $0x80, s6;
	s7 =	sor.u32 s13, s7;
	[tilespmem:s3+$0x6430] =	vst v17;
	v13 =	vadd.f32 v18, v4;
	v17 =	vld [tilespmem:s8+$0x2430]  }
0x2ed: {  	s3 =	sand.u32 $0x40, s10;
	s10 =	sadd.s32 s12, s21;
	s11 =	sadd.s32 s11, s21;
	v18 =	vld [tilespmem:s7+$0x2430];
	[tilespmem:s9+$0x6400] =	vst v10;
	v8 =	vadd.f32 v8, v19  }
0x2ee: {  	s14 =	sadd.s32 s14, s21;
	s6 =	sand.u32 $0x50, s6;
	s12 =	sand.u32 $0x70, s5;
	v19 =	vld [tilespmem:s7+$0x2400];
	[tilespmem:s9+$0x6410] =	vst v14;
	v7 =	vadd.f32 v15, v7  }
0x2ef: {  	s3 =	sadd.s32 s3, s10;
	s6 =	sadd.s32 s6, s11;
	s10 =	sadd.s32 s12, s14;
	v14 =	vld [tilespmem:s7+$0x2410];
	[tilespmem:s9+$0x6420] =	vst v11;
	v6 =	vadd.f32 v12, v6  }
0x2f0: {  	s11 =	sadd.s32 $0xFFFFFF00, s1;
	s12 =	sand.u32 $0x380, s1;
	v12 =	vld [tilespmem:s3+$0x0];
	s3 =	sadd.s32 $0xFFFFFE80, s1;
	v11 =	vadd.f32 v16, v0;
	v10 =	vadd.f32 v16, v3;
	[tilespmem:s9+$0x6430] =	vst v9  }
0x2f1: {  	v15 =	vadd.f32 v16, v1;
	v4 =	vadd.f32 v16, v2;
	s3 =	sand.u32 $0x200, s3;
	v9 =	vld [tilespmem:s6+$0x0];
	s6 =	sand.u32 $0x280, s11;
	s11 =	sor.u32 s13, s12;
	[tilespmem:s0+$0x6420] =	vst v13  }
0x2f2: {  	v5 =	vadd.f32 v17, v5;
	s0 =	smov.u32 s7;
	s3 =	sor.u32 s3, s13;
	s9 =	sor.u32 s13, s6;
	v13 =	vadd.f32 v18, v10;
	v25 =	vld [tilespmem:s10+$0x0];
	[tilespmem:s8+$0x6400] =	vst v8  }
0x2f3: {  	v10 =	vld [tilespmem:s3+$0x2400];
	v8 =	vadd.f32 v11, v19;
	[tilespmem:s8+$0x6410] =	vst v7  }
0x2f4: {  	v11 =	vld [tilespmem:s3+$0x2410];
	v7 =	vadd.f32 v14, v15;
	[tilespmem:s0+$0x6430] =	vst v13  }
0x2f5: {  	v18 =	vadd.f32 v12, v0;
	v19 =	vadd.f32 v12, v1;
	v13 =	vld [tilespmem:s3+$0x2420];
	[tilespmem:s0+$0x6400] =	vst v8  }
.Ltmp10:
0x2f6: {  	v20 =	vadd.f32 v12, v2;
	v21 =	vadd.f32 v12, v3;
	v17 =	vld [tilespmem:s3+$0x2430];
	[tilespmem:s0+$0x6410] =	vst v7;
	(pc) =	sbr.rel @p1 .LBB2_23-.Ltmp10, $4  }
0x2f7: {  	v16 =	vadd.f32 v9, v0;
	v15 =	vadd.f32 v9, v1;
	v14 =	vld [tilespmem:s9+$0x2400];
	[tilespmem:s8+$0x6420] =	vst v6  }
0x2f8: {  	v12 =	vadd.f32 v9, v2;
	v9 =	vadd.f32 v9, v3;
	v23 =	vld [tilespmem:s9+$0x2410];
	[tilespmem:s8+$0x6430] =	vst v5;
	s8 =	smov.u32 s11  }
0x2f9: {  	v8 =	vadd.f32 v25, v0;
	v7 =	vadd.f32 v25, v1;
	v24 =	vld [tilespmem:s9+$0x2420]  }
0x2fa: {  	s5 =	sadd.s32 $0x40, s5;
	v6 =	vadd.f32 v25, v2;
	v5 =	vadd.f32 v25, v3;
	v22 =	vld [tilespmem:s9+$0x2430]  }
0x2fb: {  	v0 =	vadd.f32 v18, v10  }
0x2fc: {  	v1 =	vadd.f32 v11, v19  }
0x2fd: {  	v2 =	vadd.f32 v13, v20;
	[tilespmem:s3+$0x6400] =	vst v0  }
0x2fe: {  	v3 =	vadd.f32 v17, v21;
	v11 =	vld [tilespmem:s8+$0x2410];
	[tilespmem:s3+$0x6410] =	vst v1  }
0x2ff: {  	v10 =	vadd.f32 v16, v14;
	v0 =	vld [tilespmem:s0+$0x2420];
	[tilespmem:s3+$0x6420] =	vst v2  }
0x300: {  	v1 =	vld [tilespmem:s8+$0x2400];
	v2 =	vadd.f32 v23, v15;
	[tilespmem:s3+$0x6430] =	vst v3  }
0x301: {  	v3 =	vadd.f32 v24, v12;
	v12 =	vld [tilespmem:s8+$0x2420];
	[tilespmem:s9+$0x6400] =	vst v10  }
0x302: {  	v10 =	vld [tilespmem:s8+$0x2430];
	v9 =	vadd.f32 v22, v9;
	[tilespmem:s9+$0x6410] =	vst v2  }
0x303: {  	[tilespmem:s9+$0x6420] =	vst v3;
	v2 =	vadd.f32 v11, v7  }
0x304: {  	[tilespmem:s9+$0x6430] =	vst v9;
	v0 =	vadd.f32 v0, v4  }
0x305: {  	v1 =	vadd.f32 v8, v1;
	[tilespmem:s8+$0x6410] =	vst v2  }
0x306: {  	[tilespmem:s0+$0x6420] =	vst v0;
	v0 =	vadd.f32 v12, v6  }
0x307: {  	[tilespmem:s8+$0x6400] =	vst v1;
	v1 =	vadd.f32 v10, v5  }
0x308: {  	s20 =	simm.s32 $0x20;
	[tilespmem:s8+$0x6420] =	vst v0  }
0x309: {  	s1 =	simm.s32 $0x30;
	s2 =	simm.s32 $0x0;
	s4 =	simm.s32 $0x100;
	[tilespmem:s8+$0x6430] =	vst v1  }
0x30a: {  	s24 =	simm.s32 $0x10;
	s6 =	simm.s32 $0x0;
	s22 =	sand.u32 $0x80, s20;
	v0 =	vld [tilespmem:$0x80C0]  }
0x30b: {  	s23 =	sand.u32 $0x300, s4;
	s25 =	sand.u32 $0x80, s6;
	s7 =	sand.u32 $0x80, s24;
	v1 =	vld [tilespmem:$0x80D0]  }
0x30c: {  	s26 =	sand.u32 $0x80, s1;
	s3 =	sadd.s32 s22, s21;
	s0 =	sand.u32 $0x60, s20;
	v2 =	vld [tilespmem:$0x80E0]  }
0x30d: {  	s6 =	sand.u32 $0x40, s6;
	s0 =	sadd.s32 s0, s3;
	s3 =	sadd.s32 s25, s21;
	v3 =	vld [tilespmem:$0x80F0]  }
0x30e: {  	s4 =	sand.u32 $0x50, s24;
	s7 =	sadd.s32 s7, s21;
	s3 =	sadd.s32 s6, s3;
	v4 =	vld [tilespmem:s0+$0x0]  }
0x30f: {  	s1 =	sand.u32 $0x70, s1;
	s28 =	sadd.s32 s26, s21;
	s4 =	sadd.s32 s4, s7;
	v8 =	vld [tilespmem:s3+$0x0]  }
0x310: {  	s5 =	sand.u32 $0x1000, s2;
	s1 =	sadd.s32 s1, s28;
	v22 =	vld [tilespmem:s4+$0x0]  }
0x311: {  	s0 =	sor.u32 s5, s23;
	v25 =	vld [tilespmem:s1+$0x0]  }
0x312: {  	s29 =	simm.s32 $0x0;
	v5 =	vld [tilespmem:s0+$0x2470]  }
0x313: {  	s3 =	sand.u32 $0x200, s29;
	v6 =	vld [tilespmem:s0+$0x2440];
	v9 =	vadd.f32 v4, v3  }
0x314: {  	v7 =	vld [tilespmem:s0+$0x2450];
	s3 =	sor.u32 s3, s5;
	v11 =	vadd.f32 v4, v0;
	v12 =	vadd.f32 v4, v1  }
0x315: {  	v10 =	vld [tilespmem:s3+$0x2440];
	v4 =	vadd.f32 v4, v2;
	v18 =	vadd.f32 v8, v0  }
0x316: {  	s30 =	simm.s32 $0x80;
	v13 =	vld [tilespmem:s3+$0x2460];
	v19 =	vadd.f32 v8, v1;
	v20 =	vadd.f32 v8, v2  }
0x317: {  	s1 =	sand.u32 $0x280, s30;
	v17 =	vld [tilespmem:s3+$0x2470];
	v21 =	vadd.f32 v8, v3;
	v16 =	vadd.f32 v22, v0  }
0x318: {  	s8 =	sor.u32 s5, s1;
	v5 =	vadd.f32 v5, v9;
	v6 =	vadd.f32 v11, v6;
	v11 =	vld [tilespmem:s3+$0x2450]  }
0x319: {  	v14 =	vld [tilespmem:s8+$0x2440];
	v15 =	vadd.f32 v22, v1;
	v8 =	vadd.f32 v25, v0  }
0x31a: {  	s1 =	simm.s32 $0x180;
	v23 =	vld [tilespmem:s8+$0x2450];
	v26 =	vadd.f32 v7, v12;
	v12 =	vadd.f32 v22, v2;
	[tilespmem:s0+$0x6470] =	vst v5  }
0x31b: {  	s31 =	sand.u32 $0x380, s1;
	v24 =	vld [tilespmem:s8+$0x2460];
	v9 =	vadd.f32 v22, v3;
	v7 =	vadd.f32 v25, v1;
	[tilespmem:s0+$0x6440] =	vst v6  }
0x31c: {  	s4 =	simm.s32 $0x0;
	s9 =	sor.u32 s5, s31;
	s5 =	simm.s32 $0x70;
	v22 =	vld [tilespmem:s8+$0x2470];
	[tilespmem:s0+$0x6450] =	vst v26;
	v6 =	vadd.f32 v25, v2;
	v5 =	vadd.f32 v25, v3  }
.LBB2_25:
0x31d: {  	s6 =	sadd.s32 $0xFFFFFFE0, s5;
	s7 =	sadd.s32 $0xFFFFFFF0, s5;
	s4 =	sadd.s32 $0x4, s4;
	v10 =	vadd.f32 v18, v10;
	v11 =	vadd.f32 v11, v19;
	v18 =	vld [tilespmem:s0+$0x2460]  }
0x31e: {  	s10 =	sadd.s32 $0xFFFFFFD0, s5;
	v13 =	vadd.f32 v13, v20;
	v17 =	vadd.f32 v17, v21;
	s11 =	sand.u32 $0x80, s7;
	p1 =	slt.u32 s4, $0xC;
	v19 =	vld [tilespmem:s9+$0x2440]  }
0x31f: {  	s1 =	sadd.s32 $0x200, s1;
	s7 =	sand.u32 $0x60, s7;
	s11 =	sadd.s32 s11, s21;
	[tilespmem:s3+$0x6440] =	vst v10;
	v10 =	vadd.f32 v16, v14;
	v14 =	vadd.f32 v23, v15;
	v15 =	vld [tilespmem:s9+$0x2450]  }
0x320: {  	s2 =	sadd.s32 $0x800, s2;
	s7 =	sadd.s32 s7, s11;
	s11 =	sadd.s32 $0xFFFFFF80, s1;
	[tilespmem:s3+$0x6450] =	vst v11;
	v11 =	vadd.f32 v24, v12;
	v12 =	vld [tilespmem:s9+$0x2460]  }
0x321: {  	s12 =	sand.u32 $0x80, s10;
	s13 =	sand.u32 $0x1000, s2;
	v16 =	vld [tilespmem:s7+$0x0];
	s7 =	sand.u32 $0x300, s11;
	[tilespmem:s3+$0x6460] =	vst v13;
	v9 =	vadd.f32 v22, v9  }
0x322: {  	s14 =	sand.u32 $0x80, s5;
	s11 =	sand.u32 $0x80, s6;
	s7 =	sor.u32 s13, s7;
	[tilespmem:s3+$0x6470] =	vst v17;
	v13 =	vadd.f32 v18, v4;
	v17 =	vld [tilespmem:s9+$0x2470]  }
0x323: {  	s3 =	sand.u32 $0x40, s10;
	s10 =	sadd.s32 s12, s21;
	s11 =	sadd.s32 s11, s21;
	v18 =	vld [tilespmem:s7+$0x2470];
	[tilespmem:s8+$0x6440] =	vst v10;
	v8 =	vadd.f32 v8, v19  }
0x324: {  	s14 =	sadd.s32 s14, s21;
	s6 =	sand.u32 $0x50, s6;
	s12 =	sand.u32 $0x70, s5;
	v19 =	vld [tilespmem:s7+$0x2440];
	[tilespmem:s8+$0x6450] =	vst v14;
	v7 =	vadd.f32 v15, v7  }
0x325: {  	s3 =	sadd.s32 s3, s10;
	s6 =	sadd.s32 s6, s11;
	s10 =	sadd.s32 s12, s14;
	v14 =	vld [tilespmem:s7+$0x2450];
	[tilespmem:s8+$0x6460] =	vst v11;
	v6 =	vadd.f32 v12, v6  }
0x326: {  	s11 =	sadd.s32 $0xFFFFFF00, s1;
	s12 =	sand.u32 $0x380, s1;
	v12 =	vld [tilespmem:s3+$0x0];
	s3 =	sadd.s32 $0xFFFFFE80, s1;
	v11 =	vadd.f32 v16, v0;
	v10 =	vadd.f32 v16, v3;
	[tilespmem:s8+$0x6470] =	vst v9  }
0x327: {  	v15 =	vadd.f32 v16, v1;
	v4 =	vadd.f32 v16, v2;
	s3 =	sand.u32 $0x200, s3;
	v9 =	vld [tilespmem:s6+$0x0];
	s6 =	sand.u32 $0x280, s11;
	s11 =	sor.u32 s13, s12;
	[tilespmem:s0+$0x6460] =	vst v13  }
0x328: {  	v5 =	vadd.f32 v17, v5;
	s0 =	smov.u32 s7;
	s3 =	sor.u32 s3, s13;
	s8 =	sor.u32 s13, s6;
	v13 =	vadd.f32 v18, v10;
	v25 =	vld [tilespmem:s10+$0x0];
	[tilespmem:s9+$0x6440] =	vst v8  }
0x329: {  	v10 =	vld [tilespmem:s3+$0x2440];
	v8 =	vadd.f32 v11, v19;
	[tilespmem:s9+$0x6450] =	vst v7  }
0x32a: {  	v11 =	vld [tilespmem:s3+$0x2450];
	v7 =	vadd.f32 v14, v15;
	[tilespmem:s0+$0x6470] =	vst v13  }
0x32b: {  	v18 =	vadd.f32 v12, v0;
	v19 =	vadd.f32 v12, v1;
	v13 =	vld [tilespmem:s3+$0x2460];
	[tilespmem:s0+$0x6440] =	vst v8  }
.Ltmp11:
0x32c: {  	v20 =	vadd.f32 v12, v2;
	v21 =	vadd.f32 v12, v3;
	v17 =	vld [tilespmem:s3+$0x2470];
	[tilespmem:s0+$0x6450] =	vst v7;
	(pc) =	sbr.rel @p1 .LBB2_25-.Ltmp11, $4  }
0x32d: {  	v16 =	vadd.f32 v9, v0;
	v15 =	vadd.f32 v9, v1;
	v14 =	vld [tilespmem:s8+$0x2440];
	[tilespmem:s9+$0x6460] =	vst v6  }
0x32e: {  	v12 =	vadd.f32 v9, v2;
	v9 =	vadd.f32 v9, v3;
	v23 =	vld [tilespmem:s8+$0x2450];
	[tilespmem:s9+$0x6470] =	vst v5;
	s9 =	smov.u32 s11  }
0x32f: {  	v8 =	vadd.f32 v25, v0;
	v7 =	vadd.f32 v25, v1;
	v24 =	vld [tilespmem:s8+$0x2460]  }
0x330: {  	s5 =	sadd.s32 $0x40, s5;
	v6 =	vadd.f32 v25, v2;
	v5 =	vadd.f32 v25, v3;
	v22 =	vld [tilespmem:s8+$0x2470]  }
0x331: {  	v0 =	vadd.f32 v18, v10  }
0x332: {  	v1 =	vadd.f32 v11, v19  }
0x333: {  	v2 =	vadd.f32 v13, v20;
	[tilespmem:s3+$0x6440] =	vst v0  }
0x334: {  	v3 =	vadd.f32 v17, v21;
	v11 =	vld [tilespmem:s9+$0x2450];
	[tilespmem:s3+$0x6450] =	vst v1  }
0x335: {  	v10 =	vadd.f32 v16, v14;
	v0 =	vld [tilespmem:s0+$0x2460];
	[tilespmem:s3+$0x6460] =	vst v2  }
0x336: {  	v1 =	vld [tilespmem:s9+$0x2440];
	v2 =	vadd.f32 v23, v15;
	[tilespmem:s3+$0x6470] =	vst v3  }
0x337: {  	v3 =	vadd.f32 v24, v12;
	v12 =	vld [tilespmem:s9+$0x2460];
	[tilespmem:s8+$0x6440] =	vst v10  }
0x338: {  	v10 =	vld [tilespmem:s9+$0x2470];
	v9 =	vadd.f32 v22, v9;
	[tilespmem:s8+$0x6450] =	vst v2  }
0x339: {  	[tilespmem:s8+$0x6460] =	vst v3;
	v2 =	vadd.f32 v11, v7  }
0x33a: {  	s1 =	simm.s32 $0x30;
	s2 =	simm.s32 $0x0;
	p1 =	por $0x0, $0x0;
	[tilespmem:s8+$0x6470] =	vst v9;
	v0 =	vadd.f32 v0, v4  }
0x33b: {  	s4 =	simm.s32 $0x20;
	s6 =	simm.s32 $0x0;
	s7 =	simm.s32 $0x10;
	v1 =	vadd.f32 v8, v1;
	[tilespmem:s9+$0x6450] =	vst v2  }
0x33c: {  	s26 =	simm.s32 $0x4;
	s5 =	sand.u32 $0x70, s1;
	s17 =	sand.u32 $0x7, s2;
	[tilespmem:s0+$0x6460] =	vst v0;
	v0 =	vadd.f32 v12, v6  }
0x33d: {  	s1 =	sand.u32 $0x80, s1;
	s18 =	sand.u32 $0x80, s6;
	s10 =	sand.u32 $0x80, s7;
	[tilespmem:s9+$0x6440] =	vst v1;
	v1 =	vadd.f32 v10, v5  }
0x33e: {  	s7 =	sand.u32 $0x50, s7;
	s11 =	sand.u32 $0x60, s4;
	s22 =	sand.u32 $0x40, s6;
	[tilespmem:s9+$0x6460] =	vst v0  }
0x33f: {  	s4 =	sand.u32 $0x80, s4;
	s2 =	sand.u32 $0x3, s2;
	s19 =	sadd.s32 s10, s21;
	[tilespmem:s9+$0x6470] =	vst v1  }
0x340: {  	s1 =	sadd.s32 s1, s21;
	s4 =	sadd.s32 s4, s21;
	s7 =	sadd.s32 s7, s19;
	v6 =	vld [tilespmem:$0x8100]  }
0x341: {  	s2 =	sshll.u32 s2, $0x8;
	s5 =	sadd.s32 s5, s1;
	s0 =	sshll.u32 s17, $0x7;
	v1 =	vld [tilespmem:s7+$0x0]  }
0x342: {  	s4 =	sadd.s32 s11, s4;
	s6 =	sadd.s32 $0x100, s2;
	s20 =	sadd.s32 $0x0, s0;
	v0 =	vld [tilespmem:s5+$0x0]  }
0x343: {  	s13 =	simm.s32 $0x70;
	s25 =	sor.u32 $0x800, s6;
	s1 =	sadd.s32 $0x180, s20;
	v4 =	vld [tilespmem:s4+$0x0]  }
0x344: {  	s3 =	simm.s32 $0x1;
	s0 =	sadd.s32 $0x80, s20;
	s10 =	sor.u32 $0x800, s1;
	v9 =	vld [tilespmem:s25+$0x2000]  }
0x345: {  	s23 =	sadd.s32 s18, s21;
	s3 =	simm.s32 @!p1 $0x0;
	s12 =	sor.u32 $0x800, s0;
	v2 =	vld [tilespmem:s10+$0x2000]  }
0x346: {  	s14 =	simm.s32 $0x1;
	s24 =	sadd.s32 s22, s23;
	s3 =	sshll.u32 s3, $0x9;
	v7 =	vld [tilespmem:s12+$0x2000]  }
0x347: {  	s15 =	simm.s32 $0x60;
	s16 =	simm.s32 $0x40;
	s23 =	sadd.s32 $0x0, s3;
	v3 =	vld [tilespmem:s24+$0x0]  }
0x348: {  	s29 =	simm.s32 $0x50;
	s18 =	sand.u32 $0x80, s16;
	s9 =	sor.u32 $0x800, s23;
	v10 =	vadd.f32 v0, v6  }
0x349: {  	s2 =	simm.s32 $0x2;
	p1 =	por !p1, !p1;
	s11 =	sand.u32 $0x7, s26;
	v11 =	vld [tilespmem:s9+$0x2000];
	v12 =	vadd.f32 v1, v6  }
0x34a: {  	s26 =	sand.u32 $0x80, s15;
	s30 =	sor.u32 $0x820, s6;
	s14 =	simm.s32 @!p1 $0x0;
	v8 =	vld [tilespmem:$0x8110];
	v13 =	vadd.f32 v4, v6;
	v10 =	vadd.f32 v10, v2  }
0x34b: {  	s28 =	sshll.u32 s11, $0x7;
	s11 =	sand.u32 $0x50, s29;
	s20 =	sand.u32 $0x80, s29;
	v5 =	vld [tilespmem:$0x8120];
	v7 =	vadd.f32 v12, v7  }
0x34c: {  	s2 =	sand.u32 $0x3, s2;
	p1 =	por !p1, !p1;
	s22 =	sadd.s32 s20, s21;
	v2 =	vld [tilespmem:$0x8130];
	v9 =	vadd.f32 v13, v9;
	[tilespmem:s10+$0x6000] =	vst v10;
	v10 =	vadd.f32 v3, v6  }
0x34d: {  	s14 =	sshll.u32 s14, $0x9;
	s2 =	sshll.u32 s2, $0x8;
	s3 =	sadd.s32 s11, s22;
	[tilespmem:s12+$0x6000] =	vst v7  }
0x34e: {  	s17 =	sand.u32 $0x70, s13;
	s13 =	sand.u32 $0x80, s13;
	s8 =	sor.u32 $0x810, s1;
	[tilespmem:s25+$0x6000] =	vst v9;
	v9 =	vld [tilespmem:s3+$0x0];
	v7 =	vadd.f32 v10, v11  }
0x34f: {  	s19 =	sadd.s32 s13, s21;
	s5 =	sor.u32 $0x810, s23;
	s4 =	sor.u32 $0x810, s0;
	v12 =	vld [tilespmem:s8+$0x2000]  }
0x350: {  	s7 =	sor.u32 $0x810, s6;
	s24 =	sand.u32 $0x60, s15;
	s10 =	sadd.s32 $0x800, s28;
	v13 =	vld [tilespmem:s4+$0x2000];
	[tilespmem:s9+$0x6000] =	vst v7  }
0x351: {  	s20 =	sand.u32 $0x40, s16;
	s16 =	sadd.s32 $0x80, s10;
	v10 =	vld [tilespmem:s7+$0x2000];
	[dreg:$0x5] =	wrdreg s21  }
0x352: {  	s3 =	sadd.s32 s26, s21;
	s28 =	sadd.s32 s17, s19;
	s13 =	sor.u32 $0x800, s16;
	v15 =	vld [tilespmem:s5+$0x2000]  }
0x353: {  	s29 =	sadd.s32 s24, s3;
	s3 =	sadd.s32 $0x900, s2;
	v11 =	vadd.f32 v1, v8;
	s9 =	sadd.s32 $0x180, s10;
	v14 =	vld [tilespmem:s13+$0x2000]  }
0x354: {  	s31 =	sor.u32 $0x830, s0;
	v17 =	vadd.f32 v0, v8;
	s2 =	sor.u32 $0x820, s3;
	s24 =	sor.u32 $0x800, s9;
	v7 =	vld [tilespmem:s28+$0x0]  }
0x355: {  	s15 =	sor.u32 $0x830, s6;
	v18 =	vadd.f32 v4, v8;
	s25 =	sadd.s32 s18, s21;
	v13 =	vadd.f32 v13, v11;
	v16 =	vld [tilespmem:s24+$0x2000];
	[dreg:$0x9] =	wrdreg s2  }
0x356: {  	v19 =	vadd.f32 v3, v8;
	s11 =	sadd.s32 s20, s25;
	s25 =	sadd.s32 $0x800, s14;
	s26 =	sor.u32 $0x800, s3;
	v12 =	vadd.f32 v12, v17;
	v11 =	vld [tilespmem:s29+$0x0]  }
0x357: {  	s22 =	simm.s32 $0x8;
	s12 =	simm.s32 $0x4;
	s10 =	sor.u32 $0x800, s25;
	v10 =	vadd.f32 v10, v18;
	v17 =	vld [tilespmem:s26+$0x2000];
	[tilespmem:s4+$0x6000] =	vst v13  }
0x358: {  	s19 =	sor.u32 $0x820, s1;
	s17 =	simm.s32 $0x4;
	s20 =	sor.u32 $0x820, s23;
	v18 =	vld [tilespmem:s10+$0x2000];
	[tilespmem:s8+$0x6000] =	vst v12;
	v21 =	vadd.f32 v15, v19  }
0x359: {  	s21 =	simm.s32 $0x1100;
	v20 =	vadd.f32 v9, v6;
	s2 =	sor.u32 $0x830, s1;
	s4 =	sor.u32 $0x820, s0;
	v12 =	vadd.f32 v1, v5;
	[tilespmem:s7+$0x6000] =	vst v10;
	v10 =	vld [tilespmem:s11+$0x0]  }
0x35a: {  	s1 =	simm.s32 $0xB0;
	v13 =	vadd.f32 v9, v5;
	s8 =	simm.s32 $0x1000;
	s11 =	sor.u32 $0x810, s25;
	v15 =	vld [tilespmem:s4+$0x2000];
	v19 =	vadd.f32 v7, v6;
	[tilespmem:s5+$0x6000] =	vst v21  }
.LBB2_27:
0x35b: {  	[smem:$0x7ED] =	sst s23  }
0x35c: {  	[dreg:$0x1a] =	wrdreg s25  }
0x35d: {  	s6 =	sor.u32 $0x810, s16;
	s25 =	sor.u32 $0x810, s3;
	s23 =	sor.u32 $0x810, s9  }
0x35e: {  	s7 =	smov.u32 s16;
	s5 =	smov.u32 s9;
	s29 =	smov.u32 s3  }
0x35f: {  	s3 =	simm.s32 $0x1;
	s9 =	sadd.s32 $0xFFFFFFF0, s1;
	s28 =	sand.u32 $0x70, s1;
	v14 =	vadd.f32 v20, v14  }
0x360: {  	s0 =	sand.u32 $0x7, s22;
	s14 =	sand.u32 $0x80, s1;
	s18 =	sadd.s32 $0xFFFFFFE0, s1;
	v16 =	vadd.f32 v19, v16;
	v19 =	vld [tilespmem:s20+$0x2000]  }
0x361: {  	s12 =	sadd.s32 $0x4, s12;
	s22 =	sadd.s32 $0x4, s22;
	[dreg:$0x10] =	wrdreg s29;
	v20 =	vld [tilespmem:s30+$0x2000];
	[tilespmem:s13+$0x6000] =	vst v14;
	v21 =	vadd.f32 v11, v6  }
0x362: {  	s3 =	simm.s32 @!p1 $0x0;
	s16 =	sshll.u32 s0, $0x7;
	s29 =	sand.u32 $0x80, s18;
	v15 =	vadd.f32 v15, v12;
	v12 =	vmov v13;
	v13 =	vadd.f32 v10, v6;
	v22 =	vld [tilespmem:s6+$0x2000];
	[tilespmem:s24+$0x6000] =	vst v16  }
0x363: {  	s0 =	smov.u32 s2;
	s2 =	smov.u32 s30;
	s30 =	rddreg [dreg:$0x5];
	v17 =	vadd.f32 v21, v17;
	v16 =	vld [tilespmem:s19+$0x2000];
	v21 =	vadd.f32 v3, v5  }
0x364: {  	s18 =	sand.u32 $0x50, s18;
	p2 =	slt.u32 s12, $0xC;
	p1 =	por !p1, !p1;
	v14 =	vld [tilespmem:s23+$0x2000];
	v13 =	vadd.f32 v13, v18;
	[tilespmem:s4+$0x6000] =	vst v15  }
0x365: {  	s3 =	sshll.u32 s3, $0x9;
	s14 =	sadd.s32 s14, s30;
	[tilespmem:s26+$0x6000] =	vst v17;
	v17 =	vadd.f32 v4, v5;
	s26 =	sadd.s32 s29, s30;
	v19 =	vadd.f32 v19, v21;
	v21 =	vld [tilespmem:s31+$0x2000]  }
0x366: {  	v23 =	vadd.f32 v0, v5;
	s14 =	sadd.s32 s28, s14;
	s24 =	sadd.s32 $0xFFFFFFD0, s1;
	v18 =	vld [tilespmem:s25+$0x2000];
	s18 =	sadd.s32 s18, s26  }
0x367: {  	s3 =	sadd.s32 s3, s8;
	s1 =	sadd.s32 $0x40, s1;
	s13 =	sand.u32 $0x80, s24;
	[tilespmem:s10+$0x6000] =	vst v13;
	v17 =	vadd.f32 v20, v17;
	v20 =	vld [tilespmem:s18+$0x0]  }
0x368: {  	s4 =	sadd.s32 s16, s8;
	s24 =	sand.u32 $0x40, s24;
	v15 =	vadd.f32 v7, v8;
	v13 =	vadd.f32 v16, v23;
	v16 =	vld [tilespmem:s11+$0x2000];
	[tilespmem:s20+$0x6000] =	vst v19;
	s20 =	sld [smem:$0x7ED]  }
0x369: {  	v24 =	vadd.f32 v4, v2;
	s8 =	sadd.s32 $0x800, s8;
	s29 =	sand.u32 $0x60, s9;
	s9 =	sand.u32 $0x80, s9;
	v23 =	vadd.f32 v11, v8;
	[tilespmem:s2+$0x6000] =	vst v17  }
0x36a: {  	s16 =	sadd.s32 $0x80, s4;
	s10 =	sor.u32 $0x800, s3;
	s9 =	sadd.s32 s9, s30;
	v14 =	vadd.f32 v14, v15;
	v15 =	vadd.f32 v1, v2;
	v1 =	vmov v9;
	v17 =	vld [tilespmem:s15+$0x2000];
	[tilespmem:s19+$0x6000] =	vst v13  }
0x36b: {  	v4 =	vmov v11;
	s26 =	sadd.s32 s13, s30;
	s18 =	sadd.s32 s29, s9;
	v25 =	vadd.f32 v1, v8;
	v11 =	vadd.f32 v18, v23;
	s29 =	sor.u32 $0x830, s20;
	v18 =	vld [tilespmem:s0+$0x2000]  }
0x36c: {  	s13 =	sor.u32 $0x800, s16;
	s28 =	sadd.s32 s24, s26;
	s9 =	sadd.s32 $0x180, s4;
	v19 =	vadd.f32 v10, v8;
	v15 =	vadd.f32 v21, v15;
	v23 =	vld [tilespmem:s29+$0x2000]  }
0x36d: {  	s24 =	sand.u32 $0x3, s17;
	s26 =	rddreg [dreg:$0x1a];
	s17 =	sadd.s32 $0x2, s17;
	[tilespmem:s23+$0x6000] =	vst v14;
	v14 =	vld [tilespmem:s13+$0x2000];
	v21 =	vadd.f32 v22, v25;
	v13 =	vadd.f32 v20, v5  }
0x36e: {  	s4 =	sshll.u32 s24, $0x8;
	s24 =	sor.u32 $0x800, s9;
	s2 =	sor.u32 $0x830, s5;
	[tilespmem:s31+$0x6000] =	vst v15;
	v15 =	vadd.f32 v0, v2;
	v0 =	vmov v7;
	v7 =	vld [tilespmem:s14+$0x0];
	v22 =	vadd.f32 v16, v19  }
0x36f: {  	s23 =	smov.u32 s26;
	v9 =	vmov v20;
	[tilespmem:s25+$0x6000] =	vst v11;
	s25 =	smov.u32 s3;
	s3 =	sadd.s32 s4, s21;
	v16 =	vld [tilespmem:s24+$0x2000];
	v19 =	vadd.f32 v3, v2;
	v20 =	vadd.f32 v17, v24  }
.Ltmp12:
0x370: {  	s14 =	rddreg [dreg:$0x9];
	v3 =	vmov v10;
	[tilespmem:s6+$0x6000] =	vst v21;
	s26 =	sor.u32 $0x800, s3;
	v11 =	vld [tilespmem:s18+$0x0];
	v10 =	vadd.f32 v18, v15;
	(pc) =	sbr.rel @p2 .LBB2_27-.Ltmp12, $4  }
0x371: {  	s30 =	smov.u32 s14;
	s14 =	smov.u32 s0;
	s4 =	sor.u32 $0x820, s7;
	v17 =	vld [tilespmem:s26+$0x2000];
	v18 =	vadd.f32 v23, v19;
	[tilespmem:s15+$0x6000] =	vst v20  }
0x372: {  	s20 =	rddreg [dreg:$0x10];
	s31 =	sor.u32 $0x830, s7;
	s19 =	sor.u32 $0x820, s3;
	v15 =	vld [tilespmem:s4+$0x2000];
	[tilespmem:s14+$0x6000] =	vst v10  }
0x373: {  	s21 =	sadd.s32 $0x800, s21;
	[dreg:$0x9] =	wrdreg s19;
	s19 =	sor.u32 $0x820, s5;
	v10 =	vld [tilespmem:s28+$0x0];
	[tilespmem:s29+$0x6000] =	vst v18  }
0x374: {  	s15 =	sor.u32 $0x830, s20;
	s20 =	sor.u32 $0x820, s23;
	v19 =	vadd.f32 v7, v6;
	v20 =	vadd.f32 v9, v6;
	v18 =	vld [tilespmem:s10+$0x2000];
	[tilespmem:s11+$0x6000] =	vst v22;
	s11 =	sor.u32 $0x810, s25  }
0x375: {  	_ = 	snop  }
0x376: {  	v21 =	vadd.f32 v11, v6;
	v14 =	vadd.f32 v20, v14  }
0x377: {  	v16 =	vadd.f32 v19, v16  }
0x378: {  	s1 =	sor.u32 $0x810, s16;
	v17 =	vadd.f32 v21, v17;
	[tilespmem:s13+$0x6000] =	vst v14  }
0x379: {  	s6 =	sor.u32 $0x810, s9;
	v6 =	vadd.f32 v10, v6;
	[tilespmem:s24+$0x6000] =	vst v16;
	v14 =	vld [tilespmem:s1+$0x2000]  }
0x37a: {  	s5 =	sor.u32 $0x810, s3;
	[tilespmem:s26+$0x6000] =	vst v17;
	v17 =	vld [tilespmem:s6+$0x2000]  }
0x37b: {  	v6 =	vadd.f32 v6, v18;
	v16 =	vld [tilespmem:s5+$0x2000]  }
0x37c: {  	v18 =	vadd.f32 v9, v8  }
0x37d: {  	v21 =	vadd.f32 v7, v8;
	[tilespmem:s10+$0x6000] =	vst v6  }
0x37e: {  	v19 =	vadd.f32 v11, v8;
	v6 =	vld [tilespmem:s11+$0x2000];
	v14 =	vadd.f32 v14, v18  }
0x37f: {  	v17 =	vadd.f32 v17, v21  }
0x380: {  	v20 =	vld [tilespmem:s30+$0x2000];
	v16 =	vadd.f32 v16, v19;
	[tilespmem:s1+$0x6000] =	vst v14  }
0x381: {  	v8 =	vadd.f32 v10, v8;
	v18 =	vld [tilespmem:s19+$0x2000];
	[tilespmem:s6+$0x6000] =	vst v17  }
0x382: {  	s21 =	sor.u32 $0x820, s16;
	v19 =	vld [tilespmem:s20+$0x2000];
	[tilespmem:s5+$0x6000] =	vst v16  }
0x383: {  	v14 =	vadd.f32 v4, v5;
	v6 =	vadd.f32 v6, v8;
	v8 =	vld [tilespmem:s21+$0x2000];
	s8 =	rddreg [dreg:$0x9]  }
0x384: {  	s22 =	sor.u32 $0x820, s9;
	v12 =	vadd.f32 v15, v12;
	v15 =	vadd.f32 v0, v5;
	v16 =	vld [tilespmem:s8+$0x2000]  }
0x385: {  	s24 =	sor.u32 $0x820, s25;
	v17 =	vadd.f32 v3, v5;
	v14 =	vadd.f32 v20, v14;
	[tilespmem:s11+$0x6000] =	vst v6;
	v6 =	vld [tilespmem:s22+$0x2000]  }
0x386: {  	[tilespmem:s4+$0x6000] =	vst v12;
	v12 =	vadd.f32 v18, v15;
	v15 =	vld [tilespmem:s24+$0x2000]  }
0x387: {  	v18 =	vld [tilespmem:s31+$0x2000];
	v17 =	vadd.f32 v19, v17;
	[tilespmem:s30+$0x6000] =	vst v14;
	v14 =	vadd.f32 v11, v5  }
0x388: {  	v19 =	vld [tilespmem:s15+$0x2000];
	[tilespmem:s19+$0x6000] =	vst v12;
	v12 =	vadd.f32 v7, v5;
	v8 =	vadd.f32 v8, v13  }
0x389: {  	s26 =	sor.u32 $0x830, s23;
	v5 =	vadd.f32 v10, v5;
	[tilespmem:s20+$0x6000] =	vst v17;
	v13 =	vld [tilespmem:s2+$0x2000];
	v14 =	vadd.f32 v16, v14  }
0x38a: {  	v1 =	vadd.f32 v1, v2;
	s7 =	sor.u32 $0x830, s16;
	v16 =	vld [tilespmem:s26+$0x2000];
	[tilespmem:s21+$0x6000] =	vst v8;
	v6 =	vadd.f32 v6, v12  }
0x38b: {  	s28 =	sor.u32 $0x830, s3;
	v4 =	vadd.f32 v4, v2;
	v5 =	vadd.f32 v15, v5;
	v8 =	vld [tilespmem:s7+$0x2000];
	[tilespmem:s8+$0x6000] =	vst v14  }
0x38c: {  	s29 =	sor.u32 $0x830, s9;
	v0 =	vadd.f32 v0, v2;
	v1 =	vadd.f32 v18, v1;
	v12 =	vld [tilespmem:s28+$0x2000];
	[tilespmem:s22+$0x6000] =	vst v6  }
0x38d: {  	v3 =	vadd.f32 v3, v2;
	v4 =	vadd.f32 v19, v4;
	[tilespmem:s24+$0x6000] =	vst v5;
	v5 =	vld [tilespmem:s29+$0x2000]  }
0x38e: {  	s8 =	sor.u32 $0x830, s25;
	[tilespmem:s31+$0x6000] =	vst v1;
	v1 =	vadd.f32 v9, v2;
	v0 =	vadd.f32 v13, v0  }
0x38f: {  	s0 =	simm.s32 $0x30;
	s9 =	simm.s32 $0x0;
	p1 =	por $0x0, $0x0;
	[tilespmem:s15+$0x6000] =	vst v4;
	v4 =	vadd.f32 v11, v2;
	v6 =	vld [tilespmem:s8+$0x2000];
	v3 =	vadd.f32 v16, v3  }
0x390: {  	s12 =	simm.s32 $0x20;
	s17 =	simm.s32 $0x0;
	s14 =	sand.u32 $0x7, s9;
	[tilespmem:s2+$0x6000] =	vst v0;
	v0 =	vadd.f32 v8, v1;
	v1 =	vadd.f32 v7, v2  }
0x391: {  	s18 =	simm.s32 $0x10;
	s16 =	sshll.u32 s14, $0x7;
	s13 =	sand.u32 $0x70, s0;
	[tilespmem:s26+$0x6000] =	vst v3;
	v3 =	vadd.f32 v12, v4  }
0x392: {  	s0 =	sand.u32 $0x80, s0;
	s23 =	sand.u32 $0x50, s18;
	s6 =	simm.s32 $0x1;
	v2 =	vadd.f32 v10, v2;
	[tilespmem:s7+$0x6000] =	vst v0;
	v0 =	vadd.f32 v5, v1  }
0x393: {  	s1 =	sadd.s32 $0x0, s16;
	s16 =	simm.s32 $0x4;
	s6 =	simm.s32 @!p1 $0x0;
	[tilespmem:s28+$0x6000] =	vst v3  }
0x394: {  	p1 =	por !p1, !p1;
	s10 =	sand.u32 $0x7, s16;
	s4 =	sand.u32 $0x80, s12;
	v1 =	vadd.f32 v6, v2;
	[tilespmem:s29+$0x6000] =	vst v0  }
0x395: {  	s10 =	sshll.u32 s10, $0x7;
	s20 =	sand.u32 $0x80, s18;
	s21 =	rddreg [dreg:$0x5]  }
0x396: {  	s10 =	sadd.s32 $0x800, s10;
	s25 =	sand.u32 $0x60, s12;
	[tilespmem:s8+$0x6000] =	vst v1;
	s24 =	sadd.s32 s20, s21  }
0x397: {  	s2 =	sand.u32 $0x3, s9;
	s22 =	sadd.s32 s0, s21;
	v6 =	vld [tilespmem:$0x8140];
	s5 =	sadd.s32 s23, s24  }
0x398: {  	s2 =	sshll.u32 s2, $0x8;
	s4 =	sadd.s32 s4, s21;
	s28 =	sadd.s32 s13, s22;
	v1 =	vld [tilespmem:s5+$0x0]  }
0x399: {  	s0 =	sadd.s32 $0x80, s1;
	s1 =	sadd.s32 $0x180, s1;
	s4 =	sadd.s32 s25, s4;
	v0 =	vld [tilespmem:s28+$0x0]  }
0x39a: {  	s15 =	sshll.u32 s6, $0x9;
	s6 =	sadd.s32 $0x100, s2;
	s29 =	sor.u32 $0x840, s1;
	v4 =	vld [tilespmem:s4+$0x0]  }
0x39b: {  	s19 =	sand.u32 $0x80, s17;
	s23 =	sadd.s32 $0x0, s15;
	s15 =	sor.u32 $0x840, s6;
	v2 =	vld [tilespmem:s29+$0x2000]  }
0x39c: {  	s26 =	sand.u32 $0x40, s17;
	s3 =	sadd.s32 s19, s21;
	s12 =	sor.u32 $0x840, s0;
	v9 =	vld [tilespmem:s15+$0x2000]  }
0x39d: {  	s16 =	sadd.s32 $0x80, s10;
	s18 =	simm.s32 $0x70;
	s14 =	sadd.s32 s26, s3;
	v7 =	vld [tilespmem:s12+$0x2000]  }
0x39e: {  	s17 =	sand.u32 $0x70, s18;
	s2 =	simm.s32 $0x2;
	s30 =	sor.u32 $0x860, s6;
	v3 =	vld [tilespmem:s14+$0x0];
	v10 =	vadd.f32 v0, v6  }
0x39f: {  	s2 =	sand.u32 $0x3, s2;
	v8 =	vld [tilespmem:$0x8150];
	s26 =	simm.s32 $0x50;
	s9 =	sor.u32 $0x840, s23;
	v13 =	vadd.f32 v4, v6  }
0x3a0: {  	s7 =	sor.u32 $0x850, s6;
	s2 =	sshll.u32 s2, $0x8;
	s28 =	sand.u32 $0x80, s26;
	v11 =	vld [tilespmem:s9+$0x2000];
	v12 =	vadd.f32 v1, v6;
	v10 =	vadd.f32 v10, v2  }
0x3a1: {  	v5 =	vld [tilespmem:$0x8160];
	s19 =	simm.s32 $0x60;
	s11 =	sand.u32 $0x50, s26;
	s20 =	sadd.s32 s28, s21;
	v9 =	vadd.f32 v13, v9  }
0x3a2: {  	s8 =	sor.u32 $0x850, s1;
	s13 =	sand.u32 $0x80, s18;
	s3 =	sadd.s32 s11, s20;
	v2 =	vld [tilespmem:$0x8170];
	v7 =	vadd.f32 v12, v7;
	[tilespmem:s29+$0x6000] =	vst v10  }
0x3a3: {  	s25 =	simm.s32 $0x40;
	s22 =	sand.u32 $0x60, s19;
	s31 =	sor.u32 $0x870, s0;
	v10 =	vadd.f32 v3, v6;
	[tilespmem:s15+$0x6000] =	vst v9;
	v9 =	vld [tilespmem:s3+$0x0]  }
0x3a4: {  	s5 =	sor.u32 $0x850, s23;
	s4 =	sor.u32 $0x850, s0;
	s14 =	simm.s32 $0x1;
	[tilespmem:s12+$0x6000] =	vst v7;
	v12 =	vld [tilespmem:s8+$0x2000]  }
0x3a5: {  	s18 =	sand.u32 $0x80, s25;
	s29 =	sadd.s32 s13, s21;
	s13 =	sor.u32 $0x840, s16;
	v13 =	vld [tilespmem:s4+$0x2000];
	v7 =	vadd.f32 v10, v11  }
0x3a6: {  	s24 =	sand.u32 $0x40, s25;
	s26 =	sand.u32 $0x80, s19;
	s14 =	simm.s32 @!p1 $0x0;
	v14 =	vld [tilespmem:s13+$0x2000]  }
0x3a7: {  	s25 =	sadd.s32 s18, s21;
	s3 =	sadd.s32 s26, s21;
	s28 =	sadd.s32 s17, s29;
	v10 =	vld [tilespmem:s7+$0x2000];
	[tilespmem:s9+$0x6000] =	vst v7  }
0x3a8: {  	s29 =	sadd.s32 s22, s3;
	s3 =	sadd.s32 $0x900, s2;
	v11 =	vadd.f32 v1, v8;
	s9 =	sadd.s32 $0x180, s10;
	v15 =	vld [tilespmem:s5+$0x2000]  }
0x3a9: {  	s11 =	sadd.s32 s24, s25;
	v17 =	vadd.f32 v0, v8;
	s2 =	sor.u32 $0x860, s3;
	v7 =	vld [tilespmem:s28+$0x0];
	s24 =	sor.u32 $0x840, s9  }
0x3aa: {  	s19 =	sor.u32 $0x860, s1;
	s14 =	sshll.u32 s14, $0x9;
	v18 =	vadd.f32 v4, v8;
	v13 =	vadd.f32 v13, v11;
	v16 =	vld [tilespmem:s24+$0x2000];
	[dreg:$0xa] =	wrdreg s2  }
0x3ab: {  	p1 =	por !p1, !p1;
	s25 =	sadd.s32 $0x800, s14;
	v19 =	vadd.f32 v3, v8;
	s26 =	sor.u32 $0x840, s3;
	v12 =	vadd.f32 v12, v17;
	v11 =	vld [tilespmem:s29+$0x0]  }
0x3ac: {  	s20 =	sor.u32 $0x860, s23;
	s12 =	simm.s32 $0x4;
	s10 =	sor.u32 $0x840, s25;
	v10 =	vadd.f32 v10, v18;
	v17 =	vld [tilespmem:s26+$0x2000];
	[tilespmem:s4+$0x6000] =	vst v13  }
0x3ad: {  	s15 =	sor.u32 $0x870, s6;
	s21 =	simm.s32 $0x1100;
	s22 =	simm.s32 $0x8;
	v18 =	vld [tilespmem:s10+$0x2000];
	[tilespmem:s8+$0x6000] =	vst v12;
	v21 =	vadd.f32 v15, v19  }
0x3ae: {  	s17 =	simm.s32 $0x4;
	v20 =	vadd.f32 v9, v6;
	s2 =	sor.u32 $0x870, s1;
	s4 =	sor.u32 $0x860, s0;
	v12 =	vadd.f32 v1, v5;
	[tilespmem:s7+$0x6000] =	vst v10;
	v10 =	vld [tilespmem:s11+$0x0]  }
0x3af: {  	s1 =	simm.s32 $0xB0;
	v13 =	vadd.f32 v9, v5;
	s8 =	simm.s32 $0x1000;
	s11 =	sor.u32 $0x850, s25;
	v15 =	vld [tilespmem:s4+$0x2000];
	v19 =	vadd.f32 v7, v6;
	[tilespmem:s5+$0x6000] =	vst v21  }
.LBB2_29:
0x3b0: {  	[smem:$0x7EC] =	sst s23  }
0x3b1: {  	[dreg:$0x1b] =	wrdreg s25  }
0x3b2: {  	s6 =	sor.u32 $0x850, s16;
	s25 =	sor.u32 $0x850, s3;
	s23 =	sor.u32 $0x850, s9  }
0x3b3: {  	s7 =	smov.u32 s16;
	s5 =	smov.u32 s9;
	s29 =	smov.u32 s3  }
0x3b4: {  	s3 =	simm.s32 $0x1;
	s9 =	sadd.s32 $0xFFFFFFF0, s1;
	s28 =	sand.u32 $0x70, s1;
	v14 =	vadd.f32 v20, v14  }
0x3b5: {  	s0 =	sand.u32 $0x7, s22;
	s14 =	sand.u32 $0x80, s1;
	s18 =	sadd.s32 $0xFFFFFFE0, s1;
	v16 =	vadd.f32 v19, v16;
	v19 =	vld [tilespmem:s20+$0x2000]  }
0x3b6: {  	s12 =	sadd.s32 $0x4, s12;
	s22 =	sadd.s32 $0x4, s22;
	[dreg:$0x11] =	wrdreg s29;
	v20 =	vld [tilespmem:s30+$0x2000];
	[tilespmem:s13+$0x6000] =	vst v14;
	v21 =	vadd.f32 v11, v6  }
0x3b7: {  	s3 =	simm.s32 @!p1 $0x0;
	s16 =	sshll.u32 s0, $0x7;
	s29 =	sand.u32 $0x80, s18;
	v15 =	vadd.f32 v15, v12;
	v12 =	vmov v13;
	v13 =	vadd.f32 v10, v6;
	v22 =	vld [tilespmem:s6+$0x2000];
	[tilespmem:s24+$0x6000] =	vst v16  }
0x3b8: {  	s0 =	smov.u32 s2;
	s2 =	smov.u32 s30;
	s30 =	rddreg [dreg:$0x5];
	v17 =	vadd.f32 v21, v17;
	v16 =	vld [tilespmem:s19+$0x2000];
	v21 =	vadd.f32 v3, v5  }
0x3b9: {  	s18 =	sand.u32 $0x50, s18;
	p2 =	slt.u32 s12, $0xC;
	p1 =	por !p1, !p1;
	v14 =	vld [tilespmem:s23+$0x2000];
	v13 =	vadd.f32 v13, v18;
	[tilespmem:s4+$0x6000] =	vst v15  }
0x3ba: {  	s3 =	sshll.u32 s3, $0x9;
	s14 =	sadd.s32 s14, s30;
	[tilespmem:s26+$0x6000] =	vst v17;
	v17 =	vadd.f32 v4, v5;
	s26 =	sadd.s32 s29, s30;
	v19 =	vadd.f32 v19, v21;
	v21 =	vld [tilespmem:s31+$0x2000]  }
0x3bb: {  	v23 =	vadd.f32 v0, v5;
	s14 =	sadd.s32 s28, s14;
	s24 =	sadd.s32 $0xFFFFFFD0, s1;
	v18 =	vld [tilespmem:s25+$0x2000];
	s18 =	sadd.s32 s18, s26  }
0x3bc: {  	s3 =	sadd.s32 s3, s8;
	s1 =	sadd.s32 $0x40, s1;
	s13 =	sand.u32 $0x80, s24;
	[tilespmem:s10+$0x6000] =	vst v13;
	v17 =	vadd.f32 v20, v17;
	v20 =	vld [tilespmem:s18+$0x0]  }
0x3bd: {  	s4 =	sadd.s32 s16, s8;
	s24 =	sand.u32 $0x40, s24;
	v15 =	vadd.f32 v7, v8;
	v13 =	vadd.f32 v16, v23;
	v16 =	vld [tilespmem:s11+$0x2000];
	[tilespmem:s20+$0x6000] =	vst v19;
	s20 =	sld [smem:$0x7EC]  }
0x3be: {  	v24 =	vadd.f32 v4, v2;
	s8 =	sadd.s32 $0x800, s8;
	s29 =	sand.u32 $0x60, s9;
	s9 =	sand.u32 $0x80, s9;
	v23 =	vadd.f32 v11, v8;
	[tilespmem:s2+$0x6000] =	vst v17  }
0x3bf: {  	s16 =	sadd.s32 $0x80, s4;
	s10 =	sor.u32 $0x840, s3;
	s9 =	sadd.s32 s9, s30;
	v14 =	vadd.f32 v14, v15;
	v15 =	vadd.f32 v1, v2;
	v1 =	vmov v9;
	v17 =	vld [tilespmem:s15+$0x2000];
	[tilespmem:s19+$0x6000] =	vst v13  }
0x3c0: {  	v4 =	vmov v11;
	s26 =	sadd.s32 s13, s30;
	s18 =	sadd.s32 s29, s9;
	v25 =	vadd.f32 v1, v8;
	v11 =	vadd.f32 v18, v23;
	s29 =	sor.u32 $0x870, s20;
	v18 =	vld [tilespmem:s0+$0x2000]  }
0x3c1: {  	s13 =	sor.u32 $0x840, s16;
	s28 =	sadd.s32 s24, s26;
	s9 =	sadd.s32 $0x180, s4;
	v19 =	vadd.f32 v10, v8;
	v15 =	vadd.f32 v21, v15;
	v23 =	vld [tilespmem:s29+$0x2000]  }
0x3c2: {  	s24 =	sand.u32 $0x3, s17;
	s26 =	rddreg [dreg:$0x1b];
	s17 =	sadd.s32 $0x2, s17;
	[tilespmem:s23+$0x6000] =	vst v14;
	v14 =	vld [tilespmem:s13+$0x2000];
	v21 =	vadd.f32 v22, v25;
	v13 =	vadd.f32 v20, v5  }
0x3c3: {  	s4 =	sshll.u32 s24, $0x8;
	s24 =	sor.u32 $0x840, s9;
	s2 =	sor.u32 $0x870, s5;
	[tilespmem:s31+$0x6000] =	vst v15;
	v15 =	vadd.f32 v0, v2;
	v0 =	vmov v7;
	v7 =	vld [tilespmem:s14+$0x0];
	v22 =	vadd.f32 v16, v19  }
0x3c4: {  	s23 =	smov.u32 s26;
	v9 =	vmov v20;
	[tilespmem:s25+$0x6000] =	vst v11;
	s25 =	smov.u32 s3;
	s3 =	sadd.s32 s4, s21;
	v16 =	vld [tilespmem:s24+$0x2000];
	v19 =	vadd.f32 v3, v2;
	v20 =	vadd.f32 v17, v24  }
.Ltmp13:
0x3c5: {  	s14 =	rddreg [dreg:$0xa];
	v3 =	vmov v10;
	[tilespmem:s6+$0x6000] =	vst v21;
	s26 =	sor.u32 $0x840, s3;
	v11 =	vld [tilespmem:s18+$0x0];
	v10 =	vadd.f32 v18, v15;
	(pc) =	sbr.rel @p2 .LBB2_29-.Ltmp13, $4  }
0x3c6: {  	s30 =	smov.u32 s14;
	s14 =	smov.u32 s0;
	s4 =	sor.u32 $0x860, s7;
	v17 =	vld [tilespmem:s26+$0x2000];
	v18 =	vadd.f32 v23, v19;
	[tilespmem:s15+$0x6000] =	vst v20  }
0x3c7: {  	s20 =	rddreg [dreg:$0x11];
	s31 =	sor.u32 $0x870, s7;
	s19 =	sor.u32 $0x860, s3;
	v15 =	vld [tilespmem:s4+$0x2000];
	[tilespmem:s14+$0x6000] =	vst v10  }
0x3c8: {  	s21 =	sadd.s32 $0x800, s21;
	[dreg:$0xa] =	wrdreg s19;
	s19 =	sor.u32 $0x860, s5;
	v10 =	vld [tilespmem:s28+$0x0];
	[tilespmem:s29+$0x6000] =	vst v18  }
0x3c9: {  	s15 =	sor.u32 $0x870, s20;
	s20 =	sor.u32 $0x860, s23;
	v19 =	vadd.f32 v7, v6;
	v20 =	vadd.f32 v9, v6;
	v18 =	vld [tilespmem:s10+$0x2000];
	[tilespmem:s11+$0x6000] =	vst v22;
	s11 =	sor.u32 $0x850, s25  }
0x3ca: {  	_ = 	snop  }
0x3cb: {  	v21 =	vadd.f32 v11, v6;
	v14 =	vadd.f32 v20, v14  }
0x3cc: {  	v16 =	vadd.f32 v19, v16  }
0x3cd: {  	s1 =	sor.u32 $0x850, s16;
	v17 =	vadd.f32 v21, v17;
	[tilespmem:s13+$0x6000] =	vst v14  }
0x3ce: {  	s6 =	sor.u32 $0x850, s9;
	v6 =	vadd.f32 v10, v6;
	[tilespmem:s24+$0x6000] =	vst v16;
	v14 =	vld [tilespmem:s1+$0x2000]  }
0x3cf: {  	s5 =	sor.u32 $0x850, s3;
	[tilespmem:s26+$0x6000] =	vst v17;
	v17 =	vld [tilespmem:s6+$0x2000]  }
0x3d0: {  	v6 =	vadd.f32 v6, v18;
	v16 =	vld [tilespmem:s5+$0x2000]  }
0x3d1: {  	v18 =	vadd.f32 v9, v8  }
0x3d2: {  	v21 =	vadd.f32 v7, v8;
	[tilespmem:s10+$0x6000] =	vst v6  }
0x3d3: {  	v19 =	vadd.f32 v11, v8;
	v6 =	vld [tilespmem:s11+$0x2000];
	v14 =	vadd.f32 v14, v18  }
0x3d4: {  	v17 =	vadd.f32 v17, v21  }
0x3d5: {  	v20 =	vld [tilespmem:s30+$0x2000];
	v16 =	vadd.f32 v16, v19;
	[tilespmem:s1+$0x6000] =	vst v14  }
0x3d6: {  	v8 =	vadd.f32 v10, v8;
	v18 =	vld [tilespmem:s19+$0x2000];
	[tilespmem:s6+$0x6000] =	vst v17  }
0x3d7: {  	s21 =	sor.u32 $0x860, s16;
	v19 =	vld [tilespmem:s20+$0x2000];
	[tilespmem:s5+$0x6000] =	vst v16  }
0x3d8: {  	v14 =	vadd.f32 v4, v5;
	v6 =	vadd.f32 v6, v8;
	v8 =	vld [tilespmem:s21+$0x2000];
	s8 =	rddreg [dreg:$0xa]  }
0x3d9: {  	s22 =	sor.u32 $0x860, s9;
	v12 =	vadd.f32 v15, v12;
	v15 =	vadd.f32 v0, v5;
	v16 =	vld [tilespmem:s8+$0x2000]  }
0x3da: {  	s24 =	sor.u32 $0x860, s25;
	v17 =	vadd.f32 v3, v5;
	v14 =	vadd.f32 v20, v14;
	[tilespmem:s11+$0x6000] =	vst v6;
	v6 =	vld [tilespmem:s22+$0x2000]  }
0x3db: {  	[tilespmem:s4+$0x6000] =	vst v12;
	v12 =	vadd.f32 v18, v15;
	v15 =	vld [tilespmem:s24+$0x2000]  }
0x3dc: {  	v18 =	vld [tilespmem:s31+$0x2000];
	v17 =	vadd.f32 v19, v17;
	[tilespmem:s30+$0x6000] =	vst v14;
	v14 =	vadd.f32 v11, v5  }
0x3dd: {  	v19 =	vld [tilespmem:s15+$0x2000];
	[tilespmem:s19+$0x6000] =	vst v12;
	v12 =	vadd.f32 v7, v5;
	v8 =	vadd.f32 v8, v13  }
0x3de: {  	s26 =	sor.u32 $0x870, s23;
	v5 =	vadd.f32 v10, v5;
	[tilespmem:s20+$0x6000] =	vst v17;
	v13 =	vld [tilespmem:s2+$0x2000];
	v14 =	vadd.f32 v16, v14  }
0x3df: {  	v1 =	vadd.f32 v1, v2;
	s7 =	sor.u32 $0x870, s16;
	v16 =	vld [tilespmem:s26+$0x2000];
	[tilespmem:s21+$0x6000] =	vst v8;
	v6 =	vadd.f32 v6, v12  }
0x3e0: {  	s28 =	sor.u32 $0x870, s3;
	v4 =	vadd.f32 v4, v2;
	v5 =	vadd.f32 v15, v5;
	v8 =	vld [tilespmem:s7+$0x2000];
	[tilespmem:s8+$0x6000] =	vst v14  }
0x3e1: {  	s29 =	sor.u32 $0x870, s9;
	v0 =	vadd.f32 v0, v2;
	v1 =	vadd.f32 v18, v1;
	v12 =	vld [tilespmem:s28+$0x2000];
	[tilespmem:s22+$0x6000] =	vst v6  }
0x3e2: {  	v3 =	vadd.f32 v3, v2;
	v4 =	vadd.f32 v19, v4;
	[tilespmem:s24+$0x6000] =	vst v5;
	v5 =	vld [tilespmem:s29+$0x2000]  }
0x3e3: {  	s8 =	sor.u32 $0x870, s25;
	[tilespmem:s31+$0x6000] =	vst v1;
	v1 =	vadd.f32 v9, v2;
	v0 =	vadd.f32 v13, v0  }
0x3e4: {  	s0 =	simm.s32 $0x30;
	s9 =	simm.s32 $0x0;
	p1 =	por $0x0, $0x0;
	[tilespmem:s15+$0x6000] =	vst v4;
	v4 =	vadd.f32 v11, v2;
	v6 =	vld [tilespmem:s8+$0x2000];
	v3 =	vadd.f32 v16, v3  }
0x3e5: {  	s12 =	simm.s32 $0x20;
	s17 =	simm.s32 $0x0;
	s14 =	sand.u32 $0x7, s9;
	[tilespmem:s2+$0x6000] =	vst v0;
	v0 =	vadd.f32 v8, v1;
	v1 =	vadd.f32 v7, v2  }
0x3e6: {  	s18 =	simm.s32 $0x10;
	s16 =	sshll.u32 s14, $0x7;
	s13 =	sand.u32 $0x70, s0;
	[tilespmem:s26+$0x6000] =	vst v3;
	v3 =	vadd.f32 v12, v4  }
0x3e7: {  	s0 =	sand.u32 $0x80, s0;
	s23 =	sand.u32 $0x50, s18;
	s6 =	simm.s32 $0x1;
	v2 =	vadd.f32 v10, v2;
	[tilespmem:s7+$0x6000] =	vst v0;
	v0 =	vadd.f32 v5, v1  }
0x3e8: {  	s1 =	sadd.s32 $0x0, s16;
	s16 =	simm.s32 $0x4;
	s6 =	simm.s32 @!p1 $0x0;
	[tilespmem:s28+$0x6000] =	vst v3  }
0x3e9: {  	p1 =	por !p1, !p1;
	s10 =	sand.u32 $0x7, s16;
	s4 =	sand.u32 $0x80, s12;
	v1 =	vadd.f32 v6, v2;
	[tilespmem:s29+$0x6000] =	vst v0  }
0x3ea: {  	s10 =	sshll.u32 s10, $0x7;
	s20 =	sand.u32 $0x80, s18;
	s21 =	rddreg [dreg:$0x5]  }
0x3eb: {  	s10 =	sadd.s32 $0x800, s10;
	s25 =	sand.u32 $0x60, s12;
	[tilespmem:s8+$0x6000] =	vst v1;
	s24 =	sadd.s32 s20, s21  }
0x3ec: {  	s2 =	sand.u32 $0x3, s9;
	s22 =	sadd.s32 s0, s21;
	v6 =	vld [tilespmem:$0x8180];
	s5 =	sadd.s32 s23, s24  }
0x3ed: {  	s2 =	sshll.u32 s2, $0x8;
	s4 =	sadd.s32 s4, s21;
	s28 =	sadd.s32 s13, s22;
	v1 =	vld [tilespmem:s5+$0x0]  }
0x3ee: {  	s0 =	sadd.s32 $0x80, s1;
	s1 =	sadd.s32 $0x180, s1;
	s4 =	sadd.s32 s25, s4;
	v0 =	vld [tilespmem:s28+$0x0]  }
0x3ef: {  	s15 =	sshll.u32 s6, $0x9;
	s6 =	sadd.s32 $0x100, s2;
	s29 =	sor.u32 $0xC00, s1;
	v4 =	vld [tilespmem:s4+$0x0]  }
0x3f0: {  	s19 =	sand.u32 $0x80, s17;
	s23 =	sadd.s32 $0x0, s15;
	s15 =	sor.u32 $0xC00, s6;
	v2 =	vld [tilespmem:s29+$0x2000]  }
0x3f1: {  	s26 =	sand.u32 $0x40, s17;
	s3 =	sadd.s32 s19, s21;
	s12 =	sor.u32 $0xC00, s0;
	v9 =	vld [tilespmem:s15+$0x2000]  }
0x3f2: {  	s16 =	sadd.s32 $0x80, s10;
	s18 =	simm.s32 $0x70;
	s14 =	sadd.s32 s26, s3;
	v7 =	vld [tilespmem:s12+$0x2000]  }
0x3f3: {  	s17 =	sand.u32 $0x70, s18;
	s2 =	simm.s32 $0x2;
	s30 =	sor.u32 $0xC20, s6;
	v3 =	vld [tilespmem:s14+$0x0];
	v10 =	vadd.f32 v0, v6  }
0x3f4: {  	s2 =	sand.u32 $0x3, s2;
	v8 =	vld [tilespmem:$0x8190];
	s26 =	simm.s32 $0x50;
	s9 =	sor.u32 $0xC00, s23;
	v13 =	vadd.f32 v4, v6  }
0x3f5: {  	s7 =	sor.u32 $0xC10, s6;
	s2 =	sshll.u32 s2, $0x8;
	s28 =	sand.u32 $0x80, s26;
	v11 =	vld [tilespmem:s9+$0x2000];
	v12 =	vadd.f32 v1, v6;
	v10 =	vadd.f32 v10, v2  }
0x3f6: {  	v5 =	vld [tilespmem:$0x81A0];
	s19 =	simm.s32 $0x60;
	s11 =	sand.u32 $0x50, s26;
	s20 =	sadd.s32 s28, s21;
	v9 =	vadd.f32 v13, v9  }
0x3f7: {  	s8 =	sor.u32 $0xC10, s1;
	s13 =	sand.u32 $0x80, s18;
	s3 =	sadd.s32 s11, s20;
	v2 =	vld [tilespmem:$0x81B0];
	v7 =	vadd.f32 v12, v7;
	[tilespmem:s29+$0x6000] =	vst v10  }
0x3f8: {  	s25 =	simm.s32 $0x40;
	s22 =	sand.u32 $0x60, s19;
	s31 =	sor.u32 $0xC30, s0;
	v10 =	vadd.f32 v3, v6;
	[tilespmem:s15+$0x6000] =	vst v9;
	v9 =	vld [tilespmem:s3+$0x0]  }
0x3f9: {  	s5 =	sor.u32 $0xC10, s23;
	s4 =	sor.u32 $0xC10, s0;
	s14 =	simm.s32 $0x1;
	[tilespmem:s12+$0x6000] =	vst v7;
	v12 =	vld [tilespmem:s8+$0x2000]  }
0x3fa: {  	s18 =	sand.u32 $0x80, s25;
	s29 =	sadd.s32 s13, s21;
	s13 =	sor.u32 $0xC00, s16;
	v13 =	vld [tilespmem:s4+$0x2000];
	v7 =	vadd.f32 v10, v11  }
0x3fb: {  	s24 =	sand.u32 $0x40, s25;
	s26 =	sand.u32 $0x80, s19;
	s14 =	simm.s32 @!p1 $0x0;
	v14 =	vld [tilespmem:s13+$0x2000]  }
0x3fc: {  	s25 =	sadd.s32 s18, s21;
	s3 =	sadd.s32 s26, s21;
	s28 =	sadd.s32 s17, s29;
	v10 =	vld [tilespmem:s7+$0x2000];
	[tilespmem:s9+$0x6000] =	vst v7  }
0x3fd: {  	s29 =	sadd.s32 s22, s3;
	s3 =	sadd.s32 $0x900, s2;
	v11 =	vadd.f32 v1, v8;
	s9 =	sadd.s32 $0x180, s10;
	v15 =	vld [tilespmem:s5+$0x2000]  }
0x3fe: {  	s11 =	sadd.s32 s24, s25;
	v17 =	vadd.f32 v0, v8;
	s2 =	sor.u32 $0xC20, s3;
	v7 =	vld [tilespmem:s28+$0x0];
	s24 =	sor.u32 $0xC00, s9  }
0x3ff: {  	s19 =	sor.u32 $0xC20, s1;
	s14 =	sshll.u32 s14, $0x9;
	v18 =	vadd.f32 v4, v8;
	v13 =	vadd.f32 v13, v11;
	v16 =	vld [tilespmem:s24+$0x2000];
	[dreg:$0xb] =	wrdreg s2  }
0x400: {  	p1 =	por !p1, !p1;
	s25 =	sadd.s32 $0x800, s14;
	v19 =	vadd.f32 v3, v8;
	s26 =	sor.u32 $0xC00, s3;
	v12 =	vadd.f32 v12, v17;
	v11 =	vld [tilespmem:s29+$0x0]  }
0x401: {  	s20 =	sor.u32 $0xC20, s23;
	s12 =	simm.s32 $0x4;
	s10 =	sor.u32 $0xC00, s25;
	v10 =	vadd.f32 v10, v18;
	v17 =	vld [tilespmem:s26+$0x2000];
	[tilespmem:s4+$0x6000] =	vst v13  }
0x402: {  	s15 =	sor.u32 $0xC30, s6;
	s21 =	simm.s32 $0x1100;
	s22 =	simm.s32 $0x8;
	v18 =	vld [tilespmem:s10+$0x2000];
	[tilespmem:s8+$0x6000] =	vst v12;
	v21 =	vadd.f32 v15, v19  }
0x403: {  	s17 =	simm.s32 $0x4;
	v20 =	vadd.f32 v9, v6;
	s2 =	sor.u32 $0xC30, s1;
	s4 =	sor.u32 $0xC20, s0;
	v12 =	vadd.f32 v1, v5;
	[tilespmem:s7+$0x6000] =	vst v10;
	v10 =	vld [tilespmem:s11+$0x0]  }
0x404: {  	s1 =	simm.s32 $0xB0;
	v13 =	vadd.f32 v9, v5;
	s8 =	simm.s32 $0x1000;
	s11 =	sor.u32 $0xC10, s25;
	v15 =	vld [tilespmem:s4+$0x2000];
	v19 =	vadd.f32 v7, v6;
	[tilespmem:s5+$0x6000] =	vst v21  }
.LBB2_31:
0x405: {  	[smem:$0x7EB] =	sst s23  }
0x406: {  	[dreg:$0x1c] =	wrdreg s25  }
0x407: {  	s6 =	sor.u32 $0xC10, s16;
	s25 =	sor.u32 $0xC10, s3;
	s23 =	sor.u32 $0xC10, s9  }
0x408: {  	s7 =	smov.u32 s16;
	s5 =	smov.u32 s9;
	s29 =	smov.u32 s3  }
0x409: {  	s3 =	simm.s32 $0x1;
	s9 =	sadd.s32 $0xFFFFFFF0, s1;
	s28 =	sand.u32 $0x70, s1;
	v14 =	vadd.f32 v20, v14  }
0x40a: {  	s0 =	sand.u32 $0x7, s22;
	s14 =	sand.u32 $0x80, s1;
	s18 =	sadd.s32 $0xFFFFFFE0, s1;
	v16 =	vadd.f32 v19, v16;
	v19 =	vld [tilespmem:s20+$0x2000]  }
0x40b: {  	s12 =	sadd.s32 $0x4, s12;
	s22 =	sadd.s32 $0x4, s22;
	[dreg:$0x12] =	wrdreg s29;
	v20 =	vld [tilespmem:s30+$0x2000];
	[tilespmem:s13+$0x6000] =	vst v14;
	v21 =	vadd.f32 v11, v6  }
0x40c: {  	s3 =	simm.s32 @!p1 $0x0;
	s16 =	sshll.u32 s0, $0x7;
	s29 =	sand.u32 $0x80, s18;
	v15 =	vadd.f32 v15, v12;
	v12 =	vmov v13;
	v13 =	vadd.f32 v10, v6;
	v22 =	vld [tilespmem:s6+$0x2000];
	[tilespmem:s24+$0x6000] =	vst v16  }
0x40d: {  	s0 =	smov.u32 s2;
	s2 =	smov.u32 s30;
	s30 =	rddreg [dreg:$0x5];
	v17 =	vadd.f32 v21, v17;
	v16 =	vld [tilespmem:s19+$0x2000];
	v21 =	vadd.f32 v3, v5  }
0x40e: {  	s18 =	sand.u32 $0x50, s18;
	p2 =	slt.u32 s12, $0xC;
	p1 =	por !p1, !p1;
	v14 =	vld [tilespmem:s23+$0x2000];
	v13 =	vadd.f32 v13, v18;
	[tilespmem:s4+$0x6000] =	vst v15  }
0x40f: {  	s3 =	sshll.u32 s3, $0x9;
	s14 =	sadd.s32 s14, s30;
	[tilespmem:s26+$0x6000] =	vst v17;
	v17 =	vadd.f32 v4, v5;
	s26 =	sadd.s32 s29, s30;
	v19 =	vadd.f32 v19, v21;
	v21 =	vld [tilespmem:s31+$0x2000]  }
0x410: {  	v23 =	vadd.f32 v0, v5;
	s14 =	sadd.s32 s28, s14;
	s24 =	sadd.s32 $0xFFFFFFD0, s1;
	v18 =	vld [tilespmem:s25+$0x2000];
	s18 =	sadd.s32 s18, s26  }
0x411: {  	s3 =	sadd.s32 s3, s8;
	s1 =	sadd.s32 $0x40, s1;
	s13 =	sand.u32 $0x80, s24;
	[tilespmem:s10+$0x6000] =	vst v13;
	v17 =	vadd.f32 v20, v17;
	v20 =	vld [tilespmem:s18+$0x0]  }
0x412: {  	s4 =	sadd.s32 s16, s8;
	s24 =	sand.u32 $0x40, s24;
	v15 =	vadd.f32 v7, v8;
	v13 =	vadd.f32 v16, v23;
	v16 =	vld [tilespmem:s11+$0x2000];
	[tilespmem:s20+$0x6000] =	vst v19;
	s20 =	sld [smem:$0x7EB]  }
0x413: {  	v24 =	vadd.f32 v4, v2;
	s8 =	sadd.s32 $0x800, s8;
	s29 =	sand.u32 $0x60, s9;
	s9 =	sand.u32 $0x80, s9;
	v23 =	vadd.f32 v11, v8;
	[tilespmem:s2+$0x6000] =	vst v17  }
0x414: {  	s16 =	sadd.s32 $0x80, s4;
	s10 =	sor.u32 $0xC00, s3;
	s9 =	sadd.s32 s9, s30;
	v14 =	vadd.f32 v14, v15;
	v15 =	vadd.f32 v1, v2;
	v1 =	vmov v9;
	v17 =	vld [tilespmem:s15+$0x2000];
	[tilespmem:s19+$0x6000] =	vst v13  }
0x415: {  	v4 =	vmov v11;
	s26 =	sadd.s32 s13, s30;
	s18 =	sadd.s32 s29, s9;
	v25 =	vadd.f32 v1, v8;
	v11 =	vadd.f32 v18, v23;
	s29 =	sor.u32 $0xC30, s20;
	v18 =	vld [tilespmem:s0+$0x2000]  }
0x416: {  	s13 =	sor.u32 $0xC00, s16;
	s28 =	sadd.s32 s24, s26;
	s9 =	sadd.s32 $0x180, s4;
	v19 =	vadd.f32 v10, v8;
	v15 =	vadd.f32 v21, v15;
	v23 =	vld [tilespmem:s29+$0x2000]  }
0x417: {  	s24 =	sand.u32 $0x3, s17;
	s26 =	rddreg [dreg:$0x1c];
	s17 =	sadd.s32 $0x2, s17;
	[tilespmem:s23+$0x6000] =	vst v14;
	v14 =	vld [tilespmem:s13+$0x2000];
	v21 =	vadd.f32 v22, v25;
	v13 =	vadd.f32 v20, v5  }
0x418: {  	s4 =	sshll.u32 s24, $0x8;
	s24 =	sor.u32 $0xC00, s9;
	s2 =	sor.u32 $0xC30, s5;
	[tilespmem:s31+$0x6000] =	vst v15;
	v15 =	vadd.f32 v0, v2;
	v0 =	vmov v7;
	v7 =	vld [tilespmem:s14+$0x0];
	v22 =	vadd.f32 v16, v19  }
0x419: {  	s23 =	smov.u32 s26;
	v9 =	vmov v20;
	[tilespmem:s25+$0x6000] =	vst v11;
	s25 =	smov.u32 s3;
	s3 =	sadd.s32 s4, s21;
	v16 =	vld [tilespmem:s24+$0x2000];
	v19 =	vadd.f32 v3, v2;
	v20 =	vadd.f32 v17, v24  }
.Ltmp14:
0x41a: {  	s14 =	rddreg [dreg:$0xb];
	v3 =	vmov v10;
	[tilespmem:s6+$0x6000] =	vst v21;
	s26 =	sor.u32 $0xC00, s3;
	v11 =	vld [tilespmem:s18+$0x0];
	v10 =	vadd.f32 v18, v15;
	(pc) =	sbr.rel @p2 .LBB2_31-.Ltmp14, $4  }
0x41b: {  	s30 =	smov.u32 s14;
	s14 =	smov.u32 s0;
	s4 =	sor.u32 $0xC20, s7;
	v17 =	vld [tilespmem:s26+$0x2000];
	v18 =	vadd.f32 v23, v19;
	[tilespmem:s15+$0x6000] =	vst v20  }
0x41c: {  	s20 =	rddreg [dreg:$0x12];
	s31 =	sor.u32 $0xC30, s7;
	s19 =	sor.u32 $0xC20, s3;
	v15 =	vld [tilespmem:s4+$0x2000];
	[tilespmem:s14+$0x6000] =	vst v10  }
0x41d: {  	s21 =	sadd.s32 $0x800, s21;
	[dreg:$0xb] =	wrdreg s19;
	s19 =	sor.u32 $0xC20, s5;
	v10 =	vld [tilespmem:s28+$0x0];
	[tilespmem:s29+$0x6000] =	vst v18  }
0x41e: {  	s15 =	sor.u32 $0xC30, s20;
	s20 =	sor.u32 $0xC20, s23;
	v19 =	vadd.f32 v7, v6;
	v20 =	vadd.f32 v9, v6;
	v18 =	vld [tilespmem:s10+$0x2000];
	[tilespmem:s11+$0x6000] =	vst v22;
	s11 =	sor.u32 $0xC10, s25  }
0x41f: {  	_ = 	snop  }
0x420: {  	v21 =	vadd.f32 v11, v6;
	v14 =	vadd.f32 v20, v14  }
0x421: {  	v16 =	vadd.f32 v19, v16  }
0x422: {  	s1 =	sor.u32 $0xC10, s16;
	v17 =	vadd.f32 v21, v17;
	[tilespmem:s13+$0x6000] =	vst v14  }
0x423: {  	s6 =	sor.u32 $0xC10, s9;
	v6 =	vadd.f32 v10, v6;
	[tilespmem:s24+$0x6000] =	vst v16;
	v14 =	vld [tilespmem:s1+$0x2000]  }
0x424: {  	s5 =	sor.u32 $0xC10, s3;
	[tilespmem:s26+$0x6000] =	vst v17;
	v17 =	vld [tilespmem:s6+$0x2000]  }
0x425: {  	v6 =	vadd.f32 v6, v18;
	v16 =	vld [tilespmem:s5+$0x2000]  }
0x426: {  	v18 =	vadd.f32 v9, v8  }
0x427: {  	v21 =	vadd.f32 v7, v8;
	[tilespmem:s10+$0x6000] =	vst v6  }
0x428: {  	v19 =	vadd.f32 v11, v8;
	v6 =	vld [tilespmem:s11+$0x2000];
	v14 =	vadd.f32 v14, v18  }
0x429: {  	v17 =	vadd.f32 v17, v21  }
0x42a: {  	v20 =	vld [tilespmem:s30+$0x2000];
	v16 =	vadd.f32 v16, v19;
	[tilespmem:s1+$0x6000] =	vst v14  }
0x42b: {  	v8 =	vadd.f32 v10, v8;
	v18 =	vld [tilespmem:s19+$0x2000];
	[tilespmem:s6+$0x6000] =	vst v17  }
0x42c: {  	s10 =	sor.u32 $0xC20, s16;
	v19 =	vld [tilespmem:s20+$0x2000];
	[tilespmem:s5+$0x6000] =	vst v16  }
0x42d: {  	v14 =	vadd.f32 v4, v5;
	v6 =	vadd.f32 v6, v8;
	v8 =	vld [tilespmem:s10+$0x2000];
	s8 =	rddreg [dreg:$0xb]  }
0x42e: {  	s12 =	sor.u32 $0xC20, s9;
	v12 =	vadd.f32 v15, v12;
	v15 =	vadd.f32 v0, v5;
	v16 =	vld [tilespmem:s8+$0x2000]  }
0x42f: {  	s13 =	sor.u32 $0xC20, s25;
	v17 =	vadd.f32 v3, v5;
	v14 =	vadd.f32 v20, v14;
	[tilespmem:s11+$0x6000] =	vst v6;
	v6 =	vld [tilespmem:s12+$0x2000]  }
0x430: {  	[tilespmem:s4+$0x6000] =	vst v12;
	v12 =	vadd.f32 v18, v15;
	v15 =	vld [tilespmem:s13+$0x2000]  }
0x431: {  	v18 =	vld [tilespmem:s31+$0x2000];
	v17 =	vadd.f32 v19, v17;
	[tilespmem:s30+$0x6000] =	vst v14;
	v14 =	vadd.f32 v11, v5  }
0x432: {  	v19 =	vld [tilespmem:s15+$0x2000];
	[tilespmem:s19+$0x6000] =	vst v12;
	v12 =	vadd.f32 v7, v5;
	v8 =	vadd.f32 v8, v13  }
0x433: {  	s14 =	sor.u32 $0xC30, s23;
	v5 =	vadd.f32 v10, v5;
	[tilespmem:s20+$0x6000] =	vst v17;
	v13 =	vld [tilespmem:s2+$0x2000];
	v14 =	vadd.f32 v16, v14  }
0x434: {  	v1 =	vadd.f32 v1, v2;
	s7 =	sor.u32 $0xC30, s16;
	v16 =	vld [tilespmem:s14+$0x2000];
	[tilespmem:s10+$0x6000] =	vst v8;
	v6 =	vadd.f32 v6, v12  }
0x435: {  	s16 =	sor.u32 $0xC30, s3;
	v4 =	vadd.f32 v4, v2;
	v5 =	vadd.f32 v15, v5;
	v8 =	vld [tilespmem:s7+$0x2000];
	[tilespmem:s8+$0x6000] =	vst v14  }
0x436: {  	s17 =	sor.u32 $0xC30, s9;
	v0 =	vadd.f32 v0, v2;
	v1 =	vadd.f32 v18, v1;
	v12 =	vld [tilespmem:s16+$0x2000];
	[tilespmem:s12+$0x6000] =	vst v6  }
0x437: {  	v3 =	vadd.f32 v3, v2;
	v4 =	vadd.f32 v19, v4;
	[tilespmem:s13+$0x6000] =	vst v5;
	v5 =	vld [tilespmem:s17+$0x2000]  }
0x438: {  	s18 =	sor.u32 $0xC30, s25;
	[tilespmem:s31+$0x6000] =	vst v1;
	v1 =	vadd.f32 v9, v2;
	v0 =	vadd.f32 v13, v0  }
0x439: {  	s0 =	simm.s32 $0x30;
	p1 =	por $0x0, $0x0;
	[tilespmem:s15+$0x6000] =	vst v4;
	v4 =	vadd.f32 v11, v2;
	v6 =	vld [tilespmem:s18+$0x2000];
	v3 =	vadd.f32 v16, v3  }
0x43a: {  	s28 =	simm.s32 $0x10;
	s22 =	sand.u32 $0x70, s0;
	s26 =	simm.s32 $0x0;
	[tilespmem:s2+$0x6000] =	vst v0;
	v0 =	vadd.f32 v8, v1;
	v1 =	vadd.f32 v7, v2  }
0x43b: {  	s0 =	sand.u32 $0x80, s0;
	s29 =	sand.u32 $0x80, s26;
	s6 =	simm.s32 $0x1;
	[tilespmem:s14+$0x6000] =	vst v3;
	v3 =	vadd.f32 v12, v4  }
0x43c: {  	s6 =	simm.s32 @!p1 $0x0;
	p1 =	por !p1, !p1;
	s19 =	simm.s32 $0x0;
	v2 =	vadd.f32 v10, v2;
	[tilespmem:s7+$0x6000] =	vst v0;
	v0 =	vadd.f32 v5, v1  }
0x43d: {  	s24 =	sshll.u32 s6, $0x9;
	s20 =	simm.s32 $0x20;
	s23 =	sand.u32 $0x7, s19;
	[tilespmem:s16+$0x6000] =	vst v3  }
0x43e: {  	s25 =	sshll.u32 s23, $0x7;
	s4 =	sand.u32 $0x80, s20;
	s23 =	sadd.s32 $0x0, s24;
	v1 =	vadd.f32 v6, v2;
	[tilespmem:s17+$0x6000] =	vst v0  }
0x43f: {  	s24 =	simm.s32 $0x40;
	s12 =	sand.u32 $0x80, s28;
	s21 =	rddreg [dreg:$0x5]  }
0x440: {  	s1 =	sadd.s32 $0x0, s25;
	s14 =	sand.u32 $0x50, s28;
	[tilespmem:s18+$0x6000] =	vst v1;
	s15 =	sadd.s32 s12, s21  }
0x441: {  	s2 =	sand.u32 $0x3, s19;
	s13 =	sadd.s32 s0, s21;
	v6 =	vld [tilespmem:$0x81C0];
	s5 =	sadd.s32 s14, s15  }
0x442: {  	s0 =	sadd.s32 $0x80, s1;
	s1 =	sadd.s32 $0x180, s1;
	s18 =	sadd.s32 s22, s13;
	v1 =	vld [tilespmem:s5+$0x0]  }
0x443: {  	s16 =	sand.u32 $0x60, s20;
	s4 =	sadd.s32 s4, s21;
	s19 =	sor.u32 $0xC40, s1;
	v0 =	vld [tilespmem:s18+$0x0]  }
0x444: {  	s10 =	sor.u32 $0xC40, s23;
	s2 =	sshll.u32 s2, $0x8;
	s4 =	sadd.s32 s16, s4;
	v3 =	vld [tilespmem:s19+$0x2000]  }
0x445: {  	s28 =	sand.u32 $0x80, s24;
	s6 =	sadd.s32 $0x100, s2;
	s12 =	sor.u32 $0xC40, s0;
	v4 =	vld [tilespmem:s4+$0x0]  }
0x446: {  	s20 =	sor.u32 $0xC40, s6;
	s17 =	sand.u32 $0x40, s26;
	s3 =	sadd.s32 s29, s21;
	v7 =	vld [tilespmem:s12+$0x2000]  }
0x447: {  	s24 =	sand.u32 $0x40, s24;
	s26 =	simm.s32 $0x50;
	v9 =	vld [tilespmem:s20+$0x2000];
	s3 =	sadd.s32 s17, s3  }
0x448: {  	s2 =	sor.u32 $0xC60, s6;
	s7 =	sor.u32 $0xC50, s6;
	s29 =	sand.u32 $0x80, s26;
	v2 =	vld [tilespmem:s3+$0x0];
	v10 =	vadd.f32 v0, v6  }
0x449: {  	v8 =	vld [tilespmem:$0x81D0];
	s22 =	simm.s32 $0x4;
	s14 =	simm.s32 $0x70;
	s15 =	simm.s32 $0x1;
	v12 =	vadd.f32 v1, v6  }
0x44a: {  	v11 =	vld [tilespmem:s10+$0x2000];
	s8 =	sor.u32 $0xC50, s1;
	s17 =	simm.s32 $0x60;
	s31 =	sor.u32 $0xC70, s0;
	v13 =	vadd.f32 v4, v6;
	v10 =	vadd.f32 v10, v3  }
0x44b: {  	v5 =	vld [tilespmem:$0x81E0];
	s3 =	simm.s32 $0x2;
	s5 =	sor.u32 $0xC50, s23;
	s4 =	sor.u32 $0xC50, s0;
	v7 =	vadd.f32 v12, v7  }
0x44c: {  	s15 =	simm.s32 @!p1 $0x0;
	s18 =	sand.u32 $0x70, s14;
	s13 =	sand.u32 $0x7, s22;
	v3 =	vld [tilespmem:$0x81F0];
	v9 =	vadd.f32 v13, v9;
	[tilespmem:s19+$0x6000] =	vst v10  }
0x44d: {  	s14 =	sand.u32 $0x80, s14;
	s22 =	sand.u32 $0x60, s17;
	s25 =	sshll.u32 s13, $0x7;
	v10 =	vadd.f32 v2, v6;
	[tilespmem:s12+$0x6000] =	vst v7;
	v12 =	vld [tilespmem:s8+$0x2000]  }
0x44e: {  	s13 =	sand.u32 $0x50, s26;
	s11 =	sadd.s32 $0x800, s25;
	[tilespmem:s20+$0x6000] =	vst v9;
	s20 =	sadd.s32 s29, s21;
	v13 =	vld [tilespmem:s4+$0x2000]  }
0x44f: {  	p1 =	por !p1, !p1;
	s16 =	sadd.s32 $0x80, s11;
	s9 =	sadd.s32 s13, s20;
	v7 =	vadd.f32 v10, v11;
	v10 =	vld [tilespmem:s7+$0x2000]  }
0x450: {  	s14 =	sadd.s32 s14, s21;
	s25 =	sand.u32 $0x80, s17;
	s13 =	sor.u32 $0xC40, s16;
	v9 =	vld [tilespmem:s9+$0x0]  }
0x451: {  	s3 =	sand.u32 $0x3, s3;
	s26 =	sadd.s32 s18, s14;
	s9 =	sadd.s32 s25, s21;
	v14 =	vld [tilespmem:s13+$0x2000];
	[tilespmem:s10+$0x6000] =	vst v7  }
0x452: {  	s19 =	sadd.s32 s28, s21;
	v11 =	vadd.f32 v1, v8;
	s29 =	sadd.s32 s22, s9;
	s9 =	sadd.s32 $0x180, s11;
	v15 =	vld [tilespmem:s5+$0x2000]  }
0x453: {  	s3 =	sshll.u32 s3, $0x8;
	v17 =	vadd.f32 v0, v8;
	s28 =	sadd.s32 s24, s19;
	v7 =	vld [tilespmem:s26+$0x0];
	s24 =	sor.u32 $0xC40, s9  }
0x454: {  	s15 =	sshll.u32 s15, $0x9;
	s18 =	sor.u32 $0xC70, s1;
	s3 =	sadd.s32 $0x900, s3;
	v18 =	vadd.f32 v4, v8;
	v16 =	vld [tilespmem:s24+$0x2000];
	v13 =	vadd.f32 v13, v11  }
0x455: {  	s17 =	simm.s32 $0x4;
	v19 =	vadd.f32 v2, v8;
	s25 =	sadd.s32 $0x800, s15;
	s26 =	sor.u32 $0xC40, s3;
	v12 =	vadd.f32 v12, v17;
	v11 =	vld [tilespmem:s29+$0x0]  }
0x456: {  	s30 =	sor.u32 $0xC60, s3;
	s12 =	simm.s32 $0x4;
	s20 =	sor.u32 $0xC40, s25;
	v17 =	vld [tilespmem:s26+$0x2000];
	v10 =	vadd.f32 v10, v18;
	[tilespmem:s4+$0x6000] =	vst v13  }
0x457: {  	s19 =	sor.u32 $0xC60, s1;
	s1 =	simm.s32 $0xB0;
	s15 =	sor.u32 $0xC70, s6;
	v18 =	vld [tilespmem:s20+$0x2000];
	[tilespmem:s8+$0x6000] =	vst v12;
	v21 =	vadd.f32 v15, v19  }
0x458: {  	s21 =	simm.s32 $0x1100;
	s22 =	simm.s32 $0x8;
	v20 =	vadd.f32 v9, v6;
	s4 =	sor.u32 $0xC60, s0;
	v12 =	vadd.f32 v1, v5;
	[tilespmem:s7+$0x6000] =	vst v10;
	v10 =	vld [tilespmem:s28+$0x0]  }
0x459: {  	s11 =	sor.u32 $0xC50, s25;
	s10 =	sor.u32 $0xC60, s23;
	v13 =	vadd.f32 v9, v5;
	s8 =	simm.s32 $0x1000;
	v15 =	vld [tilespmem:s4+$0x2000];
	v19 =	vadd.f32 v7, v6;
	[tilespmem:s5+$0x6000] =	vst v21  }
.LBB2_33:
0x45a: {  	[smem:$0x7EA] =	sst s23  }
0x45b: {  	[dreg:$0x1d] =	wrdreg s25  }
0x45c: {  	s6 =	sor.u32 $0xC50, s16;
	s25 =	sor.u32 $0xC50, s3;
	s23 =	sor.u32 $0xC50, s9  }
0x45d: {  	s7 =	smov.u32 s16;
	s5 =	smov.u32 s9;
	s0 =	smov.u32 s3  }
0x45e: {  	s3 =	simm.s32 $0x1;
	s9 =	sadd.s32 $0xFFFFFFF0, s1;
	s28 =	sand.u32 $0x70, s1  }
0x45f: {  	s14 =	sand.u32 $0x80, s1;
	s12 =	sadd.s32 $0x4, s12;
	[dreg:$0x15] =	wrdreg s5;
	v16 =	vadd.f32 v19, v16  }
0x460: {  	[dreg:$0x13] =	wrdreg s0;
	s3 =	simm.s32 @!p1 $0x0;
	v14 =	vadd.f32 v20, v14;
	v20 =	vld [tilespmem:s2+$0x2000];
	s5 =	sand.u32 $0x7, s22;
	v21 =	vadd.f32 v11, v6  }
0x461: {  	s0 =	smov.u32 s18;
	s18 =	sadd.s32 $0xFFFFFFE0, s1;
	p2 =	slt.u32 s12, $0xC;
	v19 =	vld [tilespmem:s10+$0x2000];
	[tilespmem:s24+$0x6000] =	vst v16  }
0x462: {  	s22 =	sadd.s32 $0x4, s22;
	p1 =	por !p1, !p1;
	s3 =	sshll.u32 s3, $0x9;
	[tilespmem:s13+$0x6000] =	vst v14;
	v17 =	vadd.f32 v21, v17;
	v16 =	vld [tilespmem:s19+$0x2000]  }
0x463: {  	s16 =	sshll.u32 s5, $0x7;
	s5 =	smov.u32 s30;
	s30 =	rddreg [dreg:$0x5];
	v15 =	vadd.f32 v15, v12;
	v12 =	vmov v13;
	v13 =	vadd.f32 v10, v6;
	v22 =	vld [tilespmem:s6+$0x2000]  }
0x464: {  	s29 =	sand.u32 $0x80, s18;
	s18 =	sand.u32 $0x50, s18;
	s14 =	sadd.s32 s14, s30;
	v14 =	vld [tilespmem:s23+$0x2000];
	v21 =	vadd.f32 v2, v5;
	[tilespmem:s26+$0x6000] =	vst v17;
	v17 =	vadd.f32 v4, v5  }
0x465: {  	v23 =	vadd.f32 v0, v5;
	s14 =	sadd.s32 s28, s14;
	s24 =	sadd.s32 $0xFFFFFFD0, s1;
	v13 =	vadd.f32 v13, v18;
	[tilespmem:s4+$0x6000] =	vst v15;
	s26 =	sadd.s32 s29, s30;
	v18 =	vld [tilespmem:s25+$0x2000]  }
0x466: {  	s1 =	sadd.s32 $0x40, s1;
	s13 =	sand.u32 $0x80, s24;
	v19 =	vadd.f32 v19, v21;
	v21 =	vld [tilespmem:s31+$0x2000];
	s18 =	sadd.s32 s18, s26;
	v17 =	vadd.f32 v20, v17  }
0x467: {  	s4 =	sadd.s32 s16, s8;
	s24 =	sand.u32 $0x40, s24;
	v15 =	vadd.f32 v7, v8;
	[tilespmem:s20+$0x6000] =	vst v13;
	s20 =	sld [smem:$0x7EA];
	v20 =	vld [tilespmem:s18+$0x0];
	v13 =	vadd.f32 v16, v23  }
0x468: {  	v24 =	vadd.f32 v4, v3;
	s16 =	sadd.s32 $0x80, s4;
	s29 =	sand.u32 $0x60, s9;
	s9 =	sand.u32 $0x80, s9;
	v16 =	vld [tilespmem:s11+$0x2000];
	v23 =	vadd.f32 v11, v8;
	[tilespmem:s2+$0x6000] =	vst v17  }
0x469: {  	s26 =	sadd.s32 s13, s30;
	s13 =	sor.u32 $0xC40, s16;
	s9 =	sadd.s32 s9, s30;
	v14 =	vadd.f32 v14, v15;
	v15 =	vadd.f32 v1, v3;
	v1 =	vmov v9;
	v17 =	vld [tilespmem:s15+$0x2000];
	[tilespmem:s19+$0x6000] =	vst v13  }
0x46a: {  	v4 =	vmov v11;
	s28 =	sadd.s32 s24, s26;
	s18 =	sadd.s32 s29, s9;
	[tilespmem:s10+$0x6000] =	vst v19;
	s29 =	sor.u32 $0xC70, s20;
	v25 =	vadd.f32 v1, v8;
	v11 =	vadd.f32 v18, v23;
	v18 =	vld [tilespmem:s0+$0x2000]  }
0x46b: {  	s9 =	sadd.s32 $0x180, s4;
	s24 =	sand.u32 $0x3, s17;
	s26 =	rddreg [dreg:$0x1d];
	v19 =	vadd.f32 v10, v8;
	v15 =	vadd.f32 v21, v15;
	v23 =	vld [tilespmem:s29+$0x2000]  }
0x46c: {  	s4 =	sor.u32 $0xC60, s7;
	s17 =	sadd.s32 $0x2, s17;
	s2 =	smov.u32 s5;
	[tilespmem:s23+$0x6000] =	vst v14;
	v14 =	vld [tilespmem:s13+$0x2000];
	v21 =	vadd.f32 v22, v25;
	v13 =	vadd.f32 v20, v5  }
0x46d: {  	s19 =	sadd.s32 s3, s8;
	s3 =	sshll.u32 s24, $0x8;
	s24 =	sor.u32 $0xC40, s9;
	[tilespmem:s31+$0x6000] =	vst v15;
	v15 =	vadd.f32 v0, v3;
	v0 =	vmov v7;
	v7 =	vld [tilespmem:s14+$0x0];
	v22 =	vadd.f32 v16, v19  }
0x46e: {  	s8 =	sadd.s32 $0x800, s8;
	s20 =	sor.u32 $0xC40, s19;
	s3 =	sadd.s32 s3, s21;
	v9 =	vmov v20;
	[tilespmem:s25+$0x6000] =	vst v11;
	v16 =	vld [tilespmem:s24+$0x2000];
	v19 =	vadd.f32 v2, v3;
	v20 =	vadd.f32 v17, v24  }
.Ltmp15:
0x46f: {  	s23 =	smov.u32 s26;
	s26 =	sor.u32 $0xC40, s3;
	v2 =	vmov v10;
	[tilespmem:s6+$0x6000] =	vst v21;
	v11 =	vld [tilespmem:s18+$0x0];
	v10 =	vadd.f32 v18, v15;
	(pc) =	sbr.rel @p2 .LBB2_33-.Ltmp15, $4  }
0x470: {  	s21 =	sadd.s32 $0x800, s21;
	s30 =	sor.u32 $0xC60, s3;
	s14 =	smov.u32 s0;
	v17 =	vld [tilespmem:s26+$0x2000];
	v18 =	vadd.f32 v23, v19;
	[tilespmem:s15+$0x6000] =	vst v20  }
0x471: {  	s31 =	sor.u32 $0xC70, s7;
	s10 =	sor.u32 $0xC60, s23;
	s6 =	rddreg [dreg:$0x15];
	v15 =	vld [tilespmem:s4+$0x2000];
	[tilespmem:s14+$0x6000] =	vst v10  }
0x472: {  	s25 =	smov.u32 s19;
	s19 =	rddreg [dreg:$0x13];
	s18 =	sor.u32 $0xC70, s6;
	v10 =	vld [tilespmem:s28+$0x0];
	[tilespmem:s29+$0x6000] =	vst v18  }
0x473: {  	s15 =	sor.u32 $0xC70, s19;
	s19 =	sor.u32 $0xC60, s6;
	v19 =	vadd.f32 v7, v6;
	v20 =	vadd.f32 v9, v6;
	v18 =	vld [tilespmem:s20+$0x2000];
	[tilespmem:s11+$0x6000] =	vst v22;
	s11 =	sor.u32 $0xC50, s25  }
0x474: {  	_ = 	snop  }
0x475: {  	v14 =	vadd.f32 v20, v14  }
0x476: {  	v21 =	vadd.f32 v11, v6  }
0x477: {  	s1 =	sor.u32 $0xC50, s16;
	v62 =	vadd.f32 v19, v16;
	v61 =	vadd.f32 v10, v6;
	[tilespmem:s13+$0x6000] =	vst v14  }
0x478: {  	v17 =	vadd.f32 v21, v17;
	v63 =	vld [tilespmem:s1+$0x2000]  }
0x479: {  	s6 =	sor.u32 $0xC50, s9;
	[tilespmem:s24+$0x6000] =	vst v62;
	v6 =	vadd.f32 v61, v18  }
0x47a: {  	s5 =	sor.u32 $0xC50, s3;
	[tilespmem:s26+$0x6000] =	vst v17;
	v25 =	vld [tilespmem:s6+$0x2000]  }
0x47b: {  	v27 =	vadd.f32 v9, v8;
	v24 =	vld [tilespmem:s5+$0x2000];
	[tilespmem:s20+$0x6000] =	vst v6  }
0x47c: {  	v26 =	vld [tilespmem:s11+$0x2000]  }
0x47d: {  	v29 =	vld [tilespmem:s2+$0x2000];
	v30 =	vadd.f32 v7, v8;
	v16 =	vadd.f32 v63, v27  }
0x47e: {  	v28 =	vadd.f32 v11, v8;
	v31 =	vld [tilespmem:s19+$0x2000];
	v12 =	vadd.f32 v15, v12  }
0x47f: {  	v33 =	vld [tilespmem:s10+$0x2000];
	s14 =	sor.u32 $0xC60, s16;
	v32 =	vadd.f32 v10, v8;
	v6 =	vadd.f32 v25, v30;
	[tilespmem:s1+$0x6000] =	vst v16  }
0x480: {  	v34 =	vadd.f32 v4, v5;
	[tilespmem:s4+$0x6000] =	vst v12;
	v14 =	vadd.f32 v24, v28;
	v16 =	vld [tilespmem:s14+$0x2000]  }
0x481: {  	v35 =	vadd.f32 v0, v5;
	s17 =	sor.u32 $0xC60, s9;
	v42 =	vld [tilespmem:s31+$0x2000];
	[tilespmem:s6+$0x6000] =	vst v6;
	v8 =	vadd.f32 v26, v32  }
0x482: {  	v37 =	vadd.f32 v2, v5;
	[tilespmem:s5+$0x6000] =	vst v14;
	v14 =	vadd.f32 v29, v34;
	v38 =	vld [tilespmem:s17+$0x2000]  }
0x483: {  	v39 =	vadd.f32 v31, v35;
	s20 =	sor.u32 $0xC60, s25;
	v36 =	vld [tilespmem:s30+$0x2000];
	[tilespmem:s11+$0x6000] =	vst v8  }
0x484: {  	v1 =	vadd.f32 v1, v3;
	v41 =	vadd.f32 v33, v37;
	[tilespmem:s2+$0x6000] =	vst v14;
	v40 =	vld [tilespmem:s20+$0x2000]  }
0x485: {  	v45 =	vadd.f32 v7, v5;
	[tilespmem:s19+$0x6000] =	vst v39;
	v44 =	vld [tilespmem:s15+$0x2000];
	v13 =	vadd.f32 v16, v13  }
0x486: {  	v43 =	vadd.f32 v11, v5;
	s21 =	sor.u32 $0xC70, s23;
	[tilespmem:s10+$0x6000] =	vst v41;
	v46 =	vld [tilespmem:s18+$0x2000];
	v1 =	vadd.f32 v42, v1  }
0x487: {  	s22 =	sor.u32 $0xC70, s16;
	v47 =	vadd.f32 v10, v5;
	v48 =	vld [tilespmem:s21+$0x2000];
	v8 =	vadd.f32 v38, v45;
	[tilespmem:s14+$0x6000] =	vst v13  }
0x488: {  	v49 =	vadd.f32 v4, v3;
	[tilespmem:s31+$0x6000] =	vst v1;
	v6 =	vadd.f32 v36, v43;
	v50 =	vld [tilespmem:s22+$0x2000]  }
0x489: {  	v51 =	vadd.f32 v0, v3;
	[tilespmem:s17+$0x6000] =	vst v8;
	v5 =	vadd.f32 v40, v47  }
0x48a: {  	s23 =	sor.u32 $0xC70, s3;
	v53 =	vadd.f32 v2, v3;
	[tilespmem:s30+$0x6000] =	vst v6;
	v4 =	vadd.f32 v44, v49  }
0x48b: {  	v55 =	vadd.f32 v9, v3;
	s24 =	sor.u32 $0xC70, s9;
	v0 =	vadd.f32 v46, v51;
	v52 =	vld [tilespmem:s23+$0x2000];
	[tilespmem:s20+$0x6000] =	vst v5  }
0x48c: {  	s25 =	sor.u32 $0xC70, s25;
	v2 =	vadd.f32 v48, v53;
	v54 =	vld [tilespmem:s24+$0x2000];
	s6 =	sld [smem:$0x7F2];
	[tilespmem:s15+$0x6000] =	vst v4  }
0x48d: {  	v56 =	vld [tilespmem:s25+$0x2000];
	[tilespmem:s18+$0x6000] =	vst v0;
	v58 =	vadd.f32 v50, v55  }
0x48e: {  	v57 =	vadd.f32 v11, v3;
	s9 =	sld [smem:$0x7FD];
	[tilespmem:s21+$0x6000] =	vst v2  }
0x48f: {  	v59 =	vadd.f32 v7, v3;
	s6 =	sadd.s32 @!p0 $0x3, s6;
	[tilespmem:s22+$0x6000] =	vst v58  }
0x490: {  	v60 =	vadd.f32 v10, v3;
	v61 =	vadd.f32 v52, v57;
	s0 =	sshrl.u32 @!p0 s6, $0x5;
	s1 =	sld [smem:$0x7F7]  }
0x491: {  	v62 =	vadd.f32 v54, v59;
	s0 =	sadd.s32 @!p0 s9, s0  }
0x492: {  	s2 =	sshll.u32 @!p0 s6, $0xD;
	[tilespmem:s23+$0x6000] =	vst v61;
	v63 =	vadd.f32 v56, v60;
	s0 =	sshll.u32 @!p0 s0, $0x12  }
0x493: {  	[tilespmem:s24+$0x6000] =	vst v62;
	s0 =	sadd.s32 @!p0 s1, s0;
	s1 =	sand.u32 @!p0 $0x3E000, s2  }
0x494: {  	[tilespmem:s25+$0x6000] =	vst v63;
	s0 =	sor.u32 @!p0 s1, s0;
	s1 =	rddreg [dreg:$0x0]  }
0x495: {  	s2 =	simm.s32 @!p0 $0x2000;
	s10 =	sld [smem:$0x7F4];
	s0 =	sshrl.u32 @!p0 s0, $0x3  }
0x496: {  	s26 =	sld [smem:$0x7EF];
	s0 =	sadd.s32 @!p0 s1, s0;
	s1 =	simm.s32 @!p0 $0x0  }
0x497: {  	[tilespmem:s2], [sflag:$0x2] =	stream.linear.gather @!p0 [hbm4b:s0+s1], $0x2000, $0x38;
	[tilespmem:$0xA200] =	vst v63  }
0x498: {  	s28 =	sld [smem:$0x7EE];
	s10 =	sadd.s32 $0x1, s10  }
0x499: {  	p0 =	sne.s32 s10, $0x50  }
.Ltmp16:
0x49a: {  	s0 =	sshll.u32 s26, $0xD;
	(pc) =	sbr.rel @p0 .LBB2_2-.Ltmp16, $4  }
0x49b: {  	s0 =	sor.u32 s0, s28  }
0x49c: {  	s29 =	rddreg [dreg:$0x2];
	s0 =	sshrl.u32 s0, $0x3  }
0x49d: {  	s31 =	simm.s32 $0x6000;
	s30 =	simm.s32 $0x0;
	s0 =	sadd.s32 s29, s0  }
0x49e: {  	[hbm4b:s0+s30] =	stream.linear.scatter [tilespmem:s31], [sflag:$0x4], $0x2000, $0x38;
	[tilespmem:$0xA200] =	vst v63  }
0x49f: {  	s0 =	simm.s32 $0x3  }
0x4a0: {  	_ =	swait.ge [sflag:s0], $0x2000  }
0x4a1: {  	[sflag:s0] =	ssyncset.done $0x0  }
0x4a2: {  	s1 =	simm.s32 $0x4;
	[sflag:s0] =	ssyncadd.s32 $0xFFFFE000  }
0x4a3: {  	_ =	swait.ge [sflag:s1], $0x2000  }
0x4a4: {  	s2 =	sld [smem:$0x7F6]  }
0x4a5: {  	s31 =	sld [smem:$0x7FC];
	_ =	sdelay $0x1  }
0x4a6: {  	s2 =	sadd.s32 $0x1, s2  }
0x4a7: {  	p0 =	sne.s32 s2, s31  }
.Ltmp17:
0x4a8: {  	_ = 	snop;
	(pc) =	sbr.rel @p0 .LBB2_1-.Ltmp17, $3  }
0x4a9: {  	_ =	sdelay $0x1  }
0x4aa: {  	[sflag:s1] =	ssyncset.done $0x0  }
0x4ab: {  	[sflag:s1] =	ssyncadd.s32 $0xFFFFE000  }
0x4ac: {  	_ =	sfence.sel $0x180000  }
0x4ad: {  	[bflag:$0x0] =	sbarrier.arrive $0xFFFF  }
0x4ae: {  	_ =	strace $0x90000047  }
0x4af: {  	s0 =	stileid.u32;
	[bflag:$0x2] =	sbarrier.arrive $0xFFFF  }
0x4b0: {  	p0 =	sne.s32 s0, $0x0;
	s0 =	rddreg [dreg:$0x3]  }
0x4b1: {  	s0 =	sadd.s32 @!p0 $0x100000, s0  }
0x4b2: {  	[sflag:s0] =	ssyncadd.tile.s32 @!p0 $0x1;
	_ =	shalt  }
.Lfunc_end2:
_tile_overlayer_lowered:
.L_overlay_start_2:
0x4b3: {  	(tag) =	ssettag $0x2  }
0x4b4: {  	s0 =	rddreg [dreg:$0x0];
	s2 =	stileid.u32  }
0x4b5: {  	s1 =	rddreg [dreg:$0x1];
	p0 =	sne.s32 s2, $0x0  }
0x4b6: {  	s3 =	rddreg [dreg:$0x2];
	[bflag:$0x3] =	sbarrier.arrive $0xFFFF;
	s2 =	simm.s32 @!p0 $0x1C05  }
0x4b7: {  	[timem:s3], [sflag:s2] =	dma.local @!p0 [hbm:s0], s1  }
0x4b8: {  	s0 =	simm.s32 @!p0 $0x5  }
0x4b9: {  	_ =	swait.ge @!p0 [sflag:s0], s1  }
0x4ba: {  	s1 =	ssub.s32 @!p0 $0x0, s1;
	[sflag:s0] =	ssyncset.done @!p0 $0x0  }
0x4bb: {  	[sflag:s0] =	ssyncadd.s32 @!p0 s1  }
0x4bc: {  	[bflag:$0x3] =	sbarrier.arrive $0xFFFF  }
0x4bd: {  	_ =	shalt  }

</sc_bundles>
